<compile_context>
chip_gen: v7x
topology: tpu7x:2x2x1
jax: 0.10.2.dev20260603
libtpu: 0.0.44.dev20260713+nightly
codegen_flags: <defaults>
</compile_context>

<pallas_src>
import jax
import jax.numpy as jnp
from jax import lax
from jax.experimental import pallas as pl
from jax.experimental.pallas import tpu as pltpu
from jax.experimental.pallas import tpu_sc as plsc

NC = 2
NS = 16
LANES = 16
NBUF = 4

ROWS = 320000
D = 128
SEGS = 10000
SEGS_PAD = 10240

SC_ROWS = 192000
DC = D // NC
BLK = 128
SUP = 2
SUP_ROWS = BLK * SUP
NSUP = SC_ROWS // SUP_ROWS
KC = (NSUP + NS - 1) // NS
LAST_NB = NSUP - (NS - 1) * KC

TCR = 2560
TC_NBLK = (ROWS - SC_ROWS) // TCR
TCW = 128

ZBLK = 512
NZD = (SEGS + ZBLK - 1) // ZBLK



def _sc_body(feats_hbm, ids3_hbm, out_hbm, bufs, idx_all, acc, sem_l, sem_s):
    c = lax.axis_index("c")
    s = lax.axis_index("s")

    nb = jnp.where(s == NS - 1, LAST_NB, KC)
    base = jnp.minimum(s * KC, NSUP - KC)
    delta = s * KC - base

    pltpu.sync_copy(ids3_hbm.at[pl.ds(base, KC), :, :], idx_all)

    def fire_load(k, slot):
        r0 = (s * KC + k) * SUP_ROWS
        pltpu.async_copy(
            feats_hbm.at[pl.ds(r0, SUP_ROWS), pl.ds(c * DC, DC)],
            bufs[slot], sem_l[slot])

    def drain_load(slot):
        pltpu.make_async_copy(
            feats_hbm.at[pl.ds(0, SUP_ROWS), pl.ds(c * DC, DC)],
            bufs[slot], sem_l[slot]).wait()

    def fire_scatter(k, slot):
        for j in range(SUP):
            pltpu.async_copy(bufs[slot].at[pl.ds(j * BLK, BLK), :],
                             acc.at[idx_all.at[k + delta, j]], sem_s,
                             add=True)

    def drain_scatter(slot):
        for j in range(SUP):
            pltpu.make_async_copy(bufs[slot].at[pl.ds(j * BLK, BLK), :],
                                  acc.at[idx_all.at[0, j]], sem_s).wait()

    def valid(k):
        return k < nb

    zeros16 = jnp.zeros((LANES,), jnp.float32)

    def zero_row(i, _):
        for t in range(DC // LANES):
            bufs[0][i, pl.ds(t * LANES, LANES)] = zeros16
        return 0

    lax.fori_loop(0, SUP_ROWS, zero_row, 0)

    for z in range((SEGS + SUP_ROWS - 1) // SUP_ROWS):
        nrows = min(SUP_ROWS, SEGS - z * SUP_ROWS)

        @pl.when(z % NS == s)
        def _():
            pltpu.sync_copy(bufs[0].at[pl.ds(0, nrows), :],
                            acc.at[pl.ds(z * SUP_ROWS, nrows), :])

    plsc.subcore_barrier()

    for p in range(NBUF - 1):
        @pl.when(valid(p))
        def _():
            fire_load(p, p)

    def step(it, _):
        for r in range(NBUF):
            k = NBUF * it + r

            @pl.when(valid(k))
            def _():
                drain_load(r)
                fire_scatter(k, r)

                @pl.when(k >= 1)
                def _():
                    drain_scatter((r + NBUF - 1) % NBUF)

                @pl.when(valid(k + NBUF - 1))
                def _():
                    fire_load(k + NBUF - 1, (r + NBUF - 1) % NBUF)

        return 0

    lax.fori_loop(0, (KC + NBUF - 1) // NBUF, step, 0)

    drain_scatter(0)

    plsc.subcore_barrier()

    for z in range(NZD):
        nrows = min(ZBLK, SEGS - z * ZBLK)

        @pl.when(z % NS == s)
        def _():
            pltpu.sync_copy(
                acc.at[pl.ds(z * ZBLK, nrows), :],
                out_hbm.at[pl.ds(z * ZBLK, nrows), pl.ds(c * DC, DC)])


def _sc_body_flat(feats_hbm, ids3_hbm, out_hbm,
                  b0, b1, b2, b3, idx_all,
                  acc, sl0, sl1, sl2, sl3, sem_s):
    _sc_body(feats_hbm, ids3_hbm, out_hbm,
             (b0, b1, b2, b3), idx_all,
             acc, (sl0, sl1, sl2, sl3), sem_s)



def _tc_body(feats_ref, ids_ref, out_ref):
    @pl.when(pl.program_id(0) == 0)
    def _():
        out_ref[...] = jnp.zeros((SEGS_PAD, D), jnp.float32)

    ids_blk = ids_ref[0]
    rows = feats_ref[...]
    hi_b = rows.astype(jnp.bfloat16)
    lo_b = (rows - hi_b.astype(jnp.float32)).astype(jnp.bfloat16)
    lo = jnp.min(ids_blk)
    hi = jnp.max(ids_blk)
    lo8 = (lo // 8) * 8
    nch = (hi - lo8) // TCW + 1

    def chunk(ch, _):
        base = lo8 + ch * TCW
        seg_iota = base + lax.broadcasted_iota(jnp.int32, (TCW, TCR), 0)
        ohb = (seg_iota == ids_blk).astype(jnp.bfloat16)
        dn = (((1,), (0,)), ((), ()))
        part = (lax.dot_general(ohb, hi_b, dn,
                                preferred_element_type=jnp.float32)
                + lax.dot_general(ohb, lo_b, dn,
                                  preferred_element_type=jnp.float32))
        out_ref[pl.ds(base, TCW), :] += part
        return 0

    lax.fori_loop(0, nch, chunk, 0)


def _combine_body(p_ref, t_ref, o_ref):
    o_ref[...] = p_ref[...] + t_ref[...]


@jax.jit
def _run(feats, segment_ids, num_segments):
    del num_segments
    ids = segment_ids.astype(jnp.int32)
    ids3 = ids.reshape(ROWS // SUP_ROWS, SUP, BLK)

    mesh = plsc.VectorSubcoreMesh(core_axis_name="c", subcore_axis_name="s")
    sc_kernel = pl.kernel(
        _sc_body_flat,
        out_type=jax.ShapeDtypeStruct((SEGS, D), jnp.float32),
        mesh=mesh,
        scratch_types=[
            pltpu.VMEM((SUP_ROWS, DC), jnp.float32) for _ in range(NBUF)
        ] + [
            pltpu.VMEM((KC, SUP, BLK), jnp.int32),
            pltpu.VMEM_SHARED((SEGS, DC), jnp.float32),
        ] + [pltpu.SemaphoreType.DMA for _ in range(NBUF + 1)],
        compiler_params=pltpu.CompilerParams(use_tc_tiling_on_sc=False),
    )
    sc_partial = sc_kernel(feats, ids3)

    ids_tc = ids[SC_ROWS:].reshape(TC_NBLK, 1, TCR)
    tc_partial = pl.pallas_call(
        _tc_body,
        out_shape=jax.ShapeDtypeStruct((SEGS_PAD, D), jnp.float32),
        grid=(TC_NBLK,),
        in_specs=[
            pl.BlockSpec((TCR, D), lambda i: (SC_ROWS // TCR + i, 0)),
            pl.BlockSpec((1, 1, TCR), lambda i: (i, 0, 0)),
        ],
        out_specs=pl.BlockSpec((SEGS_PAD, D), lambda i: (0, 0)),
    )(feats, ids_tc)

    grid = 10
    seg_blk = SEGS // grid
    return pl.pallas_call(
        _combine_body,
        out_shape=jax.ShapeDtypeStruct((SEGS, D), jnp.float32),
        grid=(grid,),
        in_specs=[
            pl.BlockSpec((seg_blk, D), lambda i: (i, 0)),
            pl.BlockSpec((seg_blk, D), lambda i: (i, 0)),
        ],
        out_specs=pl.BlockSpec((seg_blk, D), lambda i: (i, 0)),
    )(sc_partial, tc_partial)


def kernel(feats, segment_ids, num_segments):
    return _run(feats, segment_ids, num_segments)

# --- scband reference (transcript-rebuilt; emitter-appended) ---
"""Pipeline reference for scband-graph-max-79388175499519 (READ-ONLY COPY).

The authoritative reference and input builder live on the scoring server;
editing this copy changes nothing except your own understanding.
"""

import jax, jax.numpy as jnp
import numpy as np


def setup_inputs(seed: int = 0) -> dict:
    key = jax.random.key(seed)
    k1, k2 = jax.random.split(key)
    feats = jax.random.normal(k1, (320000, 128), dtype=jnp.float32)
    segment_ids = jnp.sort(jax.random.randint(k2, (320000,), 0, 10000, dtype=jnp.int64))
    return {"feats": feats, "segment_ids": segment_ids, "num_segments": 10000}


def reference(feats, segment_ids, num_segments):
    # Faithful translation of GraphMax.forward:
    #   segment_ids = g.node_indices.repeat(d).view(-1, d)  (same id broadcast across feature dim)
    #   zeros = torch.zeros(num_segments, d)
    #   summed_nodes = zeros.scatter_add(0, segment_ids, feats)
    # In JAX the per-column broadcast of segment ids is exactly a row-wise scatter-add:
    static_num_segments = 10000
    segment_ids = jnp.minimum(segment_ids, num_segments - 1)
    zeros = jnp.zeros((static_num_segments, feats.shape[1]), dtype=feats.dtype)
    summed_nodes = zeros.at[segment_ids].add(feats)
    return summed_nodes

if __name__ == "__main__":
    import jax
    _d = setup_inputs()
    print(jax.jit(kernel)(*tuple(_d.values())))

</pallas_src>

<mosaic_0001>
#map = affine_map<(d0, d1) -> (0, 0)>
#map1 = affine_map<(d0, d1) -> (0, 0, 0)>
module attributes {stable_mosaic.version = 14 : i64} {
  func.func @_sc_body_flat(%arg0: i32, %arg1: i32, %arg2: memref<320000x128xf32, #tpu.memory_space<hbm>>, %arg3: memref<1250x2x128xi32, #tpu.memory_space<hbm>>, %arg4: memref<10000x128xf32, #tpu.memory_space<hbm>>, %arg5: memref<256x64xf32, #tpu.memory_space<vmem>>, %arg6: memref<256x64xf32, #tpu.memory_space<vmem>>, %arg7: memref<256x64xf32, #tpu.memory_space<vmem>>, %arg8: memref<256x64xf32, #tpu.memory_space<vmem>>, %arg9: memref<47x2x128xi32, #tpu.memory_space<vmem>>, %arg10: memref<10000x64xf32, #tpu.memory_space<vmem_shared>>, %arg11: memref<!tpu.dma_semaphore, #tpu.memory_space<semaphore_mem>>, %arg12: memref<!tpu.dma_semaphore, #tpu.memory_space<semaphore_mem>>, %arg13: memref<!tpu.dma_semaphore, #tpu.memory_space<semaphore_mem>>, %arg14: memref<!tpu.dma_semaphore, #tpu.memory_space<semaphore_mem>>, %arg15: memref<!tpu.dma_semaphore, #tpu.memory_space<semaphore_mem>>) attributes {dimension_semantics = [#tpu.dimension_semantics<core_parallel>, #tpu.dimension_semantics<subcore_parallel>], iteration_bounds = array<i64: 2, 16>, scalar_prefetch = 0 : i64, scratch_operands = 11 : i64, tpu.core_type = #tpu.core_type<sc_vector_subcore>, window_params = [{transform_indices = #map}, {transform_indices = #map1}, {transform_indices = #map}]} {
    %eq3A = arith.constant 15 : i32
    %eq3A_0 = arith.cmpi eq, %arg1, %eq3A : i32
    %jit3A = arith.constant 45 : i32
    %jit3A_1 = arith.constant 47 : i32
    %select_n3A = arith.select %eq3A_0, %jit3A, %jit3A_1 : i32
    %mul3A = arith.constant 47 : i32
    %mul3A_2 = arith.muli %arg1, %mul3A : i32
    %min3A = arith.constant 703 : i32
    %min3A_3 = arith.minsi %mul3A_2, %min3A : i32
    %mul3A_4 = arith.constant 47 : i32
    %mul3A_5 = arith.muli %arg1, %mul3A_4 : i32
    %sub3A = arith.subi %mul3A_5, %min3A_3 : i32
    "tpu.region"() ({
      %run_scoped3A = tpu.sem_alloc : memref<!tpu.dma_semaphore, #tpu.memory_space<semaphore_mem>>
      %dma_start3A = arith.constant 0 : i32
      %dma_start3A_354 = arith.constant 0 : i32
      %dma_start3A_355 = tpu.memref_slice %arg3[%min3A_3, %dma_start3A, %dma_start3A_354] : memref<1250x2x128xi32, #tpu.memory_space<hbm>> -> memref<47x2x128xi32, #tpu.memory_space<hbm>>
      %dma_start3A_356 = arith.constant 0 : i32
      %dma_start3A_357 = arith.constant 0 : i32
      %dma_start3A_358 = tpu.memref_slice %arg3[%min3A_3, %dma_start3A_356, %dma_start3A_357] : memref<1250x2x128xi32, #tpu.memory_space<hbm>> -> memref<47x2x128xi32, #tpu.memory_space<hbm>>
      tpu.enqueue_dma source(%dma_start3A_358 : memref<47x2x128xi32, #tpu.memory_space<hbm>>) target(%arg9 : memref<47x2x128xi32, #tpu.memory_space<vmem>>) target_semaphore(%run_scoped3A : memref<!tpu.dma_semaphore, #tpu.memory_space<semaphore_mem>>)
      %dma_wait3A_359 = arith.constant 0 : i32
      %dma_wait3A_360 = arith.constant 0 : i32
      %dma_wait3A_361 = tpu.memref_slice %arg3[%min3A_3, %dma_wait3A_359, %dma_wait3A_360] : memref<1250x2x128xi32, #tpu.memory_space<hbm>> -> memref<47x2x128xi32, #tpu.memory_space<hbm>>
      %dma_wait3A_362 = arith.constant 0 : i32
      %dma_wait3A_363 = arith.constant 0 : i32
      %dma_wait3A_364 = tpu.memref_slice %arg3[%min3A_3, %dma_wait3A_362, %dma_wait3A_363] : memref<1250x2x128xi32, #tpu.memory_space<hbm>> -> memref<47x2x128xi32, #tpu.memory_space<hbm>>
      tpu.wait_dma2 semaphore(%run_scoped3A : memref<!tpu.dma_semaphore, #tpu.memory_space<semaphore_mem>>) src(%dma_wait3A_364 : memref<47x2x128xi32, #tpu.memory_space<hbm>>) dst(%arg9 : memref<47x2x128xi32, #tpu.memory_space<vmem>>)
      tpu.yield
    }) : () -> ()
    %broadcast_in_dim3A = arith.constant 0.000000e+00 : f32
    %broadcast_in_dim3A_6 = vector.broadcast %broadcast_in_dim3A : f32 to vector<16xf32>
    %scan3A = arith.constant 0 : i32
    %scan3A_7 = arith.constant 0 : i32
    %scan3A_8 = arith.constant 256 : i32
    %scan3A_9 = arith.addi %scan3A_7, %scan3A_8 : i32
    %scan3A_10 = arith.constant 1 : i32
    %scan3A_11 = scf.for %scan3A_354 = %scan3A_7 to %scan3A_9 step %scan3A_10 iter_args(%scan3A_355 = %scan3A) -> (i32)  : i32 {
      %swap3A = arith.index_cast %scan3A_354 : i32 to index
      %swap3A_356 = arith.constant 0 : index
      %swap3A_357 = tpu.vector_load %arg5[%swap3A, %swap3A_356] {strides = array<i32>} : memref<256x64xf32, #tpu.memory_space<vmem>>, vector<1x16xf32>,
      %swap3A_358 = vector.shape_cast %swap3A_357 : vector<1x16xf32> to vector<16xf32>
      %swap3A_359 = vector.shape_cast %broadcast_in_dim3A_6 : vector<16xf32> to vector<1x16xf32>
      tpu.vector_store %arg5[%swap3A, %swap3A_356], %swap3A_359 {strides = array<i32>} : memref<256x64xf32, #tpu.memory_space<vmem>>, vector<1x16xf32>,
      %swap3A_360 = arith.index_cast %scan3A_354 : i32 to index
      %swap3A_361 = arith.constant 16 : index
      %swap3A_362 = tpu.vector_load %arg5[%swap3A_360, %swap3A_361] {strides = array<i32>} : memref<256x64xf32, #tpu.memory_space<vmem>>, vector<1x16xf32>,
      %swap3A_363 = vector.shape_cast %swap3A_362 : vector<1x16xf32> to vector<16xf32>
      %swap3A_364 = vector.shape_cast %broadcast_in_dim3A_6 : vector<16xf32> to vector<1x16xf32>
      tpu.vector_store %arg5[%swap3A_360, %swap3A_361], %swap3A_364 {strides = array<i32>} : memref<256x64xf32, #tpu.memory_space<vmem>>, vector<1x16xf32>,
      %swap3A_365 = arith.index_cast %scan3A_354 : i32 to index
      %swap3A_366 = arith.constant 32 : index
      %swap3A_367 = tpu.vector_load %arg5[%swap3A_365, %swap3A_366] {strides = array<i32>} : memref<256x64xf32, #tpu.memory_space<vmem>>, vector<1x16xf32>,
      %swap3A_368 = vector.shape_cast %swap3A_367 : vector<1x16xf32> to vector<16xf32>
      %swap3A_369 = vector.shape_cast %broadcast_in_dim3A_6 : vector<16xf32> to vector<1x16xf32>
      tpu.vector_store %arg5[%swap3A_365, %swap3A_366], %swap3A_369 {strides = array<i32>} : memref<256x64xf32, #tpu.memory_space<vmem>>, vector<1x16xf32>,
      %swap3A_370 = arith.index_cast %scan3A_354 : i32 to index
      %swap3A_371 = arith.constant 48 : index
      %swap3A_372 = tpu.vector_load %arg5[%swap3A_370, %swap3A_371] {strides = array<i32>} : memref<256x64xf32, #tpu.memory_space<vmem>>, vector<1x16xf32>,
      %swap3A_373 = vector.shape_cast %swap3A_372 : vector<1x16xf32> to vector<16xf32>
      %swap3A_374 = vector.shape_cast %broadcast_in_dim3A_6 : vector<16xf32> to vector<1x16xf32>
      tpu.vector_store %arg5[%swap3A_370, %swap3A_371], %swap3A_374 {strides = array<i32>} : memref<256x64xf32, #tpu.memory_space<vmem>>, vector<1x16xf32>,
      %scan3A_375 = arith.constant 0 : i32
      scf.yield %scan3A_375 : i32
    }
    %scan3A_12 = arith.constant 256 : i32
    %eq3A_13 = arith.constant 0 : i32
    %eq3A_14 = arith.cmpi eq, %arg1, %eq3A_13 : i32
    %convert_element_type3A = arith.extui %eq3A_14 : i1 to i32
    %cond3A = arith.constant 0 : i32
    %cond3A_15 = arith.cmpi ne, %convert_element_type3A, %cond3A : i32
    scf.if %cond3A_15 {
      "tpu.region"() ({
        %run_scoped3A = tpu.sem_alloc : memref<!tpu.dma_semaphore, #tpu.memory_space<semaphore_mem>>
        %dma_start3A = arith.constant 0 : i32
        %dma_start3A_354 = arith.constant 0 : i32
        %dma_start3A_355 = tpu.memref_slice %arg5[%dma_start3A, %dma_start3A_354] : memref<256x64xf32, #tpu.memory_space<vmem>> -> memref<256x64xf32, #tpu.memory_space<vmem>>
        %dma_start3A_356 = arith.constant 0 : i32
        %dma_start3A_357 = arith.constant 0 : i32
        %dma_start3A_358 = tpu.memref_slice %arg10[%dma_start3A_356, %dma_start3A_357] : memref<10000x64xf32, #tpu.memory_space<vmem_shared>> -> memref<256x64xf32, #tpu.memory_space<vmem_shared>>
        %dma_start3A_359 = arith.constant 0 : i32
        %dma_start3A_360 = arith.constant 0 : i32
        %dma_start3A_361 = tpu.memref_slice %arg10[%dma_start3A_359, %dma_start3A_360] : memref<10000x64xf32, #tpu.memory_space<vmem_shared>> -> memref<256x64xf32, #tpu.memory_space<vmem_shared>>
        %dma_start3A_362 = arith.constant 0 : i32
        %dma_start3A_363 = arith.constant 0 : i32
        %dma_start3A_364 = tpu.memref_slice %arg5[%dma_start3A_362, %dma_start3A_363] : memref<256x64xf32, #tpu.memory_space<vmem>> -> memref<256x64xf32, #tpu.memory_space<vmem>>
        tpu.enqueue_dma source(%dma_start3A_364 : memref<256x64xf32, #tpu.memory_space<vmem>>) target(%dma_start3A_361 : memref<256x64xf32, #tpu.memory_space<vmem_shared>>) target_semaphore(%run_scoped3A : memref<!tpu.dma_semaphore, #tpu.memory_space<semaphore_mem>>)
        %dma_wait3A_365 = arith.constant 0 : i32
        %dma_wait3A_366 = arith.constant 0 : i32
        %dma_wait3A_367 = tpu.memref_slice %arg5[%dma_wait3A_365, %dma_wait3A_366] : memref<256x64xf32, #tpu.memory_space<vmem>> -> memref<256x64xf32, #tpu.memory_space<vmem>>
        %dma_wait3A_368 = arith.constant 0 : i32
        %dma_wait3A_369 = arith.constant 0 : i32
        %dma_wait3A_370 = tpu.memref_slice %arg10[%dma_wait3A_368, %dma_wait3A_369] : memref<10000x64xf32, #tpu.memory_space<vmem_shared>> -> memref<256x64xf32, #tpu.memory_space<vmem_shared>>
        %dma_wait3A_371 = arith.constant 0 : i32
        %dma_wait3A_372 = arith.constant 0 : i32
        %dma_wait3A_373 = tpu.memref_slice %arg10[%dma_wait3A_371, %dma_wait3A_372] : memref<10000x64xf32, #tpu.memory_space<vmem_shared>> -> memref<256x64xf32, #tpu.memory_space<vmem_shared>>
        %dma_wait3A_374 = arith.constant 0 : i32
        %dma_wait3A_375 = arith.constant 0 : i32
        %dma_wait3A_376 = tpu.memref_slice %arg5[%dma_wait3A_374, %dma_wait3A_375] : memref<256x64xf32, #tpu.memory_space<vmem>> -> memref<256x64xf32, #tpu.memory_space<vmem>>
        tpu.wait_dma2 semaphore(%run_scoped3A : memref<!tpu.dma_semaphore, #tpu.memory_space<semaphore_mem>>) src(%dma_wait3A_376 : memref<256x64xf32, #tpu.memory_space<vmem>>) dst(%dma_wait3A_373 : memref<256x64xf32, #tpu.memory_space<vmem_shared>>)
        tpu.yield
      }) : () -> ()
    } else {
    }
    %eq3A_16 = arith.constant 1 : i32
    %eq3A_17 = arith.cmpi eq, %arg1, %eq3A_16 : i32
    %convert_element_type3A_18 = arith.extui %eq3A_17 : i1 to i32
    %cond3A_19 = arith.constant 0 : i32
    %cond3A_20 = arith.cmpi ne, %convert_element_type3A_18, %cond3A_19 : i32
    scf.if %cond3A_20 {
      "tpu.region"() ({
        %run_scoped3A = tpu.sem_alloc : memref<!tpu.dma_semaphore, #tpu.memory_space<semaphore_mem>>
        %dma_start3A = arith.constant 0 : i32
        %dma_start3A_354 = arith.constant 0 : i32
        %dma_start3A_355 = tpu.memref_slice %arg5[%dma_start3A, %dma_start3A_354] : memref<256x64xf32, #tpu.memory_space<vmem>> -> memref<256x64xf32, #tpu.memory_space<vmem>>
        %dma_start3A_356 = arith.constant 256 : i32
        %dma_start3A_357 = arith.constant 0 : i32
        %dma_start3A_358 = tpu.memref_slice %arg10[%dma_start3A_356, %dma_start3A_357] : memref<10000x64xf32, #tpu.memory_space<vmem_shared>> -> memref<256x64xf32, #tpu.memory_space<vmem_shared>>
        %dma_start3A_359 = arith.constant 256 : i32
        %dma_start3A_360 = arith.constant 0 : i32
        %dma_start3A_361 = tpu.memref_slice %arg10[%dma_start3A_359, %dma_start3A_360] : memref<10000x64xf32, #tpu.memory_space<vmem_shared>> -> memref<256x64xf32, #tpu.memory_space<vmem_shared>>
        %dma_start3A_362 = arith.constant 0 : i32
        %dma_start3A_363 = arith.constant 0 : i32
        %dma_start3A_364 = tpu.memref_slice %arg5[%dma_start3A_362, %dma_start3A_363] : memref<256x64xf32, #tpu.memory_space<vmem>> -> memref<256x64xf32, #tpu.memory_space<vmem>>
        tpu.enqueue_dma source(%dma_start3A_364 : memref<256x64xf32, #tpu.memory_space<vmem>>) target(%dma_start3A_361 : memref<256x64xf32, #tpu.memory_space<vmem_shared>>) target_semaphore(%run_scoped3A : memref<!tpu.dma_semaphore, #tpu.memory_space<semaphore_mem>>)
        %dma_wait3A_365 = arith.constant 0 : i32
        %dma_wait3A_366 = arith.constant 0 : i32
        %dma_wait3A_367 = tpu.memref_slice %arg5[%dma_wait3A_365, %dma_wait3A_366] : memref<256x64xf32, #tpu.memory_space<vmem>> -> memref<256x64xf32, #tpu.memory_space<vmem>>
        %dma_wait3A_368 = arith.constant 256 : i32
        %dma_wait3A_369 = arith.constant 0 : i32
        %dma_wait3A_370 = tpu.memref_slice %arg10[%dma_wait3A_368, %dma_wait3A_369] : memref<10000x64xf32, #tpu.memory_space<vmem_shared>> -> memref<256x64xf32, #tpu.memory_space<vmem_shared>>
        %dma_wait3A_371 = arith.constant 256 : i32
        %dma_wait3A_372 = arith.constant 0 : i32
        %dma_wait3A_373 = tpu.memref_slice %arg10[%dma_wait3A_371, %dma_wait3A_372] : memref<10000x64xf32, #tpu.memory_space<vmem_shared>> -> memref<256x64xf32, #tpu.memory_space<vmem_shared>>
        %dma_wait3A_374 = arith.constant 0 : i32
        %dma_wait3A_375 = arith.constant 0 : i32
        %dma_wait3A_376 = tpu.memref_slice %arg5[%dma_wait3A_374, %dma_wait3A_375] : memref<256x64xf32, #tpu.memory_space<vmem>> -> memref<256x64xf32, #tpu.memory_space<vmem>>
        tpu.wait_dma2 semaphore(%run_scoped3A : memref<!tpu.dma_semaphore, #tpu.memory_space<semaphore_mem>>) src(%dma_wait3A_376 : memref<256x64xf32, #tpu.memory_space<vmem>>) dst(%dma_wait3A_373 : memref<256x64xf32, #tpu.memory_space<vmem_shared>>)
        tpu.yield
      }) : () -> ()
    } else {
    }
    %eq3A_21 = arith.constant 2 : i32
    %eq3A_22 = arith.cmpi eq, %arg1, %eq3A_21 : i32
    %convert_element_type3A_23 = arith.extui %eq3A_22 : i1 to i32
    %cond3A_24 = arith.constant 0 : i32
    %cond3A_25 = arith.cmpi ne, %convert_element_type3A_23, %cond3A_24 : i32
    scf.if %cond3A_25 {
      "tpu.region"() ({
        %run_scoped3A = tpu.sem_alloc : memref<!tpu.dma_semaphore, #tpu.memory_space<semaphore_mem>>
        %dma_start3A = arith.constant 0 : i32
        %dma_start3A_354 = arith.constant 0 : i32
        %dma_start3A_355 = tpu.memref_slice %arg5[%dma_start3A, %dma_start3A_354] : memref<256x64xf32, #tpu.memory_space<vmem>> -> memref<256x64xf32, #tpu.memory_space<vmem>>
        %dma_start3A_356 = arith.constant 512 : i32
        %dma_start3A_357 = arith.constant 0 : i32
        %dma_start3A_358 = tpu.memref_slice %arg10[%dma_start3A_356, %dma_start3A_357] : memref<10000x64xf32, #tpu.memory_space<vmem_shared>> -> memref<256x64xf32, #tpu.memory_space<vmem_shared>>
        %dma_start3A_359 = arith.constant 512 : i32
        %dma_start3A_360 = arith.constant 0 : i32
        %dma_start3A_361 = tpu.memref_slice %arg10[%dma_start3A_359, %dma_start3A_360] : memref<10000x64xf32, #tpu.memory_space<vmem_shared>> -> memref<256x64xf32, #tpu.memory_space<vmem_shared>>
        %dma_start3A_362 = arith.constant 0 : i32
        %dma_start3A_363 = arith.constant 0 : i32
        %dma_start3A_364 = tpu.memref_slice %arg5[%dma_start3A_362, %dma_start3A_363] : memref<256x64xf32, #tpu.memory_space<vmem>> -> memref<256x64xf32, #tpu.memory_space<vmem>>
        tpu.enqueue_dma source(%dma_start3A_364 : memref<256x64xf32, #tpu.memory_space<vmem>>) target(%dma_start3A_361 : memref<256x64xf32, #tpu.memory_space<vmem_shared>>) target_semaphore(%run_scoped3A : memref<!tpu.dma_semaphore, #tpu.memory_space<semaphore_mem>>)
        %dma_wait3A_365 = arith.constant 0 : i32
        %dma_wait3A_366 = arith.constant 0 : i32
        %dma_wait3A_367 = tpu.memref_slice %arg5[%dma_wait3A_365, %dma_wait3A_366] : memref<256x64xf32, #tpu.memory_space<vmem>> -> memref<256x64xf32, #tpu.memory_space<vmem>>
        %dma_wait3A_368 = arith.constant 512 : i32
        %dma_wait3A_369 = arith.constant 0 : i32
        %dma_wait3A_370 = tpu.memref_slice %arg10[%dma_wait3A_368, %dma_wait3A_369] : memref<10000x64xf32, #tpu.memory_space<vmem_shared>> -> memref<256x64xf32, #tpu.memory_space<vmem_shared>>
        %dma_wait3A_371 = arith.constant 512 : i32
        %dma_wait3A_372 = arith.constant 0 : i32
        %dma_wait3A_373 = tpu.memref_slice %arg10[%dma_wait3A_371, %dma_wait3A_372] : memref<10000x64xf32, #tpu.memory_space<vmem_shared>> -> memref<256x64xf32, #tpu.memory_space<vmem_shared>>
        %dma_wait3A_374 = arith.constant 0 : i32
        %dma_wait3A_375 = arith.constant 0 : i32
        %dma_wait3A_376 = tpu.memref_slice %arg5[%dma_wait3A_374, %dma_wait3A_375] : memref<256x64xf32, #tpu.memory_space<vmem>> -> memref<256x64xf32, #tpu.memory_space<vmem>>
        tpu.wait_dma2 semaphore(%run_scoped3A : memref<!tpu.dma_semaphore, #tpu.memory_space<semaphore_mem>>) src(%dma_wait3A_376 : memref<256x64xf32, #tpu.memory_space<vmem>>) dst(%dma_wait3A_373 : memref<256x64xf32, #tpu.memory_space<vmem_shared>>)
        tpu.yield
      }) : () -> ()
    } else {
    }
    %eq3A_26 = arith.constant 3 : i32
    %eq3A_27 = arith.cmpi eq, %arg1, %eq3A_26 : i32
    %convert_element_type3A_28 = arith.extui %eq3A_27 : i1 to i32
    %cond3A_29 = arith.constant 0 : i32
    %cond3A_30 = arith.cmpi ne, %convert_element_type3A_28, %cond3A_29 : i32
    scf.if %cond3A_30 {
      "tpu.region"() ({
        %run_scoped3A = tpu.sem_alloc : memref<!tpu.dma_semaphore, #tpu.memory_space<semaphore_mem>>
        %dma_start3A = arith.constant 0 : i32
        %dma_start3A_354 = arith.constant 0 : i32
        %dma_start3A_355 = tpu.memref_slice %arg5[%dma_start3A, %dma_start3A_354] : memref<256x64xf32, #tpu.memory_space<vmem>> -> memref<256x64xf32, #tpu.memory_space<vmem>>
        %dma_start3A_356 = arith.constant 768 : i32
        %dma_start3A_357 = arith.constant 0 : i32
        %dma_start3A_358 = tpu.memref_slice %arg10[%dma_start3A_356, %dma_start3A_357] : memref<10000x64xf32, #tpu.memory_space<vmem_shared>> -> memref<256x64xf32, #tpu.memory_space<vmem_shared>>
        %dma_start3A_359 = arith.constant 768 : i32
        %dma_start3A_360 = arith.constant 0 : i32
        %dma_start3A_361 = tpu.memref_slice %arg10[%dma_start3A_359, %dma_start3A_360] : memref<10000x64xf32, #tpu.memory_space<vmem_shared>> -> memref<256x64xf32, #tpu.memory_space<vmem_shared>>
        %dma_start3A_362 = arith.constant 0 : i32
        %dma_start3A_363 = arith.constant 0 : i32
        %dma_start3A_364 = tpu.memref_slice %arg5[%dma_start3A_362, %dma_start3A_363] : memref<256x64xf32, #tpu.memory_space<vmem>> -> memref<256x64xf32, #tpu.memory_space<vmem>>
        tpu.enqueue_dma source(%dma_start3A_364 : memref<256x64xf32, #tpu.memory_space<vmem>>) target(%dma_start3A_361 : memref<256x64xf32, #tpu.memory_space<vmem_shared>>) target_semaphore(%run_scoped3A : memref<!tpu.dma_semaphore, #tpu.memory_space<semaphore_mem>>)
        %dma_wait3A_365 = arith.constant 0 : i32
        %dma_wait3A_366 = arith.constant 0 : i32
        %dma_wait3A_367 = tpu.memref_slice %arg5[%dma_wait3A_365, %dma_wait3A_366] : memref<256x64xf32, #tpu.memory_space<vmem>> -> memref<256x64xf32, #tpu.memory_space<vmem>>
        %dma_wait3A_368 = arith.constant 768 : i32
        %dma_wait3A_369 = arith.constant 0 : i32
        %dma_wait3A_370 = tpu.memref_slice %arg10[%dma_wait3A_368, %dma_wait3A_369] : memref<10000x64xf32, #tpu.memory_space<vmem_shared>> -> memref<256x64xf32, #tpu.memory_space<vmem_shared>>
        %dma_wait3A_371 = arith.constant 768 : i32
        %dma_wait3A_372 = arith.constant 0 : i32
        %dma_wait3A_373 = tpu.memref_slice %arg10[%dma_wait3A_371, %dma_wait3A_372] : memref<10000x64xf32, #tpu.memory_space<vmem_shared>> -> memref<256x64xf32, #tpu.memory_space<vmem_shared>>
        %dma_wait3A_374 = arith.constant 0 : i32
        %dma_wait3A_375 = arith.constant 0 : i32
        %dma_wait3A_376 = tpu.memref_slice %arg5[%dma_wait3A_374, %dma_wait3A_375] : memref<256x64xf32, #tpu.memory_space<vmem>> -> memref<256x64xf32, #tpu.memory_space<vmem>>
        tpu.wait_dma2 semaphore(%run_scoped3A : memref<!tpu.dma_semaphore, #tpu.memory_space<semaphore_mem>>) src(%dma_wait3A_376 : memref<256x64xf32, #tpu.memory_space<vmem>>) dst(%dma_wait3A_373 : memref<256x64xf32, #tpu.memory_space<vmem_shared>>)
        tpu.yield
      }) : () -> ()
    } else {
    }
    %eq3A_31 = arith.constant 4 : i32
    %eq3A_32 = arith.cmpi eq, %arg1, %eq3A_31 : i32
    %convert_element_type3A_33 = arith.extui %eq3A_32 : i1 to i32
    %cond3A_34 = arith.constant 0 : i32
    %cond3A_35 = arith.cmpi ne, %convert_element_type3A_33, %cond3A_34 : i32
    scf.if %cond3A_35 {
      "tpu.region"() ({
        %run_scoped3A = tpu.sem_alloc : memref<!tpu.dma_semaphore, #tpu.memory_space<semaphore_mem>>
        %dma_start3A = arith.constant 0 : i32
        %dma_start3A_354 = arith.constant 0 : i32
        %dma_start3A_355 = tpu.memref_slice %arg5[%dma_start3A, %dma_start3A_354] : memref<256x64xf32, #tpu.memory_space<vmem>> -> memref<256x64xf32, #tpu.memory_space<vmem>>
        %dma_start3A_356 = arith.constant 1024 : i32
        %dma_start3A_357 = arith.constant 0 : i32
        %dma_start3A_358 = tpu.memref_slice %arg10[%dma_start3A_356, %dma_start3A_357] : memref<10000x64xf32, #tpu.memory_space<vmem_shared>> -> memref<256x64xf32, #tpu.memory_space<vmem_shared>>
        %dma_start3A_359 = arith.constant 1024 : i32
        %dma_start3A_360 = arith.constant 0 : i32
        %dma_start3A_361 = tpu.memref_slice %arg10[%dma_start3A_359, %dma_start3A_360] : memref<10000x64xf32, #tpu.memory_space<vmem_shared>> -> memref<256x64xf32, #tpu.memory_space<vmem_shared>>
        %dma_start3A_362 = arith.constant 0 : i32
        %dma_start3A_363 = arith.constant 0 : i32
        %dma_start3A_364 = tpu.memref_slice %arg5[%dma_start3A_362, %dma_start3A_363] : memref<256x64xf32, #tpu.memory_space<vmem>> -> memref<256x64xf32, #tpu.memory_space<vmem>>
        tpu.enqueue_dma source(%dma_start3A_364 : memref<256x64xf32, #tpu.memory_space<vmem>>) target(%dma_start3A_361 : memref<256x64xf32, #tpu.memory_space<vmem_shared>>) target_semaphore(%run_scoped3A : memref<!tpu.dma_semaphore, #tpu.memory_space<semaphore_mem>>)
        %dma_wait3A_365 = arith.constant 0 : i32
        %dma_wait3A_366 = arith.constant 0 : i32
        %dma_wait3A_367 = tpu.memref_slice %arg5[%dma_wait3A_365, %dma_wait3A_366] : memref<256x64xf32, #tpu.memory_space<vmem>> -> memref<256x64xf32, #tpu.memory_space<vmem>>
        %dma_wait3A_368 = arith.constant 1024 : i32
        %dma_wait3A_369 = arith.constant 0 : i32
        %dma_wait3A_370 = tpu.memref_slice %arg10[%dma_wait3A_368, %dma_wait3A_369] : memref<10000x64xf32, #tpu.memory_space<vmem_shared>> -> memref<256x64xf32, #tpu.memory_space<vmem_shared>>
        %dma_wait3A_371 = arith.constant 1024 : i32
        %dma_wait3A_372 = arith.constant 0 : i32
        %dma_wait3A_373 = tpu.memref_slice %arg10[%dma_wait3A_371, %dma_wait3A_372] : memref<10000x64xf32, #tpu.memory_space<vmem_shared>> -> memref<256x64xf32, #tpu.memory_space<vmem_shared>>
        %dma_wait3A_374 = arith.constant 0 : i32
        %dma_wait3A_375 = arith.constant 0 : i32
        %dma_wait3A_376 = tpu.memref_slice %arg5[%dma_wait3A_374, %dma_wait3A_375] : memref<256x64xf32, #tpu.memory_space<vmem>> -> memref<256x64xf32, #tpu.memory_space<vmem>>
        tpu.wait_dma2 semaphore(%run_scoped3A : memref<!tpu.dma_semaphore, #tpu.memory_space<semaphore_mem>>) src(%dma_wait3A_376 : memref<256x64xf32, #tpu.memory_space<vmem>>) dst(%dma_wait3A_373 : memref<256x64xf32, #tpu.memory_space<vmem_shared>>)
        tpu.yield
      }) : () -> ()
    } else {
    }
    %eq3A_36 = arith.constant 5 : i32
    %eq3A_37 = arith.cmpi eq, %arg1, %eq3A_36 : i32
    %convert_element_type3A_38 = arith.extui %eq3A_37 : i1 to i32
    %cond3A_39 = arith.constant 0 : i32
    %cond3A_40 = arith.cmpi ne, %convert_element_type3A_38, %cond3A_39 : i32
    scf.if %cond3A_40 {
      "tpu.region"() ({
        %run_scoped3A = tpu.sem_alloc : memref<!tpu.dma_semaphore, #tpu.memory_space<semaphore_mem>>
        %dma_start3A = arith.constant 0 : i32
        %dma_start3A_354 = arith.constant 0 : i32
        %dma_start3A_355 = tpu.memref_slice %arg5[%dma_start3A, %dma_start3A_354] : memref<256x64xf32, #tpu.memory_space<vmem>> -> memref<256x64xf32, #tpu.memory_space<vmem>>
        %dma_start3A_356 = arith.constant 1280 : i32
        %dma_start3A_357 = arith.constant 0 : i32
        %dma_start3A_358 = tpu.memref_slice %arg10[%dma_start3A_356, %dma_start3A_357] : memref<10000x64xf32, #tpu.memory_space<vmem_shared>> -> memref<256x64xf32, #tpu.memory_space<vmem_shared>>
        %dma_start3A_359 = arith.constant 1280 : i32
        %dma_start3A_360 = arith.constant 0 : i32
        %dma_start3A_361 = tpu.memref_slice %arg10[%dma_start3A_359, %dma_start3A_360] : memref<10000x64xf32, #tpu.memory_space<vmem_shared>> -> memref<256x64xf32, #tpu.memory_space<vmem_shared>>
        %dma_start3A_362 = arith.constant 0 : i32
        %dma_start3A_363 = arith.constant 0 : i32
        %dma_start3A_364 = tpu.memref_slice %arg5[%dma_start3A_362, %dma_start3A_363] : memref<256x64xf32, #tpu.memory_space<vmem>> -> memref<256x64xf32, #tpu.memory_space<vmem>>
        tpu.enqueue_dma source(%dma_start3A_364 : memref<256x64xf32, #tpu.memory_space<vmem>>) target(%dma_start3A_361 : memref<256x64xf32, #tpu.memory_space<vmem_shared>>) target_semaphore(%run_scoped3A : memref<!tpu.dma_semaphore, #tpu.memory_space<semaphore_mem>>)
        %dma_wait3A_365 = arith.constant 0 : i32
        %dma_wait3A_366 = arith.constant 0 : i32
        %dma_wait3A_367 = tpu.memref_slice %arg5[%dma_wait3A_365, %dma_wait3A_366] : memref<256x64xf32, #tpu.memory_space<vmem>> -> memref<256x64xf32, #tpu.memory_space<vmem>>
        %dma_wait3A_368 = arith.constant 1280 : i32
        %dma_wait3A_369 = arith.constant 0 : i32
        %dma_wait3A_370 = tpu.memref_slice %arg10[%dma_wait3A_368, %dma_wait3A_369] : memref<10000x64xf32, #tpu.memory_space<vmem_shared>> -> memref<256x64xf32, #tpu.memory_space<vmem_shared>>
        %dma_wait3A_371 = arith.constant 1280 : i32
        %dma_wait3A_372 = arith.constant 0 : i32
        %dma_wait3A_373 = tpu.memref_slice %arg10[%dma_wait3A_371, %dma_wait3A_372] : memref<10000x64xf32, #tpu.memory_space<vmem_shared>> -> memref<256x64xf32, #tpu.memory_space<vmem_shared>>
        %dma_wait3A_374 = arith.constant 0 : i32
        %dma_wait3A_375 = arith.constant 0 : i32
        %dma_wait3A_376 = tpu.memref_slice %arg5[%dma_wait3A_374, %dma_wait3A_375] : memref<256x64xf32, #tpu.memory_space<vmem>> -> memref<256x64xf32, #tpu.memory_space<vmem>>
        tpu.wait_dma2 semaphore(%run_scoped3A : memref<!tpu.dma_semaphore, #tpu.memory_space<semaphore_mem>>) src(%dma_wait3A_376 : memref<256x64xf32, #tpu.memory_space<vmem>>) dst(%dma_wait3A_373 : memref<256x64xf32, #tpu.memory_space<vmem_shared>>)
        tpu.yield
      }) : () -> ()
    } else {
    }
    %eq3A_41 = arith.constant 6 : i32
    %eq3A_42 = arith.cmpi eq, %arg1, %eq3A_41 : i32
    %convert_element_type3A_43 = arith.extui %eq3A_42 : i1 to i32
    %cond3A_44 = arith.constant 0 : i32
    %cond3A_45 = arith.cmpi ne, %convert_element_type3A_43, %cond3A_44 : i32
    scf.if %cond3A_45 {
      "tpu.region"() ({
        %run_scoped3A = tpu.sem_alloc : memref<!tpu.dma_semaphore, #tpu.memory_space<semaphore_mem>>
        %dma_start3A = arith.constant 0 : i32
        %dma_start3A_354 = arith.constant 0 : i32
        %dma_start3A_355 = tpu.memref_slice %arg5[%dma_start3A, %dma_start3A_354] : memref<256x64xf32, #tpu.memory_space<vmem>> -> memref<256x64xf32, #tpu.memory_space<vmem>>
        %dma_start3A_356 = arith.constant 1536 : i32
        %dma_start3A_357 = arith.constant 0 : i32
        %dma_start3A_358 = tpu.memref_slice %arg10[%dma_start3A_356, %dma_start3A_357] : memref<10000x64xf32, #tpu.memory_space<vmem_shared>> -> memref<256x64xf32, #tpu.memory_space<vmem_shared>>
        %dma_start3A_359 = arith.constant 1536 : i32
        %dma_start3A_360 = arith.constant 0 : i32
        %dma_start3A_361 = tpu.memref_slice %arg10[%dma_start3A_359, %dma_start3A_360] : memref<10000x64xf32, #tpu.memory_space<vmem_shared>> -> memref<256x64xf32, #tpu.memory_space<vmem_shared>>
        %dma_start3A_362 = arith.constant 0 : i32
        %dma_start3A_363 = arith.constant 0 : i32
        %dma_start3A_364 = tpu.memref_slice %arg5[%dma_start3A_362, %dma_start3A_363] : memref<256x64xf32, #tpu.memory_space<vmem>> -> memref<256x64xf32, #tpu.memory_space<vmem>>
        tpu.enqueue_dma source(%dma_start3A_364 : memref<256x64xf32, #tpu.memory_space<vmem>>) target(%dma_start3A_361 : memref<256x64xf32, #tpu.memory_space<vmem_shared>>) target_semaphore(%run_scoped3A : memref<!tpu.dma_semaphore, #tpu.memory_space<semaphore_mem>>)
        %dma_wait3A_365 = arith.constant 0 : i32
        %dma_wait3A_366 = arith.constant 0 : i32
        %dma_wait3A_367 = tpu.memref_slice %arg5[%dma_wait3A_365, %dma_wait3A_366] : memref<256x64xf32, #tpu.memory_space<vmem>> -> memref<256x64xf32, #tpu.memory_space<vmem>>
        %dma_wait3A_368 = arith.constant 1536 : i32
        %dma_wait3A_369 = arith.constant 0 : i32
        %dma_wait3A_370 = tpu.memref_slice %arg10[%dma_wait3A_368, %dma_wait3A_369] : memref<10000x64xf32, #tpu.memory_space<vmem_shared>> -> memref<256x64xf32, #tpu.memory_space<vmem_shared>>
        %dma_wait3A_371 = arith.constant 1536 : i32
        %dma_wait3A_372 = arith.constant 0 : i32
        %dma_wait3A_373 = tpu.memref_slice %arg10[%dma_wait3A_371, %dma_wait3A_372] : memref<10000x64xf32, #tpu.memory_space<vmem_shared>> -> memref<256x64xf32, #tpu.memory_space<vmem_shared>>
        %dma_wait3A_374 = arith.constant 0 : i32
        %dma_wait3A_375 = arith.constant 0 : i32
        %dma_wait3A_376 = tpu.memref_slice %arg5[%dma_wait3A_374, %dma_wait3A_375] : memref<256x64xf32, #tpu.memory_space<vmem>> -> memref<256x64xf32, #tpu.memory_space<vmem>>
        tpu.wait_dma2 semaphore(%run_scoped3A : memref<!tpu.dma_semaphore, #tpu.memory_space<semaphore_mem>>) src(%dma_wait3A_376 : memref<256x64xf32, #tpu.memory_space<vmem>>) dst(%dma_wait3A_373 : memref<256x64xf32, #tpu.memory_space<vmem_shared>>)
        tpu.yield
      }) : () -> ()
    } else {
    }
    %eq3A_46 = arith.constant 7 : i32
    %eq3A_47 = arith.cmpi eq, %arg1, %eq3A_46 : i32
    %convert_element_type3A_48 = arith.extui %eq3A_47 : i1 to i32
    %cond3A_49 = arith.constant 0 : i32
    %cond3A_50 = arith.cmpi ne, %convert_element_type3A_48, %cond3A_49 : i32
    scf.if %cond3A_50 {
      "tpu.region"() ({
        %run_scoped3A = tpu.sem_alloc : memref<!tpu.dma_semaphore, #tpu.memory_space<semaphore_mem>>
        %dma_start3A = arith.constant 0 : i32
        %dma_start3A_354 = arith.constant 0 : i32
        %dma_start3A_355 = tpu.memref_slice %arg5[%dma_start3A, %dma_start3A_354] : memref<256x64xf32, #tpu.memory_space<vmem>> -> memref<256x64xf32, #tpu.memory_space<vmem>>
        %dma_start3A_356 = arith.constant 1792 : i32
        %dma_start3A_357 = arith.constant 0 : i32
        %dma_start3A_358 = tpu.memref_slice %arg10[%dma_start3A_356, %dma_start3A_357] : memref<10000x64xf32, #tpu.memory_space<vmem_shared>> -> memref<256x64xf32, #tpu.memory_space<vmem_shared>>
        %dma_start3A_359 = arith.constant 1792 : i32
        %dma_start3A_360 = arith.constant 0 : i32
        %dma_start3A_361 = tpu.memref_slice %arg10[%dma_start3A_359, %dma_start3A_360] : memref<10000x64xf32, #tpu.memory_space<vmem_shared>> -> memref<256x64xf32, #tpu.memory_space<vmem_shared>>
        %dma_start3A_362 = arith.constant 0 : i32
        %dma_start3A_363 = arith.constant 0 : i32
        %dma_start3A_364 = tpu.memref_slice %arg5[%dma_start3A_362, %dma_start3A_363] : memref<256x64xf32, #tpu.memory_space<vmem>> -> memref<256x64xf32, #tpu.memory_space<vmem>>
        tpu.enqueue_dma source(%dma_start3A_364 : memref<256x64xf32, #tpu.memory_space<vmem>>) target(%dma_start3A_361 : memref<256x64xf32, #tpu.memory_space<vmem_shared>>) target_semaphore(%run_scoped3A : memref<!tpu.dma_semaphore, #tpu.memory_space<semaphore_mem>>)
        %dma_wait3A_365 = arith.constant 0 : i32
        %dma_wait3A_366 = arith.constant 0 : i32
        %dma_wait3A_367 = tpu.memref_slice %arg5[%dma_wait3A_365, %dma_wait3A_366] : memref<256x64xf32, #tpu.memory_space<vmem>> -> memref<256x64xf32, #tpu.memory_space<vmem>>
        %dma_wait3A_368 = arith.constant 1792 : i32
        %dma_wait3A_369 = arith.constant 0 : i32
        %dma_wait3A_370 = tpu.memref_slice %arg10[%dma_wait3A_368, %dma_wait3A_369] : memref<10000x64xf32, #tpu.memory_space<vmem_shared>> -> memref<256x64xf32, #tpu.memory_space<vmem_shared>>
        %dma_wait3A_371 = arith.constant 1792 : i32
        %dma_wait3A_372 = arith.constant 0 : i32
        %dma_wait3A_373 = tpu.memref_slice %arg10[%dma_wait3A_371, %dma_wait3A_372] : memref<10000x64xf32, #tpu.memory_space<vmem_shared>> -> memref<256x64xf32, #tpu.memory_space<vmem_shared>>
        %dma_wait3A_374 = arith.constant 0 : i32
        %dma_wait3A_375 = arith.constant 0 : i32
        %dma_wait3A_376 = tpu.memref_slice %arg5[%dma_wait3A_374, %dma_wait3A_375] : memref<256x64xf32, #tpu.memory_space<vmem>> -> memref<256x64xf32, #tpu.memory_space<vmem>>
        tpu.wait_dma2 semaphore(%run_scoped3A : memref<!tpu.dma_semaphore, #tpu.memory_space<semaphore_mem>>) src(%dma_wait3A_376 : memref<256x64xf32, #tpu.memory_space<vmem>>) dst(%dma_wait3A_373 : memref<256x64xf32, #tpu.memory_space<vmem_shared>>)
        tpu.yield
      }) : () -> ()
    } else {
    }
    %eq3A_51 = arith.constant 8 : i32
    %eq3A_52 = arith.cmpi eq, %arg1, %eq3A_51 : i32
    %convert_element_type3A_53 = arith.extui %eq3A_52 : i1 to i32
    %cond3A_54 = arith.constant 0 : i32
    %cond3A_55 = arith.cmpi ne, %convert_element_type3A_53, %cond3A_54 : i32
    scf.if %cond3A_55 {
      "tpu.region"() ({
        %run_scoped3A = tpu.sem_alloc : memref<!tpu.dma_semaphore, #tpu.memory_space<semaphore_mem>>
        %dma_start3A = arith.constant 0 : i32
        %dma_start3A_354 = arith.constant 0 : i32
        %dma_start3A_355 = tpu.memref_slice %arg5[%dma_start3A, %dma_start3A_354] : memref<256x64xf32, #tpu.memory_space<vmem>> -> memref<256x64xf32, #tpu.memory_space<vmem>>
        %dma_start3A_356 = arith.constant 2048 : i32
        %dma_start3A_357 = arith.constant 0 : i32
        %dma_start3A_358 = tpu.memref_slice %arg10[%dma_start3A_356, %dma_start3A_357] : memref<10000x64xf32, #tpu.memory_space<vmem_shared>> -> memref<256x64xf32, #tpu.memory_space<vmem_shared>>
        %dma_start3A_359 = arith.constant 2048 : i32
        %dma_start3A_360 = arith.constant 0 : i32
        %dma_start3A_361 = tpu.memref_slice %arg10[%dma_start3A_359, %dma_start3A_360] : memref<10000x64xf32, #tpu.memory_space<vmem_shared>> -> memref<256x64xf32, #tpu.memory_space<vmem_shared>>
        %dma_start3A_362 = arith.constant 0 : i32
        %dma_start3A_363 = arith.constant 0 : i32
        %dma_start3A_364 = tpu.memref_slice %arg5[%dma_start3A_362, %dma_start3A_363] : memref<256x64xf32, #tpu.memory_space<vmem>> -> memref<256x64xf32, #tpu.memory_space<vmem>>
        tpu.enqueue_dma source(%dma_start3A_364 : memref<256x64xf32, #tpu.memory_space<vmem>>) target(%dma_start3A_361 : memref<256x64xf32, #tpu.memory_space<vmem_shared>>) target_semaphore(%run_scoped3A : memref<!tpu.dma_semaphore, #tpu.memory_space<semaphore_mem>>)
        %dma_wait3A_365 = arith.constant 0 : i32
        %dma_wait3A_366 = arith.constant 0 : i32
        %dma_wait3A_367 = tpu.memref_slice %arg5[%dma_wait3A_365, %dma_wait3A_366] : memref<256x64xf32, #tpu.memory_space<vmem>> -> memref<256x64xf32, #tpu.memory_space<vmem>>
        %dma_wait3A_368 = arith.constant 2048 : i32
        %dma_wait3A_369 = arith.constant 0 : i32
        %dma_wait3A_370 = tpu.memref_slice %arg10[%dma_wait3A_368, %dma_wait3A_369] : memref<10000x64xf32, #tpu.memory_space<vmem_shared>> -> memref<256x64xf32, #tpu.memory_space<vmem_shared>>
        %dma_wait3A_371 = arith.constant 2048 : i32
        %dma_wait3A_372 = arith.constant 0 : i32
        %dma_wait3A_373 = tpu.memref_slice %arg10[%dma_wait3A_371, %dma_wait3A_372] : memref<10000x64xf32, #tpu.memory_space<vmem_shared>> -> memref<256x64xf32, #tpu.memory_space<vmem_shared>>
        %dma_wait3A_374 = arith.constant 0 : i32
        %dma_wait3A_375 = arith.constant 0 : i32
        %dma_wait3A_376 = tpu.memref_slice %arg5[%dma_wait3A_374, %dma_wait3A_375] : memref<256x64xf32, #tpu.memory_space<vmem>> -> memref<256x64xf32, #tpu.memory_space<vmem>>
        tpu.wait_dma2 semaphore(%run_scoped3A : memref<!tpu.dma_semaphore, #tpu.memory_space<semaphore_mem>>) src(%dma_wait3A_376 : memref<256x64xf32, #tpu.memory_space<vmem>>) dst(%dma_wait3A_373 : memref<256x64xf32, #tpu.memory_space<vmem_shared>>)
        tpu.yield
      }) : () -> ()
    } else {
    }
    %eq3A_56 = arith.constant 9 : i32
    %eq3A_57 = arith.cmpi eq, %arg1, %eq3A_56 : i32
    %convert_element_type3A_58 = arith.extui %eq3A_57 : i1 to i32
    %cond3A_59 = arith.constant 0 : i32
    %cond3A_60 = arith.cmpi ne, %convert_element_type3A_58, %cond3A_59 : i32
    scf.if %cond3A_60 {
      "tpu.region"() ({
        %run_scoped3A = tpu.sem_alloc : memref<!tpu.dma_semaphore, #tpu.memory_space<semaphore_mem>>
        %dma_start3A = arith.constant 0 : i32
        %dma_start3A_354 = arith.constant 0 : i32
        %dma_start3A_355 = tpu.memref_slice %arg5[%dma_start3A, %dma_start3A_354] : memref<256x64xf32, #tpu.memory_space<vmem>> -> memref<256x64xf32, #tpu.memory_space<vmem>>
        %dma_start3A_356 = arith.constant 2304 : i32
        %dma_start3A_357 = arith.constant 0 : i32
        %dma_start3A_358 = tpu.memref_slice %arg10[%dma_start3A_356, %dma_start3A_357] : memref<10000x64xf32, #tpu.memory_space<vmem_shared>> -> memref<256x64xf32, #tpu.memory_space<vmem_shared>>
        %dma_start3A_359 = arith.constant 2304 : i32
        %dma_start3A_360 = arith.constant 0 : i32
        %dma_start3A_361 = tpu.memref_slice %arg10[%dma_start3A_359, %dma_start3A_360] : memref<10000x64xf32, #tpu.memory_space<vmem_shared>> -> memref<256x64xf32, #tpu.memory_space<vmem_shared>>
        %dma_start3A_362 = arith.constant 0 : i32
        %dma_start3A_363 = arith.constant 0 : i32
        %dma_start3A_364 = tpu.memref_slice %arg5[%dma_start3A_362, %dma_start3A_363] : memref<256x64xf32, #tpu.memory_space<vmem>> -> memref<256x64xf32, #tpu.memory_space<vmem>>
        tpu.enqueue_dma source(%dma_start3A_364 : memref<256x64xf32, #tpu.memory_space<vmem>>) target(%dma_start3A_361 : memref<256x64xf32, #tpu.memory_space<vmem_shared>>) target_semaphore(%run_scoped3A : memref<!tpu.dma_semaphore, #tpu.memory_space<semaphore_mem>>)
        %dma_wait3A_365 = arith.constant 0 : i32
        %dma_wait3A_366 = arith.constant 0 : i32
        %dma_wait3A_367 = tpu.memref_slice %arg5[%dma_wait3A_365, %dma_wait3A_366] : memref<256x64xf32, #tpu.memory_space<vmem>> -> memref<256x64xf32, #tpu.memory_space<vmem>>
        %dma_wait3A_368 = arith.constant 2304 : i32
        %dma_wait3A_369 = arith.constant 0 : i32
        %dma_wait3A_370 = tpu.memref_slice %arg10[%dma_wait3A_368, %dma_wait3A_369] : memref<10000x64xf32, #tpu.memory_space<vmem_shared>> -> memref<256x64xf32, #tpu.memory_space<vmem_shared>>
        %dma_wait3A_371 = arith.constant 2304 : i32
        %dma_wait3A_372 = arith.constant 0 : i32
        %dma_wait3A_373 = tpu.memref_slice %arg10[%dma_wait3A_371, %dma_wait3A_372] : memref<10000x64xf32, #tpu.memory_space<vmem_shared>> -> memref<256x64xf32, #tpu.memory_space<vmem_shared>>
        %dma_wait3A_374 = arith.constant 0 : i32
        %dma_wait3A_375 = arith.constant 0 : i32
        %dma_wait3A_376 = tpu.memref_slice %arg5[%dma_wait3A_374, %dma_wait3A_375] : memref<256x64xf32, #tpu.memory_space<vmem>> -> memref<256x64xf32, #tpu.memory_space<vmem>>
        tpu.wait_dma2 semaphore(%run_scoped3A : memref<!tpu.dma_semaphore, #tpu.memory_space<semaphore_mem>>) src(%dma_wait3A_376 : memref<256x64xf32, #tpu.memory_space<vmem>>) dst(%dma_wait3A_373 : memref<256x64xf32, #tpu.memory_space<vmem_shared>>)
        tpu.yield
      }) : () -> ()
    } else {
    }
    %eq3A_61 = arith.constant 10 : i32
    %eq3A_62 = arith.cmpi eq, %arg1, %eq3A_61 : i32
    %convert_element_type3A_63 = arith.extui %eq3A_62 : i1 to i32
    %cond3A_64 = arith.constant 0 : i32
    %cond3A_65 = arith.cmpi ne, %convert_element_type3A_63, %cond3A_64 : i32
    scf.if %cond3A_65 {
      "tpu.region"() ({
        %run_scoped3A = tpu.sem_alloc : memref<!tpu.dma_semaphore, #tpu.memory_space<semaphore_mem>>
        %dma_start3A = arith.constant 0 : i32
        %dma_start3A_354 = arith.constant 0 : i32
        %dma_start3A_355 = tpu.memref_slice %arg5[%dma_start3A, %dma_start3A_354] : memref<256x64xf32, #tpu.memory_space<vmem>> -> memref<256x64xf32, #tpu.memory_space<vmem>>
        %dma_start3A_356 = arith.constant 2560 : i32
        %dma_start3A_357 = arith.constant 0 : i32
        %dma_start3A_358 = tpu.memref_slice %arg10[%dma_start3A_356, %dma_start3A_357] : memref<10000x64xf32, #tpu.memory_space<vmem_shared>> -> memref<256x64xf32, #tpu.memory_space<vmem_shared>>
        %dma_start3A_359 = arith.constant 2560 : i32
        %dma_start3A_360 = arith.constant 0 : i32
        %dma_start3A_361 = tpu.memref_slice %arg10[%dma_start3A_359, %dma_start3A_360] : memref<10000x64xf32, #tpu.memory_space<vmem_shared>> -> memref<256x64xf32, #tpu.memory_space<vmem_shared>>
        %dma_start3A_362 = arith.constant 0 : i32
        %dma_start3A_363 = arith.constant 0 : i32
        %dma_start3A_364 = tpu.memref_slice %arg5[%dma_start3A_362, %dma_start3A_363] : memref<256x64xf32, #tpu.memory_space<vmem>> -> memref<256x64xf32, #tpu.memory_space<vmem>>
        tpu.enqueue_dma source(%dma_start3A_364 : memref<256x64xf32, #tpu.memory_space<vmem>>) target(%dma_start3A_361 : memref<256x64xf32, #tpu.memory_space<vmem_shared>>) target_semaphore(%run_scoped3A : memref<!tpu.dma_semaphore, #tpu.memory_space<semaphore_mem>>)
        %dma_wait3A_365 = arith.constant 0 : i32
        %dma_wait3A_366 = arith.constant 0 : i32
        %dma_wait3A_367 = tpu.memref_slice %arg5[%dma_wait3A_365, %dma_wait3A_366] : memref<256x64xf32, #tpu.memory_space<vmem>> -> memref<256x64xf32, #tpu.memory_space<vmem>>
        %dma_wait3A_368 = arith.constant 2560 : i32
        %dma_wait3A_369 = arith.constant 0 : i32
        %dma_wait3A_370 = tpu.memref_slice %arg10[%dma_wait3A_368, %dma_wait3A_369] : memref<10000x64xf32, #tpu.memory_space<vmem_shared>> -> memref<256x64xf32, #tpu.memory_space<vmem_shared>>
        %dma_wait3A_371 = arith.constant 2560 : i32
        %dma_wait3A_372 = arith.constant 0 : i32
        %dma_wait3A_373 = tpu.memref_slice %arg10[%dma_wait3A_371, %dma_wait3A_372] : memref<10000x64xf32, #tpu.memory_space<vmem_shared>> -> memref<256x64xf32, #tpu.memory_space<vmem_shared>>
        %dma_wait3A_374 = arith.constant 0 : i32
        %dma_wait3A_375 = arith.constant 0 : i32
        %dma_wait3A_376 = tpu.memref_slice %arg5[%dma_wait3A_374, %dma_wait3A_375] : memref<256x64xf32, #tpu.memory_space<vmem>> -> memref<256x64xf32, #tpu.memory_space<vmem>>
        tpu.wait_dma2 semaphore(%run_scoped3A : memref<!tpu.dma_semaphore, #tpu.memory_space<semaphore_mem>>) src(%dma_wait3A_376 : memref<256x64xf32, #tpu.memory_space<vmem>>) dst(%dma_wait3A_373 : memref<256x64xf32, #tpu.memory_space<vmem_shared>>)
        tpu.yield
      }) : () -> ()
    } else {
    }
    %eq3A_66 = arith.constant 11 : i32
    %eq3A_67 = arith.cmpi eq, %arg1, %eq3A_66 : i32
    %convert_element_type3A_68 = arith.extui %eq3A_67 : i1 to i32
    %cond3A_69 = arith.constant 0 : i32
    %cond3A_70 = arith.cmpi ne, %convert_element_type3A_68, %cond3A_69 : i32
    scf.if %cond3A_70 {
      "tpu.region"() ({
        %run_scoped3A = tpu.sem_alloc : memref<!tpu.dma_semaphore, #tpu.memory_space<semaphore_mem>>
        %dma_start3A = arith.constant 0 : i32
        %dma_start3A_354 = arith.constant 0 : i32
        %dma_start3A_355 = tpu.memref_slice %arg5[%dma_start3A, %dma_start3A_354] : memref<256x64xf32, #tpu.memory_space<vmem>> -> memref<256x64xf32, #tpu.memory_space<vmem>>
        %dma_start3A_356 = arith.constant 2816 : i32
        %dma_start3A_357 = arith.constant 0 : i32
        %dma_start3A_358 = tpu.memref_slice %arg10[%dma_start3A_356, %dma_start3A_357] : memref<10000x64xf32, #tpu.memory_space<vmem_shared>> -> memref<256x64xf32, #tpu.memory_space<vmem_shared>>
        %dma_start3A_359 = arith.constant 2816 : i32
        %dma_start3A_360 = arith.constant 0 : i32
        %dma_start3A_361 = tpu.memref_slice %arg10[%dma_start3A_359, %dma_start3A_360] : memref<10000x64xf32, #tpu.memory_space<vmem_shared>> -> memref<256x64xf32, #tpu.memory_space<vmem_shared>>
        %dma_start3A_362 = arith.constant 0 : i32
        %dma_start3A_363 = arith.constant 0 : i32
        %dma_start3A_364 = tpu.memref_slice %arg5[%dma_start3A_362, %dma_start3A_363] : memref<256x64xf32, #tpu.memory_space<vmem>> -> memref<256x64xf32, #tpu.memory_space<vmem>>
        tpu.enqueue_dma source(%dma_start3A_364 : memref<256x64xf32, #tpu.memory_space<vmem>>) target(%dma_start3A_361 : memref<256x64xf32, #tpu.memory_space<vmem_shared>>) target_semaphore(%run_scoped3A : memref<!tpu.dma_semaphore, #tpu.memory_space<semaphore_mem>>)
        %dma_wait3A_365 = arith.constant 0 : i32
        %dma_wait3A_366 = arith.constant 0 : i32
        %dma_wait3A_367 = tpu.memref_slice %arg5[%dma_wait3A_365, %dma_wait3A_366] : memref<256x64xf32, #tpu.memory_space<vmem>> -> memref<256x64xf32, #tpu.memory_space<vmem>>
        %dma_wait3A_368 = arith.constant 2816 : i32
        %dma_wait3A_369 = arith.constant 0 : i32
        %dma_wait3A_370 = tpu.memref_slice %arg10[%dma_wait3A_368, %dma_wait3A_369] : memref<10000x64xf32, #tpu.memory_space<vmem_shared>> -> memref<256x64xf32, #tpu.memory_space<vmem_shared>>
        %dma_wait3A_371 = arith.constant 2816 : i32
        %dma_wait3A_372 = arith.constant 0 : i32
        %dma_wait3A_373 = tpu.memref_slice %arg10[%dma_wait3A_371, %dma_wait3A_372] : memref<10000x64xf32, #tpu.memory_space<vmem_shared>> -> memref<256x64xf32, #tpu.memory_space<vmem_shared>>
        %dma_wait3A_374 = arith.constant 0 : i32
        %dma_wait3A_375 = arith.constant 0 : i32
        %dma_wait3A_376 = tpu.memref_slice %arg5[%dma_wait3A_374, %dma_wait3A_375] : memref<256x64xf32, #tpu.memory_space<vmem>> -> memref<256x64xf32, #tpu.memory_space<vmem>>
        tpu.wait_dma2 semaphore(%run_scoped3A : memref<!tpu.dma_semaphore, #tpu.memory_space<semaphore_mem>>) src(%dma_wait3A_376 : memref<256x64xf32, #tpu.memory_space<vmem>>) dst(%dma_wait3A_373 : memref<256x64xf32, #tpu.memory_space<vmem_shared>>)
        tpu.yield
      }) : () -> ()
    } else {
    }
    %eq3A_71 = arith.constant 12 : i32
    %eq3A_72 = arith.cmpi eq, %arg1, %eq3A_71 : i32
    %convert_element_type3A_73 = arith.extui %eq3A_72 : i1 to i32
    %cond3A_74 = arith.constant 0 : i32
    %cond3A_75 = arith.cmpi ne, %convert_element_type3A_73, %cond3A_74 : i32
    scf.if %cond3A_75 {
      "tpu.region"() ({
        %run_scoped3A = tpu.sem_alloc : memref<!tpu.dma_semaphore, #tpu.memory_space<semaphore_mem>>
        %dma_start3A = arith.constant 0 : i32
        %dma_start3A_354 = arith.constant 0 : i32
        %dma_start3A_355 = tpu.memref_slice %arg5[%dma_start3A, %dma_start3A_354] : memref<256x64xf32, #tpu.memory_space<vmem>> -> memref<256x64xf32, #tpu.memory_space<vmem>>
        %dma_start3A_356 = arith.constant 3072 : i32
        %dma_start3A_357 = arith.constant 0 : i32
        %dma_start3A_358 = tpu.memref_slice %arg10[%dma_start3A_356, %dma_start3A_357] : memref<10000x64xf32, #tpu.memory_space<vmem_shared>> -> memref<256x64xf32, #tpu.memory_space<vmem_shared>>
        %dma_start3A_359 = arith.constant 3072 : i32
        %dma_start3A_360 = arith.constant 0 : i32
        %dma_start3A_361 = tpu.memref_slice %arg10[%dma_start3A_359, %dma_start3A_360] : memref<10000x64xf32, #tpu.memory_space<vmem_shared>> -> memref<256x64xf32, #tpu.memory_space<vmem_shared>>
        %dma_start3A_362 = arith.constant 0 : i32
        %dma_start3A_363 = arith.constant 0 : i32
        %dma_start3A_364 = tpu.memref_slice %arg5[%dma_start3A_362, %dma_start3A_363] : memref<256x64xf32, #tpu.memory_space<vmem>> -> memref<256x64xf32, #tpu.memory_space<vmem>>
        tpu.enqueue_dma source(%dma_start3A_364 : memref<256x64xf32, #tpu.memory_space<vmem>>) target(%dma_start3A_361 : memref<256x64xf32, #tpu.memory_space<vmem_shared>>) target_semaphore(%run_scoped3A : memref<!tpu.dma_semaphore, #tpu.memory_space<semaphore_mem>>)
        %dma_wait3A_365 = arith.constant 0 : i32
        %dma_wait3A_366 = arith.constant 0 : i32
        %dma_wait3A_367 = tpu.memref_slice %arg5[%dma_wait3A_365, %dma_wait3A_366] : memref<256x64xf32, #tpu.memory_space<vmem>> -> memref<256x64xf32, #tpu.memory_space<vmem>>
        %dma_wait3A_368 = arith.constant 3072 : i32
        %dma_wait3A_369 = arith.constant 0 : i32
        %dma_wait3A_370 = tpu.memref_slice %arg10[%dma_wait3A_368, %dma_wait3A_369] : memref<10000x64xf32, #tpu.memory_space<vmem_shared>> -> memref<256x64xf32, #tpu.memory_space<vmem_shared>>
        %dma_wait3A_371 = arith.constant 3072 : i32
        %dma_wait3A_372 = arith.constant 0 : i32
        %dma_wait3A_373 = tpu.memref_slice %arg10[%dma_wait3A_371, %dma_wait3A_372] : memref<10000x64xf32, #tpu.memory_space<vmem_shared>> -> memref<256x64xf32, #tpu.memory_space<vmem_shared>>
        %dma_wait3A_374 = arith.constant 0 : i32
        %dma_wait3A_375 = arith.constant 0 : i32
        %dma_wait3A_376 = tpu.memref_slice %arg5[%dma_wait3A_374, %dma_wait3A_375] : memref<256x64xf32, #tpu.memory_space<vmem>> -> memref<256x64xf32, #tpu.memory_space<vmem>>
        tpu.wait_dma2 semaphore(%run_scoped3A : memref<!tpu.dma_semaphore, #tpu.memory_space<semaphore_mem>>) src(%dma_wait3A_376 : memref<256x64xf32, #tpu.memory_space<vmem>>) dst(%dma_wait3A_373 : memref<256x64xf32, #tpu.memory_space<vmem_shared>>)
        tpu.yield
      }) : () -> ()
    } else {
    }
    %eq3A_76 = arith.constant 13 : i32
    %eq3A_77 = arith.cmpi eq, %arg1, %eq3A_76 : i32
    %convert_element_type3A_78 = arith.extui %eq3A_77 : i1 to i32
    %cond3A_79 = arith.constant 0 : i32
    %cond3A_80 = arith.cmpi ne, %convert_element_type3A_78, %cond3A_79 : i32
    scf.if %cond3A_80 {
      "tpu.region"() ({
        %run_scoped3A = tpu.sem_alloc : memref<!tpu.dma_semaphore, #tpu.memory_space<semaphore_mem>>
        %dma_start3A = arith.constant 0 : i32
        %dma_start3A_354 = arith.constant 0 : i32
        %dma_start3A_355 = tpu.memref_slice %arg5[%dma_start3A, %dma_start3A_354] : memref<256x64xf32, #tpu.memory_space<vmem>> -> memref<256x64xf32, #tpu.memory_space<vmem>>
        %dma_start3A_356 = arith.constant 3328 : i32
        %dma_start3A_357 = arith.constant 0 : i32
        %dma_start3A_358 = tpu.memref_slice %arg10[%dma_start3A_356, %dma_start3A_357] : memref<10000x64xf32, #tpu.memory_space<vmem_shared>> -> memref<256x64xf32, #tpu.memory_space<vmem_shared>>
        %dma_start3A_359 = arith.constant 3328 : i32
        %dma_start3A_360 = arith.constant 0 : i32
        %dma_start3A_361 = tpu.memref_slice %arg10[%dma_start3A_359, %dma_start3A_360] : memref<10000x64xf32, #tpu.memory_space<vmem_shared>> -> memref<256x64xf32, #tpu.memory_space<vmem_shared>>
        %dma_start3A_362 = arith.constant 0 : i32
        %dma_start3A_363 = arith.constant 0 : i32
        %dma_start3A_364 = tpu.memref_slice %arg5[%dma_start3A_362, %dma_start3A_363] : memref<256x64xf32, #tpu.memory_space<vmem>> -> memref<256x64xf32, #tpu.memory_space<vmem>>
        tpu.enqueue_dma source(%dma_start3A_364 : memref<256x64xf32, #tpu.memory_space<vmem>>) target(%dma_start3A_361 : memref<256x64xf32, #tpu.memory_space<vmem_shared>>) target_semaphore(%run_scoped3A : memref<!tpu.dma_semaphore, #tpu.memory_space<semaphore_mem>>)
        %dma_wait3A_365 = arith.constant 0 : i32
        %dma_wait3A_366 = arith.constant 0 : i32
        %dma_wait3A_367 = tpu.memref_slice %arg5[%dma_wait3A_365, %dma_wait3A_366] : memref<256x64xf32, #tpu.memory_space<vmem>> -> memref<256x64xf32, #tpu.memory_space<vmem>>
        %dma_wait3A_368 = arith.constant 3328 : i32
        %dma_wait3A_369 = arith.constant 0 : i32
        %dma_wait3A_370 = tpu.memref_slice %arg10[%dma_wait3A_368, %dma_wait3A_369] : memref<10000x64xf32, #tpu.memory_space<vmem_shared>> -> memref<256x64xf32, #tpu.memory_space<vmem_shared>>
        %dma_wait3A_371 = arith.constant 3328 : i32
        %dma_wait3A_372 = arith.constant 0 : i32
        %dma_wait3A_373 = tpu.memref_slice %arg10[%dma_wait3A_371, %dma_wait3A_372] : memref<10000x64xf32, #tpu.memory_space<vmem_shared>> -> memref<256x64xf32, #tpu.memory_space<vmem_shared>>
        %dma_wait3A_374 = arith.constant 0 : i32
        %dma_wait3A_375 = arith.constant 0 : i32
        %dma_wait3A_376 = tpu.memref_slice %arg5[%dma_wait3A_374, %dma_wait3A_375] : memref<256x64xf32, #tpu.memory_space<vmem>> -> memref<256x64xf32, #tpu.memory_space<vmem>>
        tpu.wait_dma2 semaphore(%run_scoped3A : memref<!tpu.dma_semaphore, #tpu.memory_space<semaphore_mem>>) src(%dma_wait3A_376 : memref<256x64xf32, #tpu.memory_space<vmem>>) dst(%dma_wait3A_373 : memref<256x64xf32, #tpu.memory_space<vmem_shared>>)
        tpu.yield
      }) : () -> ()
    } else {
    }
    %eq3A_81 = arith.constant 14 : i32
    %eq3A_82 = arith.cmpi eq, %arg1, %eq3A_81 : i32
    %convert_element_type3A_83 = arith.extui %eq3A_82 : i1 to i32
    %cond3A_84 = arith.constant 0 : i32
    %cond3A_85 = arith.cmpi ne, %convert_element_type3A_83, %cond3A_84 : i32
    scf.if %cond3A_85 {
      "tpu.region"() ({
        %run_scoped3A = tpu.sem_alloc : memref<!tpu.dma_semaphore, #tpu.memory_space<semaphore_mem>>
        %dma_start3A = arith.constant 0 : i32
        %dma_start3A_354 = arith.constant 0 : i32
        %dma_start3A_355 = tpu.memref_slice %arg5[%dma_start3A, %dma_start3A_354] : memref<256x64xf32, #tpu.memory_space<vmem>> -> memref<256x64xf32, #tpu.memory_space<vmem>>
        %dma_start3A_356 = arith.constant 3584 : i32
        %dma_start3A_357 = arith.constant 0 : i32
        %dma_start3A_358 = tpu.memref_slice %arg10[%dma_start3A_356, %dma_start3A_357] : memref<10000x64xf32, #tpu.memory_space<vmem_shared>> -> memref<256x64xf32, #tpu.memory_space<vmem_shared>>
        %dma_start3A_359 = arith.constant 3584 : i32
        %dma_start3A_360 = arith.constant 0 : i32
        %dma_start3A_361 = tpu.memref_slice %arg10[%dma_start3A_359, %dma_start3A_360] : memref<10000x64xf32, #tpu.memory_space<vmem_shared>> -> memref<256x64xf32, #tpu.memory_space<vmem_shared>>
        %dma_start3A_362 = arith.constant 0 : i32
        %dma_start3A_363 = arith.constant 0 : i32
        %dma_start3A_364 = tpu.memref_slice %arg5[%dma_start3A_362, %dma_start3A_363] : memref<256x64xf32, #tpu.memory_space<vmem>> -> memref<256x64xf32, #tpu.memory_space<vmem>>
        tpu.enqueue_dma source(%dma_start3A_364 : memref<256x64xf32, #tpu.memory_space<vmem>>) target(%dma_start3A_361 : memref<256x64xf32, #tpu.memory_space<vmem_shared>>) target_semaphore(%run_scoped3A : memref<!tpu.dma_semaphore, #tpu.memory_space<semaphore_mem>>)
        %dma_wait3A_365 = arith.constant 0 : i32
        %dma_wait3A_366 = arith.constant 0 : i32
        %dma_wait3A_367 = tpu.memref_slice %arg5[%dma_wait3A_365, %dma_wait3A_366] : memref<256x64xf32, #tpu.memory_space<vmem>> -> memref<256x64xf32, #tpu.memory_space<vmem>>
        %dma_wait3A_368 = arith.constant 3584 : i32
        %dma_wait3A_369 = arith.constant 0 : i32
        %dma_wait3A_370 = tpu.memref_slice %arg10[%dma_wait3A_368, %dma_wait3A_369] : memref<10000x64xf32, #tpu.memory_space<vmem_shared>> -> memref<256x64xf32, #tpu.memory_space<vmem_shared>>
        %dma_wait3A_371 = arith.constant 3584 : i32
        %dma_wait3A_372 = arith.constant 0 : i32
        %dma_wait3A_373 = tpu.memref_slice %arg10[%dma_wait3A_371, %dma_wait3A_372] : memref<10000x64xf32, #tpu.memory_space<vmem_shared>> -> memref<256x64xf32, #tpu.memory_space<vmem_shared>>
        %dma_wait3A_374 = arith.constant 0 : i32
        %dma_wait3A_375 = arith.constant 0 : i32
        %dma_wait3A_376 = tpu.memref_slice %arg5[%dma_wait3A_374, %dma_wait3A_375] : memref<256x64xf32, #tpu.memory_space<vmem>> -> memref<256x64xf32, #tpu.memory_space<vmem>>
        tpu.wait_dma2 semaphore(%run_scoped3A : memref<!tpu.dma_semaphore, #tpu.memory_space<semaphore_mem>>) src(%dma_wait3A_376 : memref<256x64xf32, #tpu.memory_space<vmem>>) dst(%dma_wait3A_373 : memref<256x64xf32, #tpu.memory_space<vmem_shared>>)
        tpu.yield
      }) : () -> ()
    } else {
    }
    %eq3A_86 = arith.constant 15 : i32
    %eq3A_87 = arith.cmpi eq, %arg1, %eq3A_86 : i32
    %convert_element_type3A_88 = arith.extui %eq3A_87 : i1 to i32
    %cond3A_89 = arith.constant 0 : i32
    %cond3A_90 = arith.cmpi ne, %convert_element_type3A_88, %cond3A_89 : i32
    scf.if %cond3A_90 {
      "tpu.region"() ({
        %run_scoped3A = tpu.sem_alloc : memref<!tpu.dma_semaphore, #tpu.memory_space<semaphore_mem>>
        %dma_start3A = arith.constant 0 : i32
        %dma_start3A_354 = arith.constant 0 : i32
        %dma_start3A_355 = tpu.memref_slice %arg5[%dma_start3A, %dma_start3A_354] : memref<256x64xf32, #tpu.memory_space<vmem>> -> memref<256x64xf32, #tpu.memory_space<vmem>>
        %dma_start3A_356 = arith.constant 3840 : i32
        %dma_start3A_357 = arith.constant 0 : i32
        %dma_start3A_358 = tpu.memref_slice %arg10[%dma_start3A_356, %dma_start3A_357] : memref<10000x64xf32, #tpu.memory_space<vmem_shared>> -> memref<256x64xf32, #tpu.memory_space<vmem_shared>>
        %dma_start3A_359 = arith.constant 3840 : i32
        %dma_start3A_360 = arith.constant 0 : i32
        %dma_start3A_361 = tpu.memref_slice %arg10[%dma_start3A_359, %dma_start3A_360] : memref<10000x64xf32, #tpu.memory_space<vmem_shared>> -> memref<256x64xf32, #tpu.memory_space<vmem_shared>>
        %dma_start3A_362 = arith.constant 0 : i32
        %dma_start3A_363 = arith.constant 0 : i32
        %dma_start3A_364 = tpu.memref_slice %arg5[%dma_start3A_362, %dma_start3A_363] : memref<256x64xf32, #tpu.memory_space<vmem>> -> memref<256x64xf32, #tpu.memory_space<vmem>>
        tpu.enqueue_dma source(%dma_start3A_364 : memref<256x64xf32, #tpu.memory_space<vmem>>) target(%dma_start3A_361 : memref<256x64xf32, #tpu.memory_space<vmem_shared>>) target_semaphore(%run_scoped3A : memref<!tpu.dma_semaphore, #tpu.memory_space<semaphore_mem>>)
        %dma_wait3A_365 = arith.constant 0 : i32
        %dma_wait3A_366 = arith.constant 0 : i32
        %dma_wait3A_367 = tpu.memref_slice %arg5[%dma_wait3A_365, %dma_wait3A_366] : memref<256x64xf32, #tpu.memory_space<vmem>> -> memref<256x64xf32, #tpu.memory_space<vmem>>
        %dma_wait3A_368 = arith.constant 3840 : i32
        %dma_wait3A_369 = arith.constant 0 : i32
        %dma_wait3A_370 = tpu.memref_slice %arg10[%dma_wait3A_368, %dma_wait3A_369] : memref<10000x64xf32, #tpu.memory_space<vmem_shared>> -> memref<256x64xf32, #tpu.memory_space<vmem_shared>>
        %dma_wait3A_371 = arith.constant 3840 : i32
        %dma_wait3A_372 = arith.constant 0 : i32
        %dma_wait3A_373 = tpu.memref_slice %arg10[%dma_wait3A_371, %dma_wait3A_372] : memref<10000x64xf32, #tpu.memory_space<vmem_shared>> -> memref<256x64xf32, #tpu.memory_space<vmem_shared>>
        %dma_wait3A_374 = arith.constant 0 : i32
        %dma_wait3A_375 = arith.constant 0 : i32
        %dma_wait3A_376 = tpu.memref_slice %arg5[%dma_wait3A_374, %dma_wait3A_375] : memref<256x64xf32, #tpu.memory_space<vmem>> -> memref<256x64xf32, #tpu.memory_space<vmem>>
        tpu.wait_dma2 semaphore(%run_scoped3A : memref<!tpu.dma_semaphore, #tpu.memory_space<semaphore_mem>>) src(%dma_wait3A_376 : memref<256x64xf32, #tpu.memory_space<vmem>>) dst(%dma_wait3A_373 : memref<256x64xf32, #tpu.memory_space<vmem_shared>>)
        tpu.yield
      }) : () -> ()
    } else {
    }
    %eq3A_91 = arith.constant 0 : i32
    %eq3A_92 = arith.cmpi eq, %arg1, %eq3A_91 : i32
    %convert_element_type3A_93 = arith.extui %eq3A_92 : i1 to i32
    %cond3A_94 = arith.constant 0 : i32
    %cond3A_95 = arith.cmpi ne, %convert_element_type3A_93, %cond3A_94 : i32
    scf.if %cond3A_95 {
      "tpu.region"() ({
        %run_scoped3A = tpu.sem_alloc : memref<!tpu.dma_semaphore, #tpu.memory_space<semaphore_mem>>
        %dma_start3A = arith.constant 0 : i32
        %dma_start3A_354 = arith.constant 0 : i32
        %dma_start3A_355 = tpu.memref_slice %arg5[%dma_start3A, %dma_start3A_354] : memref<256x64xf32, #tpu.memory_space<vmem>> -> memref<256x64xf32, #tpu.memory_space<vmem>>
        %dma_start3A_356 = arith.constant 4096 : i32
        %dma_start3A_357 = arith.constant 0 : i32
        %dma_start3A_358 = tpu.memref_slice %arg10[%dma_start3A_356, %dma_start3A_357] : memref<10000x64xf32, #tpu.memory_space<vmem_shared>> -> memref<256x64xf32, #tpu.memory_space<vmem_shared>>
        %dma_start3A_359 = arith.constant 4096 : i32
        %dma_start3A_360 = arith.constant 0 : i32
        %dma_start3A_361 = tpu.memref_slice %arg10[%dma_start3A_359, %dma_start3A_360] : memref<10000x64xf32, #tpu.memory_space<vmem_shared>> -> memref<256x64xf32, #tpu.memory_space<vmem_shared>>
        %dma_start3A_362 = arith.constant 0 : i32
        %dma_start3A_363 = arith.constant 0 : i32
        %dma_start3A_364 = tpu.memref_slice %arg5[%dma_start3A_362, %dma_start3A_363] : memref<256x64xf32, #tpu.memory_space<vmem>> -> memref<256x64xf32, #tpu.memory_space<vmem>>
        tpu.enqueue_dma source(%dma_start3A_364 : memref<256x64xf32, #tpu.memory_space<vmem>>) target(%dma_start3A_361 : memref<256x64xf32, #tpu.memory_space<vmem_shared>>) target_semaphore(%run_scoped3A : memref<!tpu.dma_semaphore, #tpu.memory_space<semaphore_mem>>)
        %dma_wait3A_365 = arith.constant 0 : i32
        %dma_wait3A_366 = arith.constant 0 : i32
        %dma_wait3A_367 = tpu.memref_slice %arg5[%dma_wait3A_365, %dma_wait3A_366] : memref<256x64xf32, #tpu.memory_space<vmem>> -> memref<256x64xf32, #tpu.memory_space<vmem>>
        %dma_wait3A_368 = arith.constant 4096 : i32
        %dma_wait3A_369 = arith.constant 0 : i32
        %dma_wait3A_370 = tpu.memref_slice %arg10[%dma_wait3A_368, %dma_wait3A_369] : memref<10000x64xf32, #tpu.memory_space<vmem_shared>> -> memref<256x64xf32, #tpu.memory_space<vmem_shared>>
        %dma_wait3A_371 = arith.constant 4096 : i32
        %dma_wait3A_372 = arith.constant 0 : i32
        %dma_wait3A_373 = tpu.memref_slice %arg10[%dma_wait3A_371, %dma_wait3A_372] : memref<10000x64xf32, #tpu.memory_space<vmem_shared>> -> memref<256x64xf32, #tpu.memory_space<vmem_shared>>
        %dma_wait3A_374 = arith.constant 0 : i32
        %dma_wait3A_375 = arith.constant 0 : i32
        %dma_wait3A_376 = tpu.memref_slice %arg5[%dma_wait3A_374, %dma_wait3A_375] : memref<256x64xf32, #tpu.memory_space<vmem>> -> memref<256x64xf32, #tpu.memory_space<vmem>>
        tpu.wait_dma2 semaphore(%run_scoped3A : memref<!tpu.dma_semaphore, #tpu.memory_space<semaphore_mem>>) src(%dma_wait3A_376 : memref<256x64xf32, #tpu.memory_space<vmem>>) dst(%dma_wait3A_373 : memref<256x64xf32, #tpu.memory_space<vmem_shared>>)
        tpu.yield
      }) : () -> ()
    } else {
    }
    %eq3A_96 = arith.constant 1 : i32
    %eq3A_97 = arith.cmpi eq, %arg1, %eq3A_96 : i32
    %convert_element_type3A_98 = arith.extui %eq3A_97 : i1 to i32
    %cond3A_99 = arith.constant 0 : i32
    %cond3A_100 = arith.cmpi ne, %convert_element_type3A_98, %cond3A_99 : i32
    scf.if %cond3A_100 {
      "tpu.region"() ({
        %run_scoped3A = tpu.sem_alloc : memref<!tpu.dma_semaphore, #tpu.memory_space<semaphore_mem>>
        %dma_start3A = arith.constant 0 : i32
        %dma_start3A_354 = arith.constant 0 : i32
        %dma_start3A_355 = tpu.memref_slice %arg5[%dma_start3A, %dma_start3A_354] : memref<256x64xf32, #tpu.memory_space<vmem>> -> memref<256x64xf32, #tpu.memory_space<vmem>>
        %dma_start3A_356 = arith.constant 4352 : i32
        %dma_start3A_357 = arith.constant 0 : i32
        %dma_start3A_358 = tpu.memref_slice %arg10[%dma_start3A_356, %dma_start3A_357] : memref<10000x64xf32, #tpu.memory_space<vmem_shared>> -> memref<256x64xf32, #tpu.memory_space<vmem_shared>>
        %dma_start3A_359 = arith.constant 4352 : i32
        %dma_start3A_360 = arith.constant 0 : i32
        %dma_start3A_361 = tpu.memref_slice %arg10[%dma_start3A_359, %dma_start3A_360] : memref<10000x64xf32, #tpu.memory_space<vmem_shared>> -> memref<256x64xf32, #tpu.memory_space<vmem_shared>>
        %dma_start3A_362 = arith.constant 0 : i32
        %dma_start3A_363 = arith.constant 0 : i32
        %dma_start3A_364 = tpu.memref_slice %arg5[%dma_start3A_362, %dma_start3A_363] : memref<256x64xf32, #tpu.memory_space<vmem>> -> memref<256x64xf32, #tpu.memory_space<vmem>>
        tpu.enqueue_dma source(%dma_start3A_364 : memref<256x64xf32, #tpu.memory_space<vmem>>) target(%dma_start3A_361 : memref<256x64xf32, #tpu.memory_space<vmem_shared>>) target_semaphore(%run_scoped3A : memref<!tpu.dma_semaphore, #tpu.memory_space<semaphore_mem>>)
        %dma_wait3A_365 = arith.constant 0 : i32
        %dma_wait3A_366 = arith.constant 0 : i32
        %dma_wait3A_367 = tpu.memref_slice %arg5[%dma_wait3A_365, %dma_wait3A_366] : memref<256x64xf32, #tpu.memory_space<vmem>> -> memref<256x64xf32, #tpu.memory_space<vmem>>
        %dma_wait3A_368 = arith.constant 4352 : i32
        %dma_wait3A_369 = arith.constant 0 : i32
        %dma_wait3A_370 = tpu.memref_slice %arg10[%dma_wait3A_368, %dma_wait3A_369] : memref<10000x64xf32, #tpu.memory_space<vmem_shared>> -> memref<256x64xf32, #tpu.memory_space<vmem_shared>>
        %dma_wait3A_371 = arith.constant 4352 : i32
        %dma_wait3A_372 = arith.constant 0 : i32
        %dma_wait3A_373 = tpu.memref_slice %arg10[%dma_wait3A_371, %dma_wait3A_372] : memref<10000x64xf32, #tpu.memory_space<vmem_shared>> -> memref<256x64xf32, #tpu.memory_space<vmem_shared>>
        %dma_wait3A_374 = arith.constant 0 : i32
        %dma_wait3A_375 = arith.constant 0 : i32
        %dma_wait3A_376 = tpu.memref_slice %arg5[%dma_wait3A_374, %dma_wait3A_375] : memref<256x64xf32, #tpu.memory_space<vmem>> -> memref<256x64xf32, #tpu.memory_space<vmem>>
        tpu.wait_dma2 semaphore(%run_scoped3A : memref<!tpu.dma_semaphore, #tpu.memory_space<semaphore_mem>>) src(%dma_wait3A_376 : memref<256x64xf32, #tpu.memory_space<vmem>>) dst(%dma_wait3A_373 : memref<256x64xf32, #tpu.memory_space<vmem_shared>>)
        tpu.yield
      }) : () -> ()
    } else {
    }
    %eq3A_101 = arith.constant 2 : i32
    %eq3A_102 = arith.cmpi eq, %arg1, %eq3A_101 : i32
    %convert_element_type3A_103 = arith.extui %eq3A_102 : i1 to i32
    %cond3A_104 = arith.constant 0 : i32
    %cond3A_105 = arith.cmpi ne, %convert_element_type3A_103, %cond3A_104 : i32
    scf.if %cond3A_105 {
      "tpu.region"() ({
        %run_scoped3A = tpu.sem_alloc : memref<!tpu.dma_semaphore, #tpu.memory_space<semaphore_mem>>
        %dma_start3A = arith.constant 0 : i32
        %dma_start3A_354 = arith.constant 0 : i32
        %dma_start3A_355 = tpu.memref_slice %arg5[%dma_start3A, %dma_start3A_354] : memref<256x64xf32, #tpu.memory_space<vmem>> -> memref<256x64xf32, #tpu.memory_space<vmem>>
        %dma_start3A_356 = arith.constant 4608 : i32
        %dma_start3A_357 = arith.constant 0 : i32
        %dma_start3A_358 = tpu.memref_slice %arg10[%dma_start3A_356, %dma_start3A_357] : memref<10000x64xf32, #tpu.memory_space<vmem_shared>> -> memref<256x64xf32, #tpu.memory_space<vmem_shared>>
        %dma_start3A_359 = arith.constant 4608 : i32
        %dma_start3A_360 = arith.constant 0 : i32
        %dma_start3A_361 = tpu.memref_slice %arg10[%dma_start3A_359, %dma_start3A_360] : memref<10000x64xf32, #tpu.memory_space<vmem_shared>> -> memref<256x64xf32, #tpu.memory_space<vmem_shared>>
        %dma_start3A_362 = arith.constant 0 : i32
        %dma_start3A_363 = arith.constant 0 : i32
        %dma_start3A_364 = tpu.memref_slice %arg5[%dma_start3A_362, %dma_start3A_363] : memref<256x64xf32, #tpu.memory_space<vmem>> -> memref<256x64xf32, #tpu.memory_space<vmem>>
        tpu.enqueue_dma source(%dma_start3A_364 : memref<256x64xf32, #tpu.memory_space<vmem>>) target(%dma_start3A_361 : memref<256x64xf32, #tpu.memory_space<vmem_shared>>) target_semaphore(%run_scoped3A : memref<!tpu.dma_semaphore, #tpu.memory_space<semaphore_mem>>)
        %dma_wait3A_365 = arith.constant 0 : i32
        %dma_wait3A_366 = arith.constant 0 : i32
        %dma_wait3A_367 = tpu.memref_slice %arg5[%dma_wait3A_365, %dma_wait3A_366] : memref<256x64xf32, #tpu.memory_space<vmem>> -> memref<256x64xf32, #tpu.memory_space<vmem>>
        %dma_wait3A_368 = arith.constant 4608 : i32
        %dma_wait3A_369 = arith.constant 0 : i32
        %dma_wait3A_370 = tpu.memref_slice %arg10[%dma_wait3A_368, %dma_wait3A_369] : memref<10000x64xf32, #tpu.memory_space<vmem_shared>> -> memref<256x64xf32, #tpu.memory_space<vmem_shared>>
        %dma_wait3A_371 = arith.constant 4608 : i32
        %dma_wait3A_372 = arith.constant 0 : i32
        %dma_wait3A_373 = tpu.memref_slice %arg10[%dma_wait3A_371, %dma_wait3A_372] : memref<10000x64xf32, #tpu.memory_space<vmem_shared>> -> memref<256x64xf32, #tpu.memory_space<vmem_shared>>
        %dma_wait3A_374 = arith.constant 0 : i32
        %dma_wait3A_375 = arith.constant 0 : i32
        %dma_wait3A_376 = tpu.memref_slice %arg5[%dma_wait3A_374, %dma_wait3A_375] : memref<256x64xf32, #tpu.memory_space<vmem>> -> memref<256x64xf32, #tpu.memory_space<vmem>>
        tpu.wait_dma2 semaphore(%run_scoped3A : memref<!tpu.dma_semaphore, #tpu.memory_space<semaphore_mem>>) src(%dma_wait3A_376 : memref<256x64xf32, #tpu.memory_space<vmem>>) dst(%dma_wait3A_373 : memref<256x64xf32, #tpu.memory_space<vmem_shared>>)
        tpu.yield
      }) : () -> ()
    } else {
    }
    %eq3A_106 = arith.constant 3 : i32
    %eq3A_107 = arith.cmpi eq, %arg1, %eq3A_106 : i32
    %convert_element_type3A_108 = arith.extui %eq3A_107 : i1 to i32
    %cond3A_109 = arith.constant 0 : i32
    %cond3A_110 = arith.cmpi ne, %convert_element_type3A_108, %cond3A_109 : i32
    scf.if %cond3A_110 {
      "tpu.region"() ({
        %run_scoped3A = tpu.sem_alloc : memref<!tpu.dma_semaphore, #tpu.memory_space<semaphore_mem>>
        %dma_start3A = arith.constant 0 : i32
        %dma_start3A_354 = arith.constant 0 : i32
        %dma_start3A_355 = tpu.memref_slice %arg5[%dma_start3A, %dma_start3A_354] : memref<256x64xf32, #tpu.memory_space<vmem>> -> memref<256x64xf32, #tpu.memory_space<vmem>>
        %dma_start3A_356 = arith.constant 4864 : i32
        %dma_start3A_357 = arith.constant 0 : i32
        %dma_start3A_358 = tpu.memref_slice %arg10[%dma_start3A_356, %dma_start3A_357] : memref<10000x64xf32, #tpu.memory_space<vmem_shared>> -> memref<256x64xf32, #tpu.memory_space<vmem_shared>>
        %dma_start3A_359 = arith.constant 4864 : i32
        %dma_start3A_360 = arith.constant 0 : i32
        %dma_start3A_361 = tpu.memref_slice %arg10[%dma_start3A_359, %dma_start3A_360] : memref<10000x64xf32, #tpu.memory_space<vmem_shared>> -> memref<256x64xf32, #tpu.memory_space<vmem_shared>>
        %dma_start3A_362 = arith.constant 0 : i32
        %dma_start3A_363 = arith.constant 0 : i32
        %dma_start3A_364 = tpu.memref_slice %arg5[%dma_start3A_362, %dma_start3A_363] : memref<256x64xf32, #tpu.memory_space<vmem>> -> memref<256x64xf32, #tpu.memory_space<vmem>>
        tpu.enqueue_dma source(%dma_start3A_364 : memref<256x64xf32, #tpu.memory_space<vmem>>) target(%dma_start3A_361 : memref<256x64xf32, #tpu.memory_space<vmem_shared>>) target_semaphore(%run_scoped3A : memref<!tpu.dma_semaphore, #tpu.memory_space<semaphore_mem>>)
        %dma_wait3A_365 = arith.constant 0 : i32
        %dma_wait3A_366 = arith.constant 0 : i32
        %dma_wait3A_367 = tpu.memref_slice %arg5[%dma_wait3A_365, %dma_wait3A_366] : memref<256x64xf32, #tpu.memory_space<vmem>> -> memref<256x64xf32, #tpu.memory_space<vmem>>
        %dma_wait3A_368 = arith.constant 4864 : i32
        %dma_wait3A_369 = arith.constant 0 : i32
        %dma_wait3A_370 = tpu.memref_slice %arg10[%dma_wait3A_368, %dma_wait3A_369] : memref<10000x64xf32, #tpu.memory_space<vmem_shared>> -> memref<256x64xf32, #tpu.memory_space<vmem_shared>>
        %dma_wait3A_371 = arith.constant 4864 : i32
        %dma_wait3A_372 = arith.constant 0 : i32
        %dma_wait3A_373 = tpu.memref_slice %arg10[%dma_wait3A_371, %dma_wait3A_372] : memref<10000x64xf32, #tpu.memory_space<vmem_shared>> -> memref<256x64xf32, #tpu.memory_space<vmem_shared>>
        %dma_wait3A_374 = arith.constant 0 : i32
        %dma_wait3A_375 = arith.constant 0 : i32
        %dma_wait3A_376 = tpu.memref_slice %arg5[%dma_wait3A_374, %dma_wait3A_375] : memref<256x64xf32, #tpu.memory_space<vmem>> -> memref<256x64xf32, #tpu.memory_space<vmem>>
        tpu.wait_dma2 semaphore(%run_scoped3A : memref<!tpu.dma_semaphore, #tpu.memory_space<semaphore_mem>>) src(%dma_wait3A_376 : memref<256x64xf32, #tpu.memory_space<vmem>>) dst(%dma_wait3A_373 : memref<256x64xf32, #tpu.memory_space<vmem_shared>>)
        tpu.yield
      }) : () -> ()
    } else {
    }
    %eq3A_111 = arith.constant 4 : i32
    %eq3A_112 = arith.cmpi eq, %arg1, %eq3A_111 : i32
    %convert_element_type3A_113 = arith.extui %eq3A_112 : i1 to i32
    %cond3A_114 = arith.constant 0 : i32
    %cond3A_115 = arith.cmpi ne, %convert_element_type3A_113, %cond3A_114 : i32
    scf.if %cond3A_115 {
      "tpu.region"() ({
        %run_scoped3A = tpu.sem_alloc : memref<!tpu.dma_semaphore, #tpu.memory_space<semaphore_mem>>
        %dma_start3A = arith.constant 0 : i32
        %dma_start3A_354 = arith.constant 0 : i32
        %dma_start3A_355 = tpu.memref_slice %arg5[%dma_start3A, %dma_start3A_354] : memref<256x64xf32, #tpu.memory_space<vmem>> -> memref<256x64xf32, #tpu.memory_space<vmem>>
        %dma_start3A_356 = arith.constant 5120 : i32
        %dma_start3A_357 = arith.constant 0 : i32
        %dma_start3A_358 = tpu.memref_slice %arg10[%dma_start3A_356, %dma_start3A_357] : memref<10000x64xf32, #tpu.memory_space<vmem_shared>> -> memref<256x64xf32, #tpu.memory_space<vmem_shared>>
        %dma_start3A_359 = arith.constant 5120 : i32
        %dma_start3A_360 = arith.constant 0 : i32
        %dma_start3A_361 = tpu.memref_slice %arg10[%dma_start3A_359, %dma_start3A_360] : memref<10000x64xf32, #tpu.memory_space<vmem_shared>> -> memref<256x64xf32, #tpu.memory_space<vmem_shared>>
        %dma_start3A_362 = arith.constant 0 : i32
        %dma_start3A_363 = arith.constant 0 : i32
        %dma_start3A_364 = tpu.memref_slice %arg5[%dma_start3A_362, %dma_start3A_363] : memref<256x64xf32, #tpu.memory_space<vmem>> -> memref<256x64xf32, #tpu.memory_space<vmem>>
        tpu.enqueue_dma source(%dma_start3A_364 : memref<256x64xf32, #tpu.memory_space<vmem>>) target(%dma_start3A_361 : memref<256x64xf32, #tpu.memory_space<vmem_shared>>) target_semaphore(%run_scoped3A : memref<!tpu.dma_semaphore, #tpu.memory_space<semaphore_mem>>)
        %dma_wait3A_365 = arith.constant 0 : i32
        %dma_wait3A_366 = arith.constant 0 : i32
        %dma_wait3A_367 = tpu.memref_slice %arg5[%dma_wait3A_365, %dma_wait3A_366] : memref<256x64xf32, #tpu.memory_space<vmem>> -> memref<256x64xf32, #tpu.memory_space<vmem>>
        %dma_wait3A_368 = arith.constant 5120 : i32
        %dma_wait3A_369 = arith.constant 0 : i32
        %dma_wait3A_370 = tpu.memref_slice %arg10[%dma_wait3A_368, %dma_wait3A_369] : memref<10000x64xf32, #tpu.memory_space<vmem_shared>> -> memref<256x64xf32, #tpu.memory_space<vmem_shared>>
        %dma_wait3A_371 = arith.constant 5120 : i32
        %dma_wait3A_372 = arith.constant 0 : i32
        %dma_wait3A_373 = tpu.memref_slice %arg10[%dma_wait3A_371, %dma_wait3A_372] : memref<10000x64xf32, #tpu.memory_space<vmem_shared>> -> memref<256x64xf32, #tpu.memory_space<vmem_shared>>
        %dma_wait3A_374 = arith.constant 0 : i32
        %dma_wait3A_375 = arith.constant 0 : i32
        %dma_wait3A_376 = tpu.memref_slice %arg5[%dma_wait3A_374, %dma_wait3A_375] : memref<256x64xf32, #tpu.memory_space<vmem>> -> memref<256x64xf32, #tpu.memory_space<vmem>>
        tpu.wait_dma2 semaphore(%run_scoped3A : memref<!tpu.dma_semaphore, #tpu.memory_space<semaphore_mem>>) src(%dma_wait3A_376 : memref<256x64xf32, #tpu.memory_space<vmem>>) dst(%dma_wait3A_373 : memref<256x64xf32, #tpu.memory_space<vmem_shared>>)
        tpu.yield
      }) : () -> ()
    } else {
    }
    %eq3A_116 = arith.constant 5 : i32
    %eq3A_117 = arith.cmpi eq, %arg1, %eq3A_116 : i32
    %convert_element_type3A_118 = arith.extui %eq3A_117 : i1 to i32
    %cond3A_119 = arith.constant 0 : i32
    %cond3A_120 = arith.cmpi ne, %convert_element_type3A_118, %cond3A_119 : i32
    scf.if %cond3A_120 {
      "tpu.region"() ({
        %run_scoped3A = tpu.sem_alloc : memref<!tpu.dma_semaphore, #tpu.memory_space<semaphore_mem>>
        %dma_start3A = arith.constant 0 : i32
        %dma_start3A_354 = arith.constant 0 : i32
        %dma_start3A_355 = tpu.memref_slice %arg5[%dma_start3A, %dma_start3A_354] : memref<256x64xf32, #tpu.memory_space<vmem>> -> memref<256x64xf32, #tpu.memory_space<vmem>>
        %dma_start3A_356 = arith.constant 5376 : i32
        %dma_start3A_357 = arith.constant 0 : i32
        %dma_start3A_358 = tpu.memref_slice %arg10[%dma_start3A_356, %dma_start3A_357] : memref<10000x64xf32, #tpu.memory_space<vmem_shared>> -> memref<256x64xf32, #tpu.memory_space<vmem_shared>>
        %dma_start3A_359 = arith.constant 5376 : i32
        %dma_start3A_360 = arith.constant 0 : i32
        %dma_start3A_361 = tpu.memref_slice %arg10[%dma_start3A_359, %dma_start3A_360] : memref<10000x64xf32, #tpu.memory_space<vmem_shared>> -> memref<256x64xf32, #tpu.memory_space<vmem_shared>>
        %dma_start3A_362 = arith.constant 0 : i32
        %dma_start3A_363 = arith.constant 0 : i32
        %dma_start3A_364 = tpu.memref_slice %arg5[%dma_start3A_362, %dma_start3A_363] : memref<256x64xf32, #tpu.memory_space<vmem>> -> memref<256x64xf32, #tpu.memory_space<vmem>>
        tpu.enqueue_dma source(%dma_start3A_364 : memref<256x64xf32, #tpu.memory_space<vmem>>) target(%dma_start3A_361 : memref<256x64xf32, #tpu.memory_space<vmem_shared>>) target_semaphore(%run_scoped3A : memref<!tpu.dma_semaphore, #tpu.memory_space<semaphore_mem>>)
        %dma_wait3A_365 = arith.constant 0 : i32
        %dma_wait3A_366 = arith.constant 0 : i32
        %dma_wait3A_367 = tpu.memref_slice %arg5[%dma_wait3A_365, %dma_wait3A_366] : memref<256x64xf32, #tpu.memory_space<vmem>> -> memref<256x64xf32, #tpu.memory_space<vmem>>
        %dma_wait3A_368 = arith.constant 5376 : i32
        %dma_wait3A_369 = arith.constant 0 : i32
        %dma_wait3A_370 = tpu.memref_slice %arg10[%dma_wait3A_368, %dma_wait3A_369] : memref<10000x64xf32, #tpu.memory_space<vmem_shared>> -> memref<256x64xf32, #tpu.memory_space<vmem_shared>>
        %dma_wait3A_371 = arith.constant 5376 : i32
        %dma_wait3A_372 = arith.constant 0 : i32
        %dma_wait3A_373 = tpu.memref_slice %arg10[%dma_wait3A_371, %dma_wait3A_372] : memref<10000x64xf32, #tpu.memory_space<vmem_shared>> -> memref<256x64xf32, #tpu.memory_space<vmem_shared>>
        %dma_wait3A_374 = arith.constant 0 : i32
        %dma_wait3A_375 = arith.constant 0 : i32
        %dma_wait3A_376 = tpu.memref_slice %arg5[%dma_wait3A_374, %dma_wait3A_375] : memref<256x64xf32, #tpu.memory_space<vmem>> -> memref<256x64xf32, #tpu.memory_space<vmem>>
        tpu.wait_dma2 semaphore(%run_scoped3A : memref<!tpu.dma_semaphore, #tpu.memory_space<semaphore_mem>>) src(%dma_wait3A_376 : memref<256x64xf32, #tpu.memory_space<vmem>>) dst(%dma_wait3A_373 : memref<256x64xf32, #tpu.memory_space<vmem_shared>>)
        tpu.yield
      }) : () -> ()
    } else {
    }
    %eq3A_121 = arith.constant 6 : i32
    %eq3A_122 = arith.cmpi eq, %arg1, %eq3A_121 : i32
    %convert_element_type3A_123 = arith.extui %eq3A_122 : i1 to i32
    %cond3A_124 = arith.constant 0 : i32
    %cond3A_125 = arith.cmpi ne, %convert_element_type3A_123, %cond3A_124 : i32
    scf.if %cond3A_125 {
      "tpu.region"() ({
        %run_scoped3A = tpu.sem_alloc : memref<!tpu.dma_semaphore, #tpu.memory_space<semaphore_mem>>
        %dma_start3A = arith.constant 0 : i32
        %dma_start3A_354 = arith.constant 0 : i32
        %dma_start3A_355 = tpu.memref_slice %arg5[%dma_start3A, %dma_start3A_354] : memref<256x64xf32, #tpu.memory_space<vmem>> -> memref<256x64xf32, #tpu.memory_space<vmem>>
        %dma_start3A_356 = arith.constant 5632 : i32
        %dma_start3A_357 = arith.constant 0 : i32
        %dma_start3A_358 = tpu.memref_slice %arg10[%dma_start3A_356, %dma_start3A_357] : memref<10000x64xf32, #tpu.memory_space<vmem_shared>> -> memref<256x64xf32, #tpu.memory_space<vmem_shared>>
        %dma_start3A_359 = arith.constant 5632 : i32
        %dma_start3A_360 = arith.constant 0 : i32
        %dma_start3A_361 = tpu.memref_slice %arg10[%dma_start3A_359, %dma_start3A_360] : memref<10000x64xf32, #tpu.memory_space<vmem_shared>> -> memref<256x64xf32, #tpu.memory_space<vmem_shared>>
        %dma_start3A_362 = arith.constant 0 : i32
        %dma_start3A_363 = arith.constant 0 : i32
        %dma_start3A_364 = tpu.memref_slice %arg5[%dma_start3A_362, %dma_start3A_363] : memref<256x64xf32, #tpu.memory_space<vmem>> -> memref<256x64xf32, #tpu.memory_space<vmem>>
        tpu.enqueue_dma source(%dma_start3A_364 : memref<256x64xf32, #tpu.memory_space<vmem>>) target(%dma_start3A_361 : memref<256x64xf32, #tpu.memory_space<vmem_shared>>) target_semaphore(%run_scoped3A : memref<!tpu.dma_semaphore, #tpu.memory_space<semaphore_mem>>)
        %dma_wait3A_365 = arith.constant 0 : i32
        %dma_wait3A_366 = arith.constant 0 : i32
        %dma_wait3A_367 = tpu.memref_slice %arg5[%dma_wait3A_365, %dma_wait3A_366] : memref<256x64xf32, #tpu.memory_space<vmem>> -> memref<256x64xf32, #tpu.memory_space<vmem>>
        %dma_wait3A_368 = arith.constant 5632 : i32
        %dma_wait3A_369 = arith.constant 0 : i32
        %dma_wait3A_370 = tpu.memref_slice %arg10[%dma_wait3A_368, %dma_wait3A_369] : memref<10000x64xf32, #tpu.memory_space<vmem_shared>> -> memref<256x64xf32, #tpu.memory_space<vmem_shared>>
        %dma_wait3A_371 = arith.constant 5632 : i32
        %dma_wait3A_372 = arith.constant 0 : i32
        %dma_wait3A_373 = tpu.memref_slice %arg10[%dma_wait3A_371, %dma_wait3A_372] : memref<10000x64xf32, #tpu.memory_space<vmem_shared>> -> memref<256x64xf32, #tpu.memory_space<vmem_shared>>
        %dma_wait3A_374 = arith.constant 0 : i32
        %dma_wait3A_375 = arith.constant 0 : i32
        %dma_wait3A_376 = tpu.memref_slice %arg5[%dma_wait3A_374, %dma_wait3A_375] : memref<256x64xf32, #tpu.memory_space<vmem>> -> memref<256x64xf32, #tpu.memory_space<vmem>>
        tpu.wait_dma2 semaphore(%run_scoped3A : memref<!tpu.dma_semaphore, #tpu.memory_space<semaphore_mem>>) src(%dma_wait3A_376 : memref<256x64xf32, #tpu.memory_space<vmem>>) dst(%dma_wait3A_373 : memref<256x64xf32, #tpu.memory_space<vmem_shared>>)
        tpu.yield
      }) : () -> ()
    } else {
    }
    %eq3A_126 = arith.constant 7 : i32
    %eq3A_127 = arith.cmpi eq, %arg1, %eq3A_126 : i32
    %convert_element_type3A_128 = arith.extui %eq3A_127 : i1 to i32
    %cond3A_129 = arith.constant 0 : i32
    %cond3A_130 = arith.cmpi ne, %convert_element_type3A_128, %cond3A_129 : i32
    scf.if %cond3A_130 {
      "tpu.region"() ({
        %run_scoped3A = tpu.sem_alloc : memref<!tpu.dma_semaphore, #tpu.memory_space<semaphore_mem>>
        %dma_start3A = arith.constant 0 : i32
        %dma_start3A_354 = arith.constant 0 : i32
        %dma_start3A_355 = tpu.memref_slice %arg5[%dma_start3A, %dma_start3A_354] : memref<256x64xf32, #tpu.memory_space<vmem>> -> memref<256x64xf32, #tpu.memory_space<vmem>>
        %dma_start3A_356 = arith.constant 5888 : i32
        %dma_start3A_357 = arith.constant 0 : i32
        %dma_start3A_358 = tpu.memref_slice %arg10[%dma_start3A_356, %dma_start3A_357] : memref<10000x64xf32, #tpu.memory_space<vmem_shared>> -> memref<256x64xf32, #tpu.memory_space<vmem_shared>>
        %dma_start3A_359 = arith.constant 5888 : i32
        %dma_start3A_360 = arith.constant 0 : i32
        %dma_start3A_361 = tpu.memref_slice %arg10[%dma_start3A_359, %dma_start3A_360] : memref<10000x64xf32, #tpu.memory_space<vmem_shared>> -> memref<256x64xf32, #tpu.memory_space<vmem_shared>>
        %dma_start3A_362 = arith.constant 0 : i32
        %dma_start3A_363 = arith.constant 0 : i32
        %dma_start3A_364 = tpu.memref_slice %arg5[%dma_start3A_362, %dma_start3A_363] : memref<256x64xf32, #tpu.memory_space<vmem>> -> memref<256x64xf32, #tpu.memory_space<vmem>>
        tpu.enqueue_dma source(%dma_start3A_364 : memref<256x64xf32, #tpu.memory_space<vmem>>) target(%dma_start3A_361 : memref<256x64xf32, #tpu.memory_space<vmem_shared>>) target_semaphore(%run_scoped3A : memref<!tpu.dma_semaphore, #tpu.memory_space<semaphore_mem>>)
        %dma_wait3A_365 = arith.constant 0 : i32
        %dma_wait3A_366 = arith.constant 0 : i32
        %dma_wait3A_367 = tpu.memref_slice %arg5[%dma_wait3A_365, %dma_wait3A_366] : memref<256x64xf32, #tpu.memory_space<vmem>> -> memref<256x64xf32, #tpu.memory_space<vmem>>
        %dma_wait3A_368 = arith.constant 5888 : i32
        %dma_wait3A_369 = arith.constant 0 : i32
        %dma_wait3A_370 = tpu.memref_slice %arg10[%dma_wait3A_368, %dma_wait3A_369] : memref<10000x64xf32, #tpu.memory_space<vmem_shared>> -> memref<256x64xf32, #tpu.memory_space<vmem_shared>>
        %dma_wait3A_371 = arith.constant 5888 : i32
        %dma_wait3A_372 = arith.constant 0 : i32
        %dma_wait3A_373 = tpu.memref_slice %arg10[%dma_wait3A_371, %dma_wait3A_372] : memref<10000x64xf32, #tpu.memory_space<vmem_shared>> -> memref<256x64xf32, #tpu.memory_space<vmem_shared>>
        %dma_wait3A_374 = arith.constant 0 : i32
        %dma_wait3A_375 = arith.constant 0 : i32
        %dma_wait3A_376 = tpu.memref_slice %arg5[%dma_wait3A_374, %dma_wait3A_375] : memref<256x64xf32, #tpu.memory_space<vmem>> -> memref<256x64xf32, #tpu.memory_space<vmem>>
        tpu.wait_dma2 semaphore(%run_scoped3A : memref<!tpu.dma_semaphore, #tpu.memory_space<semaphore_mem>>) src(%dma_wait3A_376 : memref<256x64xf32, #tpu.memory_space<vmem>>) dst(%dma_wait3A_373 : memref<256x64xf32, #tpu.memory_space<vmem_shared>>)
        tpu.yield
      }) : () -> ()
    } else {
    }
    %eq3A_131 = arith.constant 8 : i32
    %eq3A_132 = arith.cmpi eq, %arg1, %eq3A_131 : i32
    %convert_element_type3A_133 = arith.extui %eq3A_132 : i1 to i32
    %cond3A_134 = arith.constant 0 : i32
    %cond3A_135 = arith.cmpi ne, %convert_element_type3A_133, %cond3A_134 : i32
    scf.if %cond3A_135 {
      "tpu.region"() ({
        %run_scoped3A = tpu.sem_alloc : memref<!tpu.dma_semaphore, #tpu.memory_space<semaphore_mem>>
        %dma_start3A = arith.constant 0 : i32
        %dma_start3A_354 = arith.constant 0 : i32
        %dma_start3A_355 = tpu.memref_slice %arg5[%dma_start3A, %dma_start3A_354] : memref<256x64xf32, #tpu.memory_space<vmem>> -> memref<256x64xf32, #tpu.memory_space<vmem>>
        %dma_start3A_356 = arith.constant 6144 : i32
        %dma_start3A_357 = arith.constant 0 : i32
        %dma_start3A_358 = tpu.memref_slice %arg10[%dma_start3A_356, %dma_start3A_357] : memref<10000x64xf32, #tpu.memory_space<vmem_shared>> -> memref<256x64xf32, #tpu.memory_space<vmem_shared>>
        %dma_start3A_359 = arith.constant 6144 : i32
        %dma_start3A_360 = arith.constant 0 : i32
        %dma_start3A_361 = tpu.memref_slice %arg10[%dma_start3A_359, %dma_start3A_360] : memref<10000x64xf32, #tpu.memory_space<vmem_shared>> -> memref<256x64xf32, #tpu.memory_space<vmem_shared>>
        %dma_start3A_362 = arith.constant 0 : i32
        %dma_start3A_363 = arith.constant 0 : i32
        %dma_start3A_364 = tpu.memref_slice %arg5[%dma_start3A_362, %dma_start3A_363] : memref<256x64xf32, #tpu.memory_space<vmem>> -> memref<256x64xf32, #tpu.memory_space<vmem>>
        tpu.enqueue_dma source(%dma_start3A_364 : memref<256x64xf32, #tpu.memory_space<vmem>>) target(%dma_start3A_361 : memref<256x64xf32, #tpu.memory_space<vmem_shared>>) target_semaphore(%run_scoped3A : memref<!tpu.dma_semaphore, #tpu.memory_space<semaphore_mem>>)
        %dma_wait3A_365 = arith.constant 0 : i32
        %dma_wait3A_366 = arith.constant 0 : i32
        %dma_wait3A_367 = tpu.memref_slice %arg5[%dma_wait3A_365, %dma_wait3A_366] : memref<256x64xf32, #tpu.memory_space<vmem>> -> memref<256x64xf32, #tpu.memory_space<vmem>>
        %dma_wait3A_368 = arith.constant 6144 : i32
        %dma_wait3A_369 = arith.constant 0 : i32
        %dma_wait3A_370 = tpu.memref_slice %arg10[%dma_wait3A_368, %dma_wait3A_369] : memref<10000x64xf32, #tpu.memory_space<vmem_shared>> -> memref<256x64xf32, #tpu.memory_space<vmem_shared>>
        %dma_wait3A_371 = arith.constant 6144 : i32
        %dma_wait3A_372 = arith.constant 0 : i32
        %dma_wait3A_373 = tpu.memref_slice %arg10[%dma_wait3A_371, %dma_wait3A_372] : memref<10000x64xf32, #tpu.memory_space<vmem_shared>> -> memref<256x64xf32, #tpu.memory_space<vmem_shared>>
        %dma_wait3A_374 = arith.constant 0 : i32
        %dma_wait3A_375 = arith.constant 0 : i32
        %dma_wait3A_376 = tpu.memref_slice %arg5[%dma_wait3A_374, %dma_wait3A_375] : memref<256x64xf32, #tpu.memory_space<vmem>> -> memref<256x64xf32, #tpu.memory_space<vmem>>
        tpu.wait_dma2 semaphore(%run_scoped3A : memref<!tpu.dma_semaphore, #tpu.memory_space<semaphore_mem>>) src(%dma_wait3A_376 : memref<256x64xf32, #tpu.memory_space<vmem>>) dst(%dma_wait3A_373 : memref<256x64xf32, #tpu.memory_space<vmem_shared>>)
        tpu.yield
      }) : () -> ()
    } else {
    }
    %eq3A_136 = arith.constant 9 : i32
    %eq3A_137 = arith.cmpi eq, %arg1, %eq3A_136 : i32
    %convert_element_type3A_138 = arith.extui %eq3A_137 : i1 to i32
    %cond3A_139 = arith.constant 0 : i32
    %cond3A_140 = arith.cmpi ne, %convert_element_type3A_138, %cond3A_139 : i32
    scf.if %cond3A_140 {
      "tpu.region"() ({
        %run_scoped3A = tpu.sem_alloc : memref<!tpu.dma_semaphore, #tpu.memory_space<semaphore_mem>>
        %dma_start3A = arith.constant 0 : i32
        %dma_start3A_354 = arith.constant 0 : i32
        %dma_start3A_355 = tpu.memref_slice %arg5[%dma_start3A, %dma_start3A_354] : memref<256x64xf32, #tpu.memory_space<vmem>> -> memref<256x64xf32, #tpu.memory_space<vmem>>
        %dma_start3A_356 = arith.constant 6400 : i32
        %dma_start3A_357 = arith.constant 0 : i32
        %dma_start3A_358 = tpu.memref_slice %arg10[%dma_start3A_356, %dma_start3A_357] : memref<10000x64xf32, #tpu.memory_space<vmem_shared>> -> memref<256x64xf32, #tpu.memory_space<vmem_shared>>
        %dma_start3A_359 = arith.constant 6400 : i32
        %dma_start3A_360 = arith.constant 0 : i32
        %dma_start3A_361 = tpu.memref_slice %arg10[%dma_start3A_359, %dma_start3A_360] : memref<10000x64xf32, #tpu.memory_space<vmem_shared>> -> memref<256x64xf32, #tpu.memory_space<vmem_shared>>
        %dma_start3A_362 = arith.constant 0 : i32
        %dma_start3A_363 = arith.constant 0 : i32
        %dma_start3A_364 = tpu.memref_slice %arg5[%dma_start3A_362, %dma_start3A_363] : memref<256x64xf32, #tpu.memory_space<vmem>> -> memref<256x64xf32, #tpu.memory_space<vmem>>
        tpu.enqueue_dma source(%dma_start3A_364 : memref<256x64xf32, #tpu.memory_space<vmem>>) target(%dma_start3A_361 : memref<256x64xf32, #tpu.memory_space<vmem_shared>>) target_semaphore(%run_scoped3A : memref<!tpu.dma_semaphore, #tpu.memory_space<semaphore_mem>>)
        %dma_wait3A_365 = arith.constant 0 : i32
        %dma_wait3A_366 = arith.constant 0 : i32
        %dma_wait3A_367 = tpu.memref_slice %arg5[%dma_wait3A_365, %dma_wait3A_366] : memref<256x64xf32, #tpu.memory_space<vmem>> -> memref<256x64xf32, #tpu.memory_space<vmem>>
        %dma_wait3A_368 = arith.constant 6400 : i32
        %dma_wait3A_369 = arith.constant 0 : i32
        %dma_wait3A_370 = tpu.memref_slice %arg10[%dma_wait3A_368, %dma_wait3A_369] : memref<10000x64xf32, #tpu.memory_space<vmem_shared>> -> memref<256x64xf32, #tpu.memory_space<vmem_shared>>
        %dma_wait3A_371 = arith.constant 6400 : i32
        %dma_wait3A_372 = arith.constant 0 : i32
        %dma_wait3A_373 = tpu.memref_slice %arg10[%dma_wait3A_371, %dma_wait3A_372] : memref<10000x64xf32, #tpu.memory_space<vmem_shared>> -> memref<256x64xf32, #tpu.memory_space<vmem_shared>>
        %dma_wait3A_374 = arith.constant 0 : i32
        %dma_wait3A_375 = arith.constant 0 : i32
        %dma_wait3A_376 = tpu.memref_slice %arg5[%dma_wait3A_374, %dma_wait3A_375] : memref<256x64xf32, #tpu.memory_space<vmem>> -> memref<256x64xf32, #tpu.memory_space<vmem>>
        tpu.wait_dma2 semaphore(%run_scoped3A : memref<!tpu.dma_semaphore, #tpu.memory_space<semaphore_mem>>) src(%dma_wait3A_376 : memref<256x64xf32, #tpu.memory_space<vmem>>) dst(%dma_wait3A_373 : memref<256x64xf32, #tpu.memory_space<vmem_shared>>)
        tpu.yield
      }) : () -> ()
    } else {
    }
    %eq3A_141 = arith.constant 10 : i32
    %eq3A_142 = arith.cmpi eq, %arg1, %eq3A_141 : i32
    %convert_element_type3A_143 = arith.extui %eq3A_142 : i1 to i32
    %cond3A_144 = arith.constant 0 : i32
    %cond3A_145 = arith.cmpi ne, %convert_element_type3A_143, %cond3A_144 : i32
    scf.if %cond3A_145 {
      "tpu.region"() ({
        %run_scoped3A = tpu.sem_alloc : memref<!tpu.dma_semaphore, #tpu.memory_space<semaphore_mem>>
        %dma_start3A = arith.constant 0 : i32
        %dma_start3A_354 = arith.constant 0 : i32
        %dma_start3A_355 = tpu.memref_slice %arg5[%dma_start3A, %dma_start3A_354] : memref<256x64xf32, #tpu.memory_space<vmem>> -> memref<256x64xf32, #tpu.memory_space<vmem>>
        %dma_start3A_356 = arith.constant 6656 : i32
        %dma_start3A_357 = arith.constant 0 : i32
        %dma_start3A_358 = tpu.memref_slice %arg10[%dma_start3A_356, %dma_start3A_357] : memref<10000x64xf32, #tpu.memory_space<vmem_shared>> -> memref<256x64xf32, #tpu.memory_space<vmem_shared>>
        %dma_start3A_359 = arith.constant 6656 : i32
        %dma_start3A_360 = arith.constant 0 : i32
        %dma_start3A_361 = tpu.memref_slice %arg10[%dma_start3A_359, %dma_start3A_360] : memref<10000x64xf32, #tpu.memory_space<vmem_shared>> -> memref<256x64xf32, #tpu.memory_space<vmem_shared>>
        %dma_start3A_362 = arith.constant 0 : i32
        %dma_start3A_363 = arith.constant 0 : i32
        %dma_start3A_364 = tpu.memref_slice %arg5[%dma_start3A_362, %dma_start3A_363] : memref<256x64xf32, #tpu.memory_space<vmem>> -> memref<256x64xf32, #tpu.memory_space<vmem>>
        tpu.enqueue_dma source(%dma_start3A_364 : memref<256x64xf32, #tpu.memory_space<vmem>>) target(%dma_start3A_361 : memref<256x64xf32, #tpu.memory_space<vmem_shared>>) target_semaphore(%run_scoped3A : memref<!tpu.dma_semaphore, #tpu.memory_space<semaphore_mem>>)
        %dma_wait3A_365 = arith.constant 0 : i32
        %dma_wait3A_366 = arith.constant 0 : i32
        %dma_wait3A_367 = tpu.memref_slice %arg5[%dma_wait3A_365, %dma_wait3A_366] : memref<256x64xf32, #tpu.memory_space<vmem>> -> memref<256x64xf32, #tpu.memory_space<vmem>>
        %dma_wait3A_368 = arith.constant 6656 : i32
        %dma_wait3A_369 = arith.constant 0 : i32
        %dma_wait3A_370 = tpu.memref_slice %arg10[%dma_wait3A_368, %dma_wait3A_369] : memref<10000x64xf32, #tpu.memory_space<vmem_shared>> -> memref<256x64xf32, #tpu.memory_space<vmem_shared>>
        %dma_wait3A_371 = arith.constant 6656 : i32
        %dma_wait3A_372 = arith.constant 0 : i32
        %dma_wait3A_373 = tpu.memref_slice %arg10[%dma_wait3A_371, %dma_wait3A_372] : memref<10000x64xf32, #tpu.memory_space<vmem_shared>> -> memref<256x64xf32, #tpu.memory_space<vmem_shared>>
        %dma_wait3A_374 = arith.constant 0 : i32
        %dma_wait3A_375 = arith.constant 0 : i32
        %dma_wait3A_376 = tpu.memref_slice %arg5[%dma_wait3A_374, %dma_wait3A_375] : memref<256x64xf32, #tpu.memory_space<vmem>> -> memref<256x64xf32, #tpu.memory_space<vmem>>
        tpu.wait_dma2 semaphore(%run_scoped3A : memref<!tpu.dma_semaphore, #tpu.memory_space<semaphore_mem>>) src(%dma_wait3A_376 : memref<256x64xf32, #tpu.memory_space<vmem>>) dst(%dma_wait3A_373 : memref<256x64xf32, #tpu.memory_space<vmem_shared>>)
        tpu.yield
      }) : () -> ()
    } else {
    }
    %eq3A_146 = arith.constant 11 : i32
    %eq3A_147 = arith.cmpi eq, %arg1, %eq3A_146 : i32
    %convert_element_type3A_148 = arith.extui %eq3A_147 : i1 to i32
    %cond3A_149 = arith.constant 0 : i32
    %cond3A_150 = arith.cmpi ne, %convert_element_type3A_148, %cond3A_149 : i32
    scf.if %cond3A_150 {
      "tpu.region"() ({
        %run_scoped3A = tpu.sem_alloc : memref<!tpu.dma_semaphore, #tpu.memory_space<semaphore_mem>>
        %dma_start3A = arith.constant 0 : i32
        %dma_start3A_354 = arith.constant 0 : i32
        %dma_start3A_355 = tpu.memref_slice %arg5[%dma_start3A, %dma_start3A_354] : memref<256x64xf32, #tpu.memory_space<vmem>> -> memref<256x64xf32, #tpu.memory_space<vmem>>
        %dma_start3A_356 = arith.constant 6912 : i32
        %dma_start3A_357 = arith.constant 0 : i32
        %dma_start3A_358 = tpu.memref_slice %arg10[%dma_start3A_356, %dma_start3A_357] : memref<10000x64xf32, #tpu.memory_space<vmem_shared>> -> memref<256x64xf32, #tpu.memory_space<vmem_shared>>
        %dma_start3A_359 = arith.constant 6912 : i32
        %dma_start3A_360 = arith.constant 0 : i32
        %dma_start3A_361 = tpu.memref_slice %arg10[%dma_start3A_359, %dma_start3A_360] : memref<10000x64xf32, #tpu.memory_space<vmem_shared>> -> memref<256x64xf32, #tpu.memory_space<vmem_shared>>
        %dma_start3A_362 = arith.constant 0 : i32
        %dma_start3A_363 = arith.constant 0 : i32
        %dma_start3A_364 = tpu.memref_slice %arg5[%dma_start3A_362, %dma_start3A_363] : memref<256x64xf32, #tpu.memory_space<vmem>> -> memref<256x64xf32, #tpu.memory_space<vmem>>
        tpu.enqueue_dma source(%dma_start3A_364 : memref<256x64xf32, #tpu.memory_space<vmem>>) target(%dma_start3A_361 : memref<256x64xf32, #tpu.memory_space<vmem_shared>>) target_semaphore(%run_scoped3A : memref<!tpu.dma_semaphore, #tpu.memory_space<semaphore_mem>>)
        %dma_wait3A_365 = arith.constant 0 : i32
        %dma_wait3A_366 = arith.constant 0 : i32
        %dma_wait3A_367 = tpu.memref_slice %arg5[%dma_wait3A_365, %dma_wait3A_366] : memref<256x64xf32, #tpu.memory_space<vmem>> -> memref<256x64xf32, #tpu.memory_space<vmem>>
        %dma_wait3A_368 = arith.constant 6912 : i32
        %dma_wait3A_369 = arith.constant 0 : i32
        %dma_wait3A_370 = tpu.memref_slice %arg10[%dma_wait3A_368, %dma_wait3A_369] : memref<10000x64xf32, #tpu.memory_space<vmem_shared>> -> memref<256x64xf32, #tpu.memory_space<vmem_shared>>
        %dma_wait3A_371 = arith.constant 6912 : i32
        %dma_wait3A_372 = arith.constant 0 : i32
        %dma_wait3A_373 = tpu.memref_slice %arg10[%dma_wait3A_371, %dma_wait3A_372] : memref<10000x64xf32, #tpu.memory_space<vmem_shared>> -> memref<256x64xf32, #tpu.memory_space<vmem_shared>>
        %dma_wait3A_374 = arith.constant 0 : i32
        %dma_wait3A_375 = arith.constant 0 : i32
        %dma_wait3A_376 = tpu.memref_slice %arg5[%dma_wait3A_374, %dma_wait3A_375] : memref<256x64xf32, #tpu.memory_space<vmem>> -> memref<256x64xf32, #tpu.memory_space<vmem>>
        tpu.wait_dma2 semaphore(%run_scoped3A : memref<!tpu.dma_semaphore, #tpu.memory_space<semaphore_mem>>) src(%dma_wait3A_376 : memref<256x64xf32, #tpu.memory_space<vmem>>) dst(%dma_wait3A_373 : memref<256x64xf32, #tpu.memory_space<vmem_shared>>)
        tpu.yield
      }) : () -> ()
    } else {
    }
    %eq3A_151 = arith.constant 12 : i32
    %eq3A_152 = arith.cmpi eq, %arg1, %eq3A_151 : i32
    %convert_element_type3A_153 = arith.extui %eq3A_152 : i1 to i32
    %cond3A_154 = arith.constant 0 : i32
    %cond3A_155 = arith.cmpi ne, %convert_element_type3A_153, %cond3A_154 : i32
    scf.if %cond3A_155 {
      "tpu.region"() ({
        %run_scoped3A = tpu.sem_alloc : memref<!tpu.dma_semaphore, #tpu.memory_space<semaphore_mem>>
        %dma_start3A = arith.constant 0 : i32
        %dma_start3A_354 = arith.constant 0 : i32
        %dma_start3A_355 = tpu.memref_slice %arg5[%dma_start3A, %dma_start3A_354] : memref<256x64xf32, #tpu.memory_space<vmem>> -> memref<256x64xf32, #tpu.memory_space<vmem>>
        %dma_start3A_356 = arith.constant 7168 : i32
        %dma_start3A_357 = arith.constant 0 : i32
        %dma_start3A_358 = tpu.memref_slice %arg10[%dma_start3A_356, %dma_start3A_357] : memref<10000x64xf32, #tpu.memory_space<vmem_shared>> -> memref<256x64xf32, #tpu.memory_space<vmem_shared>>
        %dma_start3A_359 = arith.constant 7168 : i32
        %dma_start3A_360 = arith.constant 0 : i32
        %dma_start3A_361 = tpu.memref_slice %arg10[%dma_start3A_359, %dma_start3A_360] : memref<10000x64xf32, #tpu.memory_space<vmem_shared>> -> memref<256x64xf32, #tpu.memory_space<vmem_shared>>
        %dma_start3A_362 = arith.constant 0 : i32
        %dma_start3A_363 = arith.constant 0 : i32
        %dma_start3A_364 = tpu.memref_slice %arg5[%dma_start3A_362, %dma_start3A_363] : memref<256x64xf32, #tpu.memory_space<vmem>> -> memref<256x64xf32, #tpu.memory_space<vmem>>
        tpu.enqueue_dma source(%dma_start3A_364 : memref<256x64xf32, #tpu.memory_space<vmem>>) target(%dma_start3A_361 : memref<256x64xf32, #tpu.memory_space<vmem_shared>>) target_semaphore(%run_scoped3A : memref<!tpu.dma_semaphore, #tpu.memory_space<semaphore_mem>>)
        %dma_wait3A_365 = arith.constant 0 : i32
        %dma_wait3A_366 = arith.constant 0 : i32
        %dma_wait3A_367 = tpu.memref_slice %arg5[%dma_wait3A_365, %dma_wait3A_366] : memref<256x64xf32, #tpu.memory_space<vmem>> -> memref<256x64xf32, #tpu.memory_space<vmem>>
        %dma_wait3A_368 = arith.constant 7168 : i32
        %dma_wait3A_369 = arith.constant 0 : i32
        %dma_wait3A_370 = tpu.memref_slice %arg10[%dma_wait3A_368, %dma_wait3A_369] : memref<10000x64xf32, #tpu.memory_space<vmem_shared>> -> memref<256x64xf32, #tpu.memory_space<vmem_shared>>
        %dma_wait3A_371 = arith.constant 7168 : i32
        %dma_wait3A_372 = arith.constant 0 : i32
        %dma_wait3A_373 = tpu.memref_slice %arg10[%dma_wait3A_371, %dma_wait3A_372] : memref<10000x64xf32, #tpu.memory_space<vmem_shared>> -> memref<256x64xf32, #tpu.memory_space<vmem_shared>>
        %dma_wait3A_374 = arith.constant 0 : i32
        %dma_wait3A_375 = arith.constant 0 : i32
        %dma_wait3A_376 = tpu.memref_slice %arg5[%dma_wait3A_374, %dma_wait3A_375] : memref<256x64xf32, #tpu.memory_space<vmem>> -> memref<256x64xf32, #tpu.memory_space<vmem>>
        tpu.wait_dma2 semaphore(%run_scoped3A : memref<!tpu.dma_semaphore, #tpu.memory_space<semaphore_mem>>) src(%dma_wait3A_376 : memref<256x64xf32, #tpu.memory_space<vmem>>) dst(%dma_wait3A_373 : memref<256x64xf32, #tpu.memory_space<vmem_shared>>)
        tpu.yield
      }) : () -> ()
    } else {
    }
    %eq3A_156 = arith.constant 13 : i32
    %eq3A_157 = arith.cmpi eq, %arg1, %eq3A_156 : i32
    %convert_element_type3A_158 = arith.extui %eq3A_157 : i1 to i32
    %cond3A_159 = arith.constant 0 : i32
    %cond3A_160 = arith.cmpi ne, %convert_element_type3A_158, %cond3A_159 : i32
    scf.if %cond3A_160 {
      "tpu.region"() ({
        %run_scoped3A = tpu.sem_alloc : memref<!tpu.dma_semaphore, #tpu.memory_space<semaphore_mem>>
        %dma_start3A = arith.constant 0 : i32
        %dma_start3A_354 = arith.constant 0 : i32
        %dma_start3A_355 = tpu.memref_slice %arg5[%dma_start3A, %dma_start3A_354] : memref<256x64xf32, #tpu.memory_space<vmem>> -> memref<256x64xf32, #tpu.memory_space<vmem>>
        %dma_start3A_356 = arith.constant 7424 : i32
        %dma_start3A_357 = arith.constant 0 : i32
        %dma_start3A_358 = tpu.memref_slice %arg10[%dma_start3A_356, %dma_start3A_357] : memref<10000x64xf32, #tpu.memory_space<vmem_shared>> -> memref<256x64xf32, #tpu.memory_space<vmem_shared>>
        %dma_start3A_359 = arith.constant 7424 : i32
        %dma_start3A_360 = arith.constant 0 : i32
        %dma_start3A_361 = tpu.memref_slice %arg10[%dma_start3A_359, %dma_start3A_360] : memref<10000x64xf32, #tpu.memory_space<vmem_shared>> -> memref<256x64xf32, #tpu.memory_space<vmem_shared>>
        %dma_start3A_362 = arith.constant 0 : i32
        %dma_start3A_363 = arith.constant 0 : i32
        %dma_start3A_364 = tpu.memref_slice %arg5[%dma_start3A_362, %dma_start3A_363] : memref<256x64xf32, #tpu.memory_space<vmem>> -> memref<256x64xf32, #tpu.memory_space<vmem>>
        tpu.enqueue_dma source(%dma_start3A_364 : memref<256x64xf32, #tpu.memory_space<vmem>>) target(%dma_start3A_361 : memref<256x64xf32, #tpu.memory_space<vmem_shared>>) target_semaphore(%run_scoped3A : memref<!tpu.dma_semaphore, #tpu.memory_space<semaphore_mem>>)
        %dma_wait3A_365 = arith.constant 0 : i32
        %dma_wait3A_366 = arith.constant 0 : i32
        %dma_wait3A_367 = tpu.memref_slice %arg5[%dma_wait3A_365, %dma_wait3A_366] : memref<256x64xf32, #tpu.memory_space<vmem>> -> memref<256x64xf32, #tpu.memory_space<vmem>>
        %dma_wait3A_368 = arith.constant 7424 : i32
        %dma_wait3A_369 = arith.constant 0 : i32
        %dma_wait3A_370 = tpu.memref_slice %arg10[%dma_wait3A_368, %dma_wait3A_369] : memref<10000x64xf32, #tpu.memory_space<vmem_shared>> -> memref<256x64xf32, #tpu.memory_space<vmem_shared>>
        %dma_wait3A_371 = arith.constant 7424 : i32
        %dma_wait3A_372 = arith.constant 0 : i32
        %dma_wait3A_373 = tpu.memref_slice %arg10[%dma_wait3A_371, %dma_wait3A_372] : memref<10000x64xf32, #tpu.memory_space<vmem_shared>> -> memref<256x64xf32, #tpu.memory_space<vmem_shared>>
        %dma_wait3A_374 = arith.constant 0 : i32
        %dma_wait3A_375 = arith.constant 0 : i32
        %dma_wait3A_376 = tpu.memref_slice %arg5[%dma_wait3A_374, %dma_wait3A_375] : memref<256x64xf32, #tpu.memory_space<vmem>> -> memref<256x64xf32, #tpu.memory_space<vmem>>
        tpu.wait_dma2 semaphore(%run_scoped3A : memref<!tpu.dma_semaphore, #tpu.memory_space<semaphore_mem>>) src(%dma_wait3A_376 : memref<256x64xf32, #tpu.memory_space<vmem>>) dst(%dma_wait3A_373 : memref<256x64xf32, #tpu.memory_space<vmem_shared>>)
        tpu.yield
      }) : () -> ()
    } else {
    }
    %eq3A_161 = arith.constant 14 : i32
    %eq3A_162 = arith.cmpi eq, %arg1, %eq3A_161 : i32
    %convert_element_type3A_163 = arith.extui %eq3A_162 : i1 to i32
    %cond3A_164 = arith.constant 0 : i32
    %cond3A_165 = arith.cmpi ne, %convert_element_type3A_163, %cond3A_164 : i32
    scf.if %cond3A_165 {
      "tpu.region"() ({
        %run_scoped3A = tpu.sem_alloc : memref<!tpu.dma_semaphore, #tpu.memory_space<semaphore_mem>>
        %dma_start3A = arith.constant 0 : i32
        %dma_start3A_354 = arith.constant 0 : i32
        %dma_start3A_355 = tpu.memref_slice %arg5[%dma_start3A, %dma_start3A_354] : memref<256x64xf32, #tpu.memory_space<vmem>> -> memref<256x64xf32, #tpu.memory_space<vmem>>
        %dma_start3A_356 = arith.constant 7680 : i32
        %dma_start3A_357 = arith.constant 0 : i32
        %dma_start3A_358 = tpu.memref_slice %arg10[%dma_start3A_356, %dma_start3A_357] : memref<10000x64xf32, #tpu.memory_space<vmem_shared>> -> memref<256x64xf32, #tpu.memory_space<vmem_shared>>
        %dma_start3A_359 = arith.constant 7680 : i32
        %dma_start3A_360 = arith.constant 0 : i32
        %dma_start3A_361 = tpu.memref_slice %arg10[%dma_start3A_359, %dma_start3A_360] : memref<10000x64xf32, #tpu.memory_space<vmem_shared>> -> memref<256x64xf32, #tpu.memory_space<vmem_shared>>
        %dma_start3A_362 = arith.constant 0 : i32
        %dma_start3A_363 = arith.constant 0 : i32
        %dma_start3A_364 = tpu.memref_slice %arg5[%dma_start3A_362, %dma_start3A_363] : memref<256x64xf32, #tpu.memory_space<vmem>> -> memref<256x64xf32, #tpu.memory_space<vmem>>
        tpu.enqueue_dma source(%dma_start3A_364 : memref<256x64xf32, #tpu.memory_space<vmem>>) target(%dma_start3A_361 : memref<256x64xf32, #tpu.memory_space<vmem_shared>>) target_semaphore(%run_scoped3A : memref<!tpu.dma_semaphore, #tpu.memory_space<semaphore_mem>>)
        %dma_wait3A_365 = arith.constant 0 : i32
        %dma_wait3A_366 = arith.constant 0 : i32
        %dma_wait3A_367 = tpu.memref_slice %arg5[%dma_wait3A_365, %dma_wait3A_366] : memref<256x64xf32, #tpu.memory_space<vmem>> -> memref<256x64xf32, #tpu.memory_space<vmem>>
        %dma_wait3A_368 = arith.constant 7680 : i32
        %dma_wait3A_369 = arith.constant 0 : i32
        %dma_wait3A_370 = tpu.memref_slice %arg10[%dma_wait3A_368, %dma_wait3A_369] : memref<10000x64xf32, #tpu.memory_space<vmem_shared>> -> memref<256x64xf32, #tpu.memory_space<vmem_shared>>
        %dma_wait3A_371 = arith.constant 7680 : i32
        %dma_wait3A_372 = arith.constant 0 : i32
        %dma_wait3A_373 = tpu.memref_slice %arg10[%dma_wait3A_371, %dma_wait3A_372] : memref<10000x64xf32, #tpu.memory_space<vmem_shared>> -> memref<256x64xf32, #tpu.memory_space<vmem_shared>>
        %dma_wait3A_374 = arith.constant 0 : i32
        %dma_wait3A_375 = arith.constant 0 : i32
        %dma_wait3A_376 = tpu.memref_slice %arg5[%dma_wait3A_374, %dma_wait3A_375] : memref<256x64xf32, #tpu.memory_space<vmem>> -> memref<256x64xf32, #tpu.memory_space<vmem>>
        tpu.wait_dma2 semaphore(%run_scoped3A : memref<!tpu.dma_semaphore, #tpu.memory_space<semaphore_mem>>) src(%dma_wait3A_376 : memref<256x64xf32, #tpu.memory_space<vmem>>) dst(%dma_wait3A_373 : memref<256x64xf32, #tpu.memory_space<vmem_shared>>)
        tpu.yield
      }) : () -> ()
    } else {
    }
    %eq3A_166 = arith.constant 15 : i32
    %eq3A_167 = arith.cmpi eq, %arg1, %eq3A_166 : i32
    %convert_element_type3A_168 = arith.extui %eq3A_167 : i1 to i32
    %cond3A_169 = arith.constant 0 : i32
    %cond3A_170 = arith.cmpi ne, %convert_element_type3A_168, %cond3A_169 : i32
    scf.if %cond3A_170 {
      "tpu.region"() ({
        %run_scoped3A = tpu.sem_alloc : memref<!tpu.dma_semaphore, #tpu.memory_space<semaphore_mem>>
        %dma_start3A = arith.constant 0 : i32
        %dma_start3A_354 = arith.constant 0 : i32
        %dma_start3A_355 = tpu.memref_slice %arg5[%dma_start3A, %dma_start3A_354] : memref<256x64xf32, #tpu.memory_space<vmem>> -> memref<256x64xf32, #tpu.memory_space<vmem>>
        %dma_start3A_356 = arith.constant 7936 : i32
        %dma_start3A_357 = arith.constant 0 : i32
        %dma_start3A_358 = tpu.memref_slice %arg10[%dma_start3A_356, %dma_start3A_357] : memref<10000x64xf32, #tpu.memory_space<vmem_shared>> -> memref<256x64xf32, #tpu.memory_space<vmem_shared>>
        %dma_start3A_359 = arith.constant 7936 : i32
        %dma_start3A_360 = arith.constant 0 : i32
        %dma_start3A_361 = tpu.memref_slice %arg10[%dma_start3A_359, %dma_start3A_360] : memref<10000x64xf32, #tpu.memory_space<vmem_shared>> -> memref<256x64xf32, #tpu.memory_space<vmem_shared>>
        %dma_start3A_362 = arith.constant 0 : i32
        %dma_start3A_363 = arith.constant 0 : i32
        %dma_start3A_364 = tpu.memref_slice %arg5[%dma_start3A_362, %dma_start3A_363] : memref<256x64xf32, #tpu.memory_space<vmem>> -> memref<256x64xf32, #tpu.memory_space<vmem>>
        tpu.enqueue_dma source(%dma_start3A_364 : memref<256x64xf32, #tpu.memory_space<vmem>>) target(%dma_start3A_361 : memref<256x64xf32, #tpu.memory_space<vmem_shared>>) target_semaphore(%run_scoped3A : memref<!tpu.dma_semaphore, #tpu.memory_space<semaphore_mem>>)
        %dma_wait3A_365 = arith.constant 0 : i32
        %dma_wait3A_366 = arith.constant 0 : i32
        %dma_wait3A_367 = tpu.memref_slice %arg5[%dma_wait3A_365, %dma_wait3A_366] : memref<256x64xf32, #tpu.memory_space<vmem>> -> memref<256x64xf32, #tpu.memory_space<vmem>>
        %dma_wait3A_368 = arith.constant 7936 : i32
        %dma_wait3A_369 = arith.constant 0 : i32
        %dma_wait3A_370 = tpu.memref_slice %arg10[%dma_wait3A_368, %dma_wait3A_369] : memref<10000x64xf32, #tpu.memory_space<vmem_shared>> -> memref<256x64xf32, #tpu.memory_space<vmem_shared>>
        %dma_wait3A_371 = arith.constant 7936 : i32
        %dma_wait3A_372 = arith.constant 0 : i32
        %dma_wait3A_373 = tpu.memref_slice %arg10[%dma_wait3A_371, %dma_wait3A_372] : memref<10000x64xf32, #tpu.memory_space<vmem_shared>> -> memref<256x64xf32, #tpu.memory_space<vmem_shared>>
        %dma_wait3A_374 = arith.constant 0 : i32
        %dma_wait3A_375 = arith.constant 0 : i32
        %dma_wait3A_376 = tpu.memref_slice %arg5[%dma_wait3A_374, %dma_wait3A_375] : memref<256x64xf32, #tpu.memory_space<vmem>> -> memref<256x64xf32, #tpu.memory_space<vmem>>
        tpu.wait_dma2 semaphore(%run_scoped3A : memref<!tpu.dma_semaphore, #tpu.memory_space<semaphore_mem>>) src(%dma_wait3A_376 : memref<256x64xf32, #tpu.memory_space<vmem>>) dst(%dma_wait3A_373 : memref<256x64xf32, #tpu.memory_space<vmem_shared>>)
        tpu.yield
      }) : () -> ()
    } else {
    }
    %eq3A_171 = arith.constant 0 : i32
    %eq3A_172 = arith.cmpi eq, %arg1, %eq3A_171 : i32
    %convert_element_type3A_173 = arith.extui %eq3A_172 : i1 to i32
    %cond3A_174 = arith.constant 0 : i32
    %cond3A_175 = arith.cmpi ne, %convert_element_type3A_173, %cond3A_174 : i32
    scf.if %cond3A_175 {
      "tpu.region"() ({
        %run_scoped3A = tpu.sem_alloc : memref<!tpu.dma_semaphore, #tpu.memory_space<semaphore_mem>>
        %dma_start3A = arith.constant 0 : i32
        %dma_start3A_354 = arith.constant 0 : i32
        %dma_start3A_355 = tpu.memref_slice %arg5[%dma_start3A, %dma_start3A_354] : memref<256x64xf32, #tpu.memory_space<vmem>> -> memref<256x64xf32, #tpu.memory_space<vmem>>
        %dma_start3A_356 = arith.constant 8192 : i32
        %dma_start3A_357 = arith.constant 0 : i32
        %dma_start3A_358 = tpu.memref_slice %arg10[%dma_start3A_356, %dma_start3A_357] : memref<10000x64xf32, #tpu.memory_space<vmem_shared>> -> memref<256x64xf32, #tpu.memory_space<vmem_shared>>
        %dma_start3A_359 = arith.constant 8192 : i32
        %dma_start3A_360 = arith.constant 0 : i32
        %dma_start3A_361 = tpu.memref_slice %arg10[%dma_start3A_359, %dma_start3A_360] : memref<10000x64xf32, #tpu.memory_space<vmem_shared>> -> memref<256x64xf32, #tpu.memory_space<vmem_shared>>
        %dma_start3A_362 = arith.constant 0 : i32
        %dma_start3A_363 = arith.constant 0 : i32
        %dma_start3A_364 = tpu.memref_slice %arg5[%dma_start3A_362, %dma_start3A_363] : memref<256x64xf32, #tpu.memory_space<vmem>> -> memref<256x64xf32, #tpu.memory_space<vmem>>
        tpu.enqueue_dma source(%dma_start3A_364 : memref<256x64xf32, #tpu.memory_space<vmem>>) target(%dma_start3A_361 : memref<256x64xf32, #tpu.memory_space<vmem_shared>>) target_semaphore(%run_scoped3A : memref<!tpu.dma_semaphore, #tpu.memory_space<semaphore_mem>>)
        %dma_wait3A_365 = arith.constant 0 : i32
        %dma_wait3A_366 = arith.constant 0 : i32
        %dma_wait3A_367 = tpu.memref_slice %arg5[%dma_wait3A_365, %dma_wait3A_366] : memref<256x64xf32, #tpu.memory_space<vmem>> -> memref<256x64xf32, #tpu.memory_space<vmem>>
        %dma_wait3A_368 = arith.constant 8192 : i32
        %dma_wait3A_369 = arith.constant 0 : i32
        %dma_wait3A_370 = tpu.memref_slice %arg10[%dma_wait3A_368, %dma_wait3A_369] : memref<10000x64xf32, #tpu.memory_space<vmem_shared>> -> memref<256x64xf32, #tpu.memory_space<vmem_shared>>
        %dma_wait3A_371 = arith.constant 8192 : i32
        %dma_wait3A_372 = arith.constant 0 : i32
        %dma_wait3A_373 = tpu.memref_slice %arg10[%dma_wait3A_371, %dma_wait3A_372] : memref<10000x64xf32, #tpu.memory_space<vmem_shared>> -> memref<256x64xf32, #tpu.memory_space<vmem_shared>>
        %dma_wait3A_374 = arith.constant 0 : i32
        %dma_wait3A_375 = arith.constant 0 : i32
        %dma_wait3A_376 = tpu.memref_slice %arg5[%dma_wait3A_374, %dma_wait3A_375] : memref<256x64xf32, #tpu.memory_space<vmem>> -> memref<256x64xf32, #tpu.memory_space<vmem>>
        tpu.wait_dma2 semaphore(%run_scoped3A : memref<!tpu.dma_semaphore, #tpu.memory_space<semaphore_mem>>) src(%dma_wait3A_376 : memref<256x64xf32, #tpu.memory_space<vmem>>) dst(%dma_wait3A_373 : memref<256x64xf32, #tpu.memory_space<vmem_shared>>)
        tpu.yield
      }) : () -> ()
    } else {
    }
    %eq3A_176 = arith.constant 1 : i32
    %eq3A_177 = arith.cmpi eq, %arg1, %eq3A_176 : i32
    %convert_element_type3A_178 = arith.extui %eq3A_177 : i1 to i32
    %cond3A_179 = arith.constant 0 : i32
    %cond3A_180 = arith.cmpi ne, %convert_element_type3A_178, %cond3A_179 : i32
    scf.if %cond3A_180 {
      "tpu.region"() ({
        %run_scoped3A = tpu.sem_alloc : memref<!tpu.dma_semaphore, #tpu.memory_space<semaphore_mem>>
        %dma_start3A = arith.constant 0 : i32
        %dma_start3A_354 = arith.constant 0 : i32
        %dma_start3A_355 = tpu.memref_slice %arg5[%dma_start3A, %dma_start3A_354] : memref<256x64xf32, #tpu.memory_space<vmem>> -> memref<256x64xf32, #tpu.memory_space<vmem>>
        %dma_start3A_356 = arith.constant 8448 : i32
        %dma_start3A_357 = arith.constant 0 : i32
        %dma_start3A_358 = tpu.memref_slice %arg10[%dma_start3A_356, %dma_start3A_357] : memref<10000x64xf32, #tpu.memory_space<vmem_shared>> -> memref<256x64xf32, #tpu.memory_space<vmem_shared>>
        %dma_start3A_359 = arith.constant 8448 : i32
        %dma_start3A_360 = arith.constant 0 : i32
        %dma_start3A_361 = tpu.memref_slice %arg10[%dma_start3A_359, %dma_start3A_360] : memref<10000x64xf32, #tpu.memory_space<vmem_shared>> -> memref<256x64xf32, #tpu.memory_space<vmem_shared>>
        %dma_start3A_362 = arith.constant 0 : i32
        %dma_start3A_363 = arith.constant 0 : i32
        %dma_start3A_364 = tpu.memref_slice %arg5[%dma_start3A_362, %dma_start3A_363] : memref<256x64xf32, #tpu.memory_space<vmem>> -> memref<256x64xf32, #tpu.memory_space<vmem>>
        tpu.enqueue_dma source(%dma_start3A_364 : memref<256x64xf32, #tpu.memory_space<vmem>>) target(%dma_start3A_361 : memref<256x64xf32, #tpu.memory_space<vmem_shared>>) target_semaphore(%run_scoped3A : memref<!tpu.dma_semaphore, #tpu.memory_space<semaphore_mem>>)
        %dma_wait3A_365 = arith.constant 0 : i32
        %dma_wait3A_366 = arith.constant 0 : i32
        %dma_wait3A_367 = tpu.memref_slice %arg5[%dma_wait3A_365, %dma_wait3A_366] : memref<256x64xf32, #tpu.memory_space<vmem>> -> memref<256x64xf32, #tpu.memory_space<vmem>>
        %dma_wait3A_368 = arith.constant 8448 : i32
        %dma_wait3A_369 = arith.constant 0 : i32
        %dma_wait3A_370 = tpu.memref_slice %arg10[%dma_wait3A_368, %dma_wait3A_369] : memref<10000x64xf32, #tpu.memory_space<vmem_shared>> -> memref<256x64xf32, #tpu.memory_space<vmem_shared>>
        %dma_wait3A_371 = arith.constant 8448 : i32
        %dma_wait3A_372 = arith.constant 0 : i32
        %dma_wait3A_373 = tpu.memref_slice %arg10[%dma_wait3A_371, %dma_wait3A_372] : memref<10000x64xf32, #tpu.memory_space<vmem_shared>> -> memref<256x64xf32, #tpu.memory_space<vmem_shared>>
        %dma_wait3A_374 = arith.constant 0 : i32
        %dma_wait3A_375 = arith.constant 0 : i32
        %dma_wait3A_376 = tpu.memref_slice %arg5[%dma_wait3A_374, %dma_wait3A_375] : memref<256x64xf32, #tpu.memory_space<vmem>> -> memref<256x64xf32, #tpu.memory_space<vmem>>
        tpu.wait_dma2 semaphore(%run_scoped3A : memref<!tpu.dma_semaphore, #tpu.memory_space<semaphore_mem>>) src(%dma_wait3A_376 : memref<256x64xf32, #tpu.memory_space<vmem>>) dst(%dma_wait3A_373 : memref<256x64xf32, #tpu.memory_space<vmem_shared>>)
        tpu.yield
      }) : () -> ()
    } else {
    }
    %eq3A_181 = arith.constant 2 : i32
    %eq3A_182 = arith.cmpi eq, %arg1, %eq3A_181 : i32
    %convert_element_type3A_183 = arith.extui %eq3A_182 : i1 to i32
    %cond3A_184 = arith.constant 0 : i32
    %cond3A_185 = arith.cmpi ne, %convert_element_type3A_183, %cond3A_184 : i32
    scf.if %cond3A_185 {
      "tpu.region"() ({
        %run_scoped3A = tpu.sem_alloc : memref<!tpu.dma_semaphore, #tpu.memory_space<semaphore_mem>>
        %dma_start3A = arith.constant 0 : i32
        %dma_start3A_354 = arith.constant 0 : i32
        %dma_start3A_355 = tpu.memref_slice %arg5[%dma_start3A, %dma_start3A_354] : memref<256x64xf32, #tpu.memory_space<vmem>> -> memref<256x64xf32, #tpu.memory_space<vmem>>
        %dma_start3A_356 = arith.constant 8704 : i32
        %dma_start3A_357 = arith.constant 0 : i32
        %dma_start3A_358 = tpu.memref_slice %arg10[%dma_start3A_356, %dma_start3A_357] : memref<10000x64xf32, #tpu.memory_space<vmem_shared>> -> memref<256x64xf32, #tpu.memory_space<vmem_shared>>
        %dma_start3A_359 = arith.constant 8704 : i32
        %dma_start3A_360 = arith.constant 0 : i32
        %dma_start3A_361 = tpu.memref_slice %arg10[%dma_start3A_359, %dma_start3A_360] : memref<10000x64xf32, #tpu.memory_space<vmem_shared>> -> memref<256x64xf32, #tpu.memory_space<vmem_shared>>
        %dma_start3A_362 = arith.constant 0 : i32
        %dma_start3A_363 = arith.constant 0 : i32
        %dma_start3A_364 = tpu.memref_slice %arg5[%dma_start3A_362, %dma_start3A_363] : memref<256x64xf32, #tpu.memory_space<vmem>> -> memref<256x64xf32, #tpu.memory_space<vmem>>
        tpu.enqueue_dma source(%dma_start3A_364 : memref<256x64xf32, #tpu.memory_space<vmem>>) target(%dma_start3A_361 : memref<256x64xf32, #tpu.memory_space<vmem_shared>>) target_semaphore(%run_scoped3A : memref<!tpu.dma_semaphore, #tpu.memory_space<semaphore_mem>>)
        %dma_wait3A_365 = arith.constant 0 : i32
        %dma_wait3A_366 = arith.constant 0 : i32
        %dma_wait3A_367 = tpu.memref_slice %arg5[%dma_wait3A_365, %dma_wait3A_366] : memref<256x64xf32, #tpu.memory_space<vmem>> -> memref<256x64xf32, #tpu.memory_space<vmem>>
        %dma_wait3A_368 = arith.constant 8704 : i32
        %dma_wait3A_369 = arith.constant 0 : i32
        %dma_wait3A_370 = tpu.memref_slice %arg10[%dma_wait3A_368, %dma_wait3A_369] : memref<10000x64xf32, #tpu.memory_space<vmem_shared>> -> memref<256x64xf32, #tpu.memory_space<vmem_shared>>
        %dma_wait3A_371 = arith.constant 8704 : i32
        %dma_wait3A_372 = arith.constant 0 : i32
        %dma_wait3A_373 = tpu.memref_slice %arg10[%dma_wait3A_371, %dma_wait3A_372] : memref<10000x64xf32, #tpu.memory_space<vmem_shared>> -> memref<256x64xf32, #tpu.memory_space<vmem_shared>>
        %dma_wait3A_374 = arith.constant 0 : i32
        %dma_wait3A_375 = arith.constant 0 : i32
        %dma_wait3A_376 = tpu.memref_slice %arg5[%dma_wait3A_374, %dma_wait3A_375] : memref<256x64xf32, #tpu.memory_space<vmem>> -> memref<256x64xf32, #tpu.memory_space<vmem>>
        tpu.wait_dma2 semaphore(%run_scoped3A : memref<!tpu.dma_semaphore, #tpu.memory_space<semaphore_mem>>) src(%dma_wait3A_376 : memref<256x64xf32, #tpu.memory_space<vmem>>) dst(%dma_wait3A_373 : memref<256x64xf32, #tpu.memory_space<vmem_shared>>)
        tpu.yield
      }) : () -> ()
    } else {
    }
    %eq3A_186 = arith.constant 3 : i32
    %eq3A_187 = arith.cmpi eq, %arg1, %eq3A_186 : i32
    %convert_element_type3A_188 = arith.extui %eq3A_187 : i1 to i32
    %cond3A_189 = arith.constant 0 : i32
    %cond3A_190 = arith.cmpi ne, %convert_element_type3A_188, %cond3A_189 : i32
    scf.if %cond3A_190 {
      "tpu.region"() ({
        %run_scoped3A = tpu.sem_alloc : memref<!tpu.dma_semaphore, #tpu.memory_space<semaphore_mem>>
        %dma_start3A = arith.constant 0 : i32
        %dma_start3A_354 = arith.constant 0 : i32
        %dma_start3A_355 = tpu.memref_slice %arg5[%dma_start3A, %dma_start3A_354] : memref<256x64xf32, #tpu.memory_space<vmem>> -> memref<256x64xf32, #tpu.memory_space<vmem>>
        %dma_start3A_356 = arith.constant 8960 : i32
        %dma_start3A_357 = arith.constant 0 : i32
        %dma_start3A_358 = tpu.memref_slice %arg10[%dma_start3A_356, %dma_start3A_357] : memref<10000x64xf32, #tpu.memory_space<vmem_shared>> -> memref<256x64xf32, #tpu.memory_space<vmem_shared>>
        %dma_start3A_359 = arith.constant 8960 : i32
        %dma_start3A_360 = arith.constant 0 : i32
        %dma_start3A_361 = tpu.memref_slice %arg10[%dma_start3A_359, %dma_start3A_360] : memref<10000x64xf32, #tpu.memory_space<vmem_shared>> -> memref<256x64xf32, #tpu.memory_space<vmem_shared>>
        %dma_start3A_362 = arith.constant 0 : i32
        %dma_start3A_363 = arith.constant 0 : i32
        %dma_start3A_364 = tpu.memref_slice %arg5[%dma_start3A_362, %dma_start3A_363] : memref<256x64xf32, #tpu.memory_space<vmem>> -> memref<256x64xf32, #tpu.memory_space<vmem>>
        tpu.enqueue_dma source(%dma_start3A_364 : memref<256x64xf32, #tpu.memory_space<vmem>>) target(%dma_start3A_361 : memref<256x64xf32, #tpu.memory_space<vmem_shared>>) target_semaphore(%run_scoped3A : memref<!tpu.dma_semaphore, #tpu.memory_space<semaphore_mem>>)
        %dma_wait3A_365 = arith.constant 0 : i32
        %dma_wait3A_366 = arith.constant 0 : i32
        %dma_wait3A_367 = tpu.memref_slice %arg5[%dma_wait3A_365, %dma_wait3A_366] : memref<256x64xf32, #tpu.memory_space<vmem>> -> memref<256x64xf32, #tpu.memory_space<vmem>>
        %dma_wait3A_368 = arith.constant 8960 : i32
        %dma_wait3A_369 = arith.constant 0 : i32
        %dma_wait3A_370 = tpu.memref_slice %arg10[%dma_wait3A_368, %dma_wait3A_369] : memref<10000x64xf32, #tpu.memory_space<vmem_shared>> -> memref<256x64xf32, #tpu.memory_space<vmem_shared>>
        %dma_wait3A_371 = arith.constant 8960 : i32
        %dma_wait3A_372 = arith.constant 0 : i32
        %dma_wait3A_373 = tpu.memref_slice %arg10[%dma_wait3A_371, %dma_wait3A_372] : memref<10000x64xf32, #tpu.memory_space<vmem_shared>> -> memref<256x64xf32, #tpu.memory_space<vmem_shared>>
        %dma_wait3A_374 = arith.constant 0 : i32
        %dma_wait3A_375 = arith.constant 0 : i32
        %dma_wait3A_376 = tpu.memref_slice %arg5[%dma_wait3A_374, %dma_wait3A_375] : memref<256x64xf32, #tpu.memory_space<vmem>> -> memref<256x64xf32, #tpu.memory_space<vmem>>
        tpu.wait_dma2 semaphore(%run_scoped3A : memref<!tpu.dma_semaphore, #tpu.memory_space<semaphore_mem>>) src(%dma_wait3A_376 : memref<256x64xf32, #tpu.memory_space<vmem>>) dst(%dma_wait3A_373 : memref<256x64xf32, #tpu.memory_space<vmem_shared>>)
        tpu.yield
      }) : () -> ()
    } else {
    }
    %eq3A_191 = arith.constant 4 : i32
    %eq3A_192 = arith.cmpi eq, %arg1, %eq3A_191 : i32
    %convert_element_type3A_193 = arith.extui %eq3A_192 : i1 to i32
    %cond3A_194 = arith.constant 0 : i32
    %cond3A_195 = arith.cmpi ne, %convert_element_type3A_193, %cond3A_194 : i32
    scf.if %cond3A_195 {
      "tpu.region"() ({
        %run_scoped3A = tpu.sem_alloc : memref<!tpu.dma_semaphore, #tpu.memory_space<semaphore_mem>>
        %dma_start3A = arith.constant 0 : i32
        %dma_start3A_354 = arith.constant 0 : i32
        %dma_start3A_355 = tpu.memref_slice %arg5[%dma_start3A, %dma_start3A_354] : memref<256x64xf32, #tpu.memory_space<vmem>> -> memref<256x64xf32, #tpu.memory_space<vmem>>
        %dma_start3A_356 = arith.constant 9216 : i32
        %dma_start3A_357 = arith.constant 0 : i32
        %dma_start3A_358 = tpu.memref_slice %arg10[%dma_start3A_356, %dma_start3A_357] : memref<10000x64xf32, #tpu.memory_space<vmem_shared>> -> memref<256x64xf32, #tpu.memory_space<vmem_shared>>
        %dma_start3A_359 = arith.constant 9216 : i32
        %dma_start3A_360 = arith.constant 0 : i32
        %dma_start3A_361 = tpu.memref_slice %arg10[%dma_start3A_359, %dma_start3A_360] : memref<10000x64xf32, #tpu.memory_space<vmem_shared>> -> memref<256x64xf32, #tpu.memory_space<vmem_shared>>
        %dma_start3A_362 = arith.constant 0 : i32
        %dma_start3A_363 = arith.constant 0 : i32
        %dma_start3A_364 = tpu.memref_slice %arg5[%dma_start3A_362, %dma_start3A_363] : memref<256x64xf32, #tpu.memory_space<vmem>> -> memref<256x64xf32, #tpu.memory_space<vmem>>
        tpu.enqueue_dma source(%dma_start3A_364 : memref<256x64xf32, #tpu.memory_space<vmem>>) target(%dma_start3A_361 : memref<256x64xf32, #tpu.memory_space<vmem_shared>>) target_semaphore(%run_scoped3A : memref<!tpu.dma_semaphore, #tpu.memory_space<semaphore_mem>>)
        %dma_wait3A_365 = arith.constant 0 : i32
        %dma_wait3A_366 = arith.constant 0 : i32
        %dma_wait3A_367 = tpu.memref_slice %arg5[%dma_wait3A_365, %dma_wait3A_366] : memref<256x64xf32, #tpu.memory_space<vmem>> -> memref<256x64xf32, #tpu.memory_space<vmem>>
        %dma_wait3A_368 = arith.constant 9216 : i32
        %dma_wait3A_369 = arith.constant 0 : i32
        %dma_wait3A_370 = tpu.memref_slice %arg10[%dma_wait3A_368, %dma_wait3A_369] : memref<10000x64xf32, #tpu.memory_space<vmem_shared>> -> memref<256x64xf32, #tpu.memory_space<vmem_shared>>
        %dma_wait3A_371 = arith.constant 9216 : i32
        %dma_wait3A_372 = arith.constant 0 : i32
        %dma_wait3A_373 = tpu.memref_slice %arg10[%dma_wait3A_371, %dma_wait3A_372] : memref<10000x64xf32, #tpu.memory_space<vmem_shared>> -> memref<256x64xf32, #tpu.memory_space<vmem_shared>>
        %dma_wait3A_374 = arith.constant 0 : i32
        %dma_wait3A_375 = arith.constant 0 : i32
        %dma_wait3A_376 = tpu.memref_slice %arg5[%dma_wait3A_374, %dma_wait3A_375] : memref<256x64xf32, #tpu.memory_space<vmem>> -> memref<256x64xf32, #tpu.memory_space<vmem>>
        tpu.wait_dma2 semaphore(%run_scoped3A : memref<!tpu.dma_semaphore, #tpu.memory_space<semaphore_mem>>) src(%dma_wait3A_376 : memref<256x64xf32, #tpu.memory_space<vmem>>) dst(%dma_wait3A_373 : memref<256x64xf32, #tpu.memory_space<vmem_shared>>)
        tpu.yield
      }) : () -> ()
    } else {
    }
    %eq3A_196 = arith.constant 5 : i32
    %eq3A_197 = arith.cmpi eq, %arg1, %eq3A_196 : i32
    %convert_element_type3A_198 = arith.extui %eq3A_197 : i1 to i32
    %cond3A_199 = arith.constant 0 : i32
    %cond3A_200 = arith.cmpi ne, %convert_element_type3A_198, %cond3A_199 : i32
    scf.if %cond3A_200 {
      "tpu.region"() ({
        %run_scoped3A = tpu.sem_alloc : memref<!tpu.dma_semaphore, #tpu.memory_space<semaphore_mem>>
        %dma_start3A = arith.constant 0 : i32
        %dma_start3A_354 = arith.constant 0 : i32
        %dma_start3A_355 = tpu.memref_slice %arg5[%dma_start3A, %dma_start3A_354] : memref<256x64xf32, #tpu.memory_space<vmem>> -> memref<256x64xf32, #tpu.memory_space<vmem>>
        %dma_start3A_356 = arith.constant 9472 : i32
        %dma_start3A_357 = arith.constant 0 : i32
        %dma_start3A_358 = tpu.memref_slice %arg10[%dma_start3A_356, %dma_start3A_357] : memref<10000x64xf32, #tpu.memory_space<vmem_shared>> -> memref<256x64xf32, #tpu.memory_space<vmem_shared>>
        %dma_start3A_359 = arith.constant 9472 : i32
        %dma_start3A_360 = arith.constant 0 : i32
        %dma_start3A_361 = tpu.memref_slice %arg10[%dma_start3A_359, %dma_start3A_360] : memref<10000x64xf32, #tpu.memory_space<vmem_shared>> -> memref<256x64xf32, #tpu.memory_space<vmem_shared>>
        %dma_start3A_362 = arith.constant 0 : i32
        %dma_start3A_363 = arith.constant 0 : i32
        %dma_start3A_364 = tpu.memref_slice %arg5[%dma_start3A_362, %dma_start3A_363] : memref<256x64xf32, #tpu.memory_space<vmem>> -> memref<256x64xf32, #tpu.memory_space<vmem>>
        tpu.enqueue_dma source(%dma_start3A_364 : memref<256x64xf32, #tpu.memory_space<vmem>>) target(%dma_start3A_361 : memref<256x64xf32, #tpu.memory_space<vmem_shared>>) target_semaphore(%run_scoped3A : memref<!tpu.dma_semaphore, #tpu.memory_space<semaphore_mem>>)
        %dma_wait3A_365 = arith.constant 0 : i32
        %dma_wait3A_366 = arith.constant 0 : i32
        %dma_wait3A_367 = tpu.memref_slice %arg5[%dma_wait3A_365, %dma_wait3A_366] : memref<256x64xf32, #tpu.memory_space<vmem>> -> memref<256x64xf32, #tpu.memory_space<vmem>>
        %dma_wait3A_368 = arith.constant 9472 : i32
        %dma_wait3A_369 = arith.constant 0 : i32
        %dma_wait3A_370 = tpu.memref_slice %arg10[%dma_wait3A_368, %dma_wait3A_369] : memref<10000x64xf32, #tpu.memory_space<vmem_shared>> -> memref<256x64xf32, #tpu.memory_space<vmem_shared>>
        %dma_wait3A_371 = arith.constant 9472 : i32
        %dma_wait3A_372 = arith.constant 0 : i32
        %dma_wait3A_373 = tpu.memref_slice %arg10[%dma_wait3A_371, %dma_wait3A_372] : memref<10000x64xf32, #tpu.memory_space<vmem_shared>> -> memref<256x64xf32, #tpu.memory_space<vmem_shared>>
        %dma_wait3A_374 = arith.constant 0 : i32
        %dma_wait3A_375 = arith.constant 0 : i32
        %dma_wait3A_376 = tpu.memref_slice %arg5[%dma_wait3A_374, %dma_wait3A_375] : memref<256x64xf32, #tpu.memory_space<vmem>> -> memref<256x64xf32, #tpu.memory_space<vmem>>
        tpu.wait_dma2 semaphore(%run_scoped3A : memref<!tpu.dma_semaphore, #tpu.memory_space<semaphore_mem>>) src(%dma_wait3A_376 : memref<256x64xf32, #tpu.memory_space<vmem>>) dst(%dma_wait3A_373 : memref<256x64xf32, #tpu.memory_space<vmem_shared>>)
        tpu.yield
      }) : () -> ()
    } else {
    }
    %eq3A_201 = arith.constant 6 : i32
    %eq3A_202 = arith.cmpi eq, %arg1, %eq3A_201 : i32
    %convert_element_type3A_203 = arith.extui %eq3A_202 : i1 to i32
    %cond3A_204 = arith.constant 0 : i32
    %cond3A_205 = arith.cmpi ne, %convert_element_type3A_203, %cond3A_204 : i32
    scf.if %cond3A_205 {
      "tpu.region"() ({
        %run_scoped3A = tpu.sem_alloc : memref<!tpu.dma_semaphore, #tpu.memory_space<semaphore_mem>>
        %dma_start3A = arith.constant 0 : i32
        %dma_start3A_354 = arith.constant 0 : i32
        %dma_start3A_355 = tpu.memref_slice %arg5[%dma_start3A, %dma_start3A_354] : memref<256x64xf32, #tpu.memory_space<vmem>> -> memref<256x64xf32, #tpu.memory_space<vmem>>
        %dma_start3A_356 = arith.constant 9728 : i32
        %dma_start3A_357 = arith.constant 0 : i32
        %dma_start3A_358 = tpu.memref_slice %arg10[%dma_start3A_356, %dma_start3A_357] : memref<10000x64xf32, #tpu.memory_space<vmem_shared>> -> memref<256x64xf32, #tpu.memory_space<vmem_shared>>
        %dma_start3A_359 = arith.constant 9728 : i32
        %dma_start3A_360 = arith.constant 0 : i32
        %dma_start3A_361 = tpu.memref_slice %arg10[%dma_start3A_359, %dma_start3A_360] : memref<10000x64xf32, #tpu.memory_space<vmem_shared>> -> memref<256x64xf32, #tpu.memory_space<vmem_shared>>
        %dma_start3A_362 = arith.constant 0 : i32
        %dma_start3A_363 = arith.constant 0 : i32
        %dma_start3A_364 = tpu.memref_slice %arg5[%dma_start3A_362, %dma_start3A_363] : memref<256x64xf32, #tpu.memory_space<vmem>> -> memref<256x64xf32, #tpu.memory_space<vmem>>
        tpu.enqueue_dma source(%dma_start3A_364 : memref<256x64xf32, #tpu.memory_space<vmem>>) target(%dma_start3A_361 : memref<256x64xf32, #tpu.memory_space<vmem_shared>>) target_semaphore(%run_scoped3A : memref<!tpu.dma_semaphore, #tpu.memory_space<semaphore_mem>>)
        %dma_wait3A_365 = arith.constant 0 : i32
        %dma_wait3A_366 = arith.constant 0 : i32
        %dma_wait3A_367 = tpu.memref_slice %arg5[%dma_wait3A_365, %dma_wait3A_366] : memref<256x64xf32, #tpu.memory_space<vmem>> -> memref<256x64xf32, #tpu.memory_space<vmem>>
        %dma_wait3A_368 = arith.constant 9728 : i32
        %dma_wait3A_369 = arith.constant 0 : i32
        %dma_wait3A_370 = tpu.memref_slice %arg10[%dma_wait3A_368, %dma_wait3A_369] : memref<10000x64xf32, #tpu.memory_space<vmem_shared>> -> memref<256x64xf32, #tpu.memory_space<vmem_shared>>
        %dma_wait3A_371 = arith.constant 9728 : i32
        %dma_wait3A_372 = arith.constant 0 : i32
        %dma_wait3A_373 = tpu.memref_slice %arg10[%dma_wait3A_371, %dma_wait3A_372] : memref<10000x64xf32, #tpu.memory_space<vmem_shared>> -> memref<256x64xf32, #tpu.memory_space<vmem_shared>>
        %dma_wait3A_374 = arith.constant 0 : i32
        %dma_wait3A_375 = arith.constant 0 : i32
        %dma_wait3A_376 = tpu.memref_slice %arg5[%dma_wait3A_374, %dma_wait3A_375] : memref<256x64xf32, #tpu.memory_space<vmem>> -> memref<256x64xf32, #tpu.memory_space<vmem>>
        tpu.wait_dma2 semaphore(%run_scoped3A : memref<!tpu.dma_semaphore, #tpu.memory_space<semaphore_mem>>) src(%dma_wait3A_376 : memref<256x64xf32, #tpu.memory_space<vmem>>) dst(%dma_wait3A_373 : memref<256x64xf32, #tpu.memory_space<vmem_shared>>)
        tpu.yield
      }) : () -> ()
    } else {
    }
    %eq3A_206 = arith.constant 7 : i32
    %eq3A_207 = arith.cmpi eq, %arg1, %eq3A_206 : i32
    %convert_element_type3A_208 = arith.extui %eq3A_207 : i1 to i32
    %cond3A_209 = arith.constant 0 : i32
    %cond3A_210 = arith.cmpi ne, %convert_element_type3A_208, %cond3A_209 : i32
    scf.if %cond3A_210 {
      "tpu.region"() ({
        %run_scoped3A = tpu.sem_alloc : memref<!tpu.dma_semaphore, #tpu.memory_space<semaphore_mem>>
        %dma_start3A = arith.constant 0 : i32
        %dma_start3A_354 = arith.constant 0 : i32
        %dma_start3A_355 = tpu.memref_slice %arg5[%dma_start3A, %dma_start3A_354] : memref<256x64xf32, #tpu.memory_space<vmem>> -> memref<16x64xf32, #tpu.memory_space<vmem>>
        %dma_start3A_356 = arith.constant 9984 : i32
        %dma_start3A_357 = arith.constant 0 : i32
        %dma_start3A_358 = tpu.memref_slice %arg10[%dma_start3A_356, %dma_start3A_357] : memref<10000x64xf32, #tpu.memory_space<vmem_shared>> -> memref<16x64xf32, #tpu.memory_space<vmem_shared>>
        %dma_start3A_359 = arith.constant 9984 : i32
        %dma_start3A_360 = arith.constant 0 : i32
        %dma_start3A_361 = tpu.memref_slice %arg10[%dma_start3A_359, %dma_start3A_360] : memref<10000x64xf32, #tpu.memory_space<vmem_shared>> -> memref<16x64xf32, #tpu.memory_space<vmem_shared>>
        %dma_start3A_362 = arith.constant 0 : i32
        %dma_start3A_363 = arith.constant 0 : i32
        %dma_start3A_364 = tpu.memref_slice %arg5[%dma_start3A_362, %dma_start3A_363] : memref<256x64xf32, #tpu.memory_space<vmem>> -> memref<16x64xf32, #tpu.memory_space<vmem>>
        tpu.enqueue_dma source(%dma_start3A_364 : memref<16x64xf32, #tpu.memory_space<vmem>>) target(%dma_start3A_361 : memref<16x64xf32, #tpu.memory_space<vmem_shared>>) target_semaphore(%run_scoped3A : memref<!tpu.dma_semaphore, #tpu.memory_space<semaphore_mem>>)
        %dma_wait3A_365 = arith.constant 0 : i32
        %dma_wait3A_366 = arith.constant 0 : i32
        %dma_wait3A_367 = tpu.memref_slice %arg5[%dma_wait3A_365, %dma_wait3A_366] : memref<256x64xf32, #tpu.memory_space<vmem>> -> memref<16x64xf32, #tpu.memory_space<vmem>>
        %dma_wait3A_368 = arith.constant 9984 : i32
        %dma_wait3A_369 = arith.constant 0 : i32
        %dma_wait3A_370 = tpu.memref_slice %arg10[%dma_wait3A_368, %dma_wait3A_369] : memref<10000x64xf32, #tpu.memory_space<vmem_shared>> -> memref<16x64xf32, #tpu.memory_space<vmem_shared>>
        %dma_wait3A_371 = arith.constant 9984 : i32
        %dma_wait3A_372 = arith.constant 0 : i32
        %dma_wait3A_373 = tpu.memref_slice %arg10[%dma_wait3A_371, %dma_wait3A_372] : memref<10000x64xf32, #tpu.memory_space<vmem_shared>> -> memref<16x64xf32, #tpu.memory_space<vmem_shared>>
        %dma_wait3A_374 = arith.constant 0 : i32
        %dma_wait3A_375 = arith.constant 0 : i32
        %dma_wait3A_376 = tpu.memref_slice %arg5[%dma_wait3A_374, %dma_wait3A_375] : memref<256x64xf32, #tpu.memory_space<vmem>> -> memref<16x64xf32, #tpu.memory_space<vmem>>
        tpu.wait_dma2 semaphore(%run_scoped3A : memref<!tpu.dma_semaphore, #tpu.memory_space<semaphore_mem>>) src(%dma_wait3A_376 : memref<16x64xf32, #tpu.memory_space<vmem>>) dst(%dma_wait3A_373 : memref<16x64xf32, #tpu.memory_space<vmem_shared>>)
        tpu.yield
      }) : () -> ()
    } else {
    }
    %barrier3A = arith.constant 0 : index
    tpu.barrier barrier_id(%barrier3A)
    %gt3A = arith.constant 0 : i32
    %gt3A_211 = arith.cmpi sgt, %select_n3A, %gt3A : i32
    %convert_element_type3A_212 = arith.extui %gt3A_211 : i1 to i32
    %cond3A_213 = arith.constant 0 : i32
    %cond3A_214 = arith.cmpi ne, %convert_element_type3A_212, %cond3A_213 : i32
    scf.if %cond3A_214 {
      %mul3A_354 = arith.constant 47 : i32
      %mul3A_355 = arith.muli %arg1, %mul3A_354 : i32
      %add3A = arith.constant 0 : i32
      %add3A_356 = arith.addi %mul3A_355, %add3A : i32
      %mul3A_357 = arith.constant 256 : i32
      %mul3A_358 = arith.muli %add3A_356, %mul3A_357 : i32
      %mul3A_359 = arith.constant 64 : i32
      %mul3A_360 = arith.muli %arg0, %mul3A_359 : i32
      %dma_start3A = tpu.memref_slice %arg2[%mul3A_358, %mul3A_360] : memref<320000x128xf32, #tpu.memory_space<hbm>> -> memref<256x64xf32, #tpu.memory_space<hbm>>
      %dma_start3A_361 = tpu.memref_slice %arg2[%mul3A_358, %mul3A_360] : memref<320000x128xf32, #tpu.memory_space<hbm>> -> memref<256x64xf32, #tpu.memory_space<hbm>>
      tpu.enqueue_dma source(%dma_start3A_361 : memref<256x64xf32, #tpu.memory_space<hbm>>) target(%arg5 : memref<256x64xf32, #tpu.memory_space<vmem>>) target_semaphore(%arg11 : memref<!tpu.dma_semaphore, #tpu.memory_space<semaphore_mem>>)
    } else {
    }
    %gt3A_215 = arith.constant 1 : i32
    %gt3A_216 = arith.cmpi sgt, %select_n3A, %gt3A_215 : i32
    %convert_element_type3A_217 = arith.extui %gt3A_216 : i1 to i32
    %cond3A_218 = arith.constant 0 : i32
    %cond3A_219 = arith.cmpi ne, %convert_element_type3A_217, %cond3A_218 : i32
    scf.if %cond3A_219 {
      %mul3A_354 = arith.constant 47 : i32
      %mul3A_355 = arith.muli %arg1, %mul3A_354 : i32
      %add3A = arith.constant 1 : i32
      %add3A_356 = arith.addi %mul3A_355, %add3A : i32
      %mul3A_357 = arith.constant 256 : i32
      %mul3A_358 = arith.muli %add3A_356, %mul3A_357 : i32
      %mul3A_359 = arith.constant 64 : i32
      %mul3A_360 = arith.muli %arg0, %mul3A_359 : i32
      %dma_start3A = tpu.memref_slice %arg2[%mul3A_358, %mul3A_360] : memref<320000x128xf32, #tpu.memory_space<hbm>> -> memref<256x64xf32, #tpu.memory_space<hbm>>
      %dma_start3A_361 = tpu.memref_slice %arg2[%mul3A_358, %mul3A_360] : memref<320000x128xf32, #tpu.memory_space<hbm>> -> memref<256x64xf32, #tpu.memory_space<hbm>>
      tpu.enqueue_dma source(%dma_start3A_361 : memref<256x64xf32, #tpu.memory_space<hbm>>) target(%arg6 : memref<256x64xf32, #tpu.memory_space<vmem>>) target_semaphore(%arg12 : memref<!tpu.dma_semaphore, #tpu.memory_space<semaphore_mem>>)
    } else {
    }
    %gt3A_220 = arith.constant 2 : i32
    %gt3A_221 = arith.cmpi sgt, %select_n3A, %gt3A_220 : i32
    %convert_element_type3A_222 = arith.extui %gt3A_221 : i1 to i32
    %cond3A_223 = arith.constant 0 : i32
    %cond3A_224 = arith.cmpi ne, %convert_element_type3A_222, %cond3A_223 : i32
    scf.if %cond3A_224 {
      %mul3A_354 = arith.constant 47 : i32
      %mul3A_355 = arith.muli %arg1, %mul3A_354 : i32
      %add3A = arith.constant 2 : i32
      %add3A_356 = arith.addi %mul3A_355, %add3A : i32
      %mul3A_357 = arith.constant 256 : i32
      %mul3A_358 = arith.muli %add3A_356, %mul3A_357 : i32
      %mul3A_359 = arith.constant 64 : i32
      %mul3A_360 = arith.muli %arg0, %mul3A_359 : i32
      %dma_start3A = tpu.memref_slice %arg2[%mul3A_358, %mul3A_360] : memref<320000x128xf32, #tpu.memory_space<hbm>> -> memref<256x64xf32, #tpu.memory_space<hbm>>
      %dma_start3A_361 = tpu.memref_slice %arg2[%mul3A_358, %mul3A_360] : memref<320000x128xf32, #tpu.memory_space<hbm>> -> memref<256x64xf32, #tpu.memory_space<hbm>>
      tpu.enqueue_dma source(%dma_start3A_361 : memref<256x64xf32, #tpu.memory_space<hbm>>) target(%arg7 : memref<256x64xf32, #tpu.memory_space<vmem>>) target_semaphore(%arg13 : memref<!tpu.dma_semaphore, #tpu.memory_space<semaphore_mem>>)
    } else {
    }
    %scan3A_225 = arith.constant 0 : i32
    %scan3A_226 = arith.constant 0 : i32
    %scan3A_227 = arith.constant 12 : i32
    %scan3A_228 = arith.addi %scan3A_226, %scan3A_227 : i32
    %scan3A_229 = arith.constant 1 : i32
    %scan3A_230 = scf.for %scan3A_354 = %scan3A_226 to %scan3A_228 step %scan3A_229 iter_args(%scan3A_355 = %scan3A_225) -> (i32)  : i32 {
      %mul3A_356 = arith.constant 4 : i32
      %mul3A_357 = arith.muli %mul3A_356, %scan3A_354 : i32
      %add3A = arith.constant 0 : i32
      %add3A_358 = arith.addi %mul3A_357, %add3A : i32
      %lt3A = arith.cmpi slt, %add3A_358, %select_n3A : i32
      %convert_element_type3A_359 = arith.extui %lt3A : i1 to i32
      %cond3A_360 = arith.constant 0 : i32
      %cond3A_361 = arith.cmpi ne, %convert_element_type3A_359, %cond3A_360 : i32
      scf.if %cond3A_361 {
        %mul3A_387 = arith.constant 64 : i32
        %mul3A_388 = arith.muli %arg0, %mul3A_387 : i32
        %dma_wait3A_389 = arith.constant 0 : i32
        %dma_wait3A_390 = tpu.memref_slice %arg2[%dma_wait3A_389, %mul3A_388] : memref<320000x128xf32, #tpu.memory_space<hbm>> -> memref<256x64xf32, #tpu.memory_space<hbm>>
        %dma_wait3A_391 = arith.constant 0 : i32
        %dma_wait3A_392 = tpu.memref_slice %arg2[%dma_wait3A_391, %mul3A_388] : memref<320000x128xf32, #tpu.memory_space<hbm>> -> memref<256x64xf32, #tpu.memory_space<hbm>>
        tpu.wait_dma2 semaphore(%arg11 : memref<!tpu.dma_semaphore, #tpu.memory_space<semaphore_mem>>) src(%dma_wait3A_392 : memref<256x64xf32, #tpu.memory_space<hbm>>) dst(%arg5 : memref<256x64xf32, #tpu.memory_space<vmem>>)
        %add3A_393 = arith.addi %add3A_358, %sub3A : i32
        %dma_start3A = arith.constant 0 : i32
        %dma_start3A_394 = arith.constant 0 : i32
        %dma_start3A_395 = arith.constant 0 : i32
        %dma_start3A_396 = tpu.memref_slice %arg5[%dma_start3A_394, %dma_start3A_395] : memref<256x64xf32, #tpu.memory_space<vmem>> -> memref<128x64xf32, #tpu.memory_space<vmem>>
        %dma_start3A_397 = arith.constant 0 : i32
        %dma_start3A_398 = tpu.memref_slice %arg9[%add3A_393, %dma_start3A, %dma_start3A_397] : memref<47x2x128xi32, #tpu.memory_space<vmem>> -> memref<1x1x128xi32, #tpu.memory_space<vmem>>
        %dma_start3A_399 = tpu.memref_squeeze %dma_start3A_398 : memref<1x1x128xi32, #tpu.memory_space<vmem>> -> memref<128xi32, #tpu.memory_space<vmem>>
        %dma_start3A_400 = arith.constant 0 : i32
        %dma_start3A_401 = arith.constant 0 : i32
        %dma_start3A_402 = tpu.memref_slice %arg10[%dma_start3A_400, %dma_start3A_401] : memref<10000x64xf32, #tpu.memory_space<vmem_shared>> -> memref<10000x64xf32, #tpu.memory_space<vmem_shared>>
        tpu.enqueue_indirect_dma source(%dma_start3A_396 : memref<128x64xf32, #tpu.memory_space<vmem>>) target(%dma_start3A_402 : memref<10000x64xf32, #tpu.memory_space<vmem_shared>>) offsets(%dma_start3A_399 : memref<128xi32, #tpu.memory_space<vmem>>) semaphore(%arg15 : memref<!tpu.dma_semaphore, #tpu.memory_space<semaphore_mem>>) {add = true}
        %add3A_403 = arith.addi %add3A_358, %sub3A : i32
        %dma_start3A_404 = arith.constant 1 : i32
        %dma_start3A_405 = arith.constant 128 : i32
        %dma_start3A_406 = arith.constant 0 : i32
        %dma_start3A_407 = tpu.memref_slice %arg5[%dma_start3A_405, %dma_start3A_406] : memref<256x64xf32, #tpu.memory_space<vmem>> -> memref<128x64xf32, #tpu.memory_space<vmem>>
        %dma_start3A_408 = arith.constant 0 : i32
        %dma_start3A_409 = tpu.memref_slice %arg9[%add3A_403, %dma_start3A_404, %dma_start3A_408] : memref<47x2x128xi32, #tpu.memory_space<vmem>> -> memref<1x1x128xi32, #tpu.memory_space<vmem>>
        %dma_start3A_410 = tpu.memref_squeeze %dma_start3A_409 : memref<1x1x128xi32, #tpu.memory_space<vmem>> -> memref<128xi32, #tpu.memory_space<vmem>>
        %dma_start3A_411 = arith.constant 0 : i32
        %dma_start3A_412 = arith.constant 0 : i32
        %dma_start3A_413 = tpu.memref_slice %arg10[%dma_start3A_411, %dma_start3A_412] : memref<10000x64xf32, #tpu.memory_space<vmem_shared>> -> memref<10000x64xf32, #tpu.memory_space<vmem_shared>>
        tpu.enqueue_indirect_dma source(%dma_start3A_407 : memref<128x64xf32, #tpu.memory_space<vmem>>) target(%dma_start3A_413 : memref<10000x64xf32, #tpu.memory_space<vmem_shared>>) offsets(%dma_start3A_410 : memref<128xi32, #tpu.memory_space<vmem>>) semaphore(%arg15 : memref<!tpu.dma_semaphore, #tpu.memory_space<semaphore_mem>>) {add = true}
        %ge3A = arith.constant 1 : i32
        %ge3A_414 = arith.cmpi sge, %add3A_358, %ge3A : i32
        %convert_element_type3A_415 = arith.extui %ge3A_414 : i1 to i32
        %cond3A_416 = arith.constant 0 : i32
        %cond3A_417 = arith.cmpi ne, %convert_element_type3A_415, %cond3A_416 : i32
        scf.if %cond3A_417 {
          %dma_wait3A_426 = arith.constant 0 : i32
          %dma_wait3A_427 = arith.constant 0 : i32
          %dma_wait3A_428 = arith.constant 0 : i32
          %dma_wait3A_429 = arith.constant 0 : i32
          %dma_wait3A_430 = tpu.memref_slice %arg8[%dma_wait3A_428, %dma_wait3A_429] : memref<256x64xf32, #tpu.memory_space<vmem>> -> memref<128x64xf32, #tpu.memory_space<vmem>>
          %dma_wait3A_431 = arith.constant 0 : i32
          %dma_wait3A_432 = tpu.memref_slice %arg9[%dma_wait3A_426, %dma_wait3A_427, %dma_wait3A_431] : memref<47x2x128xi32, #tpu.memory_space<vmem>> -> memref<1x1x128xi32, #tpu.memory_space<vmem>>
          %dma_wait3A_433 = tpu.memref_squeeze %dma_wait3A_432 : memref<1x1x128xi32, #tpu.memory_space<vmem>> -> memref<128xi32, #tpu.memory_space<vmem>>
          %dma_wait3A_434 = arith.constant 0 : i32
          %dma_wait3A_435 = arith.constant 0 : i32
          %dma_wait3A_436 = tpu.memref_slice %arg10[%dma_wait3A_434, %dma_wait3A_435] : memref<10000x64xf32, #tpu.memory_space<vmem_shared>> -> memref<10000x64xf32, #tpu.memory_space<vmem_shared>>
          tpu.wait_indirect_dma semaphore(%arg15 : memref<!tpu.dma_semaphore, #tpu.memory_space<semaphore_mem>>) src(%dma_wait3A_430 : memref<128x64xf32, #tpu.memory_space<vmem>>) dst(%dma_wait3A_436 : memref<10000x64xf32, #tpu.memory_space<vmem_shared>>)
          %dma_wait3A_437 = arith.constant 0 : i32
          %dma_wait3A_438 = arith.constant 1 : i32
          %dma_wait3A_439 = arith.constant 128 : i32
          %dma_wait3A_440 = arith.constant 0 : i32
          %dma_wait3A_441 = tpu.memref_slice %arg8[%dma_wait3A_439, %dma_wait3A_440] : memref<256x64xf32, #tpu.memory_space<vmem>> -> memref<128x64xf32, #tpu.memory_space<vmem>>
          %dma_wait3A_442 = arith.constant 0 : i32
          %dma_wait3A_443 = tpu.memref_slice %arg9[%dma_wait3A_437, %dma_wait3A_438, %dma_wait3A_442] : memref<47x2x128xi32, #tpu.memory_space<vmem>> -> memref<1x1x128xi32, #tpu.memory_space<vmem>>
          %dma_wait3A_444 = tpu.memref_squeeze %dma_wait3A_443 : memref<1x1x128xi32, #tpu.memory_space<vmem>> -> memref<128xi32, #tpu.memory_space<vmem>>
          %dma_wait3A_445 = arith.constant 0 : i32
          %dma_wait3A_446 = arith.constant 0 : i32
          %dma_wait3A_447 = tpu.memref_slice %arg10[%dma_wait3A_445, %dma_wait3A_446] : memref<10000x64xf32, #tpu.memory_space<vmem_shared>> -> memref<10000x64xf32, #tpu.memory_space<vmem_shared>>
          tpu.wait_indirect_dma semaphore(%arg15 : memref<!tpu.dma_semaphore, #tpu.memory_space<semaphore_mem>>) src(%dma_wait3A_441 : memref<128x64xf32, #tpu.memory_space<vmem>>) dst(%dma_wait3A_447 : memref<10000x64xf32, #tpu.memory_space<vmem_shared>>)
        } else {
        }
        %add3A_418 = arith.constant 4 : i32
        %add3A_419 = arith.addi %add3A_358, %add3A_418 : i32
        %sub3A_420 = arith.constant 1 : i32
        %sub3A_421 = arith.subi %add3A_419, %sub3A_420 : i32
        %lt3A_422 = arith.cmpi slt, %sub3A_421, %select_n3A : i32
        %convert_element_type3A_423 = arith.extui %lt3A_422 : i1 to i32
        %cond3A_424 = arith.constant 0 : i32
        %cond3A_425 = arith.cmpi ne, %convert_element_type3A_423, %cond3A_424 : i32
        scf.if %cond3A_425 {
          %add3A_426 = arith.constant 4 : i32
          %add3A_427 = arith.addi %add3A_358, %add3A_426 : i32
          %sub3A_428 = arith.constant 1 : i32
          %sub3A_429 = arith.subi %add3A_427, %sub3A_428 : i32
          %mul3A_430 = arith.constant 47 : i32
          %mul3A_431 = arith.muli %arg1, %mul3A_430 : i32
          %add3A_432 = arith.addi %mul3A_431, %sub3A_429 : i32
          %mul3A_433 = arith.constant 256 : i32
          %mul3A_434 = arith.muli %add3A_432, %mul3A_433 : i32
          %mul3A_435 = arith.constant 64 : i32
          %mul3A_436 = arith.muli %arg0, %mul3A_435 : i32
          %dma_start3A_437 = tpu.memref_slice %arg2[%mul3A_434, %mul3A_436] : memref<320000x128xf32, #tpu.memory_space<hbm>> -> memref<256x64xf32, #tpu.memory_space<hbm>>
          %dma_start3A_438 = tpu.memref_slice %arg2[%mul3A_434, %mul3A_436] : memref<320000x128xf32, #tpu.memory_space<hbm>> -> memref<256x64xf32, #tpu.memory_space<hbm>>
          tpu.enqueue_dma source(%dma_start3A_438 : memref<256x64xf32, #tpu.memory_space<hbm>>) target(%arg8 : memref<256x64xf32, #tpu.memory_space<vmem>>) target_semaphore(%arg14 : memref<!tpu.dma_semaphore, #tpu.memory_space<semaphore_mem>>)
        } else {
        }
      } else {
      }
      %mul3A_362 = arith.constant 4 : i32
      %mul3A_363 = arith.muli %mul3A_362, %scan3A_354 : i32
      %add3A_364 = arith.constant 1 : i32
      %add3A_365 = arith.addi %mul3A_363, %add3A_364 : i32
      %lt3A_366 = arith.cmpi slt, %add3A_365, %select_n3A : i32
      %convert_element_type3A_367 = arith.extui %lt3A_366 : i1 to i32
      %cond3A_368 = arith.constant 0 : i32
      %cond3A_369 = arith.cmpi ne, %convert_element_type3A_367, %cond3A_368 : i32
      scf.if %cond3A_369 {
        %mul3A_387 = arith.constant 64 : i32
        %mul3A_388 = arith.muli %arg0, %mul3A_387 : i32
        %dma_wait3A_389 = arith.constant 0 : i32
        %dma_wait3A_390 = tpu.memref_slice %arg2[%dma_wait3A_389, %mul3A_388] : memref<320000x128xf32, #tpu.memory_space<hbm>> -> memref<256x64xf32, #tpu.memory_space<hbm>>
        %dma_wait3A_391 = arith.constant 0 : i32
        %dma_wait3A_392 = tpu.memref_slice %arg2[%dma_wait3A_391, %mul3A_388] : memref<320000x128xf32, #tpu.memory_space<hbm>> -> memref<256x64xf32, #tpu.memory_space<hbm>>
        tpu.wait_dma2 semaphore(%arg12 : memref<!tpu.dma_semaphore, #tpu.memory_space<semaphore_mem>>) src(%dma_wait3A_392 : memref<256x64xf32, #tpu.memory_space<hbm>>) dst(%arg6 : memref<256x64xf32, #tpu.memory_space<vmem>>)
        %add3A_393 = arith.addi %add3A_365, %sub3A : i32
        %dma_start3A = arith.constant 0 : i32
        %dma_start3A_394 = arith.constant 0 : i32
        %dma_start3A_395 = arith.constant 0 : i32
        %dma_start3A_396 = tpu.memref_slice %arg6[%dma_start3A_394, %dma_start3A_395] : memref<256x64xf32, #tpu.memory_space<vmem>> -> memref<128x64xf32, #tpu.memory_space<vmem>>
        %dma_start3A_397 = arith.constant 0 : i32
        %dma_start3A_398 = tpu.memref_slice %arg9[%add3A_393, %dma_start3A, %dma_start3A_397] : memref<47x2x128xi32, #tpu.memory_space<vmem>> -> memref<1x1x128xi32, #tpu.memory_space<vmem>>
        %dma_start3A_399 = tpu.memref_squeeze %dma_start3A_398 : memref<1x1x128xi32, #tpu.memory_space<vmem>> -> memref<128xi32, #tpu.memory_space<vmem>>
        %dma_start3A_400 = arith.constant 0 : i32
        %dma_start3A_401 = arith.constant 0 : i32
        %dma_start3A_402 = tpu.memref_slice %arg10[%dma_start3A_400, %dma_start3A_401] : memref<10000x64xf32, #tpu.memory_space<vmem_shared>> -> memref<10000x64xf32, #tpu.memory_space<vmem_shared>>
        tpu.enqueue_indirect_dma source(%dma_start3A_396 : memref<128x64xf32, #tpu.memory_space<vmem>>) target(%dma_start3A_402 : memref<10000x64xf32, #tpu.memory_space<vmem_shared>>) offsets(%dma_start3A_399 : memref<128xi32, #tpu.memory_space<vmem>>) semaphore(%arg15 : memref<!tpu.dma_semaphore, #tpu.memory_space<semaphore_mem>>) {add = true}
        %add3A_403 = arith.addi %add3A_365, %sub3A : i32
        %dma_start3A_404 = arith.constant 1 : i32
        %dma_start3A_405 = arith.constant 128 : i32
        %dma_start3A_406 = arith.constant 0 : i32
        %dma_start3A_407 = tpu.memref_slice %arg6[%dma_start3A_405, %dma_start3A_406] : memref<256x64xf32, #tpu.memory_space<vmem>> -> memref<128x64xf32, #tpu.memory_space<vmem>>
        %dma_start3A_408 = arith.constant 0 : i32
        %dma_start3A_409 = tpu.memref_slice %arg9[%add3A_403, %dma_start3A_404, %dma_start3A_408] : memref<47x2x128xi32, #tpu.memory_space<vmem>> -> memref<1x1x128xi32, #tpu.memory_space<vmem>>
        %dma_start3A_410 = tpu.memref_squeeze %dma_start3A_409 : memref<1x1x128xi32, #tpu.memory_space<vmem>> -> memref<128xi32, #tpu.memory_space<vmem>>
        %dma_start3A_411 = arith.constant 0 : i32
        %dma_start3A_412 = arith.constant 0 : i32
        %dma_start3A_413 = tpu.memref_slice %arg10[%dma_start3A_411, %dma_start3A_412] : memref<10000x64xf32, #tpu.memory_space<vmem_shared>> -> memref<10000x64xf32, #tpu.memory_space<vmem_shared>>
        tpu.enqueue_indirect_dma source(%dma_start3A_407 : memref<128x64xf32, #tpu.memory_space<vmem>>) target(%dma_start3A_413 : memref<10000x64xf32, #tpu.memory_space<vmem_shared>>) offsets(%dma_start3A_410 : memref<128xi32, #tpu.memory_space<vmem>>) semaphore(%arg15 : memref<!tpu.dma_semaphore, #tpu.memory_space<semaphore_mem>>) {add = true}
        %ge3A = arith.constant 1 : i32
        %ge3A_414 = arith.cmpi sge, %add3A_365, %ge3A : i32
        %convert_element_type3A_415 = arith.extui %ge3A_414 : i1 to i32
        %cond3A_416 = arith.constant 0 : i32
        %cond3A_417 = arith.cmpi ne, %convert_element_type3A_415, %cond3A_416 : i32
        scf.if %cond3A_417 {
          %dma_wait3A_426 = arith.constant 0 : i32
          %dma_wait3A_427 = arith.constant 0 : i32
          %dma_wait3A_428 = arith.constant 0 : i32
          %dma_wait3A_429 = arith.constant 0 : i32
          %dma_wait3A_430 = tpu.memref_slice %arg5[%dma_wait3A_428, %dma_wait3A_429] : memref<256x64xf32, #tpu.memory_space<vmem>> -> memref<128x64xf32, #tpu.memory_space<vmem>>
          %dma_wait3A_431 = arith.constant 0 : i32
          %dma_wait3A_432 = tpu.memref_slice %arg9[%dma_wait3A_426, %dma_wait3A_427, %dma_wait3A_431] : memref<47x2x128xi32, #tpu.memory_space<vmem>> -> memref<1x1x128xi32, #tpu.memory_space<vmem>>
          %dma_wait3A_433 = tpu.memref_squeeze %dma_wait3A_432 : memref<1x1x128xi32, #tpu.memory_space<vmem>> -> memref<128xi32, #tpu.memory_space<vmem>>
          %dma_wait3A_434 = arith.constant 0 : i32
          %dma_wait3A_435 = arith.constant 0 : i32
          %dma_wait3A_436 = tpu.memref_slice %arg10[%dma_wait3A_434, %dma_wait3A_435] : memref<10000x64xf32, #tpu.memory_space<vmem_shared>> -> memref<10000x64xf32, #tpu.memory_space<vmem_shared>>
          tpu.wait_indirect_dma semaphore(%arg15 : memref<!tpu.dma_semaphore, #tpu.memory_space<semaphore_mem>>) src(%dma_wait3A_430 : memref<128x64xf32, #tpu.memory_space<vmem>>) dst(%dma_wait3A_436 : memref<10000x64xf32, #tpu.memory_space<vmem_shared>>)
          %dma_wait3A_437 = arith.constant 0 : i32
          %dma_wait3A_438 = arith.constant 1 : i32
          %dma_wait3A_439 = arith.constant 128 : i32
          %dma_wait3A_440 = arith.constant 0 : i32
          %dma_wait3A_441 = tpu.memref_slice %arg5[%dma_wait3A_439, %dma_wait3A_440] : memref<256x64xf32, #tpu.memory_space<vmem>> -> memref<128x64xf32, #tpu.memory_space<vmem>>
          %dma_wait3A_442 = arith.constant 0 : i32
          %dma_wait3A_443 = tpu.memref_slice %arg9[%dma_wait3A_437, %dma_wait3A_438, %dma_wait3A_442] : memref<47x2x128xi32, #tpu.memory_space<vmem>> -> memref<1x1x128xi32, #tpu.memory_space<vmem>>
          %dma_wait3A_444 = tpu.memref_squeeze %dma_wait3A_443 : memref<1x1x128xi32, #tpu.memory_space<vmem>> -> memref<128xi32, #tpu.memory_space<vmem>>
          %dma_wait3A_445 = arith.constant 0 : i32
          %dma_wait3A_446 = arith.constant 0 : i32
          %dma_wait3A_447 = tpu.memref_slice %arg10[%dma_wait3A_445, %dma_wait3A_446] : memref<10000x64xf32, #tpu.memory_space<vmem_shared>> -> memref<10000x64xf32, #tpu.memory_space<vmem_shared>>
          tpu.wait_indirect_dma semaphore(%arg15 : memref<!tpu.dma_semaphore, #tpu.memory_space<semaphore_mem>>) src(%dma_wait3A_441 : memref<128x64xf32, #tpu.memory_space<vmem>>) dst(%dma_wait3A_447 : memref<10000x64xf32, #tpu.memory_space<vmem_shared>>)
        } else {
        }
        %add3A_418 = arith.constant 4 : i32
        %add3A_419 = arith.addi %add3A_365, %add3A_418 : i32
        %sub3A_420 = arith.constant 1 : i32
        %sub3A_421 = arith.subi %add3A_419, %sub3A_420 : i32
        %lt3A_422 = arith.cmpi slt, %sub3A_421, %select_n3A : i32
        %convert_element_type3A_423 = arith.extui %lt3A_422 : i1 to i32
        %cond3A_424 = arith.constant 0 : i32
        %cond3A_425 = arith.cmpi ne, %convert_element_type3A_423, %cond3A_424 : i32
        scf.if %cond3A_425 {
          %add3A_426 = arith.constant 4 : i32
          %add3A_427 = arith.addi %add3A_365, %add3A_426 : i32
          %sub3A_428 = arith.constant 1 : i32
          %sub3A_429 = arith.subi %add3A_427, %sub3A_428 : i32
          %mul3A_430 = arith.constant 47 : i32
          %mul3A_431 = arith.muli %arg1, %mul3A_430 : i32
          %add3A_432 = arith.addi %mul3A_431, %sub3A_429 : i32
          %mul3A_433 = arith.constant 256 : i32
          %mul3A_434 = arith.muli %add3A_432, %mul3A_433 : i32
          %mul3A_435 = arith.constant 64 : i32
          %mul3A_436 = arith.muli %arg0, %mul3A_435 : i32
          %dma_start3A_437 = tpu.memref_slice %arg2[%mul3A_434, %mul3A_436] : memref<320000x128xf32, #tpu.memory_space<hbm>> -> memref<256x64xf32, #tpu.memory_space<hbm>>
          %dma_start3A_438 = tpu.memref_slice %arg2[%mul3A_434, %mul3A_436] : memref<320000x128xf32, #tpu.memory_space<hbm>> -> memref<256x64xf32, #tpu.memory_space<hbm>>
          tpu.enqueue_dma source(%dma_start3A_438 : memref<256x64xf32, #tpu.memory_space<hbm>>) target(%arg5 : memref<256x64xf32, #tpu.memory_space<vmem>>) target_semaphore(%arg11 : memref<!tpu.dma_semaphore, #tpu.memory_space<semaphore_mem>>)
        } else {
        }
      } else {
      }
      %mul3A_370 = arith.constant 4 : i32
      %mul3A_371 = arith.muli %mul3A_370, %scan3A_354 : i32
      %add3A_372 = arith.constant 2 : i32
      %add3A_373 = arith.addi %mul3A_371, %add3A_372 : i32
      %lt3A_374 = arith.cmpi slt, %add3A_373, %select_n3A : i32
      %convert_element_type3A_375 = arith.extui %lt3A_374 : i1 to i32
      %cond3A_376 = arith.constant 0 : i32
      %cond3A_377 = arith.cmpi ne, %convert_element_type3A_375, %cond3A_376 : i32
      scf.if %cond3A_377 {
        %mul3A_387 = arith.constant 64 : i32
        %mul3A_388 = arith.muli %arg0, %mul3A_387 : i32
        %dma_wait3A_389 = arith.constant 0 : i32
        %dma_wait3A_390 = tpu.memref_slice %arg2[%dma_wait3A_389, %mul3A_388] : memref<320000x128xf32, #tpu.memory_space<hbm>> -> memref<256x64xf32, #tpu.memory_space<hbm>>
        %dma_wait3A_391 = arith.constant 0 : i32
        %dma_wait3A_392 = tpu.memref_slice %arg2[%dma_wait3A_391, %mul3A_388] : memref<320000x128xf32, #tpu.memory_space<hbm>> -> memref<256x64xf32, #tpu.memory_space<hbm>>
        tpu.wait_dma2 semaphore(%arg13 : memref<!tpu.dma_semaphore, #tpu.memory_space<semaphore_mem>>) src(%dma_wait3A_392 : memref<256x64xf32, #tpu.memory_space<hbm>>) dst(%arg7 : memref<256x64xf32, #tpu.memory_space<vmem>>)
        %add3A_393 = arith.addi %add3A_373, %sub3A : i32
        %dma_start3A = arith.constant 0 : i32
        %dma_start3A_394 = arith.constant 0 : i32
        %dma_start3A_395 = arith.constant 0 : i32
        %dma_start3A_396 = tpu.memref_slice %arg7[%dma_start3A_394, %dma_start3A_395] : memref<256x64xf32, #tpu.memory_space<vmem>> -> memref<128x64xf32, #tpu.memory_space<vmem>>
        %dma_start3A_397 = arith.constant 0 : i32
        %dma_start3A_398 = tpu.memref_slice %arg9[%add3A_393, %dma_start3A, %dma_start3A_397] : memref<47x2x128xi32, #tpu.memory_space<vmem>> -> memref<1x1x128xi32, #tpu.memory_space<vmem>>
        %dma_start3A_399 = tpu.memref_squeeze %dma_start3A_398 : memref<1x1x128xi32, #tpu.memory_space<vmem>> -> memref<128xi32, #tpu.memory_space<vmem>>
        %dma_start3A_400 = arith.constant 0 : i32
        %dma_start3A_401 = arith.constant 0 : i32
        %dma_start3A_402 = tpu.memref_slice %arg10[%dma_start3A_400, %dma_start3A_401] : memref<10000x64xf32, #tpu.memory_space<vmem_shared>> -> memref<10000x64xf32, #tpu.memory_space<vmem_shared>>
        tpu.enqueue_indirect_dma source(%dma_start3A_396 : memref<128x64xf32, #tpu.memory_space<vmem>>) target(%dma_start3A_402 : memref<10000x64xf32, #tpu.memory_space<vmem_shared>>) offsets(%dma_start3A_399 : memref<128xi32, #tpu.memory_space<vmem>>) semaphore(%arg15 : memref<!tpu.dma_semaphore, #tpu.memory_space<semaphore_mem>>) {add = true}
        %add3A_403 = arith.addi %add3A_373, %sub3A : i32
        %dma_start3A_404 = arith.constant 1 : i32
        %dma_start3A_405 = arith.constant 128 : i32
        %dma_start3A_406 = arith.constant 0 : i32
        %dma_start3A_407 = tpu.memref_slice %arg7[%dma_start3A_405, %dma_start3A_406] : memref<256x64xf32, #tpu.memory_space<vmem>> -> memref<128x64xf32, #tpu.memory_space<vmem>>
        %dma_start3A_408 = arith.constant 0 : i32
        %dma_start3A_409 = tpu.memref_slice %arg9[%add3A_403, %dma_start3A_404, %dma_start3A_408] : memref<47x2x128xi32, #tpu.memory_space<vmem>> -> memref<1x1x128xi32, #tpu.memory_space<vmem>>
        %dma_start3A_410 = tpu.memref_squeeze %dma_start3A_409 : memref<1x1x128xi32, #tpu.memory_space<vmem>> -> memref<128xi32, #tpu.memory_space<vmem>>
        %dma_start3A_411 = arith.constant 0 : i32
        %dma_start3A_412 = arith.constant 0 : i32
        %dma_start3A_413 = tpu.memref_slice %arg10[%dma_start3A_411, %dma_start3A_412] : memref<10000x64xf32, #tpu.memory_space<vmem_shared>> -> memref<10000x64xf32, #tpu.memory_space<vmem_shared>>
        tpu.enqueue_indirect_dma source(%dma_start3A_407 : memref<128x64xf32, #tpu.memory_space<vmem>>) target(%dma_start3A_413 : memref<10000x64xf32, #tpu.memory_space<vmem_shared>>) offsets(%dma_start3A_410 : memref<128xi32, #tpu.memory_space<vmem>>) semaphore(%arg15 : memref<!tpu.dma_semaphore, #tpu.memory_space<semaphore_mem>>) {add = true}
        %ge3A = arith.constant 1 : i32
        %ge3A_414 = arith.cmpi sge, %add3A_373, %ge3A : i32
        %convert_element_type3A_415 = arith.extui %ge3A_414 : i1 to i32
        %cond3A_416 = arith.constant 0 : i32
        %cond3A_417 = arith.cmpi ne, %convert_element_type3A_415, %cond3A_416 : i32
        scf.if %cond3A_417 {
          %dma_wait3A_426 = arith.constant 0 : i32
          %dma_wait3A_427 = arith.constant 0 : i32
          %dma_wait3A_428 = arith.constant 0 : i32
          %dma_wait3A_429 = arith.constant 0 : i32
          %dma_wait3A_430 = tpu.memref_slice %arg6[%dma_wait3A_428, %dma_wait3A_429] : memref<256x64xf32, #tpu.memory_space<vmem>> -> memref<128x64xf32, #tpu.memory_space<vmem>>
          %dma_wait3A_431 = arith.constant 0 : i32
          %dma_wait3A_432 = tpu.memref_slice %arg9[%dma_wait3A_426, %dma_wait3A_427, %dma_wait3A_431] : memref<47x2x128xi32, #tpu.memory_space<vmem>> -> memref<1x1x128xi32, #tpu.memory_space<vmem>>
          %dma_wait3A_433 = tpu.memref_squeeze %dma_wait3A_432 : memref<1x1x128xi32, #tpu.memory_space<vmem>> -> memref<128xi32, #tpu.memory_space<vmem>>
          %dma_wait3A_434 = arith.constant 0 : i32
          %dma_wait3A_435 = arith.constant 0 : i32
          %dma_wait3A_436 = tpu.memref_slice %arg10[%dma_wait3A_434, %dma_wait3A_435] : memref<10000x64xf32, #tpu.memory_space<vmem_shared>> -> memref<10000x64xf32, #tpu.memory_space<vmem_shared>>
          tpu.wait_indirect_dma semaphore(%arg15 : memref<!tpu.dma_semaphore, #tpu.memory_space<semaphore_mem>>) src(%dma_wait3A_430 : memref<128x64xf32, #tpu.memory_space<vmem>>) dst(%dma_wait3A_436 : memref<10000x64xf32, #tpu.memory_space<vmem_shared>>)
          %dma_wait3A_437 = arith.constant 0 : i32
          %dma_wait3A_438 = arith.constant 1 : i32
          %dma_wait3A_439 = arith.constant 128 : i32
          %dma_wait3A_440 = arith.constant 0 : i32
          %dma_wait3A_441 = tpu.memref_slice %arg6[%dma_wait3A_439, %dma_wait3A_440] : memref<256x64xf32, #tpu.memory_space<vmem>> -> memref<128x64xf32, #tpu.memory_space<vmem>>
          %dma_wait3A_442 = arith.constant 0 : i32
          %dma_wait3A_443 = tpu.memref_slice %arg9[%dma_wait3A_437, %dma_wait3A_438, %dma_wait3A_442] : memref<47x2x128xi32, #tpu.memory_space<vmem>> -> memref<1x1x128xi32, #tpu.memory_space<vmem>>
          %dma_wait3A_444 = tpu.memref_squeeze %dma_wait3A_443 : memref<1x1x128xi32, #tpu.memory_space<vmem>> -> memref<128xi32, #tpu.memory_space<vmem>>
          %dma_wait3A_445 = arith.constant 0 : i32
          %dma_wait3A_446 = arith.constant 0 : i32
          %dma_wait3A_447 = tpu.memref_slice %arg10[%dma_wait3A_445, %dma_wait3A_446] : memref<10000x64xf32, #tpu.memory_space<vmem_shared>> -> memref<10000x64xf32, #tpu.memory_space<vmem_shared>>
          tpu.wait_indirect_dma semaphore(%arg15 : memref<!tpu.dma_semaphore, #tpu.memory_space<semaphore_mem>>) src(%dma_wait3A_441 : memref<128x64xf32, #tpu.memory_space<vmem>>) dst(%dma_wait3A_447 : memref<10000x64xf32, #tpu.memory_space<vmem_shared>>)
        } else {
        }
        %add3A_418 = arith.constant 4 : i32
        %add3A_419 = arith.addi %add3A_373, %add3A_418 : i32
        %sub3A_420 = arith.constant 1 : i32
        %sub3A_421 = arith.subi %add3A_419, %sub3A_420 : i32
        %lt3A_422 = arith.cmpi slt, %sub3A_421, %select_n3A : i32
        %convert_element_type3A_423 = arith.extui %lt3A_422 : i1 to i32
        %cond3A_424 = arith.constant 0 : i32
        %cond3A_425 = arith.cmpi ne, %convert_element_type3A_423, %cond3A_424 : i32
        scf.if %cond3A_425 {
          %add3A_426 = arith.constant 4 : i32
          %add3A_427 = arith.addi %add3A_373, %add3A_426 : i32
          %sub3A_428 = arith.constant 1 : i32
          %sub3A_429 = arith.subi %add3A_427, %sub3A_428 : i32
          %mul3A_430 = arith.constant 47 : i32
          %mul3A_431 = arith.muli %arg1, %mul3A_430 : i32
          %add3A_432 = arith.addi %mul3A_431, %sub3A_429 : i32
          %mul3A_433 = arith.constant 256 : i32
          %mul3A_434 = arith.muli %add3A_432, %mul3A_433 : i32
          %mul3A_435 = arith.constant 64 : i32
          %mul3A_436 = arith.muli %arg0, %mul3A_435 : i32
          %dma_start3A_437 = tpu.memref_slice %arg2[%mul3A_434, %mul3A_436] : memref<320000x128xf32, #tpu.memory_space<hbm>> -> memref<256x64xf32, #tpu.memory_space<hbm>>
          %dma_start3A_438 = tpu.memref_slice %arg2[%mul3A_434, %mul3A_436] : memref<320000x128xf32, #tpu.memory_space<hbm>> -> memref<256x64xf32, #tpu.memory_space<hbm>>
          tpu.enqueue_dma source(%dma_start3A_438 : memref<256x64xf32, #tpu.memory_space<hbm>>) target(%arg6 : memref<256x64xf32, #tpu.memory_space<vmem>>) target_semaphore(%arg12 : memref<!tpu.dma_semaphore, #tpu.memory_space<semaphore_mem>>)
        } else {
        }
      } else {
      }
      %mul3A_378 = arith.constant 4 : i32
      %mul3A_379 = arith.muli %mul3A_378, %scan3A_354 : i32
      %add3A_380 = arith.constant 3 : i32
      %add3A_381 = arith.addi %mul3A_379, %add3A_380 : i32
      %lt3A_382 = arith.cmpi slt, %add3A_381, %select_n3A : i32
      %convert_element_type3A_383 = arith.extui %lt3A_382 : i1 to i32
      %cond3A_384 = arith.constant 0 : i32
      %cond3A_385 = arith.cmpi ne, %convert_element_type3A_383, %cond3A_384 : i32
      scf.if %cond3A_385 {
        %mul3A_387 = arith.constant 64 : i32
        %mul3A_388 = arith.muli %arg0, %mul3A_387 : i32
        %dma_wait3A_389 = arith.constant 0 : i32
        %dma_wait3A_390 = tpu.memref_slice %arg2[%dma_wait3A_389, %mul3A_388] : memref<320000x128xf32, #tpu.memory_space<hbm>> -> memref<256x64xf32, #tpu.memory_space<hbm>>
        %dma_wait3A_391 = arith.constant 0 : i32
        %dma_wait3A_392 = tpu.memref_slice %arg2[%dma_wait3A_391, %mul3A_388] : memref<320000x128xf32, #tpu.memory_space<hbm>> -> memref<256x64xf32, #tpu.memory_space<hbm>>
        tpu.wait_dma2 semaphore(%arg14 : memref<!tpu.dma_semaphore, #tpu.memory_space<semaphore_mem>>) src(%dma_wait3A_392 : memref<256x64xf32, #tpu.memory_space<hbm>>) dst(%arg8 : memref<256x64xf32, #tpu.memory_space<vmem>>)
        %add3A_393 = arith.addi %add3A_381, %sub3A : i32
        %dma_start3A = arith.constant 0 : i32
        %dma_start3A_394 = arith.constant 0 : i32
        %dma_start3A_395 = arith.constant 0 : i32
        %dma_start3A_396 = tpu.memref_slice %arg8[%dma_start3A_394, %dma_start3A_395] : memref<256x64xf32, #tpu.memory_space<vmem>> -> memref<128x64xf32, #tpu.memory_space<vmem>>
        %dma_start3A_397 = arith.constant 0 : i32
        %dma_start3A_398 = tpu.memref_slice %arg9[%add3A_393, %dma_start3A, %dma_start3A_397] : memref<47x2x128xi32, #tpu.memory_space<vmem>> -> memref<1x1x128xi32, #tpu.memory_space<vmem>>
        %dma_start3A_399 = tpu.memref_squeeze %dma_start3A_398 : memref<1x1x128xi32, #tpu.memory_space<vmem>> -> memref<128xi32, #tpu.memory_space<vmem>>
        %dma_start3A_400 = arith.constant 0 : i32
        %dma_start3A_401 = arith.constant 0 : i32
        %dma_start3A_402 = tpu.memref_slice %arg10[%dma_start3A_400, %dma_start3A_401] : memref<10000x64xf32, #tpu.memory_space<vmem_shared>> -> memref<10000x64xf32, #tpu.memory_space<vmem_shared>>
        tpu.enqueue_indirect_dma source(%dma_start3A_396 : memref<128x64xf32, #tpu.memory_space<vmem>>) target(%dma_start3A_402 : memref<10000x64xf32, #tpu.memory_space<vmem_shared>>) offsets(%dma_start3A_399 : memref<128xi32, #tpu.memory_space<vmem>>) semaphore(%arg15 : memref<!tpu.dma_semaphore, #tpu.memory_space<semaphore_mem>>) {add = true}
        %add3A_403 = arith.addi %add3A_381, %sub3A : i32
        %dma_start3A_404 = arith.constant 1 : i32
        %dma_start3A_405 = arith.constant 128 : i32
        %dma_start3A_406 = arith.constant 0 : i32
        %dma_start3A_407 = tpu.memref_slice %arg8[%dma_start3A_405, %dma_start3A_406] : memref<256x64xf32, #tpu.memory_space<vmem>> -> memref<128x64xf32, #tpu.memory_space<vmem>>
        %dma_start3A_408 = arith.constant 0 : i32
        %dma_start3A_409 = tpu.memref_slice %arg9[%add3A_403, %dma_start3A_404, %dma_start3A_408] : memref<47x2x128xi32, #tpu.memory_space<vmem>> -> memref<1x1x128xi32, #tpu.memory_space<vmem>>
        %dma_start3A_410 = tpu.memref_squeeze %dma_start3A_409 : memref<1x1x128xi32, #tpu.memory_space<vmem>> -> memref<128xi32, #tpu.memory_space<vmem>>
        %dma_start3A_411 = arith.constant 0 : i32
        %dma_start3A_412 = arith.constant 0 : i32
        %dma_start3A_413 = tpu.memref_slice %arg10[%dma_start3A_411, %dma_start3A_412] : memref<10000x64xf32, #tpu.memory_space<vmem_shared>> -> memref<10000x64xf32, #tpu.memory_space<vmem_shared>>
        tpu.enqueue_indirect_dma source(%dma_start3A_407 : memref<128x64xf32, #tpu.memory_space<vmem>>) target(%dma_start3A_413 : memref<10000x64xf32, #tpu.memory_space<vmem_shared>>) offsets(%dma_start3A_410 : memref<128xi32, #tpu.memory_space<vmem>>) semaphore(%arg15 : memref<!tpu.dma_semaphore, #tpu.memory_space<semaphore_mem>>) {add = true}
        %ge3A = arith.constant 1 : i32
        %ge3A_414 = arith.cmpi sge, %add3A_381, %ge3A : i32
        %convert_element_type3A_415 = arith.extui %ge3A_414 : i1 to i32
        %cond3A_416 = arith.constant 0 : i32
        %cond3A_417 = arith.cmpi ne, %convert_element_type3A_415, %cond3A_416 : i32
        scf.if %cond3A_417 {
          %dma_wait3A_426 = arith.constant 0 : i32
          %dma_wait3A_427 = arith.constant 0 : i32
          %dma_wait3A_428 = arith.constant 0 : i32
          %dma_wait3A_429 = arith.constant 0 : i32
          %dma_wait3A_430 = tpu.memref_slice %arg7[%dma_wait3A_428, %dma_wait3A_429] : memref<256x64xf32, #tpu.memory_space<vmem>> -> memref<128x64xf32, #tpu.memory_space<vmem>>
          %dma_wait3A_431 = arith.constant 0 : i32
          %dma_wait3A_432 = tpu.memref_slice %arg9[%dma_wait3A_426, %dma_wait3A_427, %dma_wait3A_431] : memref<47x2x128xi32, #tpu.memory_space<vmem>> -> memref<1x1x128xi32, #tpu.memory_space<vmem>>
          %dma_wait3A_433 = tpu.memref_squeeze %dma_wait3A_432 : memref<1x1x128xi32, #tpu.memory_space<vmem>> -> memref<128xi32, #tpu.memory_space<vmem>>
          %dma_wait3A_434 = arith.constant 0 : i32
          %dma_wait3A_435 = arith.constant 0 : i32
          %dma_wait3A_436 = tpu.memref_slice %arg10[%dma_wait3A_434, %dma_wait3A_435] : memref<10000x64xf32, #tpu.memory_space<vmem_shared>> -> memref<10000x64xf32, #tpu.memory_space<vmem_shared>>
          tpu.wait_indirect_dma semaphore(%arg15 : memref<!tpu.dma_semaphore, #tpu.memory_space<semaphore_mem>>) src(%dma_wait3A_430 : memref<128x64xf32, #tpu.memory_space<vmem>>) dst(%dma_wait3A_436 : memref<10000x64xf32, #tpu.memory_space<vmem_shared>>)
          %dma_wait3A_437 = arith.constant 0 : i32
          %dma_wait3A_438 = arith.constant 1 : i32
          %dma_wait3A_439 = arith.constant 128 : i32
          %dma_wait3A_440 = arith.constant 0 : i32
          %dma_wait3A_441 = tpu.memref_slice %arg7[%dma_wait3A_439, %dma_wait3A_440] : memref<256x64xf32, #tpu.memory_space<vmem>> -> memref<128x64xf32, #tpu.memory_space<vmem>>
          %dma_wait3A_442 = arith.constant 0 : i32
          %dma_wait3A_443 = tpu.memref_slice %arg9[%dma_wait3A_437, %dma_wait3A_438, %dma_wait3A_442] : memref<47x2x128xi32, #tpu.memory_space<vmem>> -> memref<1x1x128xi32, #tpu.memory_space<vmem>>
          %dma_wait3A_444 = tpu.memref_squeeze %dma_wait3A_443 : memref<1x1x128xi32, #tpu.memory_space<vmem>> -> memref<128xi32, #tpu.memory_space<vmem>>
          %dma_wait3A_445 = arith.constant 0 : i32
          %dma_wait3A_446 = arith.constant 0 : i32
          %dma_wait3A_447 = tpu.memref_slice %arg10[%dma_wait3A_445, %dma_wait3A_446] : memref<10000x64xf32, #tpu.memory_space<vmem_shared>> -> memref<10000x64xf32, #tpu.memory_space<vmem_shared>>
          tpu.wait_indirect_dma semaphore(%arg15 : memref<!tpu.dma_semaphore, #tpu.memory_space<semaphore_mem>>) src(%dma_wait3A_441 : memref<128x64xf32, #tpu.memory_space<vmem>>) dst(%dma_wait3A_447 : memref<10000x64xf32, #tpu.memory_space<vmem_shared>>)
        } else {
        }
        %add3A_418 = arith.constant 4 : i32
        %add3A_419 = arith.addi %add3A_381, %add3A_418 : i32
        %sub3A_420 = arith.constant 1 : i32
        %sub3A_421 = arith.subi %add3A_419, %sub3A_420 : i32
        %lt3A_422 = arith.cmpi slt, %sub3A_421, %select_n3A : i32
        %convert_element_type3A_423 = arith.extui %lt3A_422 : i1 to i32
        %cond3A_424 = arith.constant 0 : i32
        %cond3A_425 = arith.cmpi ne, %convert_element_type3A_423, %cond3A_424 : i32
        scf.if %cond3A_425 {
          %add3A_426 = arith.constant 4 : i32
          %add3A_427 = arith.addi %add3A_381, %add3A_426 : i32
          %sub3A_428 = arith.constant 1 : i32
          %sub3A_429 = arith.subi %add3A_427, %sub3A_428 : i32
          %mul3A_430 = arith.constant 47 : i32
          %mul3A_431 = arith.muli %arg1, %mul3A_430 : i32
          %add3A_432 = arith.addi %mul3A_431, %sub3A_429 : i32
          %mul3A_433 = arith.constant 256 : i32
          %mul3A_434 = arith.muli %add3A_432, %mul3A_433 : i32
          %mul3A_435 = arith.constant 64 : i32
          %mul3A_436 = arith.muli %arg0, %mul3A_435 : i32
          %dma_start3A_437 = tpu.memref_slice %arg2[%mul3A_434, %mul3A_436] : memref<320000x128xf32, #tpu.memory_space<hbm>> -> memref<256x64xf32, #tpu.memory_space<hbm>>
          %dma_start3A_438 = tpu.memref_slice %arg2[%mul3A_434, %mul3A_436] : memref<320000x128xf32, #tpu.memory_space<hbm>> -> memref<256x64xf32, #tpu.memory_space<hbm>>
          tpu.enqueue_dma source(%dma_start3A_438 : memref<256x64xf32, #tpu.memory_space<hbm>>) target(%arg7 : memref<256x64xf32, #tpu.memory_space<vmem>>) target_semaphore(%arg13 : memref<!tpu.dma_semaphore, #tpu.memory_space<semaphore_mem>>)
        } else {
        }
      } else {
      }
      %scan3A_386 = arith.constant 0 : i32
      scf.yield %scan3A_386 : i32
    }
    %scan3A_231 = arith.constant 12 : i32
    %dma_wait3A = arith.constant 0 : i32
    %dma_wait3A_232 = arith.constant 0 : i32
    %dma_wait3A_233 = arith.constant 0 : i32
    %dma_wait3A_234 = arith.constant 0 : i32
    %dma_wait3A_235 = tpu.memref_slice %arg5[%dma_wait3A_233, %dma_wait3A_234] : memref<256x64xf32, #tpu.memory_space<vmem>> -> memref<128x64xf32, #tpu.memory_space<vmem>>
    %dma_wait3A_236 = arith.constant 0 : i32
    %dma_wait3A_237 = tpu.memref_slice %arg9[%dma_wait3A, %dma_wait3A_232, %dma_wait3A_236] : memref<47x2x128xi32, #tpu.memory_space<vmem>> -> memref<1x1x128xi32, #tpu.memory_space<vmem>>
    %dma_wait3A_238 = tpu.memref_squeeze %dma_wait3A_237 : memref<1x1x128xi32, #tpu.memory_space<vmem>> -> memref<128xi32, #tpu.memory_space<vmem>>
    %dma_wait3A_239 = arith.constant 0 : i32
    %dma_wait3A_240 = arith.constant 0 : i32
    %dma_wait3A_241 = tpu.memref_slice %arg10[%dma_wait3A_239, %dma_wait3A_240] : memref<10000x64xf32, #tpu.memory_space<vmem_shared>> -> memref<10000x64xf32, #tpu.memory_space<vmem_shared>>
    tpu.wait_indirect_dma semaphore(%arg15 : memref<!tpu.dma_semaphore, #tpu.memory_space<semaphore_mem>>) src(%dma_wait3A_235 : memref<128x64xf32, #tpu.memory_space<vmem>>) dst(%dma_wait3A_241 : memref<10000x64xf32, #tpu.memory_space<vmem_shared>>)
    %dma_wait3A_242 = arith.constant 0 : i32
    %dma_wait3A_243 = arith.constant 1 : i32
    %dma_wait3A_244 = arith.constant 128 : i32
    %dma_wait3A_245 = arith.constant 0 : i32
    %dma_wait3A_246 = tpu.memref_slice %arg5[%dma_wait3A_244, %dma_wait3A_245] : memref<256x64xf32, #tpu.memory_space<vmem>> -> memref<128x64xf32, #tpu.memory_space<vmem>>
    %dma_wait3A_247 = arith.constant 0 : i32
    %dma_wait3A_248 = tpu.memref_slice %arg9[%dma_wait3A_242, %dma_wait3A_243, %dma_wait3A_247] : memref<47x2x128xi32, #tpu.memory_space<vmem>> -> memref<1x1x128xi32, #tpu.memory_space<vmem>>
    %dma_wait3A_249 = tpu.memref_squeeze %dma_wait3A_248 : memref<1x1x128xi32, #tpu.memory_space<vmem>> -> memref<128xi32, #tpu.memory_space<vmem>>
    %dma_wait3A_250 = arith.constant 0 : i32
    %dma_wait3A_251 = arith.constant 0 : i32
    %dma_wait3A_252 = tpu.memref_slice %arg10[%dma_wait3A_250, %dma_wait3A_251] : memref<10000x64xf32, #tpu.memory_space<vmem_shared>> -> memref<10000x64xf32, #tpu.memory_space<vmem_shared>>
    tpu.wait_indirect_dma semaphore(%arg15 : memref<!tpu.dma_semaphore, #tpu.memory_space<semaphore_mem>>) src(%dma_wait3A_246 : memref<128x64xf32, #tpu.memory_space<vmem>>) dst(%dma_wait3A_252 : memref<10000x64xf32, #tpu.memory_space<vmem_shared>>)
    %barrier3A_253 = arith.constant 0 : index
    tpu.barrier barrier_id(%barrier3A_253)
    %eq3A_254 = arith.constant 0 : i32
    %eq3A_255 = arith.cmpi eq, %arg1, %eq3A_254 : i32
    %convert_element_type3A_256 = arith.extui %eq3A_255 : i1 to i32
    %cond3A_257 = arith.constant 0 : i32
    %cond3A_258 = arith.cmpi ne, %convert_element_type3A_256, %cond3A_257 : i32
    scf.if %cond3A_258 {
      %mul3A_354 = arith.constant 64 : i32
      %mul3A_355 = arith.muli %arg0, %mul3A_354 : i32
      "tpu.region"() ({
        %run_scoped3A = tpu.sem_alloc : memref<!tpu.dma_semaphore, #tpu.memory_space<semaphore_mem>>
        %dma_start3A = arith.constant 0 : i32
        %dma_start3A_356 = tpu.memref_slice %arg4[%dma_start3A, %mul3A_355] : memref<10000x128xf32, #tpu.memory_space<hbm>> -> memref<512x64xf32, #tpu.memory_space<hbm>>
        %dma_start3A_357 = arith.constant 0 : i32
        %dma_start3A_358 = arith.constant 0 : i32
        %dma_start3A_359 = tpu.memref_slice %arg10[%dma_start3A_357, %dma_start3A_358] : memref<10000x64xf32, #tpu.memory_space<vmem_shared>> -> memref<512x64xf32, #tpu.memory_space<vmem_shared>>
        tpu.enqueue_dma source(%dma_start3A_359 : memref<512x64xf32, #tpu.memory_space<vmem_shared>>) target(%dma_start3A_356 : memref<512x64xf32, #tpu.memory_space<hbm>>) target_semaphore(%run_scoped3A : memref<!tpu.dma_semaphore, #tpu.memory_space<semaphore_mem>>)
        %dma_wait3A_360 = arith.constant 0 : i32
        %dma_wait3A_361 = tpu.memref_slice %arg4[%dma_wait3A_360, %mul3A_355] : memref<10000x128xf32, #tpu.memory_space<hbm>> -> memref<512x64xf32, #tpu.memory_space<hbm>>
        %dma_wait3A_362 = arith.constant 0 : i32
        %dma_wait3A_363 = arith.constant 0 : i32
        %dma_wait3A_364 = tpu.memref_slice %arg10[%dma_wait3A_362, %dma_wait3A_363] : memref<10000x64xf32, #tpu.memory_space<vmem_shared>> -> memref<512x64xf32, #tpu.memory_space<vmem_shared>>
        tpu.wait_dma2 semaphore(%run_scoped3A : memref<!tpu.dma_semaphore, #tpu.memory_space<semaphore_mem>>) src(%dma_wait3A_364 : memref<512x64xf32, #tpu.memory_space<vmem_shared>>) dst(%dma_wait3A_361 : memref<512x64xf32, #tpu.memory_space<hbm>>)
        tpu.yield
      }) : () -> ()
    } else {
    }
    %eq3A_259 = arith.constant 1 : i32
    %eq3A_260 = arith.cmpi eq, %arg1, %eq3A_259 : i32
    %convert_element_type3A_261 = arith.extui %eq3A_260 : i1 to i32
    %cond3A_262 = arith.constant 0 : i32
    %cond3A_263 = arith.cmpi ne, %convert_element_type3A_261, %cond3A_262 : i32
    scf.if %cond3A_263 {
      %mul3A_354 = arith.constant 64 : i32
      %mul3A_355 = arith.muli %arg0, %mul3A_354 : i32
      "tpu.region"() ({
        %run_scoped3A = tpu.sem_alloc : memref<!tpu.dma_semaphore, #tpu.memory_space<semaphore_mem>>
        %dma_start3A = arith.constant 512 : i32
        %dma_start3A_356 = tpu.memref_slice %arg4[%dma_start3A, %mul3A_355] : memref<10000x128xf32, #tpu.memory_space<hbm>> -> memref<512x64xf32, #tpu.memory_space<hbm>>
        %dma_start3A_357 = arith.constant 512 : i32
        %dma_start3A_358 = arith.constant 0 : i32
        %dma_start3A_359 = tpu.memref_slice %arg10[%dma_start3A_357, %dma_start3A_358] : memref<10000x64xf32, #tpu.memory_space<vmem_shared>> -> memref<512x64xf32, #tpu.memory_space<vmem_shared>>
        tpu.enqueue_dma source(%dma_start3A_359 : memref<512x64xf32, #tpu.memory_space<vmem_shared>>) target(%dma_start3A_356 : memref<512x64xf32, #tpu.memory_space<hbm>>) target_semaphore(%run_scoped3A : memref<!tpu.dma_semaphore, #tpu.memory_space<semaphore_mem>>)
        %dma_wait3A_360 = arith.constant 512 : i32
        %dma_wait3A_361 = tpu.memref_slice %arg4[%dma_wait3A_360, %mul3A_355] : memref<10000x128xf32, #tpu.memory_space<hbm>> -> memref<512x64xf32, #tpu.memory_space<hbm>>
        %dma_wait3A_362 = arith.constant 512 : i32
        %dma_wait3A_363 = arith.constant 0 : i32
        %dma_wait3A_364 = tpu.memref_slice %arg10[%dma_wait3A_362, %dma_wait3A_363] : memref<10000x64xf32, #tpu.memory_space<vmem_shared>> -> memref<512x64xf32, #tpu.memory_space<vmem_shared>>
        tpu.wait_dma2 semaphore(%run_scoped3A : memref<!tpu.dma_semaphore, #tpu.memory_space<semaphore_mem>>) src(%dma_wait3A_364 : memref<512x64xf32, #tpu.memory_space<vmem_shared>>) dst(%dma_wait3A_361 : memref<512x64xf32, #tpu.memory_space<hbm>>)
        tpu.yield
      }) : () -> ()
    } else {
    }
    %eq3A_264 = arith.constant 2 : i32
    %eq3A_265 = arith.cmpi eq, %arg1, %eq3A_264 : i32
    %convert_element_type3A_266 = arith.extui %eq3A_265 : i1 to i32
    %cond3A_267 = arith.constant 0 : i32
    %cond3A_268 = arith.cmpi ne, %convert_element_type3A_266, %cond3A_267 : i32
    scf.if %cond3A_268 {
      %mul3A_354 = arith.constant 64 : i32
      %mul3A_355 = arith.muli %arg0, %mul3A_354 : i32
      "tpu.region"() ({
        %run_scoped3A = tpu.sem_alloc : memref<!tpu.dma_semaphore, #tpu.memory_space<semaphore_mem>>
        %dma_start3A = arith.constant 1024 : i32
        %dma_start3A_356 = tpu.memref_slice %arg4[%dma_start3A, %mul3A_355] : memref<10000x128xf32, #tpu.memory_space<hbm>> -> memref<512x64xf32, #tpu.memory_space<hbm>>
        %dma_start3A_357 = arith.constant 1024 : i32
        %dma_start3A_358 = arith.constant 0 : i32
        %dma_start3A_359 = tpu.memref_slice %arg10[%dma_start3A_357, %dma_start3A_358] : memref<10000x64xf32, #tpu.memory_space<vmem_shared>> -> memref<512x64xf32, #tpu.memory_space<vmem_shared>>
        tpu.enqueue_dma source(%dma_start3A_359 : memref<512x64xf32, #tpu.memory_space<vmem_shared>>) target(%dma_start3A_356 : memref<512x64xf32, #tpu.memory_space<hbm>>) target_semaphore(%run_scoped3A : memref<!tpu.dma_semaphore, #tpu.memory_space<semaphore_mem>>)
        %dma_wait3A_360 = arith.constant 1024 : i32
        %dma_wait3A_361 = tpu.memref_slice %arg4[%dma_wait3A_360, %mul3A_355] : memref<10000x128xf32, #tpu.memory_space<hbm>> -> memref<512x64xf32, #tpu.memory_space<hbm>>
        %dma_wait3A_362 = arith.constant 1024 : i32
        %dma_wait3A_363 = arith.constant 0 : i32
        %dma_wait3A_364 = tpu.memref_slice %arg10[%dma_wait3A_362, %dma_wait3A_363] : memref<10000x64xf32, #tpu.memory_space<vmem_shared>> -> memref<512x64xf32, #tpu.memory_space<vmem_shared>>
        tpu.wait_dma2 semaphore(%run_scoped3A : memref<!tpu.dma_semaphore, #tpu.memory_space<semaphore_mem>>) src(%dma_wait3A_364 : memref<512x64xf32, #tpu.memory_space<vmem_shared>>) dst(%dma_wait3A_361 : memref<512x64xf32, #tpu.memory_space<hbm>>)
        tpu.yield
      }) : () -> ()
    } else {
    }
    %eq3A_269 = arith.constant 3 : i32
    %eq3A_270 = arith.cmpi eq, %arg1, %eq3A_269 : i32
    %convert_element_type3A_271 = arith.extui %eq3A_270 : i1 to i32
    %cond3A_272 = arith.constant 0 : i32
    %cond3A_273 = arith.cmpi ne, %convert_element_type3A_271, %cond3A_272 : i32
    scf.if %cond3A_273 {
      %mul3A_354 = arith.constant 64 : i32
      %mul3A_355 = arith.muli %arg0, %mul3A_354 : i32
      "tpu.region"() ({
        %run_scoped3A = tpu.sem_alloc : memref<!tpu.dma_semaphore, #tpu.memory_space<semaphore_mem>>
        %dma_start3A = arith.constant 1536 : i32
        %dma_start3A_356 = tpu.memref_slice %arg4[%dma_start3A, %mul3A_355] : memref<10000x128xf32, #tpu.memory_space<hbm>> -> memref<512x64xf32, #tpu.memory_space<hbm>>
        %dma_start3A_357 = arith.constant 1536 : i32
        %dma_start3A_358 = arith.constant 0 : i32
        %dma_start3A_359 = tpu.memref_slice %arg10[%dma_start3A_357, %dma_start3A_358] : memref<10000x64xf32, #tpu.memory_space<vmem_shared>> -> memref<512x64xf32, #tpu.memory_space<vmem_shared>>
        tpu.enqueue_dma source(%dma_start3A_359 : memref<512x64xf32, #tpu.memory_space<vmem_shared>>) target(%dma_start3A_356 : memref<512x64xf32, #tpu.memory_space<hbm>>) target_semaphore(%run_scoped3A : memref<!tpu.dma_semaphore, #tpu.memory_space<semaphore_mem>>)
        %dma_wait3A_360 = arith.constant 1536 : i32
        %dma_wait3A_361 = tpu.memref_slice %arg4[%dma_wait3A_360, %mul3A_355] : memref<10000x128xf32, #tpu.memory_space<hbm>> -> memref<512x64xf32, #tpu.memory_space<hbm>>
        %dma_wait3A_362 = arith.constant 1536 : i32
        %dma_wait3A_363 = arith.constant 0 : i32
        %dma_wait3A_364 = tpu.memref_slice %arg10[%dma_wait3A_362, %dma_wait3A_363] : memref<10000x64xf32, #tpu.memory_space<vmem_shared>> -> memref<512x64xf32, #tpu.memory_space<vmem_shared>>
        tpu.wait_dma2 semaphore(%run_scoped3A : memref<!tpu.dma_semaphore, #tpu.memory_space<semaphore_mem>>) src(%dma_wait3A_364 : memref<512x64xf32, #tpu.memory_space<vmem_shared>>) dst(%dma_wait3A_361 : memref<512x64xf32, #tpu.memory_space<hbm>>)
        tpu.yield
      }) : () -> ()
    } else {
    }
    %eq3A_274 = arith.constant 4 : i32
    %eq3A_275 = arith.cmpi eq, %arg1, %eq3A_274 : i32
    %convert_element_type3A_276 = arith.extui %eq3A_275 : i1 to i32
    %cond3A_277 = arith.constant 0 : i32
    %cond3A_278 = arith.cmpi ne, %convert_element_type3A_276, %cond3A_277 : i32
    scf.if %cond3A_278 {
      %mul3A_354 = arith.constant 64 : i32
      %mul3A_355 = arith.muli %arg0, %mul3A_354 : i32
      "tpu.region"() ({
        %run_scoped3A = tpu.sem_alloc : memref<!tpu.dma_semaphore, #tpu.memory_space<semaphore_mem>>
        %dma_start3A = arith.constant 2048 : i32
        %dma_start3A_356 = tpu.memref_slice %arg4[%dma_start3A, %mul3A_355] : memref<10000x128xf32, #tpu.memory_space<hbm>> -> memref<512x64xf32, #tpu.memory_space<hbm>>
        %dma_start3A_357 = arith.constant 2048 : i32
        %dma_start3A_358 = arith.constant 0 : i32
        %dma_start3A_359 = tpu.memref_slice %arg10[%dma_start3A_357, %dma_start3A_358] : memref<10000x64xf32, #tpu.memory_space<vmem_shared>> -> memref<512x64xf32, #tpu.memory_space<vmem_shared>>
        tpu.enqueue_dma source(%dma_start3A_359 : memref<512x64xf32, #tpu.memory_space<vmem_shared>>) target(%dma_start3A_356 : memref<512x64xf32, #tpu.memory_space<hbm>>) target_semaphore(%run_scoped3A : memref<!tpu.dma_semaphore, #tpu.memory_space<semaphore_mem>>)
        %dma_wait3A_360 = arith.constant 2048 : i32
        %dma_wait3A_361 = tpu.memref_slice %arg4[%dma_wait3A_360, %mul3A_355] : memref<10000x128xf32, #tpu.memory_space<hbm>> -> memref<512x64xf32, #tpu.memory_space<hbm>>
        %dma_wait3A_362 = arith.constant 2048 : i32
        %dma_wait3A_363 = arith.constant 0 : i32
        %dma_wait3A_364 = tpu.memref_slice %arg10[%dma_wait3A_362, %dma_wait3A_363] : memref<10000x64xf32, #tpu.memory_space<vmem_shared>> -> memref<512x64xf32, #tpu.memory_space<vmem_shared>>
        tpu.wait_dma2 semaphore(%run_scoped3A : memref<!tpu.dma_semaphore, #tpu.memory_space<semaphore_mem>>) src(%dma_wait3A_364 : memref<512x64xf32, #tpu.memory_space<vmem_shared>>) dst(%dma_wait3A_361 : memref<512x64xf32, #tpu.memory_space<hbm>>)
        tpu.yield
      }) : () -> ()
    } else {
    }
    %eq3A_279 = arith.constant 5 : i32
    %eq3A_280 = arith.cmpi eq, %arg1, %eq3A_279 : i32
    %convert_element_type3A_281 = arith.extui %eq3A_280 : i1 to i32
    %cond3A_282 = arith.constant 0 : i32
    %cond3A_283 = arith.cmpi ne, %convert_element_type3A_281, %cond3A_282 : i32
    scf.if %cond3A_283 {
      %mul3A_354 = arith.constant 64 : i32
      %mul3A_355 = arith.muli %arg0, %mul3A_354 : i32
      "tpu.region"() ({
        %run_scoped3A = tpu.sem_alloc : memref<!tpu.dma_semaphore, #tpu.memory_space<semaphore_mem>>
        %dma_start3A = arith.constant 2560 : i32
        %dma_start3A_356 = tpu.memref_slice %arg4[%dma_start3A, %mul3A_355] : memref<10000x128xf32, #tpu.memory_space<hbm>> -> memref<512x64xf32, #tpu.memory_space<hbm>>
        %dma_start3A_357 = arith.constant 2560 : i32
        %dma_start3A_358 = arith.constant 0 : i32
        %dma_start3A_359 = tpu.memref_slice %arg10[%dma_start3A_357, %dma_start3A_358] : memref<10000x64xf32, #tpu.memory_space<vmem_shared>> -> memref<512x64xf32, #tpu.memory_space<vmem_shared>>
        tpu.enqueue_dma source(%dma_start3A_359 : memref<512x64xf32, #tpu.memory_space<vmem_shared>>) target(%dma_start3A_356 : memref<512x64xf32, #tpu.memory_space<hbm>>) target_semaphore(%run_scoped3A : memref<!tpu.dma_semaphore, #tpu.memory_space<semaphore_mem>>)
        %dma_wait3A_360 = arith.constant 2560 : i32
        %dma_wait3A_361 = tpu.memref_slice %arg4[%dma_wait3A_360, %mul3A_355] : memref<10000x128xf32, #tpu.memory_space<hbm>> -> memref<512x64xf32, #tpu.memory_space<hbm>>
        %dma_wait3A_362 = arith.constant 2560 : i32
        %dma_wait3A_363 = arith.constant 0 : i32
        %dma_wait3A_364 = tpu.memref_slice %arg10[%dma_wait3A_362, %dma_wait3A_363] : memref<10000x64xf32, #tpu.memory_space<vmem_shared>> -> memref<512x64xf32, #tpu.memory_space<vmem_shared>>
        tpu.wait_dma2 semaphore(%run_scoped3A : memref<!tpu.dma_semaphore, #tpu.memory_space<semaphore_mem>>) src(%dma_wait3A_364 : memref<512x64xf32, #tpu.memory_space<vmem_shared>>) dst(%dma_wait3A_361 : memref<512x64xf32, #tpu.memory_space<hbm>>)
        tpu.yield
      }) : () -> ()
    } else {
    }
    %eq3A_284 = arith.constant 6 : i32
    %eq3A_285 = arith.cmpi eq, %arg1, %eq3A_284 : i32
    %convert_element_type3A_286 = arith.extui %eq3A_285 : i1 to i32
    %cond3A_287 = arith.constant 0 : i32
    %cond3A_288 = arith.cmpi ne, %convert_element_type3A_286, %cond3A_287 : i32
    scf.if %cond3A_288 {
      %mul3A_354 = arith.constant 64 : i32
      %mul3A_355 = arith.muli %arg0, %mul3A_354 : i32
      "tpu.region"() ({
        %run_scoped3A = tpu.sem_alloc : memref<!tpu.dma_semaphore, #tpu.memory_space<semaphore_mem>>
        %dma_start3A = arith.constant 3072 : i32
        %dma_start3A_356 = tpu.memref_slice %arg4[%dma_start3A, %mul3A_355] : memref<10000x128xf32, #tpu.memory_space<hbm>> -> memref<512x64xf32, #tpu.memory_space<hbm>>
        %dma_start3A_357 = arith.constant 3072 : i32
        %dma_start3A_358 = arith.constant 0 : i32
        %dma_start3A_359 = tpu.memref_slice %arg10[%dma_start3A_357, %dma_start3A_358] : memref<10000x64xf32, #tpu.memory_space<vmem_shared>> -> memref<512x64xf32, #tpu.memory_space<vmem_shared>>
        tpu.enqueue_dma source(%dma_start3A_359 : memref<512x64xf32, #tpu.memory_space<vmem_shared>>) target(%dma_start3A_356 : memref<512x64xf32, #tpu.memory_space<hbm>>) target_semaphore(%run_scoped3A : memref<!tpu.dma_semaphore, #tpu.memory_space<semaphore_mem>>)
        %dma_wait3A_360 = arith.constant 3072 : i32
        %dma_wait3A_361 = tpu.memref_slice %arg4[%dma_wait3A_360, %mul3A_355] : memref<10000x128xf32, #tpu.memory_space<hbm>> -> memref<512x64xf32, #tpu.memory_space<hbm>>
        %dma_wait3A_362 = arith.constant 3072 : i32
        %dma_wait3A_363 = arith.constant 0 : i32
        %dma_wait3A_364 = tpu.memref_slice %arg10[%dma_wait3A_362, %dma_wait3A_363] : memref<10000x64xf32, #tpu.memory_space<vmem_shared>> -> memref<512x64xf32, #tpu.memory_space<vmem_shared>>
        tpu.wait_dma2 semaphore(%run_scoped3A : memref<!tpu.dma_semaphore, #tpu.memory_space<semaphore_mem>>) src(%dma_wait3A_364 : memref<512x64xf32, #tpu.memory_space<vmem_shared>>) dst(%dma_wait3A_361 : memref<512x64xf32, #tpu.memory_space<hbm>>)
        tpu.yield
      }) : () -> ()
    } else {
    }
    %eq3A_289 = arith.constant 7 : i32
    %eq3A_290 = arith.cmpi eq, %arg1, %eq3A_289 : i32
    %convert_element_type3A_291 = arith.extui %eq3A_290 : i1 to i32
    %cond3A_292 = arith.constant 0 : i32
    %cond3A_293 = arith.cmpi ne, %convert_element_type3A_291, %cond3A_292 : i32
    scf.if %cond3A_293 {
      %mul3A_354 = arith.constant 64 : i32
      %mul3A_355 = arith.muli %arg0, %mul3A_354 : i32
      "tpu.region"() ({
        %run_scoped3A = tpu.sem_alloc : memref<!tpu.dma_semaphore, #tpu.memory_space<semaphore_mem>>
        %dma_start3A = arith.constant 3584 : i32
        %dma_start3A_356 = tpu.memref_slice %arg4[%dma_start3A, %mul3A_355] : memref<10000x128xf32, #tpu.memory_space<hbm>> -> memref<512x64xf32, #tpu.memory_space<hbm>>
        %dma_start3A_357 = arith.constant 3584 : i32
        %dma_start3A_358 = arith.constant 0 : i32
        %dma_start3A_359 = tpu.memref_slice %arg10[%dma_start3A_357, %dma_start3A_358] : memref<10000x64xf32, #tpu.memory_space<vmem_shared>> -> memref<512x64xf32, #tpu.memory_space<vmem_shared>>
        tpu.enqueue_dma source(%dma_start3A_359 : memref<512x64xf32, #tpu.memory_space<vmem_shared>>) target(%dma_start3A_356 : memref<512x64xf32, #tpu.memory_space<hbm>>) target_semaphore(%run_scoped3A : memref<!tpu.dma_semaphore, #tpu.memory_space<semaphore_mem>>)
        %dma_wait3A_360 = arith.constant 3584 : i32
        %dma_wait3A_361 = tpu.memref_slice %arg4[%dma_wait3A_360, %mul3A_355] : memref<10000x128xf32, #tpu.memory_space<hbm>> -> memref<512x64xf32, #tpu.memory_space<hbm>>
        %dma_wait3A_362 = arith.constant 3584 : i32
        %dma_wait3A_363 = arith.constant 0 : i32
        %dma_wait3A_364 = tpu.memref_slice %arg10[%dma_wait3A_362, %dma_wait3A_363] : memref<10000x64xf32, #tpu.memory_space<vmem_shared>> -> memref<512x64xf32, #tpu.memory_space<vmem_shared>>
        tpu.wait_dma2 semaphore(%run_scoped3A : memref<!tpu.dma_semaphore, #tpu.memory_space<semaphore_mem>>) src(%dma_wait3A_364 : memref<512x64xf32, #tpu.memory_space<vmem_shared>>) dst(%dma_wait3A_361 : memref<512x64xf32, #tpu.memory_space<hbm>>)
        tpu.yield
      }) : () -> ()
    } else {
    }
    %eq3A_294 = arith.constant 8 : i32
    %eq3A_295 = arith.cmpi eq, %arg1, %eq3A_294 : i32
    %convert_element_type3A_296 = arith.extui %eq3A_295 : i1 to i32
    %cond3A_297 = arith.constant 0 : i32
    %cond3A_298 = arith.cmpi ne, %convert_element_type3A_296, %cond3A_297 : i32
    scf.if %cond3A_298 {
      %mul3A_354 = arith.constant 64 : i32
      %mul3A_355 = arith.muli %arg0, %mul3A_354 : i32
      "tpu.region"() ({
        %run_scoped3A = tpu.sem_alloc : memref<!tpu.dma_semaphore, #tpu.memory_space<semaphore_mem>>
        %dma_start3A = arith.constant 4096 : i32
        %dma_start3A_356 = tpu.memref_slice %arg4[%dma_start3A, %mul3A_355] : memref<10000x128xf32, #tpu.memory_space<hbm>> -> memref<512x64xf32, #tpu.memory_space<hbm>>
        %dma_start3A_357 = arith.constant 4096 : i32
        %dma_start3A_358 = arith.constant 0 : i32
        %dma_start3A_359 = tpu.memref_slice %arg10[%dma_start3A_357, %dma_start3A_358] : memref<10000x64xf32, #tpu.memory_space<vmem_shared>> -> memref<512x64xf32, #tpu.memory_space<vmem_shared>>
        tpu.enqueue_dma source(%dma_start3A_359 : memref<512x64xf32, #tpu.memory_space<vmem_shared>>) target(%dma_start3A_356 : memref<512x64xf32, #tpu.memory_space<hbm>>) target_semaphore(%run_scoped3A : memref<!tpu.dma_semaphore, #tpu.memory_space<semaphore_mem>>)
        %dma_wait3A_360 = arith.constant 4096 : i32
        %dma_wait3A_361 = tpu.memref_slice %arg4[%dma_wait3A_360, %mul3A_355] : memref<10000x128xf32, #tpu.memory_space<hbm>> -> memref<512x64xf32, #tpu.memory_space<hbm>>
        %dma_wait3A_362 = arith.constant 4096 : i32
        %dma_wait3A_363 = arith.constant 0 : i32
        %dma_wait3A_364 = tpu.memref_slice %arg10[%dma_wait3A_362, %dma_wait3A_363] : memref<10000x64xf32, #tpu.memory_space<vmem_shared>> -> memref<512x64xf32, #tpu.memory_space<vmem_shared>>
        tpu.wait_dma2 semaphore(%run_scoped3A : memref<!tpu.dma_semaphore, #tpu.memory_space<semaphore_mem>>) src(%dma_wait3A_364 : memref<512x64xf32, #tpu.memory_space<vmem_shared>>) dst(%dma_wait3A_361 : memref<512x64xf32, #tpu.memory_space<hbm>>)
        tpu.yield
      }) : () -> ()
    } else {
    }
    %eq3A_299 = arith.constant 9 : i32
    %eq3A_300 = arith.cmpi eq, %arg1, %eq3A_299 : i32
    %convert_element_type3A_301 = arith.extui %eq3A_300 : i1 to i32
    %cond3A_302 = arith.constant 0 : i32
    %cond3A_303 = arith.cmpi ne, %convert_element_type3A_301, %cond3A_302 : i32
    scf.if %cond3A_303 {
      %mul3A_354 = arith.constant 64 : i32
      %mul3A_355 = arith.muli %arg0, %mul3A_354 : i32
      "tpu.region"() ({
        %run_scoped3A = tpu.sem_alloc : memref<!tpu.dma_semaphore, #tpu.memory_space<semaphore_mem>>
        %dma_start3A = arith.constant 4608 : i32
        %dma_start3A_356 = tpu.memref_slice %arg4[%dma_start3A, %mul3A_355] : memref<10000x128xf32, #tpu.memory_space<hbm>> -> memref<512x64xf32, #tpu.memory_space<hbm>>
        %dma_start3A_357 = arith.constant 4608 : i32
        %dma_start3A_358 = arith.constant 0 : i32
        %dma_start3A_359 = tpu.memref_slice %arg10[%dma_start3A_357, %dma_start3A_358] : memref<10000x64xf32, #tpu.memory_space<vmem_shared>> -> memref<512x64xf32, #tpu.memory_space<vmem_shared>>
        tpu.enqueue_dma source(%dma_start3A_359 : memref<512x64xf32, #tpu.memory_space<vmem_shared>>) target(%dma_start3A_356 : memref<512x64xf32, #tpu.memory_space<hbm>>) target_semaphore(%run_scoped3A : memref<!tpu.dma_semaphore, #tpu.memory_space<semaphore_mem>>)
        %dma_wait3A_360 = arith.constant 4608 : i32
        %dma_wait3A_361 = tpu.memref_slice %arg4[%dma_wait3A_360, %mul3A_355] : memref<10000x128xf32, #tpu.memory_space<hbm>> -> memref<512x64xf32, #tpu.memory_space<hbm>>
        %dma_wait3A_362 = arith.constant 4608 : i32
        %dma_wait3A_363 = arith.constant 0 : i32
        %dma_wait3A_364 = tpu.memref_slice %arg10[%dma_wait3A_362, %dma_wait3A_363] : memref<10000x64xf32, #tpu.memory_space<vmem_shared>> -> memref<512x64xf32, #tpu.memory_space<vmem_shared>>
        tpu.wait_dma2 semaphore(%run_scoped3A : memref<!tpu.dma_semaphore, #tpu.memory_space<semaphore_mem>>) src(%dma_wait3A_364 : memref<512x64xf32, #tpu.memory_space<vmem_shared>>) dst(%dma_wait3A_361 : memref<512x64xf32, #tpu.memory_space<hbm>>)
        tpu.yield
      }) : () -> ()
    } else {
    }
    %eq3A_304 = arith.constant 10 : i32
    %eq3A_305 = arith.cmpi eq, %arg1, %eq3A_304 : i32
    %convert_element_type3A_306 = arith.extui %eq3A_305 : i1 to i32
    %cond3A_307 = arith.constant 0 : i32
    %cond3A_308 = arith.cmpi ne, %convert_element_type3A_306, %cond3A_307 : i32
    scf.if %cond3A_308 {
      %mul3A_354 = arith.constant 64 : i32
      %mul3A_355 = arith.muli %arg0, %mul3A_354 : i32
      "tpu.region"() ({
        %run_scoped3A = tpu.sem_alloc : memref<!tpu.dma_semaphore, #tpu.memory_space<semaphore_mem>>
        %dma_start3A = arith.constant 5120 : i32
        %dma_start3A_356 = tpu.memref_slice %arg4[%dma_start3A, %mul3A_355] : memref<10000x128xf32, #tpu.memory_space<hbm>> -> memref<512x64xf32, #tpu.memory_space<hbm>>
        %dma_start3A_357 = arith.constant 5120 : i32
        %dma_start3A_358 = arith.constant 0 : i32
        %dma_start3A_359 = tpu.memref_slice %arg10[%dma_start3A_357, %dma_start3A_358] : memref<10000x64xf32, #tpu.memory_space<vmem_shared>> -> memref<512x64xf32, #tpu.memory_space<vmem_shared>>
        tpu.enqueue_dma source(%dma_start3A_359 : memref<512x64xf32, #tpu.memory_space<vmem_shared>>) target(%dma_start3A_356 : memref<512x64xf32, #tpu.memory_space<hbm>>) target_semaphore(%run_scoped3A : memref<!tpu.dma_semaphore, #tpu.memory_space<semaphore_mem>>)
        %dma_wait3A_360 = arith.constant 5120 : i32
        %dma_wait3A_361 = tpu.memref_slice %arg4[%dma_wait3A_360, %mul3A_355] : memref<10000x128xf32, #tpu.memory_space<hbm>> -> memref<512x64xf32, #tpu.memory_space<hbm>>
        %dma_wait3A_362 = arith.constant 5120 : i32
        %dma_wait3A_363 = arith.constant 0 : i32
        %dma_wait3A_364 = tpu.memref_slice %arg10[%dma_wait3A_362, %dma_wait3A_363] : memref<10000x64xf32, #tpu.memory_space<vmem_shared>> -> memref<512x64xf32, #tpu.memory_space<vmem_shared>>
        tpu.wait_dma2 semaphore(%run_scoped3A : memref<!tpu.dma_semaphore, #tpu.memory_space<semaphore_mem>>) src(%dma_wait3A_364 : memref<512x64xf32, #tpu.memory_space<vmem_shared>>) dst(%dma_wait3A_361 : memref<512x64xf32, #tpu.memory_space<hbm>>)
        tpu.yield
      }) : () -> ()
    } else {
    }
    %eq3A_309 = arith.constant 11 : i32
    %eq3A_310 = arith.cmpi eq, %arg1, %eq3A_309 : i32
    %convert_element_type3A_311 = arith.extui %eq3A_310 : i1 to i32
    %cond3A_312 = arith.constant 0 : i32
    %cond3A_313 = arith.cmpi ne, %convert_element_type3A_311, %cond3A_312 : i32
    scf.if %cond3A_313 {
      %mul3A_354 = arith.constant 64 : i32
      %mul3A_355 = arith.muli %arg0, %mul3A_354 : i32
      "tpu.region"() ({
        %run_scoped3A = tpu.sem_alloc : memref<!tpu.dma_semaphore, #tpu.memory_space<semaphore_mem>>
        %dma_start3A = arith.constant 5632 : i32
        %dma_start3A_356 = tpu.memref_slice %arg4[%dma_start3A, %mul3A_355] : memref<10000x128xf32, #tpu.memory_space<hbm>> -> memref<512x64xf32, #tpu.memory_space<hbm>>
        %dma_start3A_357 = arith.constant 5632 : i32
        %dma_start3A_358 = arith.constant 0 : i32
        %dma_start3A_359 = tpu.memref_slice %arg10[%dma_start3A_357, %dma_start3A_358] : memref<10000x64xf32, #tpu.memory_space<vmem_shared>> -> memref<512x64xf32, #tpu.memory_space<vmem_shared>>
        tpu.enqueue_dma source(%dma_start3A_359 : memref<512x64xf32, #tpu.memory_space<vmem_shared>>) target(%dma_start3A_356 : memref<512x64xf32, #tpu.memory_space<hbm>>) target_semaphore(%run_scoped3A : memref<!tpu.dma_semaphore, #tpu.memory_space<semaphore_mem>>)
        %dma_wait3A_360 = arith.constant 5632 : i32
        %dma_wait3A_361 = tpu.memref_slice %arg4[%dma_wait3A_360, %mul3A_355] : memref<10000x128xf32, #tpu.memory_space<hbm>> -> memref<512x64xf32, #tpu.memory_space<hbm>>
        %dma_wait3A_362 = arith.constant 5632 : i32
        %dma_wait3A_363 = arith.constant 0 : i32
        %dma_wait3A_364 = tpu.memref_slice %arg10[%dma_wait3A_362, %dma_wait3A_363] : memref<10000x64xf32, #tpu.memory_space<vmem_shared>> -> memref<512x64xf32, #tpu.memory_space<vmem_shared>>
        tpu.wait_dma2 semaphore(%run_scoped3A : memref<!tpu.dma_semaphore, #tpu.memory_space<semaphore_mem>>) src(%dma_wait3A_364 : memref<512x64xf32, #tpu.memory_space<vmem_shared>>) dst(%dma_wait3A_361 : memref<512x64xf32, #tpu.memory_space<hbm>>)
        tpu.yield
      }) : () -> ()
    } else {
    }
    %eq3A_314 = arith.constant 12 : i32
    %eq3A_315 = arith.cmpi eq, %arg1, %eq3A_314 : i32
    %convert_element_type3A_316 = arith.extui %eq3A_315 : i1 to i32
    %cond3A_317 = arith.constant 0 : i32
    %cond3A_318 = arith.cmpi ne, %convert_element_type3A_316, %cond3A_317 : i32
    scf.if %cond3A_318 {
      %mul3A_354 = arith.constant 64 : i32
      %mul3A_355 = arith.muli %arg0, %mul3A_354 : i32
      "tpu.region"() ({
        %run_scoped3A = tpu.sem_alloc : memref<!tpu.dma_semaphore, #tpu.memory_space<semaphore_mem>>
        %dma_start3A = arith.constant 6144 : i32
        %dma_start3A_356 = tpu.memref_slice %arg4[%dma_start3A, %mul3A_355] : memref<10000x128xf32, #tpu.memory_space<hbm>> -> memref<512x64xf32, #tpu.memory_space<hbm>>
        %dma_start3A_357 = arith.constant 6144 : i32
        %dma_start3A_358 = arith.constant 0 : i32
        %dma_start3A_359 = tpu.memref_slice %arg10[%dma_start3A_357, %dma_start3A_358] : memref<10000x64xf32, #tpu.memory_space<vmem_shared>> -> memref<512x64xf32, #tpu.memory_space<vmem_shared>>
        tpu.enqueue_dma source(%dma_start3A_359 : memref<512x64xf32, #tpu.memory_space<vmem_shared>>) target(%dma_start3A_356 : memref<512x64xf32, #tpu.memory_space<hbm>>) target_semaphore(%run_scoped3A : memref<!tpu.dma_semaphore, #tpu.memory_space<semaphore_mem>>)
        %dma_wait3A_360 = arith.constant 6144 : i32
        %dma_wait3A_361 = tpu.memref_slice %arg4[%dma_wait3A_360, %mul3A_355] : memref<10000x128xf32, #tpu.memory_space<hbm>> -> memref<512x64xf32, #tpu.memory_space<hbm>>
        %dma_wait3A_362 = arith.constant 6144 : i32
        %dma_wait3A_363 = arith.constant 0 : i32
        %dma_wait3A_364 = tpu.memref_slice %arg10[%dma_wait3A_362, %dma_wait3A_363] : memref<10000x64xf32, #tpu.memory_space<vmem_shared>> -> memref<512x64xf32, #tpu.memory_space<vmem_shared>>
        tpu.wait_dma2 semaphore(%run_scoped3A : memref<!tpu.dma_semaphore, #tpu.memory_space<semaphore_mem>>) src(%dma_wait3A_364 : memref<512x64xf32, #tpu.memory_space<vmem_shared>>) dst(%dma_wait3A_361 : memref<512x64xf32, #tpu.memory_space<hbm>>)
        tpu.yield
      }) : () -> ()
    } else {
    }
    %eq3A_319 = arith.constant 13 : i32
    %eq3A_320 = arith.cmpi eq, %arg1, %eq3A_319 : i32
    %convert_element_type3A_321 = arith.extui %eq3A_320 : i1 to i32
    %cond3A_322 = arith.constant 0 : i32
    %cond3A_323 = arith.cmpi ne, %convert_element_type3A_321, %cond3A_322 : i32
    scf.if %cond3A_323 {
      %mul3A_354 = arith.constant 64 : i32
      %mul3A_355 = arith.muli %arg0, %mul3A_354 : i32
      "tpu.region"() ({
        %run_scoped3A = tpu.sem_alloc : memref<!tpu.dma_semaphore, #tpu.memory_space<semaphore_mem>>
        %dma_start3A = arith.constant 6656 : i32
        %dma_start3A_356 = tpu.memref_slice %arg4[%dma_start3A, %mul3A_355] : memref<10000x128xf32, #tpu.memory_space<hbm>> -> memref<512x64xf32, #tpu.memory_space<hbm>>
        %dma_start3A_357 = arith.constant 6656 : i32
        %dma_start3A_358 = arith.constant 0 : i32
        %dma_start3A_359 = tpu.memref_slice %arg10[%dma_start3A_357, %dma_start3A_358] : memref<10000x64xf32, #tpu.memory_space<vmem_shared>> -> memref<512x64xf32, #tpu.memory_space<vmem_shared>>
        tpu.enqueue_dma source(%dma_start3A_359 : memref<512x64xf32, #tpu.memory_space<vmem_shared>>) target(%dma_start3A_356 : memref<512x64xf32, #tpu.memory_space<hbm>>) target_semaphore(%run_scoped3A : memref<!tpu.dma_semaphore, #tpu.memory_space<semaphore_mem>>)
        %dma_wait3A_360 = arith.constant 6656 : i32
        %dma_wait3A_361 = tpu.memref_slice %arg4[%dma_wait3A_360, %mul3A_355] : memref<10000x128xf32, #tpu.memory_space<hbm>> -> memref<512x64xf32, #tpu.memory_space<hbm>>
        %dma_wait3A_362 = arith.constant 6656 : i32
        %dma_wait3A_363 = arith.constant 0 : i32
        %dma_wait3A_364 = tpu.memref_slice %arg10[%dma_wait3A_362, %dma_wait3A_363] : memref<10000x64xf32, #tpu.memory_space<vmem_shared>> -> memref<512x64xf32, #tpu.memory_space<vmem_shared>>
        tpu.wait_dma2 semaphore(%run_scoped3A : memref<!tpu.dma_semaphore, #tpu.memory_space<semaphore_mem>>) src(%dma_wait3A_364 : memref<512x64xf32, #tpu.memory_space<vmem_shared>>) dst(%dma_wait3A_361 : memref<512x64xf32, #tpu.memory_space<hbm>>)
        tpu.yield
      }) : () -> ()
    } else {
    }
    %eq3A_324 = arith.constant 14 : i32
    %eq3A_325 = arith.cmpi eq, %arg1, %eq3A_324 : i32
    %convert_element_type3A_326 = arith.extui %eq3A_325 : i1 to i32
    %cond3A_327 = arith.constant 0 : i32
    %cond3A_328 = arith.cmpi ne, %convert_element_type3A_326, %cond3A_327 : i32
    scf.if %cond3A_328 {
      %mul3A_354 = arith.constant 64 : i32
      %mul3A_355 = arith.muli %arg0, %mul3A_354 : i32
      "tpu.region"() ({
        %run_scoped3A = tpu.sem_alloc : memref<!tpu.dma_semaphore, #tpu.memory_space<semaphore_mem>>
        %dma_start3A = arith.constant 7168 : i32
        %dma_start3A_356 = tpu.memref_slice %arg4[%dma_start3A, %mul3A_355] : memref<10000x128xf32, #tpu.memory_space<hbm>> -> memref<512x64xf32, #tpu.memory_space<hbm>>
        %dma_start3A_357 = arith.constant 7168 : i32
        %dma_start3A_358 = arith.constant 0 : i32
        %dma_start3A_359 = tpu.memref_slice %arg10[%dma_start3A_357, %dma_start3A_358] : memref<10000x64xf32, #tpu.memory_space<vmem_shared>> -> memref<512x64xf32, #tpu.memory_space<vmem_shared>>
        tpu.enqueue_dma source(%dma_start3A_359 : memref<512x64xf32, #tpu.memory_space<vmem_shared>>) target(%dma_start3A_356 : memref<512x64xf32, #tpu.memory_space<hbm>>) target_semaphore(%run_scoped3A : memref<!tpu.dma_semaphore, #tpu.memory_space<semaphore_mem>>)
        %dma_wait3A_360 = arith.constant 7168 : i32
        %dma_wait3A_361 = tpu.memref_slice %arg4[%dma_wait3A_360, %mul3A_355] : memref<10000x128xf32, #tpu.memory_space<hbm>> -> memref<512x64xf32, #tpu.memory_space<hbm>>
        %dma_wait3A_362 = arith.constant 7168 : i32
        %dma_wait3A_363 = arith.constant 0 : i32
        %dma_wait3A_364 = tpu.memref_slice %arg10[%dma_wait3A_362, %dma_wait3A_363] : memref<10000x64xf32, #tpu.memory_space<vmem_shared>> -> memref<512x64xf32, #tpu.memory_space<vmem_shared>>
        tpu.wait_dma2 semaphore(%run_scoped3A : memref<!tpu.dma_semaphore, #tpu.memory_space<semaphore_mem>>) src(%dma_wait3A_364 : memref<512x64xf32, #tpu.memory_space<vmem_shared>>) dst(%dma_wait3A_361 : memref<512x64xf32, #tpu.memory_space<hbm>>)
        tpu.yield
      }) : () -> ()
    } else {
    }
    %eq3A_329 = arith.constant 15 : i32
    %eq3A_330 = arith.cmpi eq, %arg1, %eq3A_329 : i32
    %convert_element_type3A_331 = arith.extui %eq3A_330 : i1 to i32
    %cond3A_332 = arith.constant 0 : i32
    %cond3A_333 = arith.cmpi ne, %convert_element_type3A_331, %cond3A_332 : i32
    scf.if %cond3A_333 {
      %mul3A_354 = arith.constant 64 : i32
      %mul3A_355 = arith.muli %arg0, %mul3A_354 : i32
      "tpu.region"() ({
        %run_scoped3A = tpu.sem_alloc : memref<!tpu.dma_semaphore, #tpu.memory_space<semaphore_mem>>
        %dma_start3A = arith.constant 7680 : i32
        %dma_start3A_356 = tpu.memref_slice %arg4[%dma_start3A, %mul3A_355] : memref<10000x128xf32, #tpu.memory_space<hbm>> -> memref<512x64xf32, #tpu.memory_space<hbm>>
        %dma_start3A_357 = arith.constant 7680 : i32
        %dma_start3A_358 = arith.constant 0 : i32
        %dma_start3A_359 = tpu.memref_slice %arg10[%dma_start3A_357, %dma_start3A_358] : memref<10000x64xf32, #tpu.memory_space<vmem_shared>> -> memref<512x64xf32, #tpu.memory_space<vmem_shared>>
        tpu.enqueue_dma source(%dma_start3A_359 : memref<512x64xf32, #tpu.memory_space<vmem_shared>>) target(%dma_start3A_356 : memref<512x64xf32, #tpu.memory_space<hbm>>) target_semaphore(%run_scoped3A : memref<!tpu.dma_semaphore, #tpu.memory_space<semaphore_mem>>)
        %dma_wait3A_360 = arith.constant 7680 : i32
        %dma_wait3A_361 = tpu.memref_slice %arg4[%dma_wait3A_360, %mul3A_355] : memref<10000x128xf32, #tpu.memory_space<hbm>> -> memref<512x64xf32, #tpu.memory_space<hbm>>
        %dma_wait3A_362 = arith.constant 7680 : i32
        %dma_wait3A_363 = arith.constant 0 : i32
        %dma_wait3A_364 = tpu.memref_slice %arg10[%dma_wait3A_362, %dma_wait3A_363] : memref<10000x64xf32, #tpu.memory_space<vmem_shared>> -> memref<512x64xf32, #tpu.memory_space<vmem_shared>>
        tpu.wait_dma2 semaphore(%run_scoped3A : memref<!tpu.dma_semaphore, #tpu.memory_space<semaphore_mem>>) src(%dma_wait3A_364 : memref<512x64xf32, #tpu.memory_space<vmem_shared>>) dst(%dma_wait3A_361 : memref<512x64xf32, #tpu.memory_space<hbm>>)
        tpu.yield
      }) : () -> ()
    } else {
    }
    %eq3A_334 = arith.constant 0 : i32
    %eq3A_335 = arith.cmpi eq, %arg1, %eq3A_334 : i32
    %convert_element_type3A_336 = arith.extui %eq3A_335 : i1 to i32
    %cond3A_337 = arith.constant 0 : i32
    %cond3A_338 = arith.cmpi ne, %convert_element_type3A_336, %cond3A_337 : i32
    scf.if %cond3A_338 {
      %mul3A_354 = arith.constant 64 : i32
      %mul3A_355 = arith.muli %arg0, %mul3A_354 : i32
      "tpu.region"() ({
        %run_scoped3A = tpu.sem_alloc : memref<!tpu.dma_semaphore, #tpu.memory_space<semaphore_mem>>
        %dma_start3A = arith.constant 8192 : i32
        %dma_start3A_356 = tpu.memref_slice %arg4[%dma_start3A, %mul3A_355] : memref<10000x128xf32, #tpu.memory_space<hbm>> -> memref<512x64xf32, #tpu.memory_space<hbm>>
        %dma_start3A_357 = arith.constant 8192 : i32
        %dma_start3A_358 = arith.constant 0 : i32
        %dma_start3A_359 = tpu.memref_slice %arg10[%dma_start3A_357, %dma_start3A_358] : memref<10000x64xf32, #tpu.memory_space<vmem_shared>> -> memref<512x64xf32, #tpu.memory_space<vmem_shared>>
        tpu.enqueue_dma source(%dma_start3A_359 : memref<512x64xf32, #tpu.memory_space<vmem_shared>>) target(%dma_start3A_356 : memref<512x64xf32, #tpu.memory_space<hbm>>) target_semaphore(%run_scoped3A : memref<!tpu.dma_semaphore, #tpu.memory_space<semaphore_mem>>)
        %dma_wait3A_360 = arith.constant 8192 : i32
        %dma_wait3A_361 = tpu.memref_slice %arg4[%dma_wait3A_360, %mul3A_355] : memref<10000x128xf32, #tpu.memory_space<hbm>> -> memref<512x64xf32, #tpu.memory_space<hbm>>
        %dma_wait3A_362 = arith.constant 8192 : i32
        %dma_wait3A_363 = arith.constant 0 : i32
        %dma_wait3A_364 = tpu.memref_slice %arg10[%dma_wait3A_362, %dma_wait3A_363] : memref<10000x64xf32, #tpu.memory_space<vmem_shared>> -> memref<512x64xf32, #tpu.memory_space<vmem_shared>>
        tpu.wait_dma2 semaphore(%run_scoped3A : memref<!tpu.dma_semaphore, #tpu.memory_space<semaphore_mem>>) src(%dma_wait3A_364 : memref<512x64xf32, #tpu.memory_space<vmem_shared>>) dst(%dma_wait3A_361 : memref<512x64xf32, #tpu.memory_space<hbm>>)
        tpu.yield
      }) : () -> ()
    } else {
    }
    %eq3A_339 = arith.constant 1 : i32
    %eq3A_340 = arith.cmpi eq, %arg1, %eq3A_339 : i32
    %convert_element_type3A_341 = arith.extui %eq3A_340 : i1 to i32
    %cond3A_342 = arith.constant 0 : i32
    %cond3A_343 = arith.cmpi ne, %convert_element_type3A_341, %cond3A_342 : i32
    scf.if %cond3A_343 {
      %mul3A_354 = arith.constant 64 : i32
      %mul3A_355 = arith.muli %arg0, %mul3A_354 : i32
      "tpu.region"() ({
        %run_scoped3A = tpu.sem_alloc : memref<!tpu.dma_semaphore, #tpu.memory_space<semaphore_mem>>
        %dma_start3A = arith.constant 8704 : i32
        %dma_start3A_356 = tpu.memref_slice %arg4[%dma_start3A, %mul3A_355] : memref<10000x128xf32, #tpu.memory_space<hbm>> -> memref<512x64xf32, #tpu.memory_space<hbm>>
        %dma_start3A_357 = arith.constant 8704 : i32
        %dma_start3A_358 = arith.constant 0 : i32
        %dma_start3A_359 = tpu.memref_slice %arg10[%dma_start3A_357, %dma_start3A_358] : memref<10000x64xf32, #tpu.memory_space<vmem_shared>> -> memref<512x64xf32, #tpu.memory_space<vmem_shared>>
        tpu.enqueue_dma source(%dma_start3A_359 : memref<512x64xf32, #tpu.memory_space<vmem_shared>>) target(%dma_start3A_356 : memref<512x64xf32, #tpu.memory_space<hbm>>) target_semaphore(%run_scoped3A : memref<!tpu.dma_semaphore, #tpu.memory_space<semaphore_mem>>)
        %dma_wait3A_360 = arith.constant 8704 : i32
        %dma_wait3A_361 = tpu.memref_slice %arg4[%dma_wait3A_360, %mul3A_355] : memref<10000x128xf32, #tpu.memory_space<hbm>> -> memref<512x64xf32, #tpu.memory_space<hbm>>
        %dma_wait3A_362 = arith.constant 8704 : i32
        %dma_wait3A_363 = arith.constant 0 : i32
        %dma_wait3A_364 = tpu.memref_slice %arg10[%dma_wait3A_362, %dma_wait3A_363] : memref<10000x64xf32, #tpu.memory_space<vmem_shared>> -> memref<512x64xf32, #tpu.memory_space<vmem_shared>>
        tpu.wait_dma2 semaphore(%run_scoped3A : memref<!tpu.dma_semaphore, #tpu.memory_space<semaphore_mem>>) src(%dma_wait3A_364 : memref<512x64xf32, #tpu.memory_space<vmem_shared>>) dst(%dma_wait3A_361 : memref<512x64xf32, #tpu.memory_space<hbm>>)
        tpu.yield
      }) : () -> ()
    } else {
    }
    %eq3A_344 = arith.constant 2 : i32
    %eq3A_345 = arith.cmpi eq, %arg1, %eq3A_344 : i32
    %convert_element_type3A_346 = arith.extui %eq3A_345 : i1 to i32
    %cond3A_347 = arith.constant 0 : i32
    %cond3A_348 = arith.cmpi ne, %convert_element_type3A_346, %cond3A_347 : i32
    scf.if %cond3A_348 {
      %mul3A_354 = arith.constant 64 : i32
      %mul3A_355 = arith.muli %arg0, %mul3A_354 : i32
      "tpu.region"() ({
        %run_scoped3A = tpu.sem_alloc : memref<!tpu.dma_semaphore, #tpu.memory_space<semaphore_mem>>
        %dma_start3A = arith.constant 9216 : i32
        %dma_start3A_356 = tpu.memref_slice %arg4[%dma_start3A, %mul3A_355] : memref<10000x128xf32, #tpu.memory_space<hbm>> -> memref<512x64xf32, #tpu.memory_space<hbm>>
        %dma_start3A_357 = arith.constant 9216 : i32
        %dma_start3A_358 = arith.constant 0 : i32
        %dma_start3A_359 = tpu.memref_slice %arg10[%dma_start3A_357, %dma_start3A_358] : memref<10000x64xf32, #tpu.memory_space<vmem_shared>> -> memref<512x64xf32, #tpu.memory_space<vmem_shared>>
        tpu.enqueue_dma source(%dma_start3A_359 : memref<512x64xf32, #tpu.memory_space<vmem_shared>>) target(%dma_start3A_356 : memref<512x64xf32, #tpu.memory_space<hbm>>) target_semaphore(%run_scoped3A : memref<!tpu.dma_semaphore, #tpu.memory_space<semaphore_mem>>)
        %dma_wait3A_360 = arith.constant 9216 : i32
        %dma_wait3A_361 = tpu.memref_slice %arg4[%dma_wait3A_360, %mul3A_355] : memref<10000x128xf32, #tpu.memory_space<hbm>> -> memref<512x64xf32, #tpu.memory_space<hbm>>
        %dma_wait3A_362 = arith.constant 9216 : i32
        %dma_wait3A_363 = arith.constant 0 : i32
        %dma_wait3A_364 = tpu.memref_slice %arg10[%dma_wait3A_362, %dma_wait3A_363] : memref<10000x64xf32, #tpu.memory_space<vmem_shared>> -> memref<512x64xf32, #tpu.memory_space<vmem_shared>>
        tpu.wait_dma2 semaphore(%run_scoped3A : memref<!tpu.dma_semaphore, #tpu.memory_space<semaphore_mem>>) src(%dma_wait3A_364 : memref<512x64xf32, #tpu.memory_space<vmem_shared>>) dst(%dma_wait3A_361 : memref<512x64xf32, #tpu.memory_space<hbm>>)
        tpu.yield
      }) : () -> ()
    } else {
    }
    %eq3A_349 = arith.constant 3 : i32
    %eq3A_350 = arith.cmpi eq, %arg1, %eq3A_349 : i32
    %convert_element_type3A_351 = arith.extui %eq3A_350 : i1 to i32
    %cond3A_352 = arith.constant 0 : i32
    %cond3A_353 = arith.cmpi ne, %convert_element_type3A_351, %cond3A_352 : i32
    scf.if %cond3A_353 {
      %mul3A_354 = arith.constant 64 : i32
      %mul3A_355 = arith.muli %arg0, %mul3A_354 : i32
      "tpu.region"() ({
        %run_scoped3A = tpu.sem_alloc : memref<!tpu.dma_semaphore, #tpu.memory_space<semaphore_mem>>
        %dma_start3A = arith.constant 9728 : i32
        %dma_start3A_356 = tpu.memref_slice %arg4[%dma_start3A, %mul3A_355] : memref<10000x128xf32, #tpu.memory_space<hbm>> -> memref<272x64xf32, #tpu.memory_space<hbm>>
        %dma_start3A_357 = arith.constant 9728 : i32
        %dma_start3A_358 = arith.constant 0 : i32
        %dma_start3A_359 = tpu.memref_slice %arg10[%dma_start3A_357, %dma_start3A_358] : memref<10000x64xf32, #tpu.memory_space<vmem_shared>> -> memref<272x64xf32, #tpu.memory_space<vmem_shared>>
        tpu.enqueue_dma source(%dma_start3A_359 : memref<272x64xf32, #tpu.memory_space<vmem_shared>>) target(%dma_start3A_356 : memref<272x64xf32, #tpu.memory_space<hbm>>) target_semaphore(%run_scoped3A : memref<!tpu.dma_semaphore, #tpu.memory_space<semaphore_mem>>)
        %dma_wait3A_360 = arith.constant 9728 : i32
        %dma_wait3A_361 = tpu.memref_slice %arg4[%dma_wait3A_360, %mul3A_355] : memref<10000x128xf32, #tpu.memory_space<hbm>> -> memref<272x64xf32, #tpu.memory_space<hbm>>
        %dma_wait3A_362 = arith.constant 9728 : i32
        %dma_wait3A_363 = arith.constant 0 : i32
        %dma_wait3A_364 = tpu.memref_slice %arg10[%dma_wait3A_362, %dma_wait3A_363] : memref<10000x64xf32, #tpu.memory_space<vmem_shared>> -> memref<272x64xf32, #tpu.memory_space<vmem_shared>>
        tpu.wait_dma2 semaphore(%run_scoped3A : memref<!tpu.dma_semaphore, #tpu.memory_space<semaphore_mem>>) src(%dma_wait3A_364 : memref<272x64xf32, #tpu.memory_space<vmem_shared>>) dst(%dma_wait3A_361 : memref<272x64xf32, #tpu.memory_space<hbm>>)
        tpu.yield
      }) : () -> ()
    } else {
    }
    return
  }
}

module attributes {stable_mosaic.version = 14 : i64} {
  func.func @_combine_body(%arg0: i32, %arg1: memref<1000x128xf32, #tpu.memory_space<vmem>>, %arg2: memref<1000x128xf32, #tpu.memory_space<vmem>>, %arg3: memref<1000x128xf32, #tpu.memory_space<vmem>>) attributes {dimension_semantics = [#tpu.dimension_semantics<arbitrary>], iteration_bounds = array<i64: 10>, scalar_prefetch = 0 : i64, scratch_operands = 0 : i64, tpu.core_type = #tpu.core_type<tc>, window_params = [{transform_indices = @transform_0, window_bounds = array<i64: 1000, 128>}, {transform_indices = @transform_1, window_bounds = array<i64: 1000, 128>}, {transform_indices = @transform_2, window_bounds = array<i64: 1000, 128>}]} {
    %get3A = arith.constant 0 : index
    %get3A_0 = arith.constant 0 : index
    %get3A_1 = vector.load %arg1[%get3A, %get3A_0] : memref<1000x128xf32, #tpu.memory_space<vmem>>, vector<1000x128xf32>
    %get3A_2 = arith.constant 0 : index
    %get3A_3 = arith.constant 0 : index
    %get3A_4 = vector.load %arg2[%get3A_2, %get3A_3] : memref<1000x128xf32, #tpu.memory_space<vmem>>, vector<1000x128xf32>
    %add3A = arith.addf %get3A_1, %get3A_4 : vector<1000x128xf32>
    %swap3A = arith.constant 0 : index
    %swap3A_5 = arith.constant 0 : index
    %swap3A_6 = vector.load %arg3[%swap3A, %swap3A_5] : memref<1000x128xf32, #tpu.memory_space<vmem>>, vector<1000x128xf32>
    tpu.vector_store %arg3[%swap3A, %swap3A_5], %add3A {strides = array<i32>} : memref<1000x128xf32, #tpu.memory_space<vmem>>, vector<1000x128xf32>,
    return
  }
  func.func @transform_0(%arg0: i32) -> (i32, i32) {
    %c0_i32 = arith.constant 0 : i32
    %c0_i32_0 = arith.constant 0 : i32
    return %arg0, %c0_i32 : i32, i32
  }
  func.func @transform_1(%arg0: i32) -> (i32, i32) {
    %c0_i32 = arith.constant 0 : i32
    %c0_i32_0 = arith.constant 0 : i32
    return %arg0, %c0_i32 : i32, i32
  }
  func.func @transform_2(%arg0: i32) -> (i32, i32) {
    %c0_i32 = arith.constant 0 : i32
    %c0_i32_0 = arith.constant 0 : i32
    return %arg0, %c0_i32 : i32, i32
  }
}

module attributes {stable_mosaic.version = 14 : i64} {
  func.func @_tc_body(%arg0: i32, %arg1: memref<2560x128xf32, #tpu.memory_space<vmem>>, %arg2: memref<1x1x2560xi32, #tpu.memory_space<vmem>>, %arg3: memref<10240x128xf32, #tpu.memory_space<vmem>>) attributes {dimension_semantics = [#tpu.dimension_semantics<arbitrary>], iteration_bounds = array<i64: 50>, scalar_prefetch = 0 : i64, scratch_operands = 0 : i64, tpu.core_type = #tpu.core_type<tc>, window_params = [{transform_indices = @transform_0, window_bounds = array<i64: 2560, 128>}, {transform_indices = @transform_1, window_bounds = array<i64: 1, 1, 2560>}, {pipeline_mode = #tpu.pipeline_mode<synchronous>, transform_indices = @transform_2, window_bounds = array<i64: 10240, 128>}]} {
    %eq3A = arith.constant 0 : i32
    %eq3A_0 = arith.cmpi eq, %arg0, %eq3A : i32
    %convert_element_type3A = arith.extui %eq3A_0 : i1 to i32
    %cond3A = arith.constant 0 : i32
    %cond3A_1 = arith.cmpi ne, %convert_element_type3A, %cond3A : i32
    scf.if %cond3A_1 {
      %broadcast_in_dim3A = arith.constant 0.000000e+00 : f32
      %broadcast_in_dim3A_75 = vector.broadcast %broadcast_in_dim3A : f32 to vector<10240x128xf32>
      %swap3A = arith.constant 0 : index
      %swap3A_76 = arith.constant 0 : index
      %swap3A_77 = vector.load %arg3[%swap3A, %swap3A_76] : memref<10240x128xf32, #tpu.memory_space<vmem>>, vector<10240x128xf32>
      tpu.vector_store %arg3[%swap3A, %swap3A_76], %broadcast_in_dim3A_75 {strides = array<i32>} : memref<10240x128xf32, #tpu.memory_space<vmem>>, vector<10240x128xf32>,
    } else {
    }
    %get3A = arith.constant 0 : index
    %get3A_2 = arith.constant 0 : index
    %get3A_3 = arith.constant 0 : index
    %get3A_4 = vector.load %arg2[%get3A, %get3A_2, %get3A_3] : memref<1x1x2560xi32, #tpu.memory_space<vmem>>, vector<1x1x2560xi32>
    %get3A_5 = vector.shape_cast %get3A_4 : vector<1x1x2560xi32> to vector<1x2560xi32>
    %get3A_6 = arith.constant 0 : index
    %get3A_7 = arith.constant 0 : index
    %get3A_8 = vector.load %arg1[%get3A_6, %get3A_7] : memref<2560x128xf32, #tpu.memory_space<vmem>>, vector<2560x128xf32>
    %convert_element_type3A_9 = arith.truncf %get3A_8 : vector<2560x128xf32> to vector<2560x128xbf16>
    %convert_element_type3A_10 = arith.extf %convert_element_type3A_9 : vector<2560x128xbf16> to vector<2560x128xf32>
    %sub3A = arith.subf %get3A_8, %convert_element_type3A_10 : vector<2560x128xf32>
    %convert_element_type3A_11 = arith.truncf %sub3A : vector<2560x128xf32> to vector<2560x128xbf16>
    %reduce_min3A = vector.shape_cast %get3A_5 : vector<1x2560xi32> to vector<1x1x2560xi32>
    %reduce_min3A_12 = arith.constant dense<2147483647> : vector<1xi32>
    %reduce_min3A_13 = vector.multi_reduction <minsi>, %reduce_min3A, %reduce_min3A_12 [1, 2] : vector<1x1x2560xi32> to vector<1xi32>
    %reduce_min3A_14 = vector.shape_cast %reduce_min3A_13 : vector<1xi32> to vector<1x1x1xi32>
    %reduce_min3A_15 = vector.extract %reduce_min3A_14[0, 0, 0] : i32 from vector<1x1x1xi32>
    %reduce_max3A = vector.shape_cast %get3A_5 : vector<1x2560xi32> to vector<1x1x2560xi32>
    %reduce_max3A_16 = arith.constant dense<-2147483648> : vector<1xi32>
    %reduce_max3A_17 = vector.multi_reduction <maxsi>, %reduce_max3A, %reduce_max3A_16 [1, 2] : vector<1x1x2560xi32> to vector<1xi32>
    %reduce_max3A_18 = vector.shape_cast %reduce_max3A_17 : vector<1xi32> to vector<1x1x1xi32>
    %reduce_max3A_19 = vector.extract %reduce_max3A_18[0, 0, 0] : i32 from vector<1x1x1xi32>
    %jit3A = arith.constant 8 : i32
    %div3A = arith.divsi %reduce_min3A_15, %jit3A : i32
    %sign3A = arith.constant 0 : i32
    %sign3A_20 = arith.cmpi sgt, %reduce_min3A_15, %sign3A : i32
    %sign3A_21 = arith.extui %sign3A_20 : i1 to i32
    %sign3A_22 = arith.constant 0 : i32
    %sign3A_23 = arith.cmpi slt, %reduce_min3A_15, %sign3A_22 : i32
    %sign3A_24 = arith.extui %sign3A_23 : i1 to i32
    %sign3A_25 = arith.subi %sign3A_21, %sign3A_24 : i32
    %sign3A_26 = arith.constant 0 : i32
    %sign3A_27 = arith.cmpi sgt, %jit3A, %sign3A_26 : i32
    %sign3A_28 = arith.extui %sign3A_27 : i1 to i32
    %sign3A_29 = arith.constant 0 : i32
    %sign3A_30 = arith.cmpi slt, %jit3A, %sign3A_29 : i32
    %sign3A_31 = arith.extui %sign3A_30 : i1 to i32
    %sign3A_32 = arith.subi %sign3A_28, %sign3A_31 : i32
    %ne3A = arith.cmpi ne, %sign3A_25, %sign3A_32 : i32
    %rem3A = arith.remsi %reduce_min3A_15, %jit3A : i32
    %ne3A_33 = arith.constant 0 : i32
    %ne3A_34 = arith.cmpi ne, %rem3A, %ne3A_33 : i32
    %and3A = arith.andi %ne3A, %ne3A_34 : i1
    %sub3A_35 = arith.constant 1 : i32
    %sub3A_36 = arith.subi %div3A, %sub3A_35 : i32
    %select_n3A = arith.select %and3A, %sub3A_36, %div3A : i32
    %mul3A = arith.constant 8 : i32
    %mul3A_37 = arith.muli %select_n3A, %mul3A : i32
    %sub3A_38 = arith.subi %reduce_max3A_19, %mul3A_37 : i32
    %jit3A_39 = arith.constant 128 : i32
    %div3A_40 = arith.divsi %sub3A_38, %jit3A_39 : i32
    %sign3A_41 = arith.constant 0 : i32
    %sign3A_42 = arith.cmpi sgt, %sub3A_38, %sign3A_41 : i32
    %sign3A_43 = arith.extui %sign3A_42 : i1 to i32
    %sign3A_44 = arith.constant 0 : i32
    %sign3A_45 = arith.cmpi slt, %sub3A_38, %sign3A_44 : i32
    %sign3A_46 = arith.extui %sign3A_45 : i1 to i32
    %sign3A_47 = arith.subi %sign3A_43, %sign3A_46 : i32
    %sign3A_48 = arith.constant 0 : i32
    %sign3A_49 = arith.cmpi sgt, %jit3A_39, %sign3A_48 : i32
    %sign3A_50 = arith.extui %sign3A_49 : i1 to i32
    %sign3A_51 = arith.constant 0 : i32
    %sign3A_52 = arith.cmpi slt, %jit3A_39, %sign3A_51 : i32
    %sign3A_53 = arith.extui %sign3A_52 : i1 to i32
    %sign3A_54 = arith.subi %sign3A_50, %sign3A_53 : i32
    %ne3A_55 = arith.cmpi ne, %sign3A_47, %sign3A_54 : i32
    %rem3A_56 = arith.remsi %sub3A_38, %jit3A_39 : i32
    %ne3A_57 = arith.constant 0 : i32
    %ne3A_58 = arith.cmpi ne, %rem3A_56, %ne3A_57 : i32
    %and3A_59 = arith.andi %ne3A_55, %ne3A_58 : i1
    %sub3A_60 = arith.constant 1 : i32
    %sub3A_61 = arith.subi %div3A_40, %sub3A_60 : i32
    %select_n3A_62 = arith.select %and3A_59, %sub3A_61, %div3A_40 : i32
    %add3A = arith.constant 1 : i32
    %add3A_63 = arith.addi %select_n3A_62, %add3A : i32
    %while3A = arith.constant 0 : i32
    %while3A_64 = arith.constant 0 : i32
    %while3A_65 = arith.subi %add3A_63, %while3A : i32
    %while3A_66 = arith.addi %while3A, %while3A_65 : i32
    %while3A_67 = arith.constant 1 : i32
    %while3A_68 = arith.divsi %while3A_65, %while3A_67 : i32
    %while3A_69 = arith.muli %while3A_68, %while3A_67 : i32
    %while3A_70 = arith.addi %while3A, %while3A_69 : i32
    %while3A_71 = arith.constant 1 : i32
    %while3A_72 = scf.for %while3A_75 = %while3A to %while3A_70 step %while3A_71 iter_args(%while3A_76 = %while3A_64) -> (i32)  : i32 {
      %mul3A_77 = arith.constant 128 : i32
      %mul3A_78 = arith.muli %while3A_75, %mul3A_77 : i32
      %add3A_79 = arith.addi %mul3A_37, %mul3A_78 : i32
      %iota3A = tpu.iota {dimensions = array<i32: 0>} : vector<128x2560xi32>
      %add3A_80 = vector.broadcast %add3A_79 : i32 to vector<128x2560xi32>
      %add3A_81 = arith.addi %add3A_80, %iota3A : vector<128x2560xi32>
      %eq3A_82 = vector.broadcast %get3A_5 : vector<1x2560xi32> to vector<128x2560xi32>
      %eq3A_83 = arith.cmpi eq, %add3A_81, %eq3A_82 : vector<128x2560xi32>
      %convert_element_type3A_84 = arith.extui %eq3A_83 : vector<128x2560xi1> to vector<128x2560xi32>
      %convert_element_type3A_85 = arith.sitofp %convert_element_type3A_84 : vector<128x2560xi32> to vector<128x2560xf32>
      %convert_element_type3A_86 = arith.truncf %convert_element_type3A_85 : vector<128x2560xf32> to vector<128x2560xbf16>
      %dot_general3A = arith.constant dense<0.000000e+00> : vector<128x128xf32>
      %dot_general3A_87 = tpu.matmul %convert_element_type3A_86, %convert_element_type3A_9, %dot_general3A {dimension_numbers = #tpu.dot_dimension_numbers<[1], [0], [0], [1], [0, 0, 1, 1], [], []>, transpose_lhs_hint = false} : vector<128x2560xbf16>, vector<2560x128xbf16>, vector<128x128xf32> -> vector<128x128xf32>
      %dot_general3A_88 = arith.constant dense<0.000000e+00> : vector<128x128xf32>
      %dot_general3A_89 = tpu.matmul %convert_element_type3A_86, %convert_element_type3A_11, %dot_general3A_88 {dimension_numbers = #tpu.dot_dimension_numbers<[1], [0], [0], [1], [0, 0, 1, 1], [], []>, transpose_lhs_hint = false} : vector<128x2560xbf16>, vector<2560x128xbf16>, vector<128x128xf32> -> vector<128x128xf32>
      %add3A_90 = arith.addf %dot_general3A_87, %dot_general3A_89 : vector<128x128xf32>
      %get3A_91 = arith.index_cast %add3A_79 : i32 to index
      %get3A_92 = arith.constant 0 : index
      %get3A_93 = vector.load %arg3[%get3A_91, %get3A_92] : memref<10240x128xf32, #tpu.memory_space<vmem>>, vector<128x128xf32>
      %add3A_94 = arith.addf %get3A_93, %add3A_90 : vector<128x128xf32>
      %swap3A = arith.index_cast %add3A_79 : i32 to index
      %swap3A_95 = arith.constant 0 : index
      %swap3A_96 = vector.load %arg3[%swap3A, %swap3A_95] : memref<10240x128xf32, #tpu.memory_space<vmem>>, vector<128x128xf32>
      tpu.vector_store %arg3[%swap3A, %swap3A_95], %add3A_94 {strides = array<i32>} : memref<10240x128xf32, #tpu.memory_space<vmem>>, vector<128x128xf32>,
      %while3A_97 = arith.constant 0 : i32
      scf.yield %while3A_97 : i32
    }
    %while3A_73 = arith.constant 1 : i32
    %while3A_74 = scf.for %while3A_75 = %while3A_70 to %while3A_66 step %while3A_73 iter_args(%while3A_76 = %while3A_72) -> (i32)  : i32 {
      %mul3A_77 = arith.constant 128 : i32
      %mul3A_78 = arith.muli %while3A_75, %mul3A_77 : i32
      %add3A_79 = arith.addi %mul3A_37, %mul3A_78 : i32
      %iota3A = tpu.iota {dimensions = array<i32: 0>} : vector<128x2560xi32>
      %add3A_80 = vector.broadcast %add3A_79 : i32 to vector<128x2560xi32>
      %add3A_81 = arith.addi %add3A_80, %iota3A : vector<128x2560xi32>
      %eq3A_82 = vector.broadcast %get3A_5 : vector<1x2560xi32> to vector<128x2560xi32>
      %eq3A_83 = arith.cmpi eq, %add3A_81, %eq3A_82 : vector<128x2560xi32>
      %convert_element_type3A_84 = arith.extui %eq3A_83 : vector<128x2560xi1> to vector<128x2560xi32>
      %convert_element_type3A_85 = arith.sitofp %convert_element_type3A_84 : vector<128x2560xi32> to vector<128x2560xf32>
      %convert_element_type3A_86 = arith.truncf %convert_element_type3A_85 : vector<128x2560xf32> to vector<128x2560xbf16>
      %dot_general3A = arith.constant dense<0.000000e+00> : vector<128x128xf32>
      %dot_general3A_87 = tpu.matmul %convert_element_type3A_86, %convert_element_type3A_9, %dot_general3A {dimension_numbers = #tpu.dot_dimension_numbers<[1], [0], [0], [1], [0, 0, 1, 1], [], []>, transpose_lhs_hint = false} : vector<128x2560xbf16>, vector<2560x128xbf16>, vector<128x128xf32> -> vector<128x128xf32>
      %dot_general3A_88 = arith.constant dense<0.000000e+00> : vector<128x128xf32>
      %dot_general3A_89 = tpu.matmul %convert_element_type3A_86, %convert_element_type3A_11, %dot_general3A_88 {dimension_numbers = #tpu.dot_dimension_numbers<[1], [0], [0], [1], [0, 0, 1, 1], [], []>, transpose_lhs_hint = false} : vector<128x2560xbf16>, vector<2560x128xbf16>, vector<128x128xf32> -> vector<128x128xf32>
      %add3A_90 = arith.addf %dot_general3A_87, %dot_general3A_89 : vector<128x128xf32>
      %get3A_91 = arith.index_cast %add3A_79 : i32 to index
      %get3A_92 = arith.constant 0 : index
      %get3A_93 = vector.load %arg3[%get3A_91, %get3A_92] : memref<10240x128xf32, #tpu.memory_space<vmem>>, vector<128x128xf32>
      %add3A_94 = arith.addf %get3A_93, %add3A_90 : vector<128x128xf32>
      %swap3A = arith.index_cast %add3A_79 : i32 to index
      %swap3A_95 = arith.constant 0 : index
      %swap3A_96 = vector.load %arg3[%swap3A, %swap3A_95] : memref<10240x128xf32, #tpu.memory_space<vmem>>, vector<128x128xf32>
      tpu.vector_store %arg3[%swap3A, %swap3A_95], %add3A_94 {strides = array<i32>} : memref<10240x128xf32, #tpu.memory_space<vmem>>, vector<128x128xf32>,
      %while3A_97 = arith.constant 0 : i32
      scf.yield %while3A_97 : i32
    }
    return
  }
  func.func @transform_0(%arg0: i32) -> (i32, i32) {
    %add3A = arith.constant 75 : i32
    %add3A_0 = arith.addi %add3A, %arg0 : i32
    %c0_i32 = arith.constant 0 : i32
    %c0_i32_1 = arith.constant 0 : i32
    return %add3A_0, %c0_i32 : i32, i32
  }
  func.func @transform_1(%arg0: i32) -> (i32, i32, i32) {
    %c0_i32 = arith.constant 0 : i32
    %c0_i32_0 = arith.constant 0 : i32
    %c0_i32_1 = arith.constant 0 : i32
    return %arg0, %c0_i32, %c0_i32_0 : i32, i32, i32
  }
  func.func @transform_2(%arg0: i32) -> (i32, i32) {
    %c0_i32 = arith.constant 0 : i32
    %c0_i32_0 = arith.constant 0 : i32
    %c0_i32_1 = arith.constant 0 : i32
    return %c0_i32, %c0_i32_0 : i32, i32
  }
}

</mosaic_0001>

<sc_bundles>
// kernel: _run.5.cloned.1.call-start
scs
__scs_entry_jumppad:
0x0: {  	(pc) =	sbr.rel $0x88, $3  }
0x1: {  	(tag) =	ssettag $0x0;
	lr =	simm.s32 $0x1  }
0x2: {  	[smem:$0x3F9F] =	sst lr;
	_ =	strace $0xD0000000  }
0x3: {  	_ = 	snop  }
0x4: {  	_ = 	snop  }
0x5: {  	_ = 	snop  }
0x6: {  	_ = 	snop  }
0x7: {  	_ = 	snop  }
__scs_overlays_trampoline_lowered:
0x8: {  	[smem:$0x3FAE] =	sst s0  }
0x9: {  	[smem:$0x3FAF] =	sst s1  }
0xa: {  	[smem:$0x3FB0] =	sst s2  }
0xb: {  	[smem:$0x3FB1] =	sst s3  }
0xc: {  	[smem:$0x3FB2] =	sst s4  }
0xd: {  	[smem:$0x3FB3] =	sst s5  }
0xe: {  	[smem:$0x3FB4] =	sst s6  }
0xf: {  	[smem:$0x3FB5] =	sst s7  }
0x10: {  	[smem:$0x3FB6] =	sst s8  }
0x11: {  	[smem:$0x3FB7] =	sst s9;
	s0 =	simm.s32 @!p0 $0x0  }
0x12: {  	s1 =	sld [smem:$0x3F9D];
	s0 =	simm.s32 @p0 $0x1  }
0x13: {  	[smem:$0x3FB8] =	sst s0;
	s0 =	simm.s32 @!p1 $0x0  }
0x14: {  	s2 =	sld [smem:$0x3F9C];
	s0 =	simm.s32 @p1 $0x1  }
0x15: {  	[smem:$0x3FB9] =	sst s0;
	s0 =	simm.s32 @!p2 $0x0  }
0x16: {  	s3 =	sld [smem:$0x3FDB];
	s0 =	simm.s32 @p2 $0x1  }
0x17: {  	s4 =	simm.s32 $0x1BF5;
	[smem:$0x3FBB] =	sst s0  }
0x18: {  	s0 =	sld [smem:$0x3F9E];
	_ =	swait.ge [sflag:s4], $0x0  }
0x19: {  	s7 =	sld [smem:$0x3F9F]  }
0x1a: {  	s8 =	sadd.s32 $0xFFFFE003, lr  }
0x1b: {  	s9 =	sadd.s32 $0xFFFFFEF7, lr;
	s5 =	simm.s32 $0xFFFFFFFF;
	p2 =	slt.u32 s8, $0xFFFFF086  }
0x1c: {  	p1 =	slt.u32 s9, $0xF7A;
	s5 =	simm.s32 @!p2 $0x0  }
0x1d: {  	s5 =	simm.s32 @p1 $0x1;
	p0 =	seq.s32 s7, s2  }
0x1e: {  	s7 =	smul.u32 @!p0 $0xF7A, s2;
	p2 =	seq.s32 @!p0 s5, $0x0  }
0x1f: {  	s9 =	smul.u32 $0xF7A, s1;
	s8 =	simm.s32 @!p0 $0x1BF5;
	p2 =	por !p2, p0  }
0x20: {  	[sflag:s8] =	ssyncset.s32 @!p0 $0xFFFFF086;
	s6 =	sadd.s32 @!p0 s3, s7;
	s7 =	simm.s32 @!p0 $0x108  }
0x21: {  	s3 =	sadd.s32 s3, s9;
	s6 =	sadd.s32 @!p0 $0x88, s6;
	s7 =	simm.s32 @p2 $0x1082  }
0x22: {  	[simem:s7], [sflag:s8] =	dma.local @!p0 [hbm:s6], $0xF7A  }
0x23: {  	s9 =	sor.u32 $0xD0000000, s2;
	s6 =	simm.s32 $0x108;
	_ =	swait.ge @!p0 [sflag:s8], $0x0  }
0x24: {  	s3 =	sadd.s32 $0x88, s3;
	s6 =	simm.s32 @!p1 $0x1082;
	[sflag:s4] =	ssyncset.s32 $0xFFFFF086  }
0x25: {  	[simem:s6], [sflag:s4] =	dma.local [hbm:s3], $0xF7A  }
0x26: {  	[smem:$0x3F9F] =	sst s1;
	(tag) =	ssettag s2;
	_ =	strace s9  }
0x27: {  	s1 =	sld [smem:$0x3FAF]  }
0x28: {  	s2 =	sld [smem:$0x3FB0]  }
0x29: {  	s4 =	sld [smem:$0x3FB2]  }
0x2a: {  	p0 =	seq.s32 s5, $0x0;
	s5 =	sld [smem:$0x3FB3]  }
0x2b: {  	s6 =	sld [smem:$0x3FB4]  }
0x2c: {  	s7 =	sld [smem:$0x3FB5]  }
0x2d: {  	s3 =	simm.s32 $0x108;
	s8 =	sld [smem:$0x3FB6]  }
0x2e: {  	s3 =	simm.s32 @!p0 $0x1082;
	s9 =	sld [smem:$0x3FB7]  }
0x2f: {  	lr =	sadd.s32 s0, s3;
	s0 =	sld [smem:$0x3FAE]  }
0x30: {  	s3 =	sld [smem:$0x3FB1]  }
0x31: {  	[smem:$0x3FBA] =	sst s10  }
0x32: {  	s10 =	sld [smem:$0x3FB8];
	_ =	sdelay $0x3  }
0x33: {  	p0 =	seq.s32 s10, $0x1;
	s10 =	sld [smem:$0x3FBA];
	_ =	sdelay $0x3  }
0x34: {  	[smem:$0x3FBA] =	sst s10  }
0x35: {  	s10 =	sld [smem:$0x3FB9];
	_ =	sdelay $0x3  }
0x36: {  	p1 =	seq.s32 s10, $0x1;
	s10 =	sld [smem:$0x3FBA];
	_ =	sdelay $0x3  }
0x37: {  	[smem:$0x3FBA] =	sst s10  }
0x38: {  	s10 =	sld [smem:$0x3FBB]  }
0x39: {  	_ = 	snop;
	(pc) =	sbr.ind lr, $3  }
0x3a: {  	_ = 	snop  }
0x3b: {  	_ = 	snop  }
0x3c: {  	p2 =	seq.s32 s10, $0x1;
	s10 =	sld [smem:$0x3FBA]  }
0x3d: {  	_ =	shalt  }
0x3e: {  	_ =	shalt  }
0x3f: {  	_ =	shalt  }
0x40: {  	_ =	shalt  }
0x41: {  	_ =	shalt  }
0x42: {  	_ =	shalt  }
0x43: {  	_ =	shalt  }
0x44: {  	_ =	shalt  }
0x45: {  	_ =	shalt  }
0x46: {  	_ =	shalt  }
0x47: {  	_ =	shalt  }
0x48: {  	_ =	shalt  }
0x49: {  	_ =	shalt  }
0x4a: {  	_ =	shalt  }
0x4b: {  	_ =	shalt  }
0x4c: {  	_ =	shalt  }
0x4d: {  	_ =	shalt  }
0x4e: {  	_ =	shalt  }
0x4f: {  	_ =	shalt  }
0x50: {  	_ =	shalt  }
0x51: {  	_ =	shalt  }
0x52: {  	_ =	shalt  }
0x53: {  	_ =	shalt  }
0x54: {  	_ =	shalt  }
0x55: {  	_ =	shalt  }
0x56: {  	_ =	shalt  }
0x57: {  	_ =	shalt  }
0x58: {  	_ =	shalt  }
0x59: {  	_ =	shalt  }
0x5a: {  	_ =	shalt  }
0x5b: {  	_ =	shalt  }
0x5c: {  	_ =	shalt  }
0x5d: {  	_ =	shalt  }
0x5e: {  	_ =	shalt  }
0x5f: {  	_ =	shalt  }
0x60: {  	_ =	shalt  }
0x61: {  	_ =	shalt  }
0x62: {  	_ =	shalt  }
0x63: {  	_ =	shalt  }
0x64: {  	_ =	shalt  }
0x65: {  	_ =	shalt  }
0x66: {  	_ =	shalt  }
0x67: {  	_ =	shalt  }
0x68: {  	_ =	shalt  }
0x69: {  	_ =	shalt  }
0x6a: {  	_ =	shalt  }
0x6b: {  	_ =	shalt  }
0x6c: {  	_ =	shalt  }
0x6d: {  	_ =	shalt  }
0x6e: {  	_ =	shalt  }
0x6f: {  	_ =	shalt  }
0x70: {  	_ =	shalt  }
0x71: {  	_ =	shalt  }
0x72: {  	_ =	shalt  }
0x73: {  	_ =	shalt  }
0x74: {  	_ =	shalt  }
0x75: {  	_ =	shalt  }
0x76: {  	_ =	shalt  }
0x77: {  	_ =	shalt  }
0x78: {  	_ =	shalt  }
0x79: {  	_ =	shalt  }
0x7a: {  	_ =	shalt  }
0x7b: {  	_ =	shalt  }
0x7c: {  	_ =	shalt  }
0x7d: {  	_ =	shalt  }
0x7e: {  	_ =	shalt  }
0x7f: {  	_ =	shalt  }
0x80: {  	_ =	shalt  }
0x81: {  	_ =	shalt  }
0x82: {  	_ =	shalt  }
0x83: {  	_ =	shalt  }
0x84: {  	_ =	shalt  }
0x85: {  	_ =	shalt  }
0x86: {  	_ =	shalt  }
0x87: {  	_ =	shalt  }
.Lfunc_end0:
.L_simem_size_0:
called_computation_lowered:
.L_overlay_start_0:
0x88: {  	s2 =	sld [smem:$0x3FD9]  }
0x89: {  	s3 =	sld [smem:$0x3FFE];
	_ =	sdelay $0x1  }
0x8a: {  	s1 =	srdreg.scid  }
0x8b: {  	s0 =	sand.u32 $0x1, s1  }
0x8c: {  	s18 =	sshll.u32 s0, $0xA;
	s2 =	sadd.s32 s3, s2  }
0x8d: {  	s2 =	sadd.s32 s2, s18  }
0x8e: {  	[smem:$0x3FC6] =	sst s2  }
0x8f: {  	_ = 	snop  }
0x90: {  	s2 =	sld [smem:$0x3FC9]  }
0x91: {  	s19 =	sld [smem:$0x3FC8]  }
0x92: {  	s4 =	sld [smem:$0x3FD0];
	(tm) =	ssettm $0x1  }
0x93: {  	s5 =	sld [smem:$0x3FFB];
	_ =	sdelay $0x3  }
0x94: {  	_ =	strace s5  }
0x95: {  	s5 =	sld [smem:$0x3FFC];
	_ =	sdelay $0x3  }
0x96: {  	_ =	strace s5  }
0x97: {  	s5 =	sld [smem:$0x3FFD];
	_ =	sdelay $0x3  }
0x98: {  	_ =	strace s5  }
0x99: {  	_ =	strace $0x8FFFFFFF  }
0x9a: {  	s20 =	sld [smem:$0x3FDB];
	_ =	sdelay $0x1  }
0x9b: {  	s6 =	simm.s32 $_scs_section_size  }
0x9c: {  	s7 =	simm.s32 $_size__tile_overlayer_lowered;
	s8 =	simm.s32 $_tile_overlayer_lowered  }
0x9d: {  	s23 =	simm.s32 $0x1BFF;
	s22 =	sshll.u32 s8, $0x1;
	s5 =	sadd.s32 s6, s20  }
0x9e: {  	s9 =	simm.s32 $0x0;
	s21 =	sshll.u32 s7, $0x1;
	s7 =	sadd.s32 s22, s5  }
0x9f: {  	[timem:s9], [sflag:s23] =	dma.local [hbm:s7], s21  }
0xa0: {  	_ =	swait.ge [sflag:s23], s21  }
0xa1: {  	s6 =	ssub.s32 $0x0, s21;
	[sflag:s23] =	ssyncset.done $0x0  }
0xa2: {  	[sflag:s23] =	ssyncadd.s32 s6;
	_ =	sdelay $0x1  }
0xa3: {  	s24 =	simm.s32 $0x1B8B  }
0xa4: {  	_ =	swait.ge [sflag:s24], $0x1  }
0xa5: {  	[sflag:s24] =	ssyncset.done $0x0  }
0xa6: {  	s25 =	simm.s32 $0x1B8E;
	[sflag:s24] =	ssyncadd.s32 $0xFFFFFFFF  }
0xa7: {  	s26 =	simm.s32 $execute0_lowered;
	[smem:$0x3FD2] =	sst s25  }
0xa8: {  	s6 =	sshll.u32 s26, $0x1;
	_ =	strace $0x80000046;
	[dreg:$0x1] =	wrdreg $0xFFFFFFFF  }
0xa9: {  	s28 =	simm.s32 $_size_execute0_lowered;
	s5 =	sadd.s32 s5, s6;
	[dreg:$0x0] =	wrdreg $0x0  }
0xaa: {  	s6 =	sshll.u32 s28, $0x1;
	[dreg:$0x2] =	wrdreg s5  }
0xab: {  	[dreg:$0x3] =	wrdreg s6  }
0xac: {  	[dreg:$0x4] =	wrdreg $0xC0  }
0xad: {  	_ =	task [dreg:s9], $0x5FFFF  }
0xae: {  	[dreg:$0x1] =	wrdreg $0xFFFFFFFF  }
0xaf: {  	[dreg:$0x0] =	wrdreg $0x60  }
0xb0: {  	[dreg:$0x2] =	wrdreg s2  }
0xb1: {  	[dreg:$0x3] =	wrdreg s19  }
0xb2: {  	[dreg:$0x4] =	wrdreg s4  }
0xb3: {  	[dreg:$0x5] =	wrdreg $0x12F000  }
0xb4: {  	[dreg:$0x6] =	wrdreg $0x9  }
0xb5: {  	_ =	task.clear_ibuf [dreg:s9], $0x7FFFF;
	_ =	strace $0x90000046  }
0xb6: {  	s29 =	simm.s32 $0x9;
	_ =	strace $0x80000048  }
0xb7: {  	_ =	swait.ge [sflag:s29], $0x1  }
0xb8: {  	[sflag:s29] =	ssyncadd.s32 $0xFFFFFFFF  }
0xb9: {  	_ =	strace $0x90000048  }
0xba: {  	_ =	sfence  }
0xbb: {  	s30 =	sld [smem:$0x0];
	_ =	sdelay $0x2  }
0xbc: {  	s31 =	sshll.u32 s1, $0xD;
	s1 =	sshrl.u32 s1, $0x2  }
0xbd: {  	s3 =	sand.u32 $0x4000, s31;
	s1 =	sadd.s32 s1, s30  }
0xbe: {  	s0 =	sor.u32 s3, s0;
	s1 =	sshll.u32 s1, $0x11  }
0xbf: {  	s0 =	sor.u32 s1, s0  }
0xc0: {  	s0 =	sadd.s32 $0x8F2B, s0  }
0xc1: {  	[sflag:s0] =	ssyncadd.remote.s32 $0x1  }
0xc2: {  	_ =	sfence.sel $0xFFFF  }
0xc3: {  	[dreg:$0x0] =	wrdreg $0xFFFFFFFF;
	(pc) =	sbr.abs _section_cstart, $3  }
0xc4: {  	[dreg:$0x1] =	wrdreg $0xFFFFFFFF  }
0xc5: {  	_ =	task.clear_ibuf [dreg:s9], $0x2FFFF;
	_ =	strace $0x9FFFFFFF  }
0xc6: {  	(tm) =	ssettm $0x7FFFFFFF  }
0xc7: {  	_ =	shalt  }
tec
execute0_lowered:
.L_overlay_start_1:
0x0: {  	(tag) =	ssettag $0x1  }
0x1: {  	s0 =	rddreg [dreg:$0x0]  }
0x2: {  	s5 =	rddreg [dreg:$0x1]  }
0x3: {  	s6 =	rddreg [dreg:$0x2];
	s3 =	srdreg.scid  }
0x4: {  	s1 =	rddreg [dreg:$0x3];
	s7 =	sand.u32 $0x1, s3;
	s3 =	simm.s32 $0x0  }
0x5: {  	s28 =	sadd.s32 $0x38000, s1;
	[smem:$0x7FF] =	sst s3  }
0x6: {  	s29 =	sadd.s32 $0x78000, s1;
	_ =	strace $0x80000047;
	[dreg:$0x7] =	wrdreg s28  }
0x7: {  	s31 =	sadd.s32 $0x34000, s1;
	[dreg:$0x8] =	wrdreg s29  }
0x8: {  	s12 =	sadd.s32 $0x70000, s1;
	[dreg:$0x9] =	wrdreg s31  }
0x9: {  	s14 =	sadd.s32 $0x2C000, s1;
	[dreg:$0xc] =	wrdreg s12  }
0xa: {  	s15 =	sadd.s32 $0x6C000, s1;
	[dreg:$0xd] =	wrdreg s14  }
0xb: {  	s2 =	stileid.u32;
	s17 =	sadd.s32 $0x28000, s1;
	[dreg:$0xe] =	wrdreg s15  }
0xc: {  	s25 =	simm.s32 $0x2000;
	s18 =	sadd.s32 $0x68000, s1;
	[dreg:$0xf] =	wrdreg s17  }
0xd: {  	p0 =	seq.s32 s2, $0xF;
	s23 =	sadd.s32 $0x24000, s1;
	[dreg:$0x10] =	wrdreg s18  }
0xe: {  	s26 =	sadd.s32 $0x64000, s1;
	s4 =	ssub.s32 $0x2, s7;
	[dreg:$0x14] =	wrdreg s23  }
0xf: {  	s11 =	simm.s32 @!p0 $0x0;
	s16 =	sshll.u32 s7, $0x6;
	[dreg:$0x15] =	wrdreg s26  }
0x10: {  	s21 =	sshll.u32 s7, $0x3;
	s7 =	sadd.s32 $0x18000, s1;
	[dreg:$0x5] =	wrdreg s25  }
0x11: {  	s11 =	simm.s32 @p0 $0x1;
	[dreg:$0x1a] =	wrdreg s7  }
0x12: {  	s28 =	sadd.s32 $0x20000, s1;
	[smem:$0x7D0] =	sst s11  }
0x13: {  	s14 =	sadd.s32 $0x3C000, s1;
	[dreg:$0x16] =	wrdreg s28  }
0x14: {  	s8 =	smul.u32 $0x2F, s2;
	s15 =	sadd.s32 $0x40000, s1;
	[smem:$0x7DD] =	sst s14  }
0x15: {  	s13 =	smul.u32 $0x178000, s2;
	s17 =	sadd.s32 $0x48000, s1;
	[smem:$0x7DE] =	sst s15  }
0x16: {  	s22 =	smul.u32 $0xBC00, s2;
	s18 =	sadd.s32 $0x4C000, s1;
	[smem:$0x7E0] =	sst s17  }
0x17: {  	p2 =	sgt.s32 s2, $0x1;
	s23 =	sadd.s32 $0x80000, s1;
	[smem:$0x7E1] =	sst s18  }
0x18: {  	p3 =	sgt.s32 s2, $0x5;
	s25 =	sadd.s32 $0x7C000, s1;
	[smem:$0x7E5] =	sst s23  }
0x19: {  	s8 =	smin.u32 s8, $0x2BF;
	s26 =	sadd.s32 $0x84000, s1;
	[smem:$0x7E6] =	sst s25  }
0x1a: {  	s10 =	sshll.u32 s8, $0x5;
	s11 =	sadd.s32 $0x30000, s1;
	[smem:$0x7E7] =	sst s26  }
0x1b: {  	s24 =	sshll.u32 s8, $0xA;
	s8 =	sadd.s32 $0x14000, s1;
	[dreg:$0xb] =	wrdreg s11  }
0x1c: {  	s30 =	sadd.s32 $0x88000, s1;
	s28 =	sadd.s32 $0x8C000, s1;
	[dreg:$0x1b] =	wrdreg s8  }
0x1d: {  	s9 =	sshrl.u32 s4, $0x1;
	s5 =	sadd.s32 s5, s10;
	[smem:$0x7E8] =	sst s28  }
0x1e: {  	s9 =	ssub.s32 s4, s9;
	s10 =	sadd.s32 $0x74000, s1;
	[dreg:$0x6] =	wrdreg s5  }
0x1f: {  	s12 =	smul.u32 $0x2F000, s2;
	s29 =	smax.u32 s9, $0x1;
	[dreg:$0xa] =	wrdreg s10  }
0x20: {  	s4 =	simm.s32 $0x2D;
	s9 =	sadd.s32 $0x10000, s1;
	[dreg:$0x17] =	wrdreg s29  }
0x21: {  	s5 =	sor.u32 s16, s13;
	[dreg:$0x1c] =	wrdreg s9;
	s13 =	sadd.s32 $0x4000, s1  }
0x22: {  	s16 =	sadd.s32 $0x44000, s1;
	s29 =	sadd.s32 $0x94000, s1;
	[dreg:$0x1f] =	wrdreg s13  }
0x23: {  	s10 =	sshrl.u32 s5, $0x3;
	s19 =	sadd.s32 $0x8000, s5;
	[smem:$0x7DF] =	sst s16  }
0x24: {  	s5 =	sadd.s32 $0x10000, s5;
	[smem:$0x7E9] =	sst s29;
	s10 =	sadd.s32 s0, s10  }
0x25: {  	s11 =	sshrl.u32 s19, $0x3;
	s19 =	sadd.s32 $0x50000, s1;
	[dreg:$0x11] =	wrdreg s10  }
0x26: {  	s5 =	sshrl.u32 s5, $0x3;
	s20 =	sadd.s32 s0, s11;
	[smem:$0x7E2] =	sst s19  }
0x27: {  	s4 =	simm.s32 @!p0 $0x2F;
	s5 =	sadd.s32 s0, s5;
	[dreg:$0x12] =	wrdreg s20  }
0x28: {  	p0 =	seq.s32 @p2 s2, $0x2;
	s10 =	sadd.s32 $0xC000, s1;
	[dreg:$0x13] =	wrdreg s5  }
0x29: {  	s0 =	sadd.s32 s12, s0;
	s12 =	sadd.s32 $0x8000, s1;
	[dreg:$0x1d] =	wrdreg s10  }
0x2a: {  	s20 =	sadd.s32 s6, s21;
	s5 =	sadd.s32 $0x60000, s1;
	[dreg:$0x1e] =	wrdreg s12  }
0x2b: {  	s0 =	sadd.s32 s21, s0;
	s21 =	sadd.s32 $0x54000, s1;
	[dreg:$0x18] =	wrdreg s5  }
0x2c: {  	s6 =	ssub.s32 s22, s24;
	s22 =	sadd.s32 $0x5C000, s1;
	[smem:$0x7E3] =	sst s21  }
0x2d: {  	s31 =	sshra.s32 s6, $0x2;
	s6 =	sadd.s32 $0x1C000, s1;
	[smem:$0x7E4] =	sst s22  }
0x2e: {  	p1 =	por !p0, !p2;
	s7 =	sadd.s32 $0x4000, s20;
	[dreg:$0x19] =	wrdreg s6  }
0x2f: {  	p0 =	por p0, !p2;
	s8 =	sadd.s32 $0x6000, s20;
	[smem:$0x7EC] =	sst s7  }
0x30: {  	s9 =	sadd.s32 $0x98000, s1;
	s10 =	sadd.s32 $0x8000, s20;
	[smem:$0x7ED] =	sst s8  }
0x31: {  	s11 =	sadd.s32 $0x3000, s0;
	s12 =	sadd.s32 $0xA000, s20;
	[smem:$0x7EE] =	sst s10  }
0x32: {  	s0 =	simm.s32 @!p1 $0x0;
	s13 =	sadd.s32 $0xC000, s20;
	[smem:$0x7EF] =	sst s12  }
0x33: {  	s21 =	sadd.s32 $0x90000, s1;
	s14 =	sadd.s32 $0xE000, s20;
	[smem:$0x7F0] =	sst s13  }
0x34: {  	s15 =	sadd.s32 $0x10000, s20;
	s16 =	sadd.s32 $0x12000, s20;
	[smem:$0x7F1] =	sst s14  }
0x35: {  	s17 =	sadd.s32 $0x14000, s20;
	s18 =	sadd.s32 $0x16000, s20;
	[smem:$0x7F2] =	sst s15  }
0x36: {  	s19 =	sadd.s32 $0x18000, s20;
	s22 =	sadd.s32 $0x1A000, s20;
	[smem:$0x7F3] =	sst s16  }
0x37: {  	s23 =	sadd.s32 $0x1C000, s20;
	s25 =	sadd.s32 $0x20000, s20;
	[smem:$0x7F4] =	sst s17  }
0x38: {  	s26 =	sadd.s32 $0x1E000, s20;
	s0 =	simm.s32 @p1 $0x1;
	[smem:$0x7F5] =	sst s18  }
0x39: {  	p1 =	seq.s32 @!p2 s2, $0x0;
	[smem:$0x7D1] =	sst s0;
	s0 =	simm.s32 @!p0 $0x0  }
0x3a: {  	[smem:$0x7F6] =	sst s19;
	s0 =	simm.s32 @p0 $0x1;
	p0 =	por !p1, p2  }
0x3b: {  	s28 =	sadd.s32 $0x22000, s20;
	[smem:$0x7D2] =	sst s0;
	s0 =	simm.s32 @!p0 $0x0  }
0x3c: {  	s29 =	sadd.s32 $0x24000, s20;
	[smem:$0x7F7] =	sst s22;
	s0 =	simm.s32 @p0 $0x1  }
0x3d: {  	s5 =	simm.s32 $0x40;
	[smem:$0x7D3] =	sst s0;
	s0 =	simm.s32 @!p2 $0x0  }
0x3e: {  	[smem:$0x7F8] =	sst s23;
	p1 =	por p1, p2;
	s0 =	simm.s32 @p2 $0x1  }
0x3f: {  	p0 =	seq.s32 @p3 s2, $0x6;
	[smem:$0x7D4] =	sst s0;
	s0 =	simm.s32 @!p1 $0x0  }
0x40: {  	[smem:$0x7F9] =	sst s25;
	s0 =	simm.s32 @p1 $0x1;
	p1 =	por !p0, !p3  }
0x41: {  	s24 =	sadd.s32 $0x10000, s31;
	[smem:$0x7D5] =	sst s0;
	s0 =	simm.s32 @!p1 $0x0  }
0x42: {  	[smem:$0x7FA] =	sst s26;
	p0 =	por p0, !p3;
	s0 =	simm.s32 @p1 $0x1  }
0x43: {  	p1 =	seq.s32 @!p3 s2, $0x4;
	[smem:$0x7D6] =	sst s0;
	s0 =	simm.s32 @!p0 $0x0  }
0x44: {  	[smem:$0x7FB] =	sst s28;
	s0 =	simm.s32 @p0 $0x1;
	p0 =	por !p1, p3  }
0x45: {  	s31 =	sadd.s32 $0x9C000, s1;
	[smem:$0x7D7] =	sst s0;
	s0 =	simm.s32 @!p0 $0x0  }
0x46: {  	s6 =	sadd.s32 $0x2000, s20;
	[smem:$0x7FC] =	sst s29;
	s0 =	simm.s32 @p0 $0x1  }
0x47: {  	s13 =	simm.s32 $0x6;
	[smem:$0x7D8] =	sst s0;
	s0 =	simm.s32 @!p3 $0x0  }
0x48: {  	s16 =	simm.s32 $0x80;
	p0 =	por p1, p3;
	s0 =	simm.s32 @p3 $0x1  }
0x49: {  	s17 =	simm.s32 $0x1;
	[smem:$0x7D9] =	sst s0;
	s0 =	simm.s32 @!p0 $0x0  }
0x4a: {  	[smem:$0x7EA] =	sst s31;
	s0 =	simm.s32 @p0 $0x1;
	p0 =	sgt.s32 s2, $0x7  }
.Ltmp0:
0x4b: {  	[smem:$0x7DA] =	sst s0;
	s0 =	simm.s32 @!p0 $0x0;
	(pc) =	sbr.rel .LBB2_1-.Ltmp0, $4  }
0x4c: {  	[smem:$0x7EB] =	sst s6;
	s0 =	simm.s32 @p0 $0x1;
	p0 =	sgt.s32 s2, $0x3  }
0x4d: {  	s31 =	sadd.s32 $0x26000, s20;
	[smem:$0x7DB] =	sst s0;
	s0 =	simm.s32 @!p0 $0x0  }
0x4e: {  	s18 =	simm.s32 $0x5;
	[smem:$0x7FD] =	sst s31;
	s0 =	simm.s32 @p0 $0x1  }
0x4f: {  	v0 =	vimm.f32 $0.0e+00;
	s23 =	simm.s32 $0x0;
	[smem:$0x7DC] =	sst s0;
	s0 =	sadd.s32 $0x58000, s1  }
.LBB2_19:
0x50: {  	s8 =	sld [smem:$0x7E5]  }
0x51: {  	s12 =	sld [smem:$0x7F9]  }
0x52: {  	s14 =	simm.s32 $0x10  }
0x53: {  	s15 =	simm.s32 $0x8;
	s19 =	simm.s32 $0x1C06;
	s8 =	sshrl.u32 s8, $0x3  }
0x54: {  	[hbm:s12@s14], [sflag:s19] =	dma.strided [spmem:s8@s15], $0x1000, s17, $0x8   }
.LBB2_20:
0x55: {  	_ =	swait.ge [sflag:s13], $0x1000  }
0x56: {  	[sflag:s13] =	ssyncset.done $0x0  }
0x57: {  	[sflag:s13] =	ssyncadd.s32 $0xFFFFF000  }
.LBB2_21:
0x58: {  	s19 =	sld [smem:$0x7FB]  }
0x59: {  	s8 =	sshrl.u32 @p1 s30, $0x3  }
0x5a: {  	s12 =	simm.s32 @p1 $0x1;
	s14 =	simm.s32 @p1 $0x10;
	s15 =	simm.s32 @p1 $0x8  }
0x5b: {  	[hbm:s19@s14], [sflag:s6] =	dma.strided @p1 [spmem:s8@s15], $0x1000, s12, $0x8   }
0x5c: {  	s6 =	simm.s32 @p1 $0x6  }
0x5d: {  	_ =	swait.ge @p1 [sflag:s6], $0x1000  }
0x5e: {  	s15 =	sld [smem:$0x7FC]  }
0x5f: {  	s8 =	simm.s32 @p2 $0x1;
	s12 =	simm.s32 @p2 $0x10;
	[sflag:s6] =	ssyncset.done @p1 $0x0  }
0x60: {  	s14 =	simm.s32 @p2 $0x8;
	[sflag:s6] =	ssyncadd.s32 @p1 $0xFFFFF000;
	s6 =	sshrl.u32 @p2 s21, $0x3  }
0x61: {  	[hbm:s15@s12], [sflag:s7] =	dma.strided @p2 [spmem:s6@s14], $0x1000, s8, $0x8   }
0x62: {  	s6 =	simm.s32 @p2 $0x6  }
0x63: {  	_ =	swait.ge @p2 [sflag:s6], $0x1000  }
0x64: {  	s14 =	sld [smem:$0x7FD]  }
0x65: {  	s7 =	simm.s32 @p4 $0x1;
	s8 =	simm.s32 @p4 $0x10;
	[sflag:s6] =	ssyncset.done @p2 $0x0  }
0x66: {  	s12 =	simm.s32 @p4 $0x8;
	[sflag:s6] =	ssyncadd.s32 @p2 $0xFFFFF000;
	s6 =	sshrl.u32 @p4 s9, $0x3  }
0x67: {  	[hbm:s14@s8], [sflag:s10] =	dma.strided @p4 [spmem:s6@s12], $0x880, s7, $0x8   }
0x68: {  	s6 =	simm.s32 @p4 $0x6  }
0x69: {  	_ =	swait.ge @p4 [sflag:s6], $0x880  }
0x6a: {  	s23 =	sadd.s32 $0x1, s23;
	s31 =	rddreg [dreg:$0x17]  }
0x6b: {  	p0 =	sne.s32 s23, s31  }
.Ltmp1:
0x6c: {  	_ = 	snop;
	(pc) =	sbr.rel @!p0 .LBB2_22-.Ltmp1, $3  }
0x6d: {  	_ =	sdelay $0x1  }
0x6e: {  	[sflag:s6] =	ssyncset.done @p4 $0x0  }
0x6f: {  	[sflag:s6] =	ssyncadd.s32 @p4 $0xFFFFF780  }
.LBB2_1:
0x70: {  	s6 =	rddreg [dreg:$0x6];
	s7 =	simm.s32 $0x10000  }
0x71: {  	[tilespmem:s7], [sflag:$0x6] =	stream.linear.gather [hbm4b:s6+s3], $0x2F00, $0x38;
	[tilespmem:$0x1CB40] =	vst v63  }
0x72: {  	_ =	swait.ge [sflag:s13], $0x2F00  }
0x73: {  	[sflag:s13] =	ssyncset.done $0x0  }
0x74: {  	s7 =	simm.s32 $0x100;
	s6 =	simm.s32 $0x0;
	[sflag:s13] =	ssyncadd.s32 $0xFFFFD100  }
.LBB2_2:
0x75: {  	p0 =	sne.s32 s7, $0xFF00;
	[tilespmem:s6+$0x30] =	vst v0;
	s10 =	smov.u32 s7;
	s7 =	sadd.s32 $0x100, s7  }
.Ltmp2:
0x76: {  	[tilespmem:s6+$0x20] =	vst v0;
	(pc) =	sbr.rel @p0 .LBB2_2-.Ltmp2, $3  }
0x77: {  	[tilespmem:s6+$0x0] =	vst v0  }
0x78: {  	[tilespmem:s6+$0x10] =	vst v0;
	_ =	sdelay $0x1  }
0x79: {  	s6 =	sshra.s32 s10, $0x2  }
0x7a: {  	s31 =	sld [smem:$0x7DB];
	_ =	sdelay $0x2  }
0x7b: {  	p0 =	seq.s32 s31, $0x1  }
.Ltmp3:
0x7c: {  	_ = 	snop;
	(pc) =	sbr.rel @p0 .LBB2_7-.Ltmp3, $4  }
0x7d: {  	[tilespmem:s6+$0x30] =	vst v0  }
0x7e: {  	[tilespmem:s6+$0x20] =	vst v0  }
0x7f: {  	[tilespmem:s6+$0x0] =	vst v0  }
0x80: {  	[tilespmem:s6+$0x10] =	vst v0  }
0x81: {  	s6 =	sld [smem:$0x7DC];
	_ =	sdelay $0x2  }
0x82: {  	p0 =	seq.s32 s6, $0x1  }
.Ltmp4:
0x83: {  	_ = 	snop;
	(pc) =	sbr.rel @p0 .LBB2_6-.Ltmp4, $1  }
0x84: {  	_ =	sdelay $0x3  }
0x85: {  	s6 =	sld [smem:$0x7D1];
	_ =	sdelay $0x2  }
0x86: {  	p2 =	seq.s32 s6, $0x1  }
0x87: {  	s7 =	rddreg [dreg:$0x1e];
	s6 =	simm.s32 @!p2 $0x0  }
0x88: {  	[spmem:s7] =	stream.linear.scatter @!p2 [tilespmem:s6], [sflag:$0x6], $0x4000, $0x38;
	[tilespmem:$0x1CB40] =	vst v63  }
0x89: {  	s7 =	simm.s32 @!p2 $0x6  }
0x8a: {  	_ =	swait.ge @!p2 [sflag:s7], $0x4000  }
0x8b: {  	s8 =	sld [smem:$0x7E0]  }
0x8c: {  	[sflag:s7] =	ssyncset.done @!p2 $0x0  }
0x8d: {  	[sflag:s7] =	ssyncadd.s32 @!p2 $0xFFFFC000  }
0x8e: {  	[spmem:s8] =	stream.linear.scatter @!p2 [tilespmem:s6], [sflag:$0x6], $0x4000, $0x38;
	[tilespmem:$0x1CB40] =	vst v63  }
0x8f: {  	_ =	swait.ge @!p2 [sflag:s7], $0x4000  }
0x90: {  	[sflag:s7] =	ssyncset.done @!p2 $0x0  }
0x91: {  	[sflag:s7] =	ssyncadd.s32 @!p2 $0xFFFFC000  }
0x92: {  	[spmem:s30] =	stream.linear.scatter @!p2 [tilespmem:s6], [sflag:$0x6], $0x4000, $0x38;
	[tilespmem:$0x1CB40] =	vst v63  }
0x93: {  	_ =	swait.ge @!p2 [sflag:s7], $0x4000  }
0x94: {  	s22 =	sld [smem:$0x7D2];
	_ =	sdelay $0x2  }
0x95: {  	[sflag:s7] =	ssyncset.done @!p2 $0x0;
	p3 =	seq.s32 s22, $0x1  }
0x96: {  	[sflag:s7] =	ssyncadd.s32 @!p2 $0xFFFFC000;
	s7 =	rddreg [dreg:$0x1d];
	s6 =	simm.s32 @!p3 $0x0  }
0x97: {  	[spmem:s7] =	stream.linear.scatter @!p3 [tilespmem:s6], [sflag:$0x6], $0x4000, $0x38;
	[tilespmem:$0x1CB40] =	vst v63  }
0x98: {  	s7 =	simm.s32 @!p3 $0x6  }
0x99: {  	_ =	swait.ge @!p3 [sflag:s7], $0x4000  }
0x9a: {  	s8 =	sld [smem:$0x7E1]  }
0x9b: {  	[sflag:s7] =	ssyncset.done @!p3 $0x0  }
0x9c: {  	[sflag:s7] =	ssyncadd.s32 @!p3 $0xFFFFC000  }
0x9d: {  	[spmem:s8] =	stream.linear.scatter @!p3 [tilespmem:s6], [sflag:$0x6], $0x4000, $0x38;
	[tilespmem:$0x1CB40] =	vst v63  }
0x9e: {  	_ =	swait.ge @!p3 [sflag:s7], $0x4000  }
0x9f: {  	s8 =	sld [smem:$0x7E8]  }
0xa0: {  	[sflag:s7] =	ssyncset.done @!p3 $0x0  }
0xa1: {  	[sflag:s7] =	ssyncadd.s32 @!p3 $0xFFFFC000  }
0xa2: {  	[spmem:s8] =	stream.linear.scatter @!p3 [tilespmem:s6], [sflag:$0x6], $0x4000, $0x38;
	[tilespmem:$0x1CB40] =	vst v63  }
0xa3: {  	_ =	swait.ge @!p3 [sflag:s7], $0x4000  }
0xa4: {  	s25 =	sld [smem:$0x7D3];
	_ =	sdelay $0x2  }
0xa5: {  	[sflag:s7] =	ssyncset.done @!p3 $0x0;
	p4 =	seq.s32 s25, $0x1  }
0xa6: {  	[sflag:s7] =	ssyncadd.s32 @!p3 $0xFFFFC000;
	s6 =	simm.s32 @!p4 $0x0;
	s7 =	simm.s32 @!p4 $0x6  }
0xa7: {  	[spmem:s1] =	stream.linear.scatter @!p4 [tilespmem:s6], [sflag:$0x6], $0x4000, $0x38;
	[tilespmem:$0x1CB40] =	vst v63  }
0xa8: {  	_ =	swait.ge @!p4 [sflag:s7], $0x4000  }
0xa9: {  	s8 =	sld [smem:$0x7DE]  }
0xaa: {  	[sflag:s7] =	ssyncset.done @!p4 $0x0  }
0xab: {  	[sflag:s7] =	ssyncadd.s32 @!p4 $0xFFFFC000  }
0xac: {  	[spmem:s8] =	stream.linear.scatter @!p4 [tilespmem:s6], [sflag:$0x6], $0x4000, $0x38;
	[tilespmem:$0x1CB40] =	vst v63  }
0xad: {  	_ =	swait.ge @!p4 [sflag:s7], $0x4000  }
0xae: {  	s8 =	sld [smem:$0x7E5]  }
0xaf: {  	[sflag:s7] =	ssyncset.done @!p4 $0x0  }
0xb0: {  	[sflag:s7] =	ssyncadd.s32 @!p4 $0xFFFFC000  }
0xb1: {  	[spmem:s8] =	stream.linear.scatter @!p4 [tilespmem:s6], [sflag:$0x6], $0x4000, $0x38;
	[tilespmem:$0x1CB40] =	vst v63  }
0xb2: {  	_ =	swait.ge @!p4 [sflag:s7], $0x4000  }
0xb3: {  	s26 =	sld [smem:$0x7D5];
	_ =	sdelay $0x2  }
0xb4: {  	[sflag:s7] =	ssyncset.done @!p4 $0x0;
	p5 =	seq.s32 s26, $0x1  }
0xb5: {  	[sflag:s7] =	ssyncadd.s32 @!p4 $0xFFFFC000;
	s7 =	rddreg [dreg:$0x1f];
	s6 =	simm.s32 @!p5 $0x0  }
0xb6: {  	[spmem:s7] =	stream.linear.scatter @!p5 [tilespmem:s6], [sflag:$0x6], $0x4000, $0x38;
	[tilespmem:$0x1CB40] =	vst v63  }
0xb7: {  	s7 =	simm.s32 @!p5 $0x6  }
0xb8: {  	p0 =	por @!p2 $0x0, $0x0;
	p1 =	por @!p3 $0x0, $0x0;
	_ =	swait.ge @!p5 [sflag:s7], $0x4000  }
0xb9: {  	p6 =	por @!p3 $0x1, $0x1;
	p1 =	por @!p2 p0, p0;
	s8 =	sld [smem:$0x7DF]  }
0xba: {  	p0 =	por @!p2 $0x1, $0x1;
	p3 =	por @!p3 $0x0, $0x0;
	[sflag:s7] =	ssyncset.done @!p5 $0x0  }
0xbb: {  	p3 =	por @!p2 p0, p0;
	[sflag:s7] =	ssyncadd.s32 @!p5 $0xFFFFC000  }
0xbc: {  	[spmem:s8] =	stream.linear.scatter @!p5 [tilespmem:s6], [sflag:$0x6], $0x4000, $0x38;
	[tilespmem:$0x1CB40] =	vst v63  }
0xbd: {  	p0 =	por @!p2 $0x0, $0x0;
	s8 =	simm.s32 @!p3 $0x0  }
0xbe: {  	p6 =	por @!p2 p0, p0;
	_ =	swait.ge @!p5 [sflag:s7], $0x4000;
	s8 =	simm.s32 @p3 $0x1  }
0xbf: {  	[smem:$0x7C9] =	sst s8;
	s8 =	simm.s32 @!p6 $0x0  }
0xc0: {  	p0 =	por @!p5 $0x0, $0x0;
	s28 =	sld [smem:$0x7D4];
	s8 =	simm.s32 @p6 $0x1  }
0xc1: {  	p3 =	por @!p4 $0x0, $0x0;
	[sflag:s7] =	ssyncset.done @!p5 $0x0;
	[smem:$0x7CA] =	sst s8  }
0xc2: {  	p0 =	por @!p4 p3, p3;
	p6 =	por @!p5 $0x1, $0x1;
	s8 =	sld [smem:$0x7E7]  }
0xc3: {  	p6 =	por @!p4 p3, p3;
	p4 =	por p1, p1;
	p3 =	seq.s32 s28, $0x1  }
0xc4: {  	[sflag:s7] =	ssyncadd.s32 @!p5 $0xFFFFC000;
	p4 =	por @!p3 p0, p0  }
0xc5: {  	[spmem:s8] =	stream.linear.scatter @!p5 [tilespmem:s6], [sflag:$0x6], $0x4000, $0x38;
	[tilespmem:$0x1CB40] =	vst v63  }
0xc6: {  	p2 =	por p1, p1;
	s6 =	simm.s32 @!p4 $0x0  }
0xc7: {  	p2 =	por @!p3 p6, p6;
	s6 =	simm.s32 @p4 $0x1  }
0xc8: {  	[smem:$0x7C2] =	sst s6;
	s6 =	simm.s32 @!p2 $0x0  }
0xc9: {  	s6 =	simm.s32 @p2 $0x1;
	p2 =	por p1, p1  }
0xca: {  	p2 =	por @!p3 p0, p0  }
0xcb: {  	p4 =	por p1, p1;
	[smem:$0x7C3] =	sst s6;
	s6 =	simm.s32 @!p2 $0x0  }
0xcc: {  	p4 =	por @!p3 p0, p0;
	s6 =	simm.s32 @p2 $0x1  }
0xcd: {  	p2 =	por p1, p1;
	[smem:$0x7C4] =	sst s6;
	s6 =	simm.s32 @!p4 $0x0  }
0xce: {  	p2 =	por @!p3 p0, p0;
	s6 =	simm.s32 @p4 $0x1  }
0xcf: {  	p4 =	por p1, p1;
	[smem:$0x7C5] =	sst s6;
	s6 =	simm.s32 @!p2 $0x0  }
0xd0: {  	s29 =	sld [smem:$0x7C9];
	p4 =	por @!p3 p0, p0;
	s6 =	simm.s32 @p2 $0x1  }
0xd1: {  	p2 =	por p1, p1;
	[smem:$0x7C6] =	sst s6;
	s6 =	simm.s32 @!p4 $0x0  }
0xd2: {  	p2 =	por @!p3 p0, p0;
	s6 =	simm.s32 @p4 $0x1  }
0xd3: {  	[smem:$0x7C7] =	sst s6;
	s6 =	simm.s32 @!p2 $0x0  }
0xd4: {  	s6 =	simm.s32 @p2 $0x1;
	p2 =	seq.s32 s29, $0x1  }
0xd5: {  	p2 =	por @!p3 p0, p0  }
0xd6: {  	[smem:$0x7C8] =	sst s6;
	s6 =	simm.s32 @!p2 $0x0  }
0xd7: {  	s6 =	simm.s32 @p2 $0x1  }
0xd8: {  	[smem:$0x7C9] =	sst s6  }
0xd9: {  	_ =	swait.ge @!p5 [sflag:s7], $0x4000  }
0xda: {  	s31 =	sld [smem:$0x7CA];
	_ =	sdelay $0x2  }
0xdb: {  	p4 =	seq.s32 s31, $0x1  }
0xdc: {  	p4 =	por @!p3 p0, p0  }
0xdd: {  	p2 =	por p1, p1;
	s6 =	simm.s32 @!p4 $0x0  }
0xde: {  	p2 =	por @!p3 p0, p0;
	s6 =	simm.s32 @p4 $0x1  }
0xdf: {  	p4 =	por p1, p1;
	[smem:$0x7CA] =	sst s6;
	s6 =	simm.s32 @!p2 $0x0  }
0xe0: {  	p4 =	por @!p3 p0, p0;
	s6 =	simm.s32 @p2 $0x1  }
0xe1: {  	p2 =	por p1, p1;
	[smem:$0x7CB] =	sst s6;
	s6 =	simm.s32 @!p4 $0x0  }
0xe2: {  	p2 =	por @!p3 p0, p0;
	s6 =	simm.s32 @p4 $0x1  }
0xe3: {  	[smem:$0x7CC] =	sst s6;
	s6 =	simm.s32 @!p2 $0x0  }
0xe4: {  	s6 =	simm.s32 @p2 $0x1;
	p2 =	por p1, p1  }
0xe5: {  	p2 =	por @!p3 p0, p0  }
.Ltmp5:
0xe6: {  	[smem:$0x7CD] =	sst s6;
	s6 =	simm.s32 @!p2 $0x0;
	(pc) =	sbr.rel .LBB2_14-.Ltmp5, $4  }
0xe7: {  	p1 =	por @!p3 p0, p0;
	s6 =	simm.s32 @p2 $0x1  }
0xe8: {  	[smem:$0x7CE] =	sst s6;
	s6 =	simm.s32 @!p1 $0x0  }
0xe9: {  	[sflag:s7] =	ssyncset.done @!p5 $0x0;
	s6 =	simm.s32 @p1 $0x1  }
0xea: {  	[sflag:s7] =	ssyncadd.s32 @!p5 $0xFFFFC000;
	[smem:$0x7CF] =	sst s6  }
.LBB2_7:
0xeb: {  	p0 =	sgt.s32 s2, $0xB  }
.Ltmp6:
0xec: {  	_ = 	snop;
	(pc) =	sbr.rel @p0 .LBB2_9-.Ltmp6, $1  }
0xed: {  	_ =	sdelay $0x3  }
0xee: {  	p2 =	sgt.s32 s2, $0x9  }
0xef: {  	p1 =	seq.s32 @p2 s2, $0xA  }
0xf0: {  	p0 =	por !p1, !p2  }
0xf1: {  	s7 =	rddreg [dreg:$0xf];
	s6 =	simm.s32 @!p0 $0x0  }
0xf2: {  	[spmem:s7] =	stream.linear.scatter @!p0 [tilespmem:s6], [sflag:$0x6], $0x4000, $0x38;
	[tilespmem:$0x1CB40] =	vst v63  }
0xf3: {  	s7 =	simm.s32 @!p0 $0x6  }
0xf4: {  	_ =	swait.ge @!p0 [sflag:s7], $0x4000  }
0xf5: {  	[sflag:s7] =	ssyncset.done @!p0 $0x0  }
0xf6: {  	s8 =	rddreg [dreg:$0x10];
	[sflag:s7] =	ssyncadd.s32 @!p0 $0xFFFFC000  }
0xf7: {  	[spmem:s8] =	stream.linear.scatter @!p0 [tilespmem:s6], [sflag:$0x6], $0x4000, $0x38;
	[tilespmem:$0x1CB40] =	vst v63  }
0xf8: {  	_ =	swait.ge @!p0 [sflag:s7], $0x4000  }
0xf9: {  	p3 =	por p1, !p2;
	[sflag:s7] =	ssyncset.done @!p0 $0x0  }
0xfa: {  	s6 =	simm.s32 @!p3 $0x0;
	[sflag:s7] =	ssyncadd.s32 @!p0 $0xFFFFC000;
	s7 =	rddreg [dreg:$0xd]  }
0xfb: {  	[spmem:s7] =	stream.linear.scatter @!p3 [tilespmem:s6], [sflag:$0x6], $0x4000, $0x38;
	[tilespmem:$0x1CB40] =	vst v63  }
0xfc: {  	s7 =	simm.s32 @!p3 $0x6  }
0xfd: {  	_ =	swait.ge @!p3 [sflag:s7], $0x4000  }
0xfe: {  	[sflag:s7] =	ssyncset.done @!p3 $0x0  }
0xff: {  	s8 =	rddreg [dreg:$0xe];
	[sflag:s7] =	ssyncadd.s32 @!p3 $0xFFFFC000  }
0x100: {  	[spmem:s8] =	stream.linear.scatter @!p3 [tilespmem:s6], [sflag:$0x6], $0x4000, $0x38;
	[tilespmem:$0x1CB40] =	vst v63  }
0x101: {  	p1 =	seq.s32 @!p2 s2, $0x8;
	_ =	swait.ge @!p3 [sflag:s7], $0x4000  }
0x102: {  	p4 =	por !p1, p2;
	[sflag:s7] =	ssyncset.done @!p3 $0x0  }
0x103: {  	s6 =	simm.s32 @!p4 $0x0;
	[sflag:s7] =	ssyncadd.s32 @!p3 $0xFFFFC000;
	s7 =	rddreg [dreg:$0x16]  }
0x104: {  	[spmem:s7] =	stream.linear.scatter @!p4 [tilespmem:s6], [sflag:$0x6], $0x4000, $0x38;
	[tilespmem:$0x1CB40] =	vst v63  }
0x105: {  	s7 =	simm.s32 @!p4 $0x6  }
0x106: {  	_ =	swait.ge @!p4 [sflag:s7], $0x4000  }
0x107: {  	[sflag:s7] =	ssyncset.done @!p4 $0x0  }
0x108: {  	p5 =	por p1, p2;
	s8 =	rddreg [dreg:$0x18];
	[sflag:s7] =	ssyncadd.s32 @!p4 $0xFFFFC000  }
0x109: {  	[spmem:s8] =	stream.linear.scatter @!p4 [tilespmem:s6], [sflag:$0x6], $0x4000, $0x38;
	[tilespmem:$0x1CB40] =	vst v63  }
0x10a: {  	s6 =	simm.s32 @!p5 $0x0  }
0x10b: {  	_ =	swait.ge @!p4 [sflag:s7], $0x4000;
	s6 =	simm.s32 @p5 $0x1  }
0x10c: {  	[sflag:s7] =	ssyncset.done @!p4 $0x0;
	[smem:$0x7BD] =	sst s6  }
0x10d: {  	s6 =	simm.s32 @!p5 $0x0;
	[sflag:s7] =	ssyncadd.s32 @!p4 $0xFFFFC000;
	s7 =	rddreg [dreg:$0x14]  }
0x10e: {  	[spmem:s7] =	stream.linear.scatter @!p5 [tilespmem:s6], [sflag:$0x6], $0x4000, $0x38;
	[tilespmem:$0x1CB40] =	vst v63  }
0x10f: {  	p5 =	por @!p3 $0x0, $0x0  }
0x110: {  	s7 =	simm.s32 @!p5 $0x0  }
0x111: {  	s7 =	simm.s32 @p5 $0x1  }
0x112: {  	[smem:$0x7C5] =	sst s7  }
0x113: {  	s7 =	sld [smem:$0x7C5];
	_ =	sdelay $0x2  }
0x114: {  	p6 =	por @!p0 $0x1, $0x1;
	s19 =	sld [smem:$0x7BD];
	p5 =	seq.s32 s7, $0x1  }
0x115: {  	p5 =	por @!p0 p6, p6  }
0x116: {  	s7 =	simm.s32 @!p5 $0x0  }
0x117: {  	s7 =	simm.s32 @p5 $0x1;
	p5 =	seq.s32 s19, $0x1  }
0x118: {  	p6 =	por @!p5 $0x0, $0x0  }
0x119: {  	[smem:$0x7C5] =	sst s7;
	s7 =	simm.s32 @!p6 $0x0  }
0x11a: {  	p1 =	por @!p3 $0x0, $0x0;
	p3 =	por @!p3 $0x1, $0x1;
	s7 =	simm.s32 @p6 $0x1  }
0x11b: {  	[smem:$0x7BE] =	sst s7;
	s7 =	simm.s32 @!p3 $0x0  }
0x11c: {  	s7 =	simm.s32 @p3 $0x1  }
0x11d: {  	[smem:$0x7CE] =	sst s7  }
0x11e: {  	s7 =	sld [smem:$0x7CE];
	_ =	sdelay $0x1  }
0x11f: {  	p6 =	por @!p0 $0x0, $0x0;
	p3 =	por @!p0 $0x0, $0x0;
	s22 =	sld [smem:$0x7BE]  }
0x120: {  	p1 =	por @!p0 p3, p3;
	p3 =	por @!p5 $0x0, $0x0;
	p5 =	seq.s32 s7, $0x1  }
0x121: {  	p5 =	por @!p0 p6, p6  }
0x122: {  	s25 =	sld [smem:$0x7BD];
	s7 =	simm.s32 @!p5 $0x0  }
0x123: {  	p0 =	seq.s32 s22, $0x1;
	s7 =	simm.s32 @p5 $0x1;
	p5 =	por @!p4 $0x1, $0x1  }
0x124: {  	p0 =	por @!p4 p5, p5  }
0x125: {  	[smem:$0x7CE] =	sst s7;
	p5 =	seq.s32 s25, $0x1;
	s7 =	simm.s32 @!p0 $0x0  }
0x126: {  	p6 =	por @!p5 $0x1, $0x1;
	s7 =	simm.s32 @p0 $0x1  }
0x127: {  	p0 =	por @!p4 $0x0, $0x0;
	[smem:$0x7BE] =	sst s7;
	s7 =	simm.s32 @!p5 $0x6  }
0x128: {  	p6 =	por @!p4 p0, p0;
	_ =	swait.ge @!p5 [sflag:s7], $0x4000  }
0x129: {  	s8 =	simm.s32 @!p6 $0x0;
	s26 =	sld [smem:$0x7BE]  }
0x12a: {  	s8 =	simm.s32 @p6 $0x1  }
0x12b: {  	p3 =	por @!p4 p0, p0;
	[smem:$0x7BF] =	sst s8  }
0x12c: {  	p0 =	por p1, p1;
	s28 =	sld [smem:$0x7BF];
	p6 =	seq.s32 s26, $0x1  }
0x12d: {  	p0 =	por @!p2 p6, p6  }
0x12e: {  	s8 =	simm.s32 @!p0 $0x0  }
0x12f: {  	p4 =	por p1, p1;
	s8 =	simm.s32 @p0 $0x1;
	p0 =	seq.s32 s28, $0x1  }
0x130: {  	p4 =	por @!p2 p0, p0  }
0x131: {  	[smem:$0x7C6] =	sst s8;
	s8 =	simm.s32 @!p4 $0x0  }
0x132: {  	s8 =	simm.s32 @p4 $0x1  }
0x133: {  	[sflag:s7] =	ssyncset.done @!p5 $0x0;
	p0 =	por p1, p1;
	[smem:$0x7CD] =	sst s8  }
0x134: {  	[sflag:s7] =	ssyncadd.s32 @!p5 $0xFFFFC000;
	p0 =	por @!p2 p3, p3;
	s8 =	rddreg [dreg:$0x15]  }
0x135: {  	[spmem:s8] =	stream.linear.scatter @!p5 [tilespmem:s6], [sflag:$0x6], $0x4000, $0x38;
	[tilespmem:$0x1CB40] =	vst v63  }
0x136: {  	s29 =	sld [smem:$0x7C5];
	p4 =	por p1, p1;
	s6 =	simm.s32 @!p0 $0x0  }
0x137: {  	p4 =	por @!p2 p3, p3;
	s6 =	simm.s32 @p0 $0x1  }
0x138: {  	[smem:$0x7C2] =	sst s6;
	s6 =	simm.s32 @!p4 $0x0  }
0x139: {  	s6 =	simm.s32 @p4 $0x1;
	p4 =	seq.s32 s29, $0x1  }
0x13a: {  	p4 =	por @!p2 p3, p3  }
0x13b: {  	p0 =	por p1, p1;
	[smem:$0x7C4] =	sst s6;
	s6 =	simm.s32 @!p4 $0x0  }
0x13c: {  	p0 =	por @!p2 p3, p3;
	s6 =	simm.s32 @p4 $0x1  }
0x13d: {  	p4 =	por p1, p1;
	[smem:$0x7C5] =	sst s6;
	s6 =	simm.s32 @!p0 $0x0  }
0x13e: {  	p4 =	por @!p2 p3, p3;
	s6 =	simm.s32 @p0 $0x1  }
0x13f: {  	p0 =	por p1, p1;
	[smem:$0x7C7] =	sst s6;
	s6 =	simm.s32 @!p4 $0x0  }
0x140: {  	p0 =	por @!p2 p3, p3;
	s6 =	simm.s32 @p4 $0x1  }
0x141: {  	[smem:$0x7C8] =	sst s6;
	s6 =	simm.s32 @!p0 $0x0  }
0x142: {  	s6 =	simm.s32 @p0 $0x1;
	p0 =	por p1, p1  }
0x143: {  	p0 =	por @!p2 p3, p3  }
0x144: {  	p4 =	por p1, p1;
	[smem:$0x7C9] =	sst s6;
	s6 =	simm.s32 @!p0 $0x0  }
0x145: {  	p4 =	por @!p2 p3, p3;
	_ =	swait.ge @!p5 [sflag:s7], $0x4000;
	s6 =	simm.s32 @p0 $0x1  }
0x146: {  	[smem:$0x7C3] =	sst s6;
	s6 =	simm.s32 @!p4 $0x0  }
0x147: {  	s6 =	simm.s32 @p4 $0x1;
	p4 =	por p1, p1  }
0x148: {  	s31 =	sld [smem:$0x7CE];
	p4 =	por @!p2 p3, p3  }
0x149: {  	p0 =	por p1, p1;
	[smem:$0x7CA] =	sst s6;
	s6 =	simm.s32 @!p4 $0x0  }
0x14a: {  	p0 =	por @!p2 p3, p3;
	s6 =	simm.s32 @p4 $0x1  }
0x14b: {  	[smem:$0x7CB] =	sst s6;
	s6 =	simm.s32 @!p0 $0x0  }
0x14c: {  	s6 =	simm.s32 @p0 $0x1;
	p0 =	seq.s32 s31, $0x1  }
0x14d: {  	p0 =	por @!p2 p3, p3  }
.Ltmp7:
0x14e: {  	[smem:$0x7CC] =	sst s6;
	s6 =	simm.s32 @!p0 $0x0;
	(pc) =	sbr.rel .LBB2_14-.Ltmp7, $4  }
0x14f: {  	p1 =	por @!p2 p3, p3;
	s6 =	simm.s32 @p0 $0x1  }
0x150: {  	[smem:$0x7CE] =	sst s6;
	s6 =	simm.s32 @!p1 $0x0  }
0x151: {  	[sflag:s7] =	ssyncset.done @!p5 $0x0;
	s6 =	simm.s32 @p1 $0x1  }
0x152: {  	[sflag:s7] =	ssyncadd.s32 @!p5 $0xFFFFC000;
	[smem:$0x7CF] =	sst s6  }
.LBB2_6:
0x153: {  	s6 =	sld [smem:$0x7D6];
	_ =	sdelay $0x2  }
0x154: {  	p2 =	seq.s32 s6, $0x1  }
0x155: {  	s7 =	rddreg [dreg:$0x1a];
	s6 =	simm.s32 @!p2 $0x0  }
0x156: {  	[spmem:s7] =	stream.linear.scatter @!p2 [tilespmem:s6], [sflag:$0x6], $0x4000, $0x38;
	[tilespmem:$0x1CB40] =	vst v63  }
0x157: {  	s7 =	simm.s32 @!p2 $0x6  }
0x158: {  	_ =	swait.ge @!p2 [sflag:s7], $0x4000  }
0x159: {  	[sflag:s7] =	ssyncset.done @!p2 $0x0  }
0x15a: {  	[sflag:s7] =	ssyncadd.s32 @!p2 $0xFFFFC000  }
0x15b: {  	[spmem:s0] =	stream.linear.scatter @!p2 [tilespmem:s6], [sflag:$0x6], $0x4000, $0x38;
	[tilespmem:$0x1CB40] =	vst v63  }
0x15c: {  	_ =	swait.ge @!p2 [sflag:s7], $0x4000  }
0x15d: {  	[sflag:s7] =	ssyncset.done @!p2 $0x0  }
0x15e: {  	[sflag:s7] =	ssyncadd.s32 @!p2 $0xFFFFC000  }
0x15f: {  	[spmem:s9] =	stream.linear.scatter @!p2 [tilespmem:s6], [sflag:$0x6], $0x4000, $0x38;
	[tilespmem:$0x1CB40] =	vst v63  }
0x160: {  	_ =	swait.ge @!p2 [sflag:s7], $0x4000  }
0x161: {  	s15 =	sld [smem:$0x7D7];
	_ =	sdelay $0x2  }
0x162: {  	[sflag:s7] =	ssyncset.done @!p2 $0x0;
	p3 =	seq.s32 s15, $0x1  }
0x163: {  	[sflag:s7] =	ssyncadd.s32 @!p2 $0xFFFFC000;
	s7 =	rddreg [dreg:$0x19];
	s6 =	simm.s32 @!p3 $0x0  }
0x164: {  	[spmem:s7] =	stream.linear.scatter @!p3 [tilespmem:s6], [sflag:$0x6], $0x4000, $0x38;
	[tilespmem:$0x1CB40] =	vst v63  }
0x165: {  	s7 =	simm.s32 @!p3 $0x6  }
0x166: {  	_ =	swait.ge @!p3 [sflag:s7], $0x4000  }
0x167: {  	s8 =	sld [smem:$0x7E4]  }
0x168: {  	[sflag:s7] =	ssyncset.done @!p3 $0x0  }
0x169: {  	[sflag:s7] =	ssyncadd.s32 @!p3 $0xFFFFC000  }
0x16a: {  	[spmem:s8] =	stream.linear.scatter @!p3 [tilespmem:s6], [sflag:$0x6], $0x4000, $0x38;
	[tilespmem:$0x1CB40] =	vst v63  }
0x16b: {  	_ =	swait.ge @!p3 [sflag:s7], $0x4000  }
0x16c: {  	s8 =	sld [smem:$0x7EA]  }
0x16d: {  	[sflag:s7] =	ssyncset.done @!p3 $0x0  }
0x16e: {  	[sflag:s7] =	ssyncadd.s32 @!p3 $0xFFFFC000  }
0x16f: {  	[spmem:s8] =	stream.linear.scatter @!p3 [tilespmem:s6], [sflag:$0x6], $0x400, $0x38;
	[tilespmem:$0x1CB40] =	vst v63  }
0x170: {  	_ =	swait.ge @!p3 [sflag:s7], $0x400  }
0x171: {  	s19 =	sld [smem:$0x7D8];
	_ =	sdelay $0x2  }
0x172: {  	[sflag:s7] =	ssyncset.done @!p3 $0x0;
	p4 =	seq.s32 s19, $0x1  }
0x173: {  	[sflag:s7] =	ssyncadd.s32 @!p3 $0xFFFFFC00;
	s7 =	rddreg [dreg:$0x1c];
	s6 =	simm.s32 @!p4 $0x0  }
0x174: {  	[spmem:s7] =	stream.linear.scatter @!p4 [tilespmem:s6], [sflag:$0x6], $0x4000, $0x38;
	[tilespmem:$0x1CB40] =	vst v63  }
0x175: {  	s7 =	simm.s32 @!p4 $0x6  }
0x176: {  	_ =	swait.ge @!p4 [sflag:s7], $0x4000  }
0x177: {  	s8 =	sld [smem:$0x7E2]  }
0x178: {  	[sflag:s7] =	ssyncset.done @!p4 $0x0  }
0x179: {  	[sflag:s7] =	ssyncadd.s32 @!p4 $0xFFFFC000  }
0x17a: {  	[spmem:s8] =	stream.linear.scatter @!p4 [tilespmem:s6], [sflag:$0x6], $0x4000, $0x38;
	[tilespmem:$0x1CB40] =	vst v63  }
0x17b: {  	_ =	swait.ge @!p4 [sflag:s7], $0x4000  }
0x17c: {  	[sflag:s7] =	ssyncset.done @!p4 $0x0  }
0x17d: {  	[sflag:s7] =	ssyncadd.s32 @!p4 $0xFFFFC000  }
0x17e: {  	[spmem:s21] =	stream.linear.scatter @!p4 [tilespmem:s6], [sflag:$0x6], $0x4000, $0x38;
	[tilespmem:$0x1CB40] =	vst v63  }
0x17f: {  	_ =	swait.ge @!p4 [sflag:s7], $0x4000  }
0x180: {  	s22 =	sld [smem:$0x7DA];
	_ =	sdelay $0x2  }
0x181: {  	[sflag:s7] =	ssyncset.done @!p4 $0x0;
	p5 =	seq.s32 s22, $0x1  }
0x182: {  	[sflag:s7] =	ssyncadd.s32 @!p4 $0xFFFFC000;
	s7 =	rddreg [dreg:$0x1b];
	s6 =	simm.s32 @!p5 $0x0  }
0x183: {  	[spmem:s7] =	stream.linear.scatter @!p5 [tilespmem:s6], [sflag:$0x6], $0x4000, $0x38;
	[tilespmem:$0x1CB40] =	vst v63  }
0x184: {  	s7 =	simm.s32 @!p5 $0x6  }
0x185: {  	p1 =	por @!p2 $0x0, $0x0;
	p6 =	por @!p3 $0x0, $0x0;
	_ =	swait.ge @!p5 [sflag:s7], $0x4000  }
0x186: {  	p0 =	por @!p3 $0x1, $0x1;
	p6 =	por @!p2 p1, p1;
	s8 =	sld [smem:$0x7E3]  }
0x187: {  	p1 =	por @!p2 $0x1, $0x1;
	p3 =	por @!p3 $0x0, $0x0;
	[sflag:s7] =	ssyncset.done @!p5 $0x0  }
0x188: {  	p3 =	por @!p2 p1, p1;
	[sflag:s7] =	ssyncadd.s32 @!p5 $0xFFFFC000  }
0x189: {  	[spmem:s8] =	stream.linear.scatter @!p5 [tilespmem:s6], [sflag:$0x6], $0x4000, $0x38;
	[tilespmem:$0x1CB40] =	vst v63  }
0x18a: {  	p1 =	por @!p2 $0x0, $0x0;
	s8 =	simm.s32 @!p3 $0x0  }
0x18b: {  	p0 =	por @!p2 p1, p1;
	_ =	swait.ge @!p5 [sflag:s7], $0x4000;
	s8 =	simm.s32 @p3 $0x1  }
0x18c: {  	[smem:$0x7C7] =	sst s8;
	s8 =	simm.s32 @!p0 $0x0  }
0x18d: {  	s8 =	simm.s32 @p0 $0x1  }
0x18e: {  	[smem:$0x7CC] =	sst s8  }
0x18f: {  	s8 =	sld [smem:$0x7E9]  }
0x190: {  	p2 =	por @!p5 $0x0, $0x0;
	[sflag:s7] =	ssyncset.done @!p5 $0x0;
	p0 =	por @!p4 $0x1, $0x1  }
0x191: {  	[sflag:s7] =	ssyncadd.s32 @!p5 $0xFFFFC000;
	p2 =	por @!p4 p0, p0  }
0x192: {  	[spmem:s8] =	stream.linear.scatter @!p5 [tilespmem:s6], [sflag:$0x6], $0x4000, $0x38;
	[tilespmem:$0x1CB40] =	vst v63  }
0x193: {  	p1 =	por @!p4 $0x0, $0x0;
	s6 =	simm.s32 @!p2 $0x0  }
0x194: {  	p3 =	por @!p5 $0x1, $0x1;
	s25 =	sld [smem:$0x7D9];
	s6 =	simm.s32 @p2 $0x1  }
0x195: {  	p3 =	por @!p4 p1, p1;
	[smem:$0x7C0] =	sst s6  }
0x196: {  	s6 =	simm.s32 @!p3 $0x0;
	s26 =	sld [smem:$0x7C0]  }
0x197: {  	p0 =	por @!p5 $0x0, $0x0;
	s6 =	simm.s32 @p3 $0x1  }
0x198: {  	p0 =	por @!p4 p1, p1;
	p1 =	por p6, p6;
	[smem:$0x7C1] =	sst s6  }
0x199: {  	p4 =	seq.s32 s25, $0x1;
	s28 =	sld [smem:$0x7C1];
	p3 =	seq.s32 s26, $0x1  }
0x19a: {  	p1 =	por @!p4 p3, p3  }
0x19b: {  	s6 =	simm.s32 @!p1 $0x0  }
0x19c: {  	p2 =	por p6, p6;
	s6 =	simm.s32 @p1 $0x1;
	p1 =	seq.s32 s28, $0x1  }
0x19d: {  	p2 =	por @!p4 p1, p1  }
0x19e: {  	[smem:$0x7C8] =	sst s6;
	p1 =	por p6, p6;
	s6 =	simm.s32 @!p2 $0x0  }
0x19f: {  	p1 =	por @!p4 p0, p0;
	s6 =	simm.s32 @p2 $0x1  }
0x1a0: {  	p2 =	por p6, p6;
	[smem:$0x7CB] =	sst s6;
	s6 =	simm.s32 @!p1 $0x0  }
0x1a1: {  	p2 =	por @!p4 p0, p0;
	s6 =	simm.s32 @p1 $0x1  }
0x1a2: {  	p1 =	por p6, p6;
	[smem:$0x7C2] =	sst s6;
	s6 =	simm.s32 @!p2 $0x0  }
0x1a3: {  	s29 =	sld [smem:$0x7C7];
	p1 =	por @!p4 p0, p0;
	s6 =	simm.s32 @p2 $0x1  }
0x1a4: {  	p2 =	por p6, p6;
	[smem:$0x7C4] =	sst s6;
	s6 =	simm.s32 @!p1 $0x0  }
0x1a5: {  	p2 =	por @!p4 p0, p0;
	s6 =	simm.s32 @p1 $0x1  }
0x1a6: {  	[smem:$0x7C5] =	sst s6;
	s6 =	simm.s32 @!p2 $0x0  }
0x1a7: {  	s6 =	simm.s32 @p2 $0x1;
	p2 =	seq.s32 s29, $0x1  }
0x1a8: {  	p2 =	por @!p4 p0, p0  }
0x1a9: {  	p1 =	por p6, p6;
	[smem:$0x7C6] =	sst s6;
	s6 =	simm.s32 @!p2 $0x0  }
0x1aa: {  	p1 =	por @!p4 p0, p0;
	s6 =	simm.s32 @p2 $0x1  }
0x1ab: {  	[smem:$0x7C7] =	sst s6;
	s6 =	simm.s32 @!p1 $0x0  }
0x1ac: {  	s6 =	simm.s32 @p1 $0x1  }
0x1ad: {  	p1 =	por p6, p6;
	[smem:$0x7C9] =	sst s6  }
0x1ae: {  	p1 =	por @!p4 p0, p0;
	_ =	swait.ge @!p5 [sflag:s7], $0x4000  }
0x1af: {  	p2 =	por p6, p6;
	s6 =	simm.s32 @!p1 $0x0;
	s31 =	sld [smem:$0x7CC]  }
0x1b0: {  	p2 =	por @!p4 p0, p0;
	s6 =	simm.s32 @p1 $0x1  }
0x1b1: {  	[smem:$0x7C3] =	sst s6;
	s6 =	simm.s32 @!p2 $0x0  }
0x1b2: {  	s6 =	simm.s32 @p2 $0x1;
	p2 =	seq.s32 s31, $0x1  }
0x1b3: {  	p2 =	por @!p4 p0, p0  }
0x1b4: {  	p1 =	por p6, p6;
	[smem:$0x7CA] =	sst s6;
	s6 =	simm.s32 @!p2 $0x0  }
0x1b5: {  	p1 =	por @!p4 p0, p0;
	s6 =	simm.s32 @p2 $0x1  }
0x1b6: {  	[smem:$0x7CC] =	sst s6;
	s6 =	simm.s32 @!p1 $0x0  }
0x1b7: {  	s6 =	simm.s32 @p1 $0x1;
	p1 =	por p6, p6  }
0x1b8: {  	p1 =	por @!p4 p0, p0  }
.Ltmp8:
0x1b9: {  	[smem:$0x7CD] =	sst s6;
	s6 =	simm.s32 @!p1 $0x0;
	(pc) =	sbr.rel .LBB2_14-.Ltmp8, $4  }
0x1ba: {  	p6 =	por @!p4 p0, p0;
	s6 =	simm.s32 @p1 $0x1  }
0x1bb: {  	[smem:$0x7CE] =	sst s6;
	s6 =	simm.s32 @!p6 $0x0  }
0x1bc: {  	[sflag:s7] =	ssyncset.done @!p5 $0x0;
	s6 =	simm.s32 @p6 $0x1  }
0x1bd: {  	[sflag:s7] =	ssyncadd.s32 @!p5 $0xFFFFC000;
	[smem:$0x7CF] =	sst s6  }
.LBB2_9:
0x1be: {  	p0 =	sgt.s32 s2, $0xD  }
.Ltmp9:
0x1bf: {  	_ = 	snop;
	(pc) =	sbr.rel @p0 .LBB2_11-.Ltmp9, $1  }
0x1c0: {  	_ =	sdelay $0x3  }
0x1c1: {  	p0 =	seq.s32 s2, $0xC  }
0x1c2: {  	s7 =	rddreg [dreg:$0xb];
	s6 =	simm.s32 @p0 $0x0  }
0x1c3: {  	[spmem:s7] =	stream.linear.scatter @p0 [tilespmem:s6], [sflag:$0x6], $0x4000, $0x38;
	[tilespmem:$0x1CB40] =	vst v63  }
0x1c4: {  	s7 =	simm.s32 @p0 $0x6  }
0x1c5: {  	_ =	swait.ge @p0 [sflag:s7], $0x4000  }
0x1c6: {  	[sflag:s7] =	ssyncset.done @p0 $0x0  }
0x1c7: {  	s8 =	rddreg [dreg:$0xc];
	[sflag:s7] =	ssyncadd.s32 @p0 $0xFFFFC000  }
0x1c8: {  	[spmem:s8] =	stream.linear.scatter @p0 [tilespmem:s6], [sflag:$0x6], $0x4000, $0x38;
	[tilespmem:$0x1CB40] =	vst v63  }
0x1c9: {  	_ =	swait.ge @p0 [sflag:s7], $0x4000  }
0x1ca: {  	[sflag:s7] =	ssyncset.done @p0 $0x0  }
0x1cb: {  	s6 =	simm.s32 @!p0 $0x0;
	[sflag:s7] =	ssyncadd.s32 @p0 $0xFFFFC000;
	s7 =	rddreg [dreg:$0x9]  }
0x1cc: {  	[spmem:s7] =	stream.linear.scatter @!p0 [tilespmem:s6], [sflag:$0x6], $0x4000, $0x38;
	[tilespmem:$0x1CB40] =	vst v63  }
0x1cd: {  	s7 =	simm.s32 @!p0 $0x6  }
0x1ce: {  	_ =	swait.ge @!p0 [sflag:s7], $0x4000  }
0x1cf: {  	p2 =	por @!p0 $0x0, $0x0;
	p1 =	por @p0 $0x0, $0x0;
	[sflag:s7] =	ssyncset.done @!p0 $0x0  }
0x1d0: {  	p1 =	por @!p0 p2, p2;
	s8 =	rddreg [dreg:$0xa];
	[sflag:s7] =	ssyncadd.s32 @!p0 $0xFFFFC000  }
0x1d1: {  	[spmem:s8] =	stream.linear.scatter @!p0 [tilespmem:s6], [sflag:$0x6], $0x4000, $0x38;
	[tilespmem:$0x1CB40] =	vst v63  }
0x1d2: {  	p3 =	por @p0 $0x1, $0x1;
	s6 =	simm.s32 @!p1 $0x0  }
0x1d3: {  	p3 =	por @!p0 p2, p2;
	_ =	swait.ge @!p0 [sflag:s7], $0x4000;
	s6 =	simm.s32 @p1 $0x1  }
0x1d4: {  	p1 =	por @p0 $0x0, $0x0;
	[smem:$0x7C2] =	sst s6;
	s6 =	simm.s32 @!p3 $0x0  }
0x1d5: {  	p1 =	por @!p0 p2, p2;
	s6 =	simm.s32 @p3 $0x1  }
0x1d6: {  	[smem:$0x7C4] =	sst s6;
	s6 =	simm.s32 @!p1 $0x0  }
0x1d7: {  	s6 =	simm.s32 @p1 $0x1;
	p1 =	por @p0 $0x0, $0x0  }
0x1d8: {  	p1 =	por @!p0 p2, p2  }
0x1d9: {  	[smem:$0x7C5] =	sst s6;
	s6 =	simm.s32 @!p1 $0x0  }
0x1da: {  	s6 =	simm.s32 @p1 $0x1;
	p1 =	por @p0 $0x0, $0x0  }
0x1db: {  	p1 =	por @!p0 p2, p2  }
0x1dc: {  	p3 =	por @p0 $0x0, $0x0;
	[smem:$0x7C6] =	sst s6;
	s6 =	simm.s32 @!p1 $0x0  }
0x1dd: {  	p3 =	por @!p0 p2, p2;
	s6 =	simm.s32 @p1 $0x1  }
0x1de: {  	p1 =	por @p0 $0x0, $0x0;
	[smem:$0x7C7] =	sst s6;
	s6 =	simm.s32 @!p3 $0x0  }
0x1df: {  	p1 =	por @!p0 p2, p2;
	s6 =	simm.s32 @p3 $0x1  }
0x1e0: {  	[smem:$0x7C8] =	sst s6;
	s6 =	simm.s32 @!p1 $0x0  }
0x1e1: {  	s6 =	simm.s32 @p1 $0x1;
	p1 =	por @p0 $0x0, $0x0  }
0x1e2: {  	p1 =	por @!p0 p2, p2  }
0x1e3: {  	p3 =	por @p0 $0x0, $0x0;
	[smem:$0x7C9] =	sst s6;
	s6 =	simm.s32 @!p1 $0x0  }
0x1e4: {  	p3 =	por @!p0 p2, p2;
	s6 =	simm.s32 @p1 $0x1  }
0x1e5: {  	p1 =	por @p0 $0x0, $0x0;
	[smem:$0x7C3] =	sst s6;
	s6 =	simm.s32 @!p3 $0x0  }
0x1e6: {  	p1 =	por @!p0 p2, p2;
	s6 =	simm.s32 @p3 $0x1  }
0x1e7: {  	p3 =	por @p0 $0x0, $0x0;
	[smem:$0x7CA] =	sst s6;
	s6 =	simm.s32 @!p1 $0x0  }
0x1e8: {  	p3 =	por @!p0 p2, p2;
	s6 =	simm.s32 @p1 $0x1  }
0x1e9: {  	p1 =	por @p0 $0x0, $0x0;
	[smem:$0x7CB] =	sst s6;
	s6 =	simm.s32 @!p3 $0x0  }
0x1ea: {  	p4 =	por @p0 $0x0, $0x0;
	p1 =	por @!p0 p2, p2;
	s6 =	simm.s32 @p3 $0x1  }
0x1eb: {  	p4 =	por @!p0 p2, p2;
	[smem:$0x7CC] =	sst s6;
	s6 =	simm.s32 @!p1 $0x0  }
0x1ec: {  	p3 =	por @!p0 $0x1, $0x1;
	s6 =	simm.s32 @p1 $0x1;
	p1 =	por @p0 $0x0, $0x0  }
.Ltmp10:
0x1ed: {  	[smem:$0x7CD] =	sst s6;
	s6 =	simm.s32 @!p4 $0x0;
	(pc) =	sbr.rel .LBB2_14-.Ltmp10, $4  }
0x1ee: {  	p1 =	por @!p0 p3, p3;
	s6 =	simm.s32 @p4 $0x1  }
0x1ef: {  	[smem:$0x7CE] =	sst s6;
	s6 =	simm.s32 @!p1 $0x0  }
0x1f0: {  	[sflag:s7] =	ssyncset.done @!p0 $0x0;
	s6 =	simm.s32 @p1 $0x1  }
0x1f1: {  	[sflag:s7] =	ssyncadd.s32 @!p0 $0xFFFFC000;
	[smem:$0x7CF] =	sst s6  }
.LBB2_11:
0x1f2: {  	s6 =	sld [smem:$0x7D0];
	_ =	sdelay $0x2  }
0x1f3: {  	p0 =	seq.s32 s6, $0x1  }
.Ltmp11:
0x1f4: {  	_ = 	snop;
	(pc) =	sbr.rel @!p0 .LBB2_12-.Ltmp11, $1  }
0x1f5: {  	_ =	sdelay $0x3  }
0x1f6: {  	s6 =	sld [smem:$0x7DD];
	_ =	sdelay $0x2  }
0x1f7: {  	[spmem:s6] =	stream.linear.scatter [tilespmem:s3], [sflag:$0x6], $0x4000, $0x38;
	[tilespmem:$0x1CB40] =	vst v63  }
0x1f8: {  	_ =	swait.ge [sflag:s13], $0x4000  }
0x1f9: {  	s31 =	sld [smem:$0x7E6]  }
0x1fa: {  	p0 =	por $0x0, $0x0;
	[sflag:s13] =	ssyncset.done $0x0  }
0x1fb: {  	s6 =	simm.s32 @!p0 $0x0;
	[sflag:s13] =	ssyncadd.s32 $0xFFFFC000  }
0x1fc: {  	[spmem:s31] =	stream.linear.scatter [tilespmem:s3], [sflag:$0x6], $0x4000, $0x38;
	[tilespmem:$0x1CB40] =	vst v63  }
0x1fd: {  	s6 =	simm.s32 @p0 $0x1;
	p0 =	por $0x0, $0x0;
	_ =	swait.ge [sflag:s13], $0x4000  }
0x1fe: {  	[smem:$0x7C2] =	sst s6;
	s6 =	simm.s32 @!p0 $0x0  }
0x1ff: {  	s6 =	simm.s32 @p0 $0x1;
	p0 =	por $0x0, $0x0  }
0x200: {  	[smem:$0x7C4] =	sst s6;
	s6 =	simm.s32 @!p0 $0x0  }
0x201: {  	s6 =	simm.s32 @p0 $0x1;
	p0 =	por $0x0, $0x0  }
0x202: {  	[smem:$0x7C5] =	sst s6;
	s6 =	simm.s32 @!p0 $0x0  }
0x203: {  	s6 =	simm.s32 @p0 $0x1;
	p0 =	por $0x0, $0x0  }
0x204: {  	[smem:$0x7C6] =	sst s6;
	s6 =	simm.s32 @!p0 $0x0  }
0x205: {  	s6 =	simm.s32 @p0 $0x1;
	p0 =	por $0x0, $0x0  }
0x206: {  	[smem:$0x7C7] =	sst s6;
	s6 =	simm.s32 @!p0 $0x0  }
0x207: {  	s6 =	simm.s32 @p0 $0x1;
	p0 =	por $0x0, $0x0  }
0x208: {  	[smem:$0x7C8] =	sst s6;
	s6 =	simm.s32 @!p0 $0x0  }
0x209: {  	s6 =	simm.s32 @p0 $0x1;
	p0 =	por $0x0, $0x0  }
0x20a: {  	[smem:$0x7C9] =	sst s6;
	s6 =	simm.s32 @!p0 $0x0  }
0x20b: {  	s6 =	simm.s32 @p0 $0x1;
	p0 =	por $0x0, $0x0  }
0x20c: {  	[smem:$0x7C3] =	sst s6;
	s6 =	simm.s32 @!p0 $0x0  }
0x20d: {  	s6 =	simm.s32 @p0 $0x1;
	p0 =	por $0x0, $0x0  }
0x20e: {  	[smem:$0x7CA] =	sst s6;
	s6 =	simm.s32 @!p0 $0x0  }
0x20f: {  	s6 =	simm.s32 @p0 $0x1;
	p0 =	por $0x0, $0x0  }
0x210: {  	[smem:$0x7CB] =	sst s6;
	s6 =	simm.s32 @!p0 $0x0  }
0x211: {  	s6 =	simm.s32 @p0 $0x1;
	p0 =	por $0x0, $0x0  }
0x212: {  	[smem:$0x7CC] =	sst s6;
	s6 =	simm.s32 @!p0 $0x0  }
0x213: {  	s6 =	simm.s32 @p0 $0x1;
	p0 =	por $0x0, $0x0  }
.Ltmp12:
0x214: {  	[smem:$0x7CD] =	sst s6;
	s6 =	simm.s32 @!p0 $0x0;
	(pc) =	sbr.rel .LBB2_14-.Ltmp12, $4  }
0x215: {  	s6 =	simm.s32 @p0 $0x1;
	p0 =	por $0x0, $0x0  }
0x216: {  	[smem:$0x7CE] =	sst s6;
	s6 =	simm.s32 @!p0 $0x0  }
0x217: {  	[sflag:s13] =	ssyncset.done $0x0;
	s6 =	simm.s32 @p0 $0x1  }
0x218: {  	[sflag:s13] =	ssyncadd.s32 $0xFFFFC000;
	[smem:$0x7CF] =	sst s6  }
.LBB2_12:
0x219: {  	s6 =	rddreg [dreg:$0x7]  }
0x21a: {  	[spmem:s6] =	stream.linear.scatter [tilespmem:s3], [sflag:$0x6], $0x4000, $0x38;
	[tilespmem:$0x1CB40] =	vst v63  }
0x21b: {  	_ =	swait.ge [sflag:s13], $0x4000  }
0x21c: {  	p0 =	por $0x0, $0x0;
	[sflag:s13] =	ssyncset.done $0x0  }
0x21d: {  	s6 =	simm.s32 @!p0 $0x0;
	s31 =	rddreg [dreg:$0x8];
	[sflag:s13] =	ssyncadd.s32 $0xFFFFC000  }
0x21e: {  	[spmem:s31] =	stream.linear.scatter [tilespmem:s3], [sflag:$0x6], $0x4000, $0x38;
	[tilespmem:$0x1CB40] =	vst v63  }
0x21f: {  	s6 =	simm.s32 @p0 $0x1;
	p0 =	por $0x1, $0x1;
	_ =	swait.ge [sflag:s13], $0x4000  }
0x220: {  	[smem:$0x7C4] =	sst s6;
	s6 =	simm.s32 @!p0 $0x0  }
0x221: {  	s6 =	simm.s32 @p0 $0x1;
	p0 =	por $0x0, $0x0  }
0x222: {  	[smem:$0x7C2] =	sst s6;
	s6 =	simm.s32 @!p0 $0x0  }
0x223: {  	s6 =	simm.s32 @p0 $0x1;
	p0 =	por $0x0, $0x0  }
0x224: {  	[smem:$0x7C5] =	sst s6;
	s6 =	simm.s32 @!p0 $0x0  }
0x225: {  	s6 =	simm.s32 @p0 $0x1;
	p0 =	por $0x0, $0x0  }
0x226: {  	[smem:$0x7C6] =	sst s6;
	s6 =	simm.s32 @!p0 $0x0  }
0x227: {  	s6 =	simm.s32 @p0 $0x1;
	p0 =	por $0x0, $0x0  }
0x228: {  	[smem:$0x7C7] =	sst s6;
	s6 =	simm.s32 @!p0 $0x0  }
0x229: {  	s6 =	simm.s32 @p0 $0x1;
	p0 =	por $0x0, $0x0  }
0x22a: {  	[smem:$0x7C8] =	sst s6;
	s6 =	simm.s32 @!p0 $0x0  }
0x22b: {  	s6 =	simm.s32 @p0 $0x1;
	p0 =	por $0x0, $0x0  }
0x22c: {  	[smem:$0x7C9] =	sst s6;
	s6 =	simm.s32 @!p0 $0x0  }
0x22d: {  	s6 =	simm.s32 @p0 $0x1;
	p0 =	por $0x0, $0x0  }
0x22e: {  	[smem:$0x7C3] =	sst s6;
	s6 =	simm.s32 @!p0 $0x0  }
0x22f: {  	s6 =	simm.s32 @p0 $0x1;
	p0 =	por $0x0, $0x0  }
0x230: {  	[smem:$0x7CA] =	sst s6;
	s6 =	simm.s32 @!p0 $0x0  }
0x231: {  	s6 =	simm.s32 @p0 $0x1;
	p0 =	por $0x0, $0x0  }
0x232: {  	[smem:$0x7CB] =	sst s6;
	s6 =	simm.s32 @!p0 $0x0  }
0x233: {  	s6 =	simm.s32 @p0 $0x1;
	p0 =	por $0x0, $0x0  }
0x234: {  	[smem:$0x7CC] =	sst s6;
	s6 =	simm.s32 @!p0 $0x0  }
0x235: {  	s6 =	simm.s32 @p0 $0x1;
	p0 =	por $0x0, $0x0  }
0x236: {  	[smem:$0x7CD] =	sst s6;
	s6 =	simm.s32 @!p0 $0x0  }
0x237: {  	s6 =	simm.s32 @p0 $0x1;
	p0 =	por $0x0, $0x0  }
0x238: {  	[smem:$0x7CE] =	sst s6;
	s6 =	simm.s32 @!p0 $0x0  }
0x239: {  	[sflag:s13] =	ssyncset.done $0x0;
	s6 =	simm.s32 @p0 $0x1  }
0x23a: {  	[sflag:s13] =	ssyncadd.s32 $0xFFFFC000;
	[smem:$0x7CF] =	sst s6  }
.LBB2_14:
0x23b: {  	[bflag:$0x0] =	sbarrier.arrive $0xFFFF  }
0x23c: {  	s6 =	simm.s32 $0x0;
	s7 =	rddreg [dreg:$0x11]  }
0x23d: {  	[tilespmem:s6], [sflag:$0x1] =	stream.strided.gather [hbm4b:s7+s5], $0x4000, s16, s5, $0x38;
	[tilespmem:$0x1CB40] =	vst v63  }
0x23e: {  	s25 =	simm.s32 $0x4000;
	s22 =	rddreg [dreg:$0x12]  }
0x23f: {  	[tilespmem:s25], [sflag:$0x2] =	stream.strided.gather [hbm4b:s22+s5], $0x4000, s16, s5, $0x38;
	[tilespmem:$0x1CB40] =	vst v63  }
0x240: {  	s28 =	simm.s32 $0x8000;
	s26 =	rddreg [dreg:$0x13]  }
0x241: {  	[tilespmem:s28], [sflag:$0x3] =	stream.strided.gather [hbm4b:s26+s5], $0x4000, s16, s5, $0x38;
	[tilespmem:$0x1CB40] =	vst v63  }
0x242: {  	_ =	swait.ge [sflag:s17], $0x4000  }
0x243: {  	[sflag:s17] =	ssyncset.done $0x0  }
0x244: {  	s29 =	sadd.s32 $0x0, s24;
	p2 =	por $0x1, $0x1;
	[sflag:s17] =	ssyncadd.s32 $0xFFFFC000  }
0x245: {  	[spmem:s1] =	stream.indirect.scatter.add.f32 [tilespmem:s3], [sflag:$0x5], $0x40, s29, s16, $0xb8;
	[tilespmem:$0x1CB40] =	vst v63  }
0x246: {  	s6 =	sadd.s32 $0x80, s29;
	s7 =	simm.s32 @!p2 $0x5;
	s31 =	rddreg [dreg:$0x5]  }
0x247: {  	[spmem:s1] =	stream.indirect.scatter.add.f32 [tilespmem:s31], [sflag:$0x5], $0x40, s6, s16, $0xb8;
	[tilespmem:$0x1CB40] =	vst v63  }
0x248: {  	_ =	swait.ge @!p2 [sflag:s7], $0x2000  }
0x249: {  	[sflag:s7] =	ssyncset.done @!p2 $0x0  }
0x24a: {  	[sflag:s7] =	ssyncadd.s32 @!p2 $0xFFFFE000  }
0x24b: {  	p3 =	sle.u32 s4, $0x3;
	p0 =	sle.u32 s4, $0x1;
	_ =	swait.ge @!p2 [sflag:s7], $0x2000  }
0x24c: {  	s10 =	simm.s32 @!p3 $0x40;
	s14 =	simm.s32 @!p3 $0xC000;
	[sflag:s7] =	ssyncset.done @!p2 $0x0  }
0x24d: {  	s6 =	simm.s32 @!p3 $0x80;
	[sflag:s7] =	ssyncadd.s32 @!p2 $0xFFFFE000;
	s7 =	simm.s32 @!p0 $0x2  }
0x24e: {  	[tilespmem:s14], [sflag:$0x4] =	stream.strided.gather @!p3 [hbm4b:s11+s10], $0x4000, s6, s10, $0x38;
	[tilespmem:$0x1CB40] =	vst v63  }
0x24f: {  	_ =	swait.ge @!p0 [sflag:s7], $0x4000  }
0x250: {  	s15 =	simm.s32 @!p0 $0x80;
	s10 =	sadd.s32 @!p0 $0x0, s24;
	[sflag:s7] =	ssyncset.done @!p0 $0x0  }
0x251: {  	s22 =	sadd.s32 @!p0 $0x100, s10;
	[sflag:s7] =	ssyncadd.s32 @!p0 $0xFFFFC000;
	s7 =	simm.s32 @!p0 $0x4000  }
0x252: {  	[spmem:s1] =	stream.indirect.scatter.add.f32 @!p0 [tilespmem:s7], [sflag:$0x5], $0x40, s22, s15, $0xb8;
	[tilespmem:$0x1CB40] =	vst v63  }
0x253: {  	s7 =	sadd.s32 @!p0 $0x180, s10;
	s10 =	simm.s32 @!p0 $0x6000;
	s22 =	simm.s32 @!p0 $0x5  }
0x254: {  	[spmem:s1] =	stream.indirect.scatter.add.f32 @!p0 [tilespmem:s10], [sflag:$0x5], $0x40, s7, s15, $0xb8;
	[tilespmem:$0x1CB40] =	vst v63  }
0x255: {  	_ =	swait.ge @!p0 [sflag:s22], $0x2000  }
0x256: {  	p2 =	sle.u32 @!p0 s4, $0x4;
	[sflag:s22] =	ssyncset.done @!p0 $0x0  }
0x257: {  	p4 =	por p2, p0;
	p2 =	sle.u32 s4, $0x2;
	[sflag:s22] =	ssyncadd.s32 @!p0 $0xFFFFE000  }
0x258: {  	s25 =	simm.s32 @!p2 $0x3;
	_ =	swait.ge @!p0 [sflag:s22], $0x2000  }
0x259: {  	s7 =	simm.s32 @!p4 $0x0;
	s10 =	simm.s32 @!p4 $0x40;
	[sflag:s22] =	ssyncset.done @!p0 $0x0  }
0x25a: {  	s15 =	simm.s32 @!p4 $0x80;
	[sflag:s22] =	ssyncadd.s32 @!p0 $0xFFFFE000;
	s22 =	sadd.s32 @!p4 $0x1000, s11  }
0x25b: {  	[tilespmem:s7], [sflag:$0x1] =	stream.strided.gather @!p4 [hbm4b:s22+s10], $0x4000, s15, s10, $0x38;
	[tilespmem:$0x1CB40] =	vst v63  }
0x25c: {  	_ =	swait.ge @!p2 [sflag:s25], $0x4000  }
0x25d: {  	s7 =	simm.s32 @!p2 $0x8000;
	s10 =	sadd.s32 @!p2 $0x0, s24;
	[sflag:s25] =	ssyncset.done @!p2 $0x0  }
0x25e: {  	s15 =	simm.s32 @!p2 $0x80;
	s22 =	sadd.s32 @!p2 $0x200, s10;
	[sflag:s25] =	ssyncadd.s32 @!p2 $0xFFFFC000  }
0x25f: {  	[spmem:s1] =	stream.indirect.scatter.add.f32 @!p2 [tilespmem:s7], [sflag:$0x5], $0x40, s22, s15, $0xb8;
	[tilespmem:$0x1CB40] =	vst v63  }
0x260: {  	s7 =	sadd.s32 @!p2 $0x280, s10;
	s10 =	simm.s32 @!p2 $0xA000;
	s22 =	simm.s32 @!p2 $0x5  }
0x261: {  	[spmem:s1] =	stream.indirect.scatter.add.f32 @!p2 [tilespmem:s10], [sflag:$0x5], $0x40, s7, s15, $0xb8;
	[tilespmem:$0x1CB40] =	vst v63  }
0x262: {  	_ =	swait.ge @!p2 [sflag:s22], $0x2000  }
0x263: {  	p0 =	sle.u32 @!p2 s4, $0x5;
	[sflag:s22] =	ssyncset.done @!p2 $0x0  }
0x264: {  	p0 =	por p0, p2;
	[sflag:s22] =	ssyncadd.s32 @!p2 $0xFFFFE000  }
0x265: {  	s25 =	simm.s32 @!p0 $0x40;
	_ =	swait.ge @!p2 [sflag:s22], $0x2000  }
0x266: {  	s7 =	simm.s32 @!p3 $0x4;
	s10 =	simm.s32 @!p0 $0x80;
	[sflag:s22] =	ssyncset.done @!p2 $0x0  }
0x267: {  	s15 =	simm.s32 @!p0 $0x4000;
	[sflag:s22] =	ssyncadd.s32 @!p2 $0xFFFFE000;
	s22 =	sadd.s32 @!p0 $0x2000, s11  }
0x268: {  	[tilespmem:s15], [sflag:$0x2] =	stream.strided.gather @!p0 [hbm4b:s22+s25], $0x4000, s10, s25, $0x38;
	[tilespmem:$0x1CB40] =	vst v63  }
0x269: {  	_ =	swait.ge @!p3 [sflag:s7], $0x4000  }
0x26a: {  	s10 =	sadd.s32 @!p3 $0x0, s24;
	[sflag:s7] =	ssyncset.done @!p3 $0x0  }
0x26b: {  	s15 =	sadd.s32 @!p3 $0x300, s10;
	[sflag:s7] =	ssyncadd.s32 @!p3 $0xFFFFC000  }
0x26c: {  	[spmem:s1] =	stream.indirect.scatter.add.f32 @!p3 [tilespmem:s14], [sflag:$0x5], $0x40, s15, s6, $0xb8;
	[tilespmem:$0x1CB40] =	vst v63  }
0x26d: {  	s7 =	sadd.s32 @!p3 $0x380, s10;
	s10 =	simm.s32 @!p3 $0xE000;
	s15 =	simm.s32 @!p3 $0x5  }
0x26e: {  	[spmem:s1] =	stream.indirect.scatter.add.f32 @!p3 [tilespmem:s10], [sflag:$0x5], $0x40, s7, s6, $0xb8;
	[tilespmem:$0x1CB40] =	vst v63  }
0x26f: {  	_ =	swait.ge @!p3 [sflag:s15], $0x2000  }
0x270: {  	p0 =	sle.u32 @!p3 s4, $0x6;
	s25 =	smov.u32 s11;
	[sflag:s15] =	ssyncset.done @!p3 $0x0  }
0x271: {  	p2 =	por p0, p3;
	s6 =	simm.s32 $0x1000;
	[sflag:s15] =	ssyncadd.s32 @!p3 $0xFFFFE000  }
0x272: {  	s7 =	sadd.s32 $0x4000, s11;
	s10 =	simm.s32 $0xA;
	_ =	swait.ge @!p3 [sflag:s15], $0x2000  }
.LBB2_15:
0x273: {  	[sflag:s15] =	ssyncset.done @!p3 $0x0;
	s14 =	simm.s32 @!p2 $0x80;
	s26 =	simm.s32 @!p2 $0x8000  }
0x274: {  	[sflag:s15] =	ssyncadd.s32 @!p3 $0xFFFFE000;
	s15 =	sadd.s32 @!p2 $0x3000, s25;
	s25 =	simm.s32 @!p2 $0x40  }
0x275: {  	[tilespmem:s26], [sflag:$0x3] =	stream.strided.gather @!p2 [hbm4b:s15+s25], $0x4000, s14, s25, $0x38;
	[tilespmem:$0x1CB40] =	vst v63  }
0x276: {  	s22 =	smov.u32 s6;
	_ =	swait.ge [sflag:s17], $0x4000  }
0x277: {  	s26 =	sshra.s32 s22, $0x2;
	[sflag:s17] =	ssyncset.done $0x0  }
0x278: {  	p4 =	seq.s32 s22, $0x0;
	s14 =	sadd.s32 s26, s24;
	[sflag:s17] =	ssyncadd.s32 $0xFFFFC000  }
0x279: {  	[spmem:s1] =	stream.indirect.scatter.add.f32 [tilespmem:s3], [sflag:$0x5], $0x40, s14, s16, $0xb8;
	[tilespmem:$0x1CB40] =	vst v63  }
0x27a: {  	s26 =	simm.s32 @!p4 $0x5;
	s28 =	rddreg [dreg:$0x5];
	s14 =	sadd.s32 $0x80, s14  }
0x27b: {  	[spmem:s1] =	stream.indirect.scatter.add.f32 [tilespmem:s28], [sflag:$0x5], $0x40, s14, s16, $0xb8;
	[tilespmem:$0x1CB40] =	vst v63  }
0x27c: {  	_ =	swait.ge @!p4 [sflag:s26], $0x2000  }
0x27d: {  	s29 =	sadd.s32 $0xFFFFFFFD, s10;
	[sflag:s26] =	ssyncset.done @!p4 $0x0  }
0x27e: {  	p3 =	sge.u32 s29, s4;
	[sflag:s26] =	ssyncadd.s32 @!p4 $0xFFFFE000  }
0x27f: {  	s31 =	sadd.s32 $0xFFFFFFFB, s10;
	s29 =	simm.s32 @!p3 $0x40;
	_ =	swait.ge @!p4 [sflag:s26], $0x2000  }
0x280: {  	p2 =	sge.u32 s31, s4;
	s15 =	simm.s32 @!p3 $0xC000;
	[sflag:s26] =	ssyncset.done @!p4 $0x0  }
0x281: {  	s14 =	simm.s32 @!p3 $0x80;
	[sflag:s26] =	ssyncadd.s32 @!p4 $0xFFFFE000;
	s26 =	simm.s32 @!p2 $0x2  }
0x282: {  	[tilespmem:s15], [sflag:$0x4] =	stream.strided.gather @!p3 [hbm4b:s7+s29], $0x4000, s14, s29, $0x38;
	[tilespmem:$0x1CB40] =	vst v63  }
0x283: {  	s31 =	sshra.s32 @!p2 s22, $0x2;
	s12 =	sadd.s32 @!p2 $0xFFFFFFFE, s10;
	_ =	swait.ge @!p2 [sflag:s26], $0x4000  }
0x284: {  	s29 =	sadd.s32 @!p2 s31, s24;
	s31 =	simm.s32 @!p2 $0x80;
	[sflag:s26] =	ssyncset.done @!p2 $0x0  }
0x285: {  	s8 =	sadd.s32 @!p2 $0x100, s29;
	[sflag:s26] =	ssyncadd.s32 @!p2 $0xFFFFC000;
	s26 =	simm.s32 @!p2 $0x4000  }
0x286: {  	[spmem:s1] =	stream.indirect.scatter.add.f32 @!p2 [tilespmem:s26], [sflag:$0x5], $0x40, s8, s31, $0xb8;
	[tilespmem:$0x1CB40] =	vst v63  }
0x287: {  	s19 =	simm.s32 @!p2 $0x5;
	s29 =	sadd.s32 @!p2 $0x180, s29;
	s8 =	simm.s32 @!p2 $0x6000  }
0x288: {  	[spmem:s1] =	stream.indirect.scatter.add.f32 @!p2 [tilespmem:s8], [sflag:$0x5], $0x40, s29, s31, $0xb8;
	[tilespmem:$0x1CB40] =	vst v63  }
0x289: {  	p4 =	sge.u32 @!p2 s12, s4;
	_ =	swait.ge @!p2 [sflag:s19], $0x2000  }
0x28a: {  	p6 =	por p4, p2;
	[sflag:s19] =	ssyncset.done @!p2 $0x0  }
0x28b: {  	s12 =	simm.s32 @!p6 $0x0;
	[sflag:s19] =	ssyncadd.s32 @!p2 $0xFFFFE000  }
0x28c: {  	s28 =	simm.s32 @!p6 $0x80;
	s31 =	sadd.s32 $0xFFFFFFFC, s10;
	_ =	swait.ge @!p2 [sflag:s19], $0x2000  }
0x28d: {  	s29 =	simm.s32 @!p6 $0x40;
	p5 =	sge.u32 s31, s4;
	[sflag:s19] =	ssyncset.done @!p2 $0x0  }
0x28e: {  	s31 =	simm.s32 @!p5 $0x3;
	[sflag:s19] =	ssyncadd.s32 @!p2 $0xFFFFE000;
	s19 =	sadd.s32 @!p6 $0x1000, s7  }
0x28f: {  	[tilespmem:s12], [sflag:$0x1] =	stream.strided.gather @!p6 [hbm4b:s19+s29], $0x4000, s28, s29, $0x38;
	[tilespmem:$0x1CB40] =	vst v63  }
0x290: {  	s8 =	sshra.s32 @!p3 s22, $0x2;
	s12 =	sshra.s32 @!p5 s22, $0x2;
	_ =	swait.ge @!p5 [sflag:s31], $0x4000  }
0x291: {  	s19 =	simm.s32 @!p5 $0x8000;
	s12 =	sadd.s32 @!p5 s12, s24;
	[sflag:s31] =	ssyncset.done @!p5 $0x0  }
0x292: {  	s22 =	simm.s32 @!p5 $0x80;
	s28 =	sadd.s32 @!p5 $0x200, s12;
	[sflag:s31] =	ssyncadd.s32 @!p5 $0xFFFFC000  }
0x293: {  	[spmem:s1] =	stream.indirect.scatter.add.f32 @!p5 [tilespmem:s19], [sflag:$0x5], $0x40, s28, s22, $0xb8;
	[tilespmem:$0x1CB40] =	vst v63  }
0x294: {  	s12 =	sadd.s32 @!p5 $0x280, s12;
	s19 =	simm.s32 @!p5 $0xA000;
	s28 =	simm.s32 @!p5 $0x5  }
0x295: {  	[spmem:s1] =	stream.indirect.scatter.add.f32 @!p5 [tilespmem:s19], [sflag:$0x5], $0x40, s12, s22, $0xb8;
	[tilespmem:$0x1CB40] =	vst v63  }
0x296: {  	s29 =	sadd.s32 @!p5 $0xFFFFFFFF, s10;
	_ =	swait.ge @!p5 [sflag:s28], $0x2000  }
0x297: {  	p2 =	sge.u32 @!p5 s29, s4;
	[sflag:s28] =	ssyncset.done @!p5 $0x0  }
0x298: {  	p6 =	por p2, p5;
	[sflag:s28] =	ssyncadd.s32 @!p5 $0xFFFFE000  }
0x299: {  	s29 =	simm.s32 @!p6 $0x40;
	_ =	swait.ge @!p5 [sflag:s28], $0x2000  }
0x29a: {  	s12 =	simm.s32 @!p3 $0x4;
	s19 =	simm.s32 @!p6 $0x80;
	[sflag:s28] =	ssyncset.done @!p5 $0x0  }
0x29b: {  	s22 =	simm.s32 @!p6 $0x4000;
	[sflag:s28] =	ssyncadd.s32 @!p5 $0xFFFFE000;
	s28 =	sadd.s32 @!p6 $0x2000, s7  }
0x29c: {  	[tilespmem:s22], [sflag:$0x2] =	stream.strided.gather @!p6 [hbm4b:s28+s29], $0x4000, s19, s29, $0x38;
	[tilespmem:$0x1CB40] =	vst v63  }
0x29d: {  	_ =	swait.ge @!p3 [sflag:s12], $0x4000  }
0x29e: {  	s8 =	sadd.s32 @!p3 s8, s24;
	[sflag:s12] =	ssyncset.done @!p3 $0x0  }
0x29f: {  	s6 =	sadd.s32 $0x1000, s6;
	s26 =	sadd.s32 @!p3 $0x300, s8;
	[sflag:s12] =	ssyncadd.s32 @!p3 $0xFFFFC000  }
0x2a0: {  	[spmem:s1] =	stream.indirect.scatter.add.f32 @!p3 [tilespmem:s15], [sflag:$0x5], $0x40, s26, s14, $0xb8;
	[tilespmem:$0x1CB40] =	vst v63  }
0x2a1: {  	p0 =	sne.s32 s6, $0xC000;
	s8 =	sadd.s32 @!p3 $0x380, s8;
	s12 =	simm.s32 @!p3 $0xE000  }
0x2a2: {  	[spmem:s1] =	stream.indirect.scatter.add.f32 @!p3 [tilespmem:s12], [sflag:$0x5], $0x40, s8, s14, $0xb8;
	[tilespmem:$0x1CB40] =	vst v63  }
.Ltmp13:
0x2a3: {  	s15 =	simm.s32 @!p3 $0x5;
	(pc) =	sbr.rel @p0 .LBB2_15-.Ltmp13, $4  }
0x2a4: {  	_ =	swait.ge @!p3 [sflag:s15], $0x2000  }
0x2a5: {  	s25 =	smov.u32 s7;
	[sflag:s15] =	ssyncset.done @!p3 $0x0  }
0x2a6: {  	p4 =	sge.u32 @!p3 s10, s4;
	s10 =	sadd.s32 $0x4, s10;
	[sflag:s15] =	ssyncadd.s32 @!p3 $0xFFFFE000  }
0x2a7: {  	p2 =	por p4, p3;
	s7 =	sadd.s32 $0x4000, s7;
	_ =	swait.ge @!p3 [sflag:s15], $0x2000  }
0x2a8: {  	[sflag:s15] =	ssyncset.done @!p3 $0x0;
	s6 =	simm.s32 @!p2 $0x80;
	s7 =	simm.s32 @!p2 $0x8000  }
0x2a9: {  	s8 =	sadd.s32 @!p2 $0x3000, s25;
	s10 =	simm.s32 @!p2 $0x40;
	[sflag:s15] =	ssyncadd.s32 @!p3 $0xFFFFE000  }
0x2aa: {  	[tilespmem:s7], [sflag:$0x3] =	stream.strided.gather @!p2 [hbm4b:s8+s10], $0x4000, s6, s10, $0x38;
	[tilespmem:$0x1CB40] =	vst v63  }
0x2ab: {  	_ =	swait.ge [sflag:s18], $0x2000  }
0x2ac: {  	[sflag:s18] =	ssyncset.done $0x0  }
0x2ad: {  	[sflag:s18] =	ssyncadd.s32 $0xFFFFE000  }
0x2ae: {  	p3 =	sne.s32 s2, $0x0;
	_ =	swait.ge [sflag:s18], $0x2000  }
0x2af: {  	s6 =	sshrl.u32 @!p3 s1, $0x3;
	[sflag:s18] =	ssyncset.done $0x0  }
0x2b0: {  	s7 =	simm.s32 @!p3 $0x1;
	s8 =	simm.s32 @!p3 $0x10;
	[sflag:s18] =	ssyncadd.s32 $0xFFFFE000  }
0x2b1: {  	s10 =	simm.s32 @!p3 $0x8;
	s12 =	simm.s32 @!p3 $0x1C06;
	[bflag:$0x0] =	sbarrier.arrive $0xFFFF  }
0x2b2: {  	[hbm:s20@s8], [sflag:s12] =	dma.strided @!p3 [spmem:s6@s10], $0x1000, s7, $0x8   }
0x2b3: {  	s6 =	simm.s32 @!p3 $0x6  }
0x2b4: {  	_ =	swait.ge @!p3 [sflag:s6], $0x1000  }
0x2b5: {  	s25 =	sld [smem:$0x7C3];
	_ =	sdelay $0x2  }
0x2b6: {  	[sflag:s6] =	ssyncset.done @!p3 $0x0;
	p1 =	seq.s32 s25, $0x1  }
0x2b7: {  	s14 =	sld [smem:$0x7EB];
	[sflag:s6] =	ssyncadd.s32 @!p3 $0xFFFFF000;
	s7 =	sshll.u32 @p1 s2, $0x6  }
0x2b8: {  	s8 =	simm.s32 @p1 $0x1;
	s6 =	sor.u32 @p1 $0x1C06, s7;
	s7 =	rddreg [dreg:$0x1e]  }
0x2b9: {  	s10 =	simm.s32 @p1 $0x10;
	s12 =	simm.s32 @p1 $0x8;
	s7 =	sshrl.u32 @p1 s7, $0x3  }
0x2ba: {  	[hbm:s14@s10], [sflag:s6] =	dma.strided @p1 [spmem:s7@s12], $0x1000, s8, $0x8   }
0x2bb: {  	s7 =	simm.s32 @p1 $0x6  }
0x2bc: {  	_ =	swait.ge @p1 [sflag:s7], $0x1000  }
0x2bd: {  	s26 =	sld [smem:$0x7C9];
	_ =	sdelay $0x2  }
0x2be: {  	[sflag:s7] =	ssyncset.done @p1 $0x0;
	p2 =	seq.s32 s26, $0x1  }
0x2bf: {  	s15 =	sld [smem:$0x7EC];
	[sflag:s7] =	ssyncadd.s32 @p1 $0xFFFFF000;
	s8 =	sshll.u32 @p2 s2, $0x6  }
0x2c0: {  	s10 =	simm.s32 @p2 $0x1;
	s7 =	sor.u32 @p2 $0x1C06, s8;
	s8 =	rddreg [dreg:$0x1c]  }
0x2c1: {  	s12 =	simm.s32 @p2 $0x10;
	s14 =	simm.s32 @p2 $0x8;
	s8 =	sshrl.u32 @p2 s8, $0x3  }
0x2c2: {  	[hbm:s15@s12], [sflag:s7] =	dma.strided @p2 [spmem:s8@s14], $0x1000, s10, $0x8   }
0x2c3: {  	s8 =	simm.s32 @p2 $0x6  }
0x2c4: {  	_ =	swait.ge @p2 [sflag:s8], $0x1000  }
0x2c5: {  	s28 =	sld [smem:$0x7CA];
	_ =	sdelay $0x1  }
0x2c6: {  	[sflag:s8] =	ssyncset.done @p2 $0x0;
	s19 =	sld [smem:$0x7ED]  }
0x2c7: {  	[sflag:s8] =	ssyncadd.s32 @p2 $0xFFFFF000;
	s8 =	rddreg [dreg:$0x1a];
	p4 =	seq.s32 s28, $0x1  }
0x2c8: {  	s10 =	sshll.u32 @p4 s2, $0x6;
	s8 =	sshrl.u32 @p4 s8, $0x3;
	s12 =	simm.s32 @p4 $0x1  }
0x2c9: {  	s14 =	simm.s32 @p4 $0x10;
	s15 =	simm.s32 @p4 $0x8;
	s10 =	sor.u32 @p4 $0x1C06, s10  }
0x2ca: {  	[hbm:s19@s14], [sflag:s10] =	dma.strided @p4 [spmem:s8@s15], $0x1000, s12, $0x8   }
0x2cb: {  	s8 =	simm.s32 @p4 $0x6  }
0x2cc: {  	_ =	swait.ge @p4 [sflag:s8], $0x1000  }
0x2cd: {  	s29 =	sld [smem:$0x7C8];
	_ =	sdelay $0x2  }
0x2ce: {  	[sflag:s8] =	ssyncset.done @p4 $0x0;
	p0 =	seq.s32 s29, $0x1  }
0x2cf: {  	s22 =	sld [smem:$0x7EE];
	[sflag:s8] =	ssyncadd.s32 @p4 $0xFFFFF000;
	s12 =	sshll.u32 @p0 s2, $0x6  }
0x2d0: {  	s14 =	simm.s32 @p0 $0x1;
	s8 =	sor.u32 @p0 $0x1C06, s12;
	s12 =	rddreg [dreg:$0x16]  }
0x2d1: {  	s15 =	simm.s32 @p0 $0x10;
	s19 =	simm.s32 @p0 $0x8;
	s12 =	sshrl.u32 @p0 s12, $0x3  }
0x2d2: {  	[hbm:s22@s15], [sflag:s8] =	dma.strided @p0 [spmem:s12@s19], $0x1000, s14, $0x8   }
0x2d3: {  	s8 =	simm.s32 @p0 $0x6  }
0x2d4: {  	_ =	swait.ge @p0 [sflag:s8], $0x1000  }
0x2d5: {  	s31 =	sld [smem:$0x7CB];
	_ =	sdelay $0x2  }
0x2d6: {  	[sflag:s8] =	ssyncset.done @p0 $0x0;
	p5 =	seq.s32 s31, $0x1  }
0x2d7: {  	s22 =	sld [smem:$0x7EF];
	[sflag:s8] =	ssyncadd.s32 @p0 $0xFFFFF000;
	s12 =	sshll.u32 @p5 s2, $0x6  }
0x2d8: {  	s14 =	simm.s32 @p5 $0x1;
	s8 =	sor.u32 @p5 $0x1C06, s12;
	s12 =	rddreg [dreg:$0xf]  }
0x2d9: {  	s15 =	simm.s32 @p5 $0x10;
	s19 =	simm.s32 @p5 $0x8;
	s12 =	sshrl.u32 @p5 s12, $0x3  }
0x2da: {  	[hbm:s22@s15], [sflag:s8] =	dma.strided @p5 [spmem:s12@s19], $0x1000, s14, $0x8   }
0x2db: {  	s8 =	simm.s32 @p5 $0x6  }
0x2dc: {  	_ =	swait.ge @p5 [sflag:s8], $0x1000  }
0x2dd: {  	s14 =	sld [smem:$0x7C7];
	_ =	sdelay $0x2  }
0x2de: {  	[sflag:s8] =	ssyncset.done @p5 $0x0;
	p0 =	seq.s32 s14, $0x1  }
0x2df: {  	s22 =	sld [smem:$0x7F0];
	[sflag:s8] =	ssyncadd.s32 @p5 $0xFFFFF000;
	s12 =	sshll.u32 @p0 s2, $0x6  }
0x2e0: {  	s14 =	simm.s32 @p0 $0x1;
	s8 =	sor.u32 @p0 $0x1C06, s12;
	s12 =	rddreg [dreg:$0xb]  }
0x2e1: {  	s15 =	simm.s32 @p0 $0x10;
	s19 =	simm.s32 @p0 $0x8;
	s12 =	sshrl.u32 @p0 s12, $0x3  }
0x2e2: {  	[hbm:s22@s15], [sflag:s8] =	dma.strided @p0 [spmem:s12@s19], $0x1000, s14, $0x8   }
0x2e3: {  	s8 =	simm.s32 @p0 $0x6  }
0x2e4: {  	_ =	swait.ge @p0 [sflag:s8], $0x1000  }
0x2e5: {  	s15 =	sld [smem:$0x7CC];
	_ =	sdelay $0x2  }
0x2e6: {  	[sflag:s8] =	ssyncset.done @p0 $0x0;
	p5 =	seq.s32 s15, $0x1  }
0x2e7: {  	s22 =	sld [smem:$0x7F1];
	[sflag:s8] =	ssyncadd.s32 @p0 $0xFFFFF000;
	s12 =	sshll.u32 @p5 s2, $0x6  }
0x2e8: {  	s14 =	simm.s32 @p5 $0x1;
	s8 =	sor.u32 @p5 $0x1C06, s12;
	s12 =	rddreg [dreg:$0x7]  }
0x2e9: {  	s15 =	simm.s32 @p5 $0x10;
	s19 =	simm.s32 @p5 $0x8;
	s12 =	sshrl.u32 @p5 s12, $0x3  }
0x2ea: {  	[hbm:s22@s15], [sflag:s8] =	dma.strided @p5 [spmem:s12@s19], $0x1000, s14, $0x8   }
0x2eb: {  	s8 =	simm.s32 @p5 $0x6  }
0x2ec: {  	_ =	swait.ge @p5 [sflag:s8], $0x1000  }
0x2ed: {  	s19 =	sld [smem:$0x7C6];
	_ =	sdelay $0x2  }
0x2ee: {  	p0 =	seq.s32 s19, $0x1  }
0x2ef: {  	[sflag:s8] =	ssyncset.done @p5 $0x0;
	s12 =	sshll.u32 @p0 s2, $0x6  }
0x2f0: {  	[sflag:s8] =	ssyncadd.s32 @p5 $0xFFFFF000;
	s8 =	sor.u32 @p0 $0x1C06, s12;
	s12 =	sld [smem:$0x7DE]  }
0x2f1: {  	s22 =	sld [smem:$0x7F2]  }
0x2f2: {  	s14 =	simm.s32 @p0 $0x1  }
0x2f3: {  	s15 =	simm.s32 @p0 $0x10;
	s19 =	simm.s32 @p0 $0x8;
	s12 =	sshrl.u32 @p0 s12, $0x3  }
0x2f4: {  	[hbm:s22@s15], [sflag:s8] =	dma.strided @p0 [spmem:s12@s19], $0x1000, s14, $0x8   }
0x2f5: {  	s8 =	simm.s32 @p0 $0x6  }
0x2f6: {  	_ =	swait.ge @p0 [sflag:s8], $0x1000  }
0x2f7: {  	s22 =	sld [smem:$0x7CD];
	_ =	sdelay $0x2  }
0x2f8: {  	p5 =	seq.s32 s22, $0x1  }
0x2f9: {  	[sflag:s8] =	ssyncset.done @p0 $0x0;
	s12 =	sshll.u32 @p5 s2, $0x6  }
0x2fa: {  	[sflag:s8] =	ssyncadd.s32 @p0 $0xFFFFF000;
	s8 =	sor.u32 @p5 $0x1C06, s12;
	s12 =	sld [smem:$0x7E0]  }
0x2fb: {  	s22 =	sld [smem:$0x7F3]  }
0x2fc: {  	s14 =	simm.s32 @p5 $0x1  }
0x2fd: {  	s15 =	simm.s32 @p5 $0x10;
	s19 =	simm.s32 @p5 $0x8;
	s12 =	sshrl.u32 @p5 s12, $0x3  }
0x2fe: {  	[hbm:s22@s15], [sflag:s8] =	dma.strided @p5 [spmem:s12@s19], $0x1000, s14, $0x8   }
0x2ff: {  	s8 =	simm.s32 @p5 $0x6  }
0x300: {  	_ =	swait.ge @p5 [sflag:s8], $0x1000  }
0x301: {  	s25 =	sld [smem:$0x7C5];
	_ =	sdelay $0x2  }
0x302: {  	p0 =	seq.s32 s25, $0x1  }
0x303: {  	[sflag:s8] =	ssyncset.done @p5 $0x0;
	s12 =	sshll.u32 @p0 s2, $0x6  }
0x304: {  	[sflag:s8] =	ssyncadd.s32 @p5 $0xFFFFF000;
	s8 =	sor.u32 @p0 $0x1C06, s12;
	s12 =	sld [smem:$0x7E2]  }
0x305: {  	s22 =	sld [smem:$0x7F4]  }
0x306: {  	s14 =	simm.s32 @p0 $0x1  }
0x307: {  	s15 =	simm.s32 @p0 $0x10;
	s19 =	simm.s32 @p0 $0x8;
	s12 =	sshrl.u32 @p0 s12, $0x3  }
0x308: {  	[hbm:s22@s15], [sflag:s8] =	dma.strided @p0 [spmem:s12@s19], $0x1000, s14, $0x8   }
0x309: {  	s8 =	simm.s32 @p0 $0x6  }
0x30a: {  	_ =	swait.ge @p0 [sflag:s8], $0x1000  }
0x30b: {  	s26 =	sld [smem:$0x7CE];
	_ =	sdelay $0x1  }
0x30c: {  	[sflag:s8] =	ssyncset.done @p0 $0x0  }
0x30d: {  	s22 =	sld [smem:$0x7F5];
	[sflag:s8] =	ssyncadd.s32 @p0 $0xFFFFF000;
	p6 =	seq.s32 s26, $0x1  }
0x30e: {  	s12 =	sshll.u32 @p6 s2, $0x6;
	s14 =	simm.s32 @p6 $0x1;
	s15 =	simm.s32 @p6 $0x10  }
0x30f: {  	s19 =	simm.s32 @p6 $0x8;
	s8 =	sor.u32 @p6 $0x1C06, s12;
	s12 =	sshrl.u32 @p6 s0, $0x3  }
0x310: {  	[hbm:s22@s15], [sflag:s8] =	dma.strided @p6 [spmem:s12@s19], $0x1000, s14, $0x8   }
0x311: {  	s8 =	simm.s32 @p6 $0x6  }
0x312: {  	_ =	swait.ge @p6 [sflag:s8], $0x1000  }
0x313: {  	s28 =	sld [smem:$0x7C4];
	_ =	sdelay $0x2  }
0x314: {  	[sflag:s8] =	ssyncset.done @p6 $0x0;
	p5 =	seq.s32 s28, $0x1  }
0x315: {  	s22 =	sld [smem:$0x7F6];
	[sflag:s8] =	ssyncadd.s32 @p6 $0xFFFFF000;
	s12 =	sshll.u32 @p5 s2, $0x6  }
0x316: {  	s14 =	simm.s32 @p5 $0x1;
	s8 =	sor.u32 @p5 $0x1C06, s12;
	s12 =	rddreg [dreg:$0x18]  }
0x317: {  	s15 =	simm.s32 @p5 $0x10;
	s19 =	simm.s32 @p5 $0x8;
	s12 =	sshrl.u32 @p5 s12, $0x3  }
0x318: {  	[hbm:s22@s15], [sflag:s8] =	dma.strided @p5 [spmem:s12@s19], $0x1000, s14, $0x8   }
0x319: {  	s8 =	simm.s32 @p5 $0x6  }
0x31a: {  	_ =	swait.ge @p5 [sflag:s8], $0x1000  }
0x31b: {  	s29 =	sld [smem:$0x7CF];
	_ =	sdelay $0x2  }
0x31c: {  	[sflag:s8] =	ssyncset.done @p5 $0x0;
	p0 =	seq.s32 s29, $0x1  }
0x31d: {  	s22 =	sld [smem:$0x7F7];
	[sflag:s8] =	ssyncadd.s32 @p5 $0xFFFFF000;
	s12 =	sshll.u32 @p0 s2, $0x6  }
0x31e: {  	s14 =	simm.s32 @p0 $0x1;
	s8 =	sor.u32 @p0 $0x1C06, s12;
	s12 =	rddreg [dreg:$0x10]  }
0x31f: {  	s15 =	simm.s32 @p0 $0x10;
	s19 =	simm.s32 @p0 $0x8;
	s12 =	sshrl.u32 @p0 s12, $0x3  }
0x320: {  	[hbm:s22@s15], [sflag:s8] =	dma.strided @p0 [spmem:s12@s19], $0x1000, s14, $0x8   }
0x321: {  	s8 =	simm.s32 @p0 $0x6  }
0x322: {  	_ =	swait.ge @p0 [sflag:s8], $0x1000  }
0x323: {  	s31 =	sld [smem:$0x7C2];
	_ =	sdelay $0x2  }
0x324: {  	[sflag:s8] =	ssyncset.done @p0 $0x0;
	s22 =	sld [smem:$0x7F8];
	p5 =	seq.s32 s31, $0x1  }
0x325: {  	[sflag:s8] =	ssyncadd.s32 @p0 $0xFFFFF000;
	p0 =	seq.s32 s2, $0x0;
	s12 =	sshll.u32 @p5 s2, $0x6  }
0x326: {  	s14 =	simm.s32 @p5 $0x1;
	s8 =	sor.u32 @p5 $0x1C06, s12;
	s12 =	rddreg [dreg:$0xc]  }
0x327: {  	s15 =	simm.s32 @p5 $0x10;
	s19 =	simm.s32 @p5 $0x8;
	s12 =	sshrl.u32 @p5 s12, $0x3  }
0x328: {  	[hbm:s22@s15], [sflag:s8] =	dma.strided @p5 [spmem:s12@s19], $0x1000, s14, $0x8   }
.Ltmp14:
0x329: {  	_ = 	snop;
	(pc) =	sbr.rel @p0 .LBB2_19-.Ltmp14, $4  }
0x32a: {  	s8 =	simm.s32 @p5 $0x6  }
0x32b: {  	_ =	swait.ge @p5 [sflag:s8], $0x1000  }
0x32c: {  	[sflag:s8] =	ssyncset.done @p5 $0x0  }
0x32d: {  	[sflag:s8] =	ssyncadd.s32 @p5 $0xFFFFF000  }
0x32e: {  	p0 =	sne.s32 s2, $0xF  }
.Ltmp15:
0x32f: {  	_ = 	snop;
	(pc) =	sbr.rel @p0 .LBB2_21-.Ltmp15, $1  }
0x330: {  	_ =	sdelay $0x3  }
.Ltmp16:
0x331: {  	(pc) =	sbr.rel .LBB2_20-.Ltmp16, $4  }
0x332: {  	s12 =	sld [smem:$0x7FA]  }
0x333: {  	s8 =	rddreg [dreg:$0x8];
	s14 =	simm.s32 $0x10  }
0x334: {  	s15 =	simm.s32 $0x8;
	s19 =	simm.s32 $0x1FC6;
	s8 =	sshrl.u32 s8, $0x3  }
0x335: {  	[hbm:s12@s14], [sflag:s19] =	dma.strided [spmem:s8@s15], $0x1000, s17, $0x8   }
.LBB2_22:
0x336: {  	_ =	sfence.sel $0x180000  }
0x337: {  	[bflag:$0x0] =	sbarrier.arrive $0xFFFF  }
0x338: {  	_ =	strace $0x90000047  }
0x339: {  	[bflag:$0x2] =	sbarrier.arrive $0xFFFF  }
0x33a: {  	s0 =	rddreg [dreg:$0x4]  }
0x33b: {  	s0 =	sadd.s32 @!p3 $0x100000, s0  }
0x33c: {  	[sflag:s0] =	ssyncadd.tile.s32 @!p3 $0x1;
	_ =	shalt  }
.Lfunc_end2:
_tile_overlayer_lowered:
.L_overlay_start_2:
0x33d: {  	(tag) =	ssettag $0x2  }
0x33e: {  	s0 =	rddreg [dreg:$0x0];
	s2 =	stileid.u32  }
0x33f: {  	s1 =	rddreg [dreg:$0x1];
	p0 =	sne.s32 s2, $0x0  }
0x340: {  	s3 =	rddreg [dreg:$0x2];
	[bflag:$0x3] =	sbarrier.arrive $0xFFFF;
	s2 =	simm.s32 @!p0 $0x1C06  }
0x341: {  	[timem:s3], [sflag:s2] =	dma.local @!p0 [hbm:s0], s1  }
0x342: {  	s0 =	simm.s32 @!p0 $0x6  }
0x343: {  	_ =	swait.ge @!p0 [sflag:s0], s1  }
0x344: {  	s1 =	ssub.s32 @!p0 $0x0, s1;
	[sflag:s0] =	ssyncset.done @!p0 $0x0  }
0x345: {  	[sflag:s0] =	ssyncadd.s32 @!p0 s1  }
0x346: {  	[bflag:$0x3] =	sbarrier.arrive $0xFFFF  }
0x347: {  	_ =	shalt  }

</sc_bundles>
